<compile_context>
chip_gen: v7x
topology: tpu7x:2x2x1
jax: 0.10.2.dev20260603
libtpu: 0.0.44.dev20260713+nightly
codegen_flags: <defaults>
</compile_context>

<pallas_src>
import functools

import jax
import jax.numpy as jnp
from jax import lax
from jax.experimental import pallas as pl
from jax.experimental.pallas import tpu as pltpu
from jax.experimental.pallas import tpu_sc as plsc

R = 16
N = 2048
B = 4096
X = 8192
NB = 8
E = 2 ** NB
L = 16
HALF = N // 2
NG = 8
GSZ = HALF // NG
CH = GSZ // L

_mesh = plsc.VectorSubcoreMesh(core_axis_name="c", subcore_axis_name="s")


@functools.partial(
    pl.kernel,
    out_type=jax.ShapeDtypeStruct((N,), jnp.int32),
    mesh=_mesh,
    compiler_params=pltpu.CompilerParams(
        needs_layout_passes=False, use_tc_tiling_on_sc=True),
    scratch_types=[
        pltpu.VMEM((X,), jnp.int32),
        pltpu.VMEM((32, 128), jnp.int32),
        pltpu.VMEM((2, GSZ, NB), jnp.int32),
        pltpu.VMEM((2, GSZ, E), jnp.float32),
        pltpu.VMEM((16, 128), jnp.int32),
        pltpu.VMEM((16,), jnp.int32),
        pltpu.VMEM((16, 128), jnp.int32),
        pltpu.VMEM((GSZ,), jnp.int32),
        pltpu.VMEM_SHARED((16, 128), jnp.int32),
        pltpu.SemaphoreType.DMA,
        pltpu.SemaphoreType.DMA,
        pltpu.SemaphoreType.DMA,
    ],
)
def _ensemble_ram_sc(x_hbm, proj_hbm, conn_hbm, mem_hbm, out_hbm,
                     x_v, proj_v, conn_v, rows_v, bits_v,
                     rowidx_v, red_v, outst_v, shared,
                     sem_in, sem_mem, sem_conn):
    cid = lax.axis_index("c")
    sid = lax.axis_index("s")
    lane = lax.iota(jnp.int32, L)
    n0 = cid * HALF

    for g in range(2):
        pltpu.async_copy(
            mem_hbm.at[sid, pl.ds(n0 + g * GSZ, GSZ)], rows_v.at[g], sem_mem)
        pltpu.async_copy(
            conn_hbm.at[sid, pl.ds(n0 + g * GSZ, GSZ)], conn_v.at[g], sem_conn)
    in_copies = [
        pltpu.async_copy(x_hbm, x_v, sem_in),
        pltpu.async_copy(proj_hbm.at[sid], proj_v, sem_in),
    ]
    for c in in_copies:
        c.wait()

    zero = jnp.zeros((L,), jnp.int32)
    for t in range(8, 16):
        for k in range(8):
            bits_v[t, pl.ds(k * L, L)] = zero

    def group_body(gi, _):
        for half in range(2):
            g = gi * 2 + half
            pltpu.make_async_copy(
                mem_hbm.at[sid, pl.ds(n0, GSZ)], rows_v.at[half], sem_mem
            ).wait()
            pltpu.make_async_copy(
                conn_hbm.at[sid, pl.ds(n0, GSZ)], conn_v.at[half], sem_conn
            ).wait()
            for i in range(CH):
                rowvec = i * L + lane
                addr = jnp.zeros((L,), jnp.int32)
                for b in range(NB):
                    c = plsc.load_gather(
                        conn_v.at[half], [rowvec, jnp.full((L,), b, jnp.int32)])
                    w = plsc.load_gather(
                        proj_v, [jnp.right_shift(c, 7), jnp.bitwise_and(c, 127)])
                    bit = plsc.load_gather(x_v, [w])
                    addr = addr + bit * (1 << b)
                val = plsc.load_gather(rows_v.at[half], [rowvec, addr])
                bits_v[g, pl.ds(i * L, L)] = (
                    jnp.where(val > 0.5, 1, 0).astype(jnp.int32))

            @pl.when(g < NG - 2)
            def _():
                pltpu.async_copy(
                    mem_hbm.at[sid, pl.ds(n0 + (g + 2) * GSZ, GSZ)],
                    rows_v.at[half], sem_mem)
                pltpu.async_copy(
                    conn_hbm.at[sid, pl.ds(n0 + (g + 2) * GSZ, GSZ)],
                    conn_v.at[half], sem_conn)
        return _

    lax.fori_loop(0, NG // 2, group_body, None)

    rowidx_v[...] = lane

    @pl.when(sid == 0)
    def _():
        pltpu.sync_copy(bits_v, shared)

    plsc.subcore_barrier()

    @pl.when(sid != 0)
    def _():
        pltpu.sync_copy(bits_v, shared.at[rowidx_v], add=True)

    plsc.subcore_barrier()

    @pl.when(sid < NG)
    def _():
        pltpu.sync_copy(shared, red_v)
        for k in range(CH):
            acc = red_v[sid, pl.ds(k * L, L)]
            outst_v[pl.ds(k * L, L)] = jnp.where(acc > R // 2, 1, 0).astype(jnp.int32)
        pltpu.sync_copy(outst_v, out_hbm.at[pl.ds(cid * HALF + sid * GSZ, GSZ)])


def kernel(x, projections, conn, memory):
    proj3 = projections.reshape(R, 32, 128)
    out = _ensemble_ram_sc(x, proj3, conn, memory)
    return out.astype(jnp.uint8)

# --- scband reference (transcript-rebuilt; emitter-appended) ---
"""Pipeline reference for scband-ensemble-ram-30202210025966 (READ-ONLY COPY).

The authoritative reference and input builder live on the scoring server;
editing this copy changes nothing except your own understanding.
"""

import jax, jax.numpy as jnp
import numpy as np

INPUT_BITS = 8192
OUTPUT_BITS = 2048
NUM_RAMS = 16
BITS_PER_RAM = 4096
NBITS = 8  # n_bits_per_neuron = min(bits_per_ram, 8)


def setup_inputs(seed: int = 0) -> dict:
    key = jax.random.key(seed)
    k1, k2, k3, k4 = jax.random.split(key, 4)
    # binary input vector
    x = jax.random.randint(k1, (INPUT_BITS,), 0, 2, dtype=jnp.int32)
    # per-RAM random projection: sorted subset of input bit positions (torch.randperm[:bits_per_ram].sort())
    projections = jnp.stack([
        jnp.sort(jax.random.permutation(jax.random.fold_in(k2, i), INPUT_BITS)[:BITS_PER_RAM])
        for i in range(NUM_RAMS)
    ]).astype(jnp.int32)  # [NUM_RAMS, BITS_PER_RAM]
    # per-neuron random connections inside each RAM's projected view (RAMLayer wiring)
    conn = jax.random.randint(k3, (NUM_RAMS, OUTPUT_BITS, NBITS), 0, BITS_PER_RAM, dtype=jnp.int32)
    # RAM contents: one 2^NBITS lookup table per neuron per RAM, binary contents stored as float32
    memory = jnp.round(jax.random.uniform(k4, (NUM_RAMS, OUTPUT_BITS, 2 ** NBITS))).astype(jnp.float32)
    return {"x": x, "projections": projections, "conn": conn, "memory": memory}


def reference(x, projections, conn, memory):
    # EnsembleRAM.forward: each RAM sees a projected bit subset, produces output_bits bits,
    # then majority vote per output bit across RAMs.
    projected = x[projections]                                   # [R, BITS_PER_RAM] gather (self._project)
    bits = jax.vmap(lambda p, c: p[c])(projected, conn)          # [R, N, NBITS] per-neuron wired bits
    pow2 = (2 ** jnp.arange(NBITS)).astype(jnp.int32)
    addr = (bits * pow2).sum(-1)                                 # [R, N] RAM address per neuron
    vals = jnp.take_along_axis(memory, addr[..., None], axis=2).squeeze(-1)  # [R, N] table lookup
    ram_bits = (vals > 0.5).astype(jnp.int32)                    # each RAM's output bits
    ones = ram_bits.sum(axis=0)                                  # votes per output bit
    result = (ones > NUM_RAMS // 2).astype(jnp.uint8)            # majority vote
    return result

if __name__ == "__main__":
    import jax
    _d = setup_inputs()
    print(jax.jit(kernel)(*tuple(_d.values())))

</pallas_src>

<mosaic_0001>
#map = affine_map<(d0, d1) -> (0)>
#map1 = affine_map<(d0, d1) -> (0, 0, 0)>
module attributes {stable_mosaic.version = 14 : i64} {
  func.func @_ensemble_ram_sc(%arg0: i32, %arg1: i32, %arg2: memref<8192xi32, #tpu.memory_space<hbm>>, %arg3: memref<16x32x128xi32, #tpu.memory_space<hbm>>, %arg4: memref<16x2048x8xi32, #tpu.memory_space<hbm>>, %arg5: memref<16x2048x256xf32, #tpu.memory_space<hbm>>, %arg6: memref<2048xi32, #tpu.memory_space<hbm>>, %arg7: memref<8192xi32, #tpu.memory_space<vmem>>, %arg8: memref<32x128xi32, #tpu.memory_space<vmem>>, %arg9: memref<2x128x8xi32, #tpu.memory_space<vmem>>, %arg10: memref<2x128x256xf32, #tpu.memory_space<vmem>>, %arg11: memref<16x128xi32, #tpu.memory_space<vmem>>, %arg12: memref<16xi32, #tpu.memory_space<vmem>>, %arg13: memref<16x128xi32, #tpu.memory_space<vmem>>, %arg14: memref<128xi32, #tpu.memory_space<vmem>>, %arg15: memref<16x128xi32, #tpu.memory_space<vmem_shared>>, %arg16: memref<!tpu.dma_semaphore, #tpu.memory_space<semaphore_mem>>, %arg17: memref<!tpu.dma_semaphore, #tpu.memory_space<semaphore_mem>>, %arg18: memref<!tpu.dma_semaphore, #tpu.memory_space<semaphore_mem>>) attributes {dimension_semantics = [#tpu.dimension_semantics<core_parallel>, #tpu.dimension_semantics<subcore_parallel>], iteration_bounds = array<i64: 2, 16>, scalar_prefetch = 0 : i64, scratch_operands = 12 : i64, tpu.core_type = #tpu.core_type<sc_vector_subcore>, window_params = [{transform_indices = #map}, {transform_indices = #map1}, {transform_indices = #map1}, {transform_indices = #map1}, {transform_indices = #map}]} {
    %iota3A = tpu.iota {dimensions = array<i32: 0>} : vector<16xi32>
    %mul3A = arith.constant 1024 : i32
    %mul3A_0 = arith.muli %arg0, %mul3A : i32
    %add3A = arith.constant 0 : i32
    %add3A_1 = arith.addi %mul3A_0, %add3A : i32
    %dma_start3A = arith.constant 0 : i32
    %dma_start3A_2 = arith.constant 0 : i32
    %dma_start3A_3 = arith.constant 0 : i32
    %dma_start3A_4 = tpu.memref_slice %arg10[%dma_start3A, %dma_start3A_2, %dma_start3A_3] : memref<2x128x256xf32, #tpu.memory_space<vmem>> -> memref<1x128x256xf32, #tpu.memory_space<vmem>>
    %dma_start3A_5 = tpu.memref_squeeze %dma_start3A_4 : memref<1x128x256xf32, #tpu.memory_space<vmem>> -> memref<128x256xf32, #tpu.memory_space<vmem>>
    %dma_start3A_6 = arith.constant 0 : i32
    %dma_start3A_7 = tpu.memref_slice %arg5[%arg1, %add3A_1, %dma_start3A_6] : memref<16x2048x256xf32, #tpu.memory_space<hbm>> -> memref<1x128x256xf32, #tpu.memory_space<hbm>>
    %dma_start3A_8 = tpu.memref_squeeze %dma_start3A_7 : memref<1x128x256xf32, #tpu.memory_space<hbm>> -> memref<128x256xf32, #tpu.memory_space<hbm>>
    %dma_start3A_9 = arith.constant 0 : i32
    %dma_start3A_10 = arith.constant 0 : i32
    %dma_start3A_11 = tpu.memref_slice %arg10[%dma_start3A, %dma_start3A_9, %dma_start3A_10] : memref<2x128x256xf32, #tpu.memory_space<vmem>> -> memref<1x128x256xf32, #tpu.memory_space<vmem>>
    %dma_start3A_12 = tpu.memref_squeeze %dma_start3A_11 : memref<1x128x256xf32, #tpu.memory_space<vmem>> -> memref<128x256xf32, #tpu.memory_space<vmem>>
    %dma_start3A_13 = arith.constant 0 : i32
    %dma_start3A_14 = tpu.memref_slice %arg5[%arg1, %add3A_1, %dma_start3A_13] : memref<16x2048x256xf32, #tpu.memory_space<hbm>> -> memref<1x128x256xf32, #tpu.memory_space<hbm>>
    %dma_start3A_15 = tpu.memref_squeeze %dma_start3A_14 : memref<1x128x256xf32, #tpu.memory_space<hbm>> -> memref<128x256xf32, #tpu.memory_space<hbm>>
    tpu.enqueue_dma source(%dma_start3A_15 : memref<128x256xf32, #tpu.memory_space<hbm>>) target(%dma_start3A_12 : memref<128x256xf32, #tpu.memory_space<vmem>>) target_semaphore(%arg17 : memref<!tpu.dma_semaphore, #tpu.memory_space<semaphore_mem>>)
    %add3A_16 = arith.constant 0 : i32
    %add3A_17 = arith.addi %mul3A_0, %add3A_16 : i32
    %dma_start3A_18 = arith.constant 0 : i32
    %dma_start3A_19 = arith.constant 0 : i32
    %dma_start3A_20 = arith.constant 0 : i32
    %dma_start3A_21 = tpu.memref_slice %arg9[%dma_start3A_18, %dma_start3A_19, %dma_start3A_20] : memref<2x128x8xi32, #tpu.memory_space<vmem>> -> memref<1x128x8xi32, #tpu.memory_space<vmem>>
    %dma_start3A_22 = tpu.memref_squeeze %dma_start3A_21 : memref<1x128x8xi32, #tpu.memory_space<vmem>> -> memref<128x8xi32, #tpu.memory_space<vmem>>
    %dma_start3A_23 = arith.constant 0 : i32
    %dma_start3A_24 = tpu.memref_slice %arg4[%arg1, %add3A_17, %dma_start3A_23] : memref<16x2048x8xi32, #tpu.memory_space<hbm>> -> memref<1x128x8xi32, #tpu.memory_space<hbm>>
    %dma_start3A_25 = tpu.memref_squeeze %dma_start3A_24 : memref<1x128x8xi32, #tpu.memory_space<hbm>> -> memref<128x8xi32, #tpu.memory_space<hbm>>
    %dma_start3A_26 = arith.constant 0 : i32
    %dma_start3A_27 = arith.constant 0 : i32
    %dma_start3A_28 = tpu.memref_slice %arg9[%dma_start3A_18, %dma_start3A_26, %dma_start3A_27] : memref<2x128x8xi32, #tpu.memory_space<vmem>> -> memref<1x128x8xi32, #tpu.memory_space<vmem>>
    %dma_start3A_29 = tpu.memref_squeeze %dma_start3A_28 : memref<1x128x8xi32, #tpu.memory_space<vmem>> -> memref<128x8xi32, #tpu.memory_space<vmem>>
    %dma_start3A_30 = arith.constant 0 : i32
    %dma_start3A_31 = tpu.memref_slice %arg4[%arg1, %add3A_17, %dma_start3A_30] : memref<16x2048x8xi32, #tpu.memory_space<hbm>> -> memref<1x128x8xi32, #tpu.memory_space<hbm>>
    %dma_start3A_32 = tpu.memref_squeeze %dma_start3A_31 : memref<1x128x8xi32, #tpu.memory_space<hbm>> -> memref<128x8xi32, #tpu.memory_space<hbm>>
    tpu.enqueue_dma source(%dma_start3A_32 : memref<128x8xi32, #tpu.memory_space<hbm>>) target(%dma_start3A_29 : memref<128x8xi32, #tpu.memory_space<vmem>>) target_semaphore(%arg18 : memref<!tpu.dma_semaphore, #tpu.memory_space<semaphore_mem>>)
    %add3A_33 = arith.constant 128 : i32
    %add3A_34 = arith.addi %mul3A_0, %add3A_33 : i32
    %dma_start3A_35 = arith.constant 1 : i32
    %dma_start3A_36 = arith.constant 0 : i32
    %dma_start3A_37 = arith.constant 0 : i32
    %dma_start3A_38 = tpu.memref_slice %arg10[%dma_start3A_35, %dma_start3A_36, %dma_start3A_37] : memref<2x128x256xf32, #tpu.memory_space<vmem>> -> memref<1x128x256xf32, #tpu.memory_space<vmem>>
    %dma_start3A_39 = tpu.memref_squeeze %dma_start3A_38 : memref<1x128x256xf32, #tpu.memory_space<vmem>> -> memref<128x256xf32, #tpu.memory_space<vmem>>
    %dma_start3A_40 = arith.constant 0 : i32
    %dma_start3A_41 = tpu.memref_slice %arg5[%arg1, %add3A_34, %dma_start3A_40] : memref<16x2048x256xf32, #tpu.memory_space<hbm>> -> memref<1x128x256xf32, #tpu.memory_space<hbm>>
    %dma_start3A_42 = tpu.memref_squeeze %dma_start3A_41 : memref<1x128x256xf32, #tpu.memory_space<hbm>> -> memref<128x256xf32, #tpu.memory_space<hbm>>
    %dma_start3A_43 = arith.constant 0 : i32
    %dma_start3A_44 = arith.constant 0 : i32
    %dma_start3A_45 = tpu.memref_slice %arg10[%dma_start3A_35, %dma_start3A_43, %dma_start3A_44] : memref<2x128x256xf32, #tpu.memory_space<vmem>> -> memref<1x128x256xf32, #tpu.memory_space<vmem>>
    %dma_start3A_46 = tpu.memref_squeeze %dma_start3A_45 : memref<1x128x256xf32, #tpu.memory_space<vmem>> -> memref<128x256xf32, #tpu.memory_space<vmem>>
    %dma_start3A_47 = arith.constant 0 : i32
    %dma_start3A_48 = tpu.memref_slice %arg5[%arg1, %add3A_34, %dma_start3A_47] : memref<16x2048x256xf32, #tpu.memory_space<hbm>> -> memref<1x128x256xf32, #tpu.memory_space<hbm>>
    %dma_start3A_49 = tpu.memref_squeeze %dma_start3A_48 : memref<1x128x256xf32, #tpu.memory_space<hbm>> -> memref<128x256xf32, #tpu.memory_space<hbm>>
    tpu.enqueue_dma source(%dma_start3A_49 : memref<128x256xf32, #tpu.memory_space<hbm>>) target(%dma_start3A_46 : memref<128x256xf32, #tpu.memory_space<vmem>>) target_semaphore(%arg17 : memref<!tpu.dma_semaphore, #tpu.memory_space<semaphore_mem>>)
    %add3A_50 = arith.constant 128 : i32
    %add3A_51 = arith.addi %mul3A_0, %add3A_50 : i32
    %dma_start3A_52 = arith.constant 1 : i32
    %dma_start3A_53 = arith.constant 0 : i32
    %dma_start3A_54 = arith.constant 0 : i32
    %dma_start3A_55 = tpu.memref_slice %arg9[%dma_start3A_52, %dma_start3A_53, %dma_start3A_54] : memref<2x128x8xi32, #tpu.memory_space<vmem>> -> memref<1x128x8xi32, #tpu.memory_space<vmem>>
    %dma_start3A_56 = tpu.memref_squeeze %dma_start3A_55 : memref<1x128x8xi32, #tpu.memory_space<vmem>> -> memref<128x8xi32, #tpu.memory_space<vmem>>
    %dma_start3A_57 = arith.constant 0 : i32
    %dma_start3A_58 = tpu.memref_slice %arg4[%arg1, %add3A_51, %dma_start3A_57] : memref<16x2048x8xi32, #tpu.memory_space<hbm>> -> memref<1x128x8xi32, #tpu.memory_space<hbm>>
    %dma_start3A_59 = tpu.memref_squeeze %dma_start3A_58 : memref<1x128x8xi32, #tpu.memory_space<hbm>> -> memref<128x8xi32, #tpu.memory_space<hbm>>
    %dma_start3A_60 = arith.constant 0 : i32
    %dma_start3A_61 = arith.constant 0 : i32
    %dma_start3A_62 = tpu.memref_slice %arg9[%dma_start3A_52, %dma_start3A_60, %dma_start3A_61] : memref<2x128x8xi32, #tpu.memory_space<vmem>> -> memref<1x128x8xi32, #tpu.memory_space<vmem>>
    %dma_start3A_63 = tpu.memref_squeeze %dma_start3A_62 : memref<1x128x8xi32, #tpu.memory_space<vmem>> -> memref<128x8xi32, #tpu.memory_space<vmem>>
    %dma_start3A_64 = arith.constant 0 : i32
    %dma_start3A_65 = tpu.memref_slice %arg4[%arg1, %add3A_51, %dma_start3A_64] : memref<16x2048x8xi32, #tpu.memory_space<hbm>> -> memref<1x128x8xi32, #tpu.memory_space<hbm>>
    %dma_start3A_66 = tpu.memref_squeeze %dma_start3A_65 : memref<1x128x8xi32, #tpu.memory_space<hbm>> -> memref<128x8xi32, #tpu.memory_space<hbm>>
    tpu.enqueue_dma source(%dma_start3A_66 : memref<128x8xi32, #tpu.memory_space<hbm>>) target(%dma_start3A_63 : memref<128x8xi32, #tpu.memory_space<vmem>>) target_semaphore(%arg18 : memref<!tpu.dma_semaphore, #tpu.memory_space<semaphore_mem>>)
    tpu.enqueue_dma source(%arg2 : memref<8192xi32, #tpu.memory_space<hbm>>) target(%arg7 : memref<8192xi32, #tpu.memory_space<vmem>>) target_semaphore(%arg16 : memref<!tpu.dma_semaphore, #tpu.memory_space<semaphore_mem>>)
    %dma_start3A_67 = arith.constant 0 : i32
    %dma_start3A_68 = arith.constant 0 : i32
    %dma_start3A_69 = tpu.memref_slice %arg3[%arg1, %dma_start3A_67, %dma_start3A_68] : memref<16x32x128xi32, #tpu.memory_space<hbm>> -> memref<1x32x128xi32, #tpu.memory_space<hbm>>
    %dma_start3A_70 = tpu.memref_squeeze %dma_start3A_69 : memref<1x32x128xi32, #tpu.memory_space<hbm>> -> memref<32x128xi32, #tpu.memory_space<hbm>>
    %dma_start3A_71 = arith.constant 0 : i32
    %dma_start3A_72 = arith.constant 0 : i32
    %dma_start3A_73 = tpu.memref_slice %arg3[%arg1, %dma_start3A_71, %dma_start3A_72] : memref<16x32x128xi32, #tpu.memory_space<hbm>> -> memref<1x32x128xi32, #tpu.memory_space<hbm>>
    %dma_start3A_74 = tpu.memref_squeeze %dma_start3A_73 : memref<1x32x128xi32, #tpu.memory_space<hbm>> -> memref<32x128xi32, #tpu.memory_space<hbm>>
    tpu.enqueue_dma source(%dma_start3A_74 : memref<32x128xi32, #tpu.memory_space<hbm>>) target(%arg8 : memref<32x128xi32, #tpu.memory_space<vmem>>) target_semaphore(%arg16 : memref<!tpu.dma_semaphore, #tpu.memory_space<semaphore_mem>>)
    tpu.wait_dma2 semaphore(%arg16 : memref<!tpu.dma_semaphore, #tpu.memory_space<semaphore_mem>>) src(%arg2 : memref<8192xi32, #tpu.memory_space<hbm>>) dst(%arg7 : memref<8192xi32, #tpu.memory_space<vmem>>)
    %dma_wait3A = arith.constant 0 : i32
    %dma_wait3A_75 = arith.constant 0 : i32
    %dma_wait3A_76 = tpu.memref_slice %arg3[%arg1, %dma_wait3A, %dma_wait3A_75] : memref<16x32x128xi32, #tpu.memory_space<hbm>> -> memref<1x32x128xi32, #tpu.memory_space<hbm>>
    %dma_wait3A_77 = tpu.memref_squeeze %dma_wait3A_76 : memref<1x32x128xi32, #tpu.memory_space<hbm>> -> memref<32x128xi32, #tpu.memory_space<hbm>>
    %dma_wait3A_78 = arith.constant 0 : i32
    %dma_wait3A_79 = arith.constant 0 : i32
    %dma_wait3A_80 = tpu.memref_slice %arg3[%arg1, %dma_wait3A_78, %dma_wait3A_79] : memref<16x32x128xi32, #tpu.memory_space<hbm>> -> memref<1x32x128xi32, #tpu.memory_space<hbm>>
    %dma_wait3A_81 = tpu.memref_squeeze %dma_wait3A_80 : memref<1x32x128xi32, #tpu.memory_space<hbm>> -> memref<32x128xi32, #tpu.memory_space<hbm>>
    tpu.wait_dma2 semaphore(%arg16 : memref<!tpu.dma_semaphore, #tpu.memory_space<semaphore_mem>>) src(%dma_wait3A_81 : memref<32x128xi32, #tpu.memory_space<hbm>>) dst(%arg8 : memref<32x128xi32, #tpu.memory_space<vmem>>)
    %broadcast_in_dim3A = arith.constant 0 : i32
    %broadcast_in_dim3A_82 = vector.broadcast %broadcast_in_dim3A : i32 to vector<16xi32>
    %swap3A = arith.constant 8 : i32
    %swap3A_83 = arith.index_cast %swap3A : i32 to index
    %swap3A_84 = arith.constant 0 : index
    %swap3A_85 = tpu.vector_load %arg11[%swap3A_83, %swap3A_84] {strides = array<i32>} : memref<16x128xi32, #tpu.memory_space<vmem>>, vector<16xi32>,
    tpu.vector_store %arg11[%swap3A_83, %swap3A_84], %broadcast_in_dim3A_82 {strides = array<i32>} : memref<16x128xi32, #tpu.memory_space<vmem>>, vector<16xi32>,
    %swap3A_86 = arith.constant 8 : i32
    %swap3A_87 = arith.index_cast %swap3A_86 : i32 to index
    %swap3A_88 = arith.constant 16 : index
    %swap3A_89 = tpu.vector_load %arg11[%swap3A_87, %swap3A_88] {strides = array<i32>} : memref<16x128xi32, #tpu.memory_space<vmem>>, vector<16xi32>,
    tpu.vector_store %arg11[%swap3A_87, %swap3A_88], %broadcast_in_dim3A_82 {strides = array<i32>} : memref<16x128xi32, #tpu.memory_space<vmem>>, vector<16xi32>,
    %swap3A_90 = arith.constant 8 : i32
    %swap3A_91 = arith.index_cast %swap3A_90 : i32 to index
    %swap3A_92 = arith.constant 32 : index
    %swap3A_93 = tpu.vector_load %arg11[%swap3A_91, %swap3A_92] {strides = array<i32>} : memref<16x128xi32, #tpu.memory_space<vmem>>, vector<16xi32>,
    tpu.vector_store %arg11[%swap3A_91, %swap3A_92], %broadcast_in_dim3A_82 {strides = array<i32>} : memref<16x128xi32, #tpu.memory_space<vmem>>, vector<16xi32>,
    %swap3A_94 = arith.constant 8 : i32
    %swap3A_95 = arith.index_cast %swap3A_94 : i32 to index
    %swap3A_96 = arith.constant 48 : index
    %swap3A_97 = tpu.vector_load %arg11[%swap3A_95, %swap3A_96] {strides = array<i32>} : memref<16x128xi32, #tpu.memory_space<vmem>>, vector<16xi32>,
    tpu.vector_store %arg11[%swap3A_95, %swap3A_96], %broadcast_in_dim3A_82 {strides = array<i32>} : memref<16x128xi32, #tpu.memory_space<vmem>>, vector<16xi32>,
    %swap3A_98 = arith.constant 8 : i32
    %swap3A_99 = arith.index_cast %swap3A_98 : i32 to index
    %swap3A_100 = arith.constant 64 : index
    %swap3A_101 = tpu.vector_load %arg11[%swap3A_99, %swap3A_100] {strides = array<i32>} : memref<16x128xi32, #tpu.memory_space<vmem>>, vector<16xi32>,
    tpu.vector_store %arg11[%swap3A_99, %swap3A_100], %broadcast_in_dim3A_82 {strides = array<i32>} : memref<16x128xi32, #tpu.memory_space<vmem>>, vector<16xi32>,
    %swap3A_102 = arith.constant 8 : i32
    %swap3A_103 = arith.index_cast %swap3A_102 : i32 to index
    %swap3A_104 = arith.constant 80 : index
    %swap3A_105 = tpu.vector_load %arg11[%swap3A_103, %swap3A_104] {strides = array<i32>} : memref<16x128xi32, #tpu.memory_space<vmem>>, vector<16xi32>,
    tpu.vector_store %arg11[%swap3A_103, %swap3A_104], %broadcast_in_dim3A_82 {strides = array<i32>} : memref<16x128xi32, #tpu.memory_space<vmem>>, vector<16xi32>,
    %swap3A_106 = arith.constant 8 : i32
    %swap3A_107 = arith.index_cast %swap3A_106 : i32 to index
    %swap3A_108 = arith.constant 96 : index
    %swap3A_109 = tpu.vector_load %arg11[%swap3A_107, %swap3A_108] {strides = array<i32>} : memref<16x128xi32, #tpu.memory_space<vmem>>, vector<16xi32>,
    tpu.vector_store %arg11[%swap3A_107, %swap3A_108], %broadcast_in_dim3A_82 {strides = array<i32>} : memref<16x128xi32, #tpu.memory_space<vmem>>, vector<16xi32>,
    %swap3A_110 = arith.constant 8 : i32
    %swap3A_111 = arith.index_cast %swap3A_110 : i32 to index
    %swap3A_112 = arith.constant 112 : index
    %swap3A_113 = tpu.vector_load %arg11[%swap3A_111, %swap3A_112] {strides = array<i32>} : memref<16x128xi32, #tpu.memory_space<vmem>>, vector<16xi32>,
    tpu.vector_store %arg11[%swap3A_111, %swap3A_112], %broadcast_in_dim3A_82 {strides = array<i32>} : memref<16x128xi32, #tpu.memory_space<vmem>>, vector<16xi32>,
    %swap3A_114 = arith.constant 9 : i32
    %swap3A_115 = arith.index_cast %swap3A_114 : i32 to index
    %swap3A_116 = arith.constant 0 : index
    %swap3A_117 = tpu.vector_load %arg11[%swap3A_115, %swap3A_116] {strides = array<i32>} : memref<16x128xi32, #tpu.memory_space<vmem>>, vector<16xi32>,
    tpu.vector_store %arg11[%swap3A_115, %swap3A_116], %broadcast_in_dim3A_82 {strides = array<i32>} : memref<16x128xi32, #tpu.memory_space<vmem>>, vector<16xi32>,
    %swap3A_118 = arith.constant 9 : i32
    %swap3A_119 = arith.index_cast %swap3A_118 : i32 to index
    %swap3A_120 = arith.constant 16 : index
    %swap3A_121 = tpu.vector_load %arg11[%swap3A_119, %swap3A_120] {strides = array<i32>} : memref<16x128xi32, #tpu.memory_space<vmem>>, vector<16xi32>,
    tpu.vector_store %arg11[%swap3A_119, %swap3A_120], %broadcast_in_dim3A_82 {strides = array<i32>} : memref<16x128xi32, #tpu.memory_space<vmem>>, vector<16xi32>,
    %swap3A_122 = arith.constant 9 : i32
    %swap3A_123 = arith.index_cast %swap3A_122 : i32 to index
    %swap3A_124 = arith.constant 32 : index
    %swap3A_125 = tpu.vector_load %arg11[%swap3A_123, %swap3A_124] {strides = array<i32>} : memref<16x128xi32, #tpu.memory_space<vmem>>, vector<16xi32>,
    tpu.vector_store %arg11[%swap3A_123, %swap3A_124], %broadcast_in_dim3A_82 {strides = array<i32>} : memref<16x128xi32, #tpu.memory_space<vmem>>, vector<16xi32>,
    %swap3A_126 = arith.constant 9 : i32
    %swap3A_127 = arith.index_cast %swap3A_126 : i32 to index
    %swap3A_128 = arith.constant 48 : index
    %swap3A_129 = tpu.vector_load %arg11[%swap3A_127, %swap3A_128] {strides = array<i32>} : memref<16x128xi32, #tpu.memory_space<vmem>>, vector<16xi32>,
    tpu.vector_store %arg11[%swap3A_127, %swap3A_128], %broadcast_in_dim3A_82 {strides = array<i32>} : memref<16x128xi32, #tpu.memory_space<vmem>>, vector<16xi32>,
    %swap3A_130 = arith.constant 9 : i32
    %swap3A_131 = arith.index_cast %swap3A_130 : i32 to index
    %swap3A_132 = arith.constant 64 : index
    %swap3A_133 = tpu.vector_load %arg11[%swap3A_131, %swap3A_132] {strides = array<i32>} : memref<16x128xi32, #tpu.memory_space<vmem>>, vector<16xi32>,
    tpu.vector_store %arg11[%swap3A_131, %swap3A_132], %broadcast_in_dim3A_82 {strides = array<i32>} : memref<16x128xi32, #tpu.memory_space<vmem>>, vector<16xi32>,
    %swap3A_134 = arith.constant 9 : i32
    %swap3A_135 = arith.index_cast %swap3A_134 : i32 to index
    %swap3A_136 = arith.constant 80 : index
    %swap3A_137 = tpu.vector_load %arg11[%swap3A_135, %swap3A_136] {strides = array<i32>} : memref<16x128xi32, #tpu.memory_space<vmem>>, vector<16xi32>,
    tpu.vector_store %arg11[%swap3A_135, %swap3A_136], %broadcast_in_dim3A_82 {strides = array<i32>} : memref<16x128xi32, #tpu.memory_space<vmem>>, vector<16xi32>,
    %swap3A_138 = arith.constant 9 : i32
    %swap3A_139 = arith.index_cast %swap3A_138 : i32 to index
    %swap3A_140 = arith.constant 96 : index
    %swap3A_141 = tpu.vector_load %arg11[%swap3A_139, %swap3A_140] {strides = array<i32>} : memref<16x128xi32, #tpu.memory_space<vmem>>, vector<16xi32>,
    tpu.vector_store %arg11[%swap3A_139, %swap3A_140], %broadcast_in_dim3A_82 {strides = array<i32>} : memref<16x128xi32, #tpu.memory_space<vmem>>, vector<16xi32>,
    %swap3A_142 = arith.constant 9 : i32
    %swap3A_143 = arith.index_cast %swap3A_142 : i32 to index
    %swap3A_144 = arith.constant 112 : index
    %swap3A_145 = tpu.vector_load %arg11[%swap3A_143, %swap3A_144] {strides = array<i32>} : memref<16x128xi32, #tpu.memory_space<vmem>>, vector<16xi32>,
    tpu.vector_store %arg11[%swap3A_143, %swap3A_144], %broadcast_in_dim3A_82 {strides = array<i32>} : memref<16x128xi32, #tpu.memory_space<vmem>>, vector<16xi32>,
    %swap3A_146 = arith.constant 10 : i32
    %swap3A_147 = arith.index_cast %swap3A_146 : i32 to index
    %swap3A_148 = arith.constant 0 : index
    %swap3A_149 = tpu.vector_load %arg11[%swap3A_147, %swap3A_148] {strides = array<i32>} : memref<16x128xi32, #tpu.memory_space<vmem>>, vector<16xi32>,
    tpu.vector_store %arg11[%swap3A_147, %swap3A_148], %broadcast_in_dim3A_82 {strides = array<i32>} : memref<16x128xi32, #tpu.memory_space<vmem>>, vector<16xi32>,
    %swap3A_150 = arith.constant 10 : i32
    %swap3A_151 = arith.index_cast %swap3A_150 : i32 to index
    %swap3A_152 = arith.constant 16 : index
    %swap3A_153 = tpu.vector_load %arg11[%swap3A_151, %swap3A_152] {strides = array<i32>} : memref<16x128xi32, #tpu.memory_space<vmem>>, vector<16xi32>,
    tpu.vector_store %arg11[%swap3A_151, %swap3A_152], %broadcast_in_dim3A_82 {strides = array<i32>} : memref<16x128xi32, #tpu.memory_space<vmem>>, vector<16xi32>,
    %swap3A_154 = arith.constant 10 : i32
    %swap3A_155 = arith.index_cast %swap3A_154 : i32 to index
    %swap3A_156 = arith.constant 32 : index
    %swap3A_157 = tpu.vector_load %arg11[%swap3A_155, %swap3A_156] {strides = array<i32>} : memref<16x128xi32, #tpu.memory_space<vmem>>, vector<16xi32>,
    tpu.vector_store %arg11[%swap3A_155, %swap3A_156], %broadcast_in_dim3A_82 {strides = array<i32>} : memref<16x128xi32, #tpu.memory_space<vmem>>, vector<16xi32>,
    %swap3A_158 = arith.constant 10 : i32
    %swap3A_159 = arith.index_cast %swap3A_158 : i32 to index
    %swap3A_160 = arith.constant 48 : index
    %swap3A_161 = tpu.vector_load %arg11[%swap3A_159, %swap3A_160] {strides = array<i32>} : memref<16x128xi32, #tpu.memory_space<vmem>>, vector<16xi32>,
    tpu.vector_store %arg11[%swap3A_159, %swap3A_160], %broadcast_in_dim3A_82 {strides = array<i32>} : memref<16x128xi32, #tpu.memory_space<vmem>>, vector<16xi32>,
    %swap3A_162 = arith.constant 10 : i32
    %swap3A_163 = arith.index_cast %swap3A_162 : i32 to index
    %swap3A_164 = arith.constant 64 : index
    %swap3A_165 = tpu.vector_load %arg11[%swap3A_163, %swap3A_164] {strides = array<i32>} : memref<16x128xi32, #tpu.memory_space<vmem>>, vector<16xi32>,
    tpu.vector_store %arg11[%swap3A_163, %swap3A_164], %broadcast_in_dim3A_82 {strides = array<i32>} : memref<16x128xi32, #tpu.memory_space<vmem>>, vector<16xi32>,
    %swap3A_166 = arith.constant 10 : i32
    %swap3A_167 = arith.index_cast %swap3A_166 : i32 to index
    %swap3A_168 = arith.constant 80 : index
    %swap3A_169 = tpu.vector_load %arg11[%swap3A_167, %swap3A_168] {strides = array<i32>} : memref<16x128xi32, #tpu.memory_space<vmem>>, vector<16xi32>,
    tpu.vector_store %arg11[%swap3A_167, %swap3A_168], %broadcast_in_dim3A_82 {strides = array<i32>} : memref<16x128xi32, #tpu.memory_space<vmem>>, vector<16xi32>,
    %swap3A_170 = arith.constant 10 : i32
    %swap3A_171 = arith.index_cast %swap3A_170 : i32 to index
    %swap3A_172 = arith.constant 96 : index
    %swap3A_173 = tpu.vector_load %arg11[%swap3A_171, %swap3A_172] {strides = array<i32>} : memref<16x128xi32, #tpu.memory_space<vmem>>, vector<16xi32>,
    tpu.vector_store %arg11[%swap3A_171, %swap3A_172], %broadcast_in_dim3A_82 {strides = array<i32>} : memref<16x128xi32, #tpu.memory_space<vmem>>, vector<16xi32>,
    %swap3A_174 = arith.constant 10 : i32
    %swap3A_175 = arith.index_cast %swap3A_174 : i32 to index
    %swap3A_176 = arith.constant 112 : index
    %swap3A_177 = tpu.vector_load %arg11[%swap3A_175, %swap3A_176] {strides = array<i32>} : memref<16x128xi32, #tpu.memory_space<vmem>>, vector<16xi32>,
    tpu.vector_store %arg11[%swap3A_175, %swap3A_176], %broadcast_in_dim3A_82 {strides = array<i32>} : memref<16x128xi32, #tpu.memory_space<vmem>>, vector<16xi32>,
    %swap3A_178 = arith.constant 11 : i32
    %swap3A_179 = arith.index_cast %swap3A_178 : i32 to index
    %swap3A_180 = arith.constant 0 : index
    %swap3A_181 = tpu.vector_load %arg11[%swap3A_179, %swap3A_180] {strides = array<i32>} : memref<16x128xi32, #tpu.memory_space<vmem>>, vector<16xi32>,
    tpu.vector_store %arg11[%swap3A_179, %swap3A_180], %broadcast_in_dim3A_82 {strides = array<i32>} : memref<16x128xi32, #tpu.memory_space<vmem>>, vector<16xi32>,
    %swap3A_182 = arith.constant 11 : i32
    %swap3A_183 = arith.index_cast %swap3A_182 : i32 to index
    %swap3A_184 = arith.constant 16 : index
    %swap3A_185 = tpu.vector_load %arg11[%swap3A_183, %swap3A_184] {strides = array<i32>} : memref<16x128xi32, #tpu.memory_space<vmem>>, vector<16xi32>,
    tpu.vector_store %arg11[%swap3A_183, %swap3A_184], %broadcast_in_dim3A_82 {strides = array<i32>} : memref<16x128xi32, #tpu.memory_space<vmem>>, vector<16xi32>,
    %swap3A_186 = arith.constant 11 : i32
    %swap3A_187 = arith.index_cast %swap3A_186 : i32 to index
    %swap3A_188 = arith.constant 32 : index
    %swap3A_189 = tpu.vector_load %arg11[%swap3A_187, %swap3A_188] {strides = array<i32>} : memref<16x128xi32, #tpu.memory_space<vmem>>, vector<16xi32>,
    tpu.vector_store %arg11[%swap3A_187, %swap3A_188], %broadcast_in_dim3A_82 {strides = array<i32>} : memref<16x128xi32, #tpu.memory_space<vmem>>, vector<16xi32>,
    %swap3A_190 = arith.constant 11 : i32
    %swap3A_191 = arith.index_cast %swap3A_190 : i32 to index
    %swap3A_192 = arith.constant 48 : index
    %swap3A_193 = tpu.vector_load %arg11[%swap3A_191, %swap3A_192] {strides = array<i32>} : memref<16x128xi32, #tpu.memory_space<vmem>>, vector<16xi32>,
    tpu.vector_store %arg11[%swap3A_191, %swap3A_192], %broadcast_in_dim3A_82 {strides = array<i32>} : memref<16x128xi32, #tpu.memory_space<vmem>>, vector<16xi32>,
    %swap3A_194 = arith.constant 11 : i32
    %swap3A_195 = arith.index_cast %swap3A_194 : i32 to index
    %swap3A_196 = arith.constant 64 : index
    %swap3A_197 = tpu.vector_load %arg11[%swap3A_195, %swap3A_196] {strides = array<i32>} : memref<16x128xi32, #tpu.memory_space<vmem>>, vector<16xi32>,
    tpu.vector_store %arg11[%swap3A_195, %swap3A_196], %broadcast_in_dim3A_82 {strides = array<i32>} : memref<16x128xi32, #tpu.memory_space<vmem>>, vector<16xi32>,
    %swap3A_198 = arith.constant 11 : i32
    %swap3A_199 = arith.index_cast %swap3A_198 : i32 to index
    %swap3A_200 = arith.constant 80 : index
    %swap3A_201 = tpu.vector_load %arg11[%swap3A_199, %swap3A_200] {strides = array<i32>} : memref<16x128xi32, #tpu.memory_space<vmem>>, vector<16xi32>,
    tpu.vector_store %arg11[%swap3A_199, %swap3A_200], %broadcast_in_dim3A_82 {strides = array<i32>} : memref<16x128xi32, #tpu.memory_space<vmem>>, vector<16xi32>,
    %swap3A_202 = arith.constant 11 : i32
    %swap3A_203 = arith.index_cast %swap3A_202 : i32 to index
    %swap3A_204 = arith.constant 96 : index
    %swap3A_205 = tpu.vector_load %arg11[%swap3A_203, %swap3A_204] {strides = array<i32>} : memref<16x128xi32, #tpu.memory_space<vmem>>, vector<16xi32>,
    tpu.vector_store %arg11[%swap3A_203, %swap3A_204], %broadcast_in_dim3A_82 {strides = array<i32>} : memref<16x128xi32, #tpu.memory_space<vmem>>, vector<16xi32>,
    %swap3A_206 = arith.constant 11 : i32
    %swap3A_207 = arith.index_cast %swap3A_206 : i32 to index
    %swap3A_208 = arith.constant 112 : index
    %swap3A_209 = tpu.vector_load %arg11[%swap3A_207, %swap3A_208] {strides = array<i32>} : memref<16x128xi32, #tpu.memory_space<vmem>>, vector<16xi32>,
    tpu.vector_store %arg11[%swap3A_207, %swap3A_208], %broadcast_in_dim3A_82 {strides = array<i32>} : memref<16x128xi32, #tpu.memory_space<vmem>>, vector<16xi32>,
    %swap3A_210 = arith.constant 12 : i32
    %swap3A_211 = arith.index_cast %swap3A_210 : i32 to index
    %swap3A_212 = arith.constant 0 : index
    %swap3A_213 = tpu.vector_load %arg11[%swap3A_211, %swap3A_212] {strides = array<i32>} : memref<16x128xi32, #tpu.memory_space<vmem>>, vector<16xi32>,
    tpu.vector_store %arg11[%swap3A_211, %swap3A_212], %broadcast_in_dim3A_82 {strides = array<i32>} : memref<16x128xi32, #tpu.memory_space<vmem>>, vector<16xi32>,
    %swap3A_214 = arith.constant 12 : i32
    %swap3A_215 = arith.index_cast %swap3A_214 : i32 to index
    %swap3A_216 = arith.constant 16 : index
    %swap3A_217 = tpu.vector_load %arg11[%swap3A_215, %swap3A_216] {strides = array<i32>} : memref<16x128xi32, #tpu.memory_space<vmem>>, vector<16xi32>,
    tpu.vector_store %arg11[%swap3A_215, %swap3A_216], %broadcast_in_dim3A_82 {strides = array<i32>} : memref<16x128xi32, #tpu.memory_space<vmem>>, vector<16xi32>,
    %swap3A_218 = arith.constant 12 : i32
    %swap3A_219 = arith.index_cast %swap3A_218 : i32 to index
    %swap3A_220 = arith.constant 32 : index
    %swap3A_221 = tpu.vector_load %arg11[%swap3A_219, %swap3A_220] {strides = array<i32>} : memref<16x128xi32, #tpu.memory_space<vmem>>, vector<16xi32>,
    tpu.vector_store %arg11[%swap3A_219, %swap3A_220], %broadcast_in_dim3A_82 {strides = array<i32>} : memref<16x128xi32, #tpu.memory_space<vmem>>, vector<16xi32>,
    %swap3A_222 = arith.constant 12 : i32
    %swap3A_223 = arith.index_cast %swap3A_222 : i32 to index
    %swap3A_224 = arith.constant 48 : index
    %swap3A_225 = tpu.vector_load %arg11[%swap3A_223, %swap3A_224] {strides = array<i32>} : memref<16x128xi32, #tpu.memory_space<vmem>>, vector<16xi32>,
    tpu.vector_store %arg11[%swap3A_223, %swap3A_224], %broadcast_in_dim3A_82 {strides = array<i32>} : memref<16x128xi32, #tpu.memory_space<vmem>>, vector<16xi32>,
    %swap3A_226 = arith.constant 12 : i32
    %swap3A_227 = arith.index_cast %swap3A_226 : i32 to index
    %swap3A_228 = arith.constant 64 : index
    %swap3A_229 = tpu.vector_load %arg11[%swap3A_227, %swap3A_228] {strides = array<i32>} : memref<16x128xi32, #tpu.memory_space<vmem>>, vector<16xi32>,
    tpu.vector_store %arg11[%swap3A_227, %swap3A_228], %broadcast_in_dim3A_82 {strides = array<i32>} : memref<16x128xi32, #tpu.memory_space<vmem>>, vector<16xi32>,
    %swap3A_230 = arith.constant 12 : i32
    %swap3A_231 = arith.index_cast %swap3A_230 : i32 to index
    %swap3A_232 = arith.constant 80 : index
    %swap3A_233 = tpu.vector_load %arg11[%swap3A_231, %swap3A_232] {strides = array<i32>} : memref<16x128xi32, #tpu.memory_space<vmem>>, vector<16xi32>,
    tpu.vector_store %arg11[%swap3A_231, %swap3A_232], %broadcast_in_dim3A_82 {strides = array<i32>} : memref<16x128xi32, #tpu.memory_space<vmem>>, vector<16xi32>,
    %swap3A_234 = arith.constant 12 : i32
    %swap3A_235 = arith.index_cast %swap3A_234 : i32 to index
    %swap3A_236 = arith.constant 96 : index
    %swap3A_237 = tpu.vector_load %arg11[%swap3A_235, %swap3A_236] {strides = array<i32>} : memref<16x128xi32, #tpu.memory_space<vmem>>, vector<16xi32>,
    tpu.vector_store %arg11[%swap3A_235, %swap3A_236], %broadcast_in_dim3A_82 {strides = array<i32>} : memref<16x128xi32, #tpu.memory_space<vmem>>, vector<16xi32>,
    %swap3A_238 = arith.constant 12 : i32
    %swap3A_239 = arith.index_cast %swap3A_238 : i32 to index
    %swap3A_240 = arith.constant 112 : index
    %swap3A_241 = tpu.vector_load %arg11[%swap3A_239, %swap3A_240] {strides = array<i32>} : memref<16x128xi32, #tpu.memory_space<vmem>>, vector<16xi32>,
    tpu.vector_store %arg11[%swap3A_239, %swap3A_240], %broadcast_in_dim3A_82 {strides = array<i32>} : memref<16x128xi32, #tpu.memory_space<vmem>>, vector<16xi32>,
    %swap3A_242 = arith.constant 13 : i32
    %swap3A_243 = arith.index_cast %swap3A_242 : i32 to index
    %swap3A_244 = arith.constant 0 : index
    %swap3A_245 = tpu.vector_load %arg11[%swap3A_243, %swap3A_244] {strides = array<i32>} : memref<16x128xi32, #tpu.memory_space<vmem>>, vector<16xi32>,
    tpu.vector_store %arg11[%swap3A_243, %swap3A_244], %broadcast_in_dim3A_82 {strides = array<i32>} : memref<16x128xi32, #tpu.memory_space<vmem>>, vector<16xi32>,
    %swap3A_246 = arith.constant 13 : i32
    %swap3A_247 = arith.index_cast %swap3A_246 : i32 to index
    %swap3A_248 = arith.constant 16 : index
    %swap3A_249 = tpu.vector_load %arg11[%swap3A_247, %swap3A_248] {strides = array<i32>} : memref<16x128xi32, #tpu.memory_space<vmem>>, vector<16xi32>,
    tpu.vector_store %arg11[%swap3A_247, %swap3A_248], %broadcast_in_dim3A_82 {strides = array<i32>} : memref<16x128xi32, #tpu.memory_space<vmem>>, vector<16xi32>,
    %swap3A_250 = arith.constant 13 : i32
    %swap3A_251 = arith.index_cast %swap3A_250 : i32 to index
    %swap3A_252 = arith.constant 32 : index
    %swap3A_253 = tpu.vector_load %arg11[%swap3A_251, %swap3A_252] {strides = array<i32>} : memref<16x128xi32, #tpu.memory_space<vmem>>, vector<16xi32>,
    tpu.vector_store %arg11[%swap3A_251, %swap3A_252], %broadcast_in_dim3A_82 {strides = array<i32>} : memref<16x128xi32, #tpu.memory_space<vmem>>, vector<16xi32>,
    %swap3A_254 = arith.constant 13 : i32
    %swap3A_255 = arith.index_cast %swap3A_254 : i32 to index
    %swap3A_256 = arith.constant 48 : index
    %swap3A_257 = tpu.vector_load %arg11[%swap3A_255, %swap3A_256] {strides = array<i32>} : memref<16x128xi32, #tpu.memory_space<vmem>>, vector<16xi32>,
    tpu.vector_store %arg11[%swap3A_255, %swap3A_256], %broadcast_in_dim3A_82 {strides = array<i32>} : memref<16x128xi32, #tpu.memory_space<vmem>>, vector<16xi32>,
    %swap3A_258 = arith.constant 13 : i32
    %swap3A_259 = arith.index_cast %swap3A_258 : i32 to index
    %swap3A_260 = arith.constant 64 : index
    %swap3A_261 = tpu.vector_load %arg11[%swap3A_259, %swap3A_260] {strides = array<i32>} : memref<16x128xi32, #tpu.memory_space<vmem>>, vector<16xi32>,
    tpu.vector_store %arg11[%swap3A_259, %swap3A_260], %broadcast_in_dim3A_82 {strides = array<i32>} : memref<16x128xi32, #tpu.memory_space<vmem>>, vector<16xi32>,
    %swap3A_262 = arith.constant 13 : i32
    %swap3A_263 = arith.index_cast %swap3A_262 : i32 to index
    %swap3A_264 = arith.constant 80 : index
    %swap3A_265 = tpu.vector_load %arg11[%swap3A_263, %swap3A_264] {strides = array<i32>} : memref<16x128xi32, #tpu.memory_space<vmem>>, vector<16xi32>,
    tpu.vector_store %arg11[%swap3A_263, %swap3A_264], %broadcast_in_dim3A_82 {strides = array<i32>} : memref<16x128xi32, #tpu.memory_space<vmem>>, vector<16xi32>,
    %swap3A_266 = arith.constant 13 : i32
    %swap3A_267 = arith.index_cast %swap3A_266 : i32 to index
    %swap3A_268 = arith.constant 96 : index
    %swap3A_269 = tpu.vector_load %arg11[%swap3A_267, %swap3A_268] {strides = array<i32>} : memref<16x128xi32, #tpu.memory_space<vmem>>, vector<16xi32>,
    tpu.vector_store %arg11[%swap3A_267, %swap3A_268], %broadcast_in_dim3A_82 {strides = array<i32>} : memref<16x128xi32, #tpu.memory_space<vmem>>, vector<16xi32>,
    %swap3A_270 = arith.constant 13 : i32
    %swap3A_271 = arith.index_cast %swap3A_270 : i32 to index
    %swap3A_272 = arith.constant 112 : index
    %swap3A_273 = tpu.vector_load %arg11[%swap3A_271, %swap3A_272] {strides = array<i32>} : memref<16x128xi32, #tpu.memory_space<vmem>>, vector<16xi32>,
    tpu.vector_store %arg11[%swap3A_271, %swap3A_272], %broadcast_in_dim3A_82 {strides = array<i32>} : memref<16x128xi32, #tpu.memory_space<vmem>>, vector<16xi32>,
    %swap3A_274 = arith.constant 14 : i32
    %swap3A_275 = arith.index_cast %swap3A_274 : i32 to index
    %swap3A_276 = arith.constant 0 : index
    %swap3A_277 = tpu.vector_load %arg11[%swap3A_275, %swap3A_276] {strides = array<i32>} : memref<16x128xi32, #tpu.memory_space<vmem>>, vector<16xi32>,
    tpu.vector_store %arg11[%swap3A_275, %swap3A_276], %broadcast_in_dim3A_82 {strides = array<i32>} : memref<16x128xi32, #tpu.memory_space<vmem>>, vector<16xi32>,
    %swap3A_278 = arith.constant 14 : i32
    %swap3A_279 = arith.index_cast %swap3A_278 : i32 to index
    %swap3A_280 = arith.constant 16 : index
    %swap3A_281 = tpu.vector_load %arg11[%swap3A_279, %swap3A_280] {strides = array<i32>} : memref<16x128xi32, #tpu.memory_space<vmem>>, vector<16xi32>,
    tpu.vector_store %arg11[%swap3A_279, %swap3A_280], %broadcast_in_dim3A_82 {strides = array<i32>} : memref<16x128xi32, #tpu.memory_space<vmem>>, vector<16xi32>,
    %swap3A_282 = arith.constant 14 : i32
    %swap3A_283 = arith.index_cast %swap3A_282 : i32 to index
    %swap3A_284 = arith.constant 32 : index
    %swap3A_285 = tpu.vector_load %arg11[%swap3A_283, %swap3A_284] {strides = array<i32>} : memref<16x128xi32, #tpu.memory_space<vmem>>, vector<16xi32>,
    tpu.vector_store %arg11[%swap3A_283, %swap3A_284], %broadcast_in_dim3A_82 {strides = array<i32>} : memref<16x128xi32, #tpu.memory_space<vmem>>, vector<16xi32>,
    %swap3A_286 = arith.constant 14 : i32
    %swap3A_287 = arith.index_cast %swap3A_286 : i32 to index
    %swap3A_288 = arith.constant 48 : index
    %swap3A_289 = tpu.vector_load %arg11[%swap3A_287, %swap3A_288] {strides = array<i32>} : memref<16x128xi32, #tpu.memory_space<vmem>>, vector<16xi32>,
    tpu.vector_store %arg11[%swap3A_287, %swap3A_288], %broadcast_in_dim3A_82 {strides = array<i32>} : memref<16x128xi32, #tpu.memory_space<vmem>>, vector<16xi32>,
    %swap3A_290 = arith.constant 14 : i32
    %swap3A_291 = arith.index_cast %swap3A_290 : i32 to index
    %swap3A_292 = arith.constant 64 : index
    %swap3A_293 = tpu.vector_load %arg11[%swap3A_291, %swap3A_292] {strides = array<i32>} : memref<16x128xi32, #tpu.memory_space<vmem>>, vector<16xi32>,
    tpu.vector_store %arg11[%swap3A_291, %swap3A_292], %broadcast_in_dim3A_82 {strides = array<i32>} : memref<16x128xi32, #tpu.memory_space<vmem>>, vector<16xi32>,
    %swap3A_294 = arith.constant 14 : i32
    %swap3A_295 = arith.index_cast %swap3A_294 : i32 to index
    %swap3A_296 = arith.constant 80 : index
    %swap3A_297 = tpu.vector_load %arg11[%swap3A_295, %swap3A_296] {strides = array<i32>} : memref<16x128xi32, #tpu.memory_space<vmem>>, vector<16xi32>,
    tpu.vector_store %arg11[%swap3A_295, %swap3A_296], %broadcast_in_dim3A_82 {strides = array<i32>} : memref<16x128xi32, #tpu.memory_space<vmem>>, vector<16xi32>,
    %swap3A_298 = arith.constant 14 : i32
    %swap3A_299 = arith.index_cast %swap3A_298 : i32 to index
    %swap3A_300 = arith.constant 96 : index
    %swap3A_301 = tpu.vector_load %arg11[%swap3A_299, %swap3A_300] {strides = array<i32>} : memref<16x128xi32, #tpu.memory_space<vmem>>, vector<16xi32>,
    tpu.vector_store %arg11[%swap3A_299, %swap3A_300], %broadcast_in_dim3A_82 {strides = array<i32>} : memref<16x128xi32, #tpu.memory_space<vmem>>, vector<16xi32>,
    %swap3A_302 = arith.constant 14 : i32
    %swap3A_303 = arith.index_cast %swap3A_302 : i32 to index
    %swap3A_304 = arith.constant 112 : index
    %swap3A_305 = tpu.vector_load %arg11[%swap3A_303, %swap3A_304] {strides = array<i32>} : memref<16x128xi32, #tpu.memory_space<vmem>>, vector<16xi32>,
    tpu.vector_store %arg11[%swap3A_303, %swap3A_304], %broadcast_in_dim3A_82 {strides = array<i32>} : memref<16x128xi32, #tpu.memory_space<vmem>>, vector<16xi32>,
    %swap3A_306 = arith.constant 15 : i32
    %swap3A_307 = arith.index_cast %swap3A_306 : i32 to index
    %swap3A_308 = arith.constant 0 : index
    %swap3A_309 = tpu.vector_load %arg11[%swap3A_307, %swap3A_308] {strides = array<i32>} : memref<16x128xi32, #tpu.memory_space<vmem>>, vector<16xi32>,
    tpu.vector_store %arg11[%swap3A_307, %swap3A_308], %broadcast_in_dim3A_82 {strides = array<i32>} : memref<16x128xi32, #tpu.memory_space<vmem>>, vector<16xi32>,
    %swap3A_310 = arith.constant 15 : i32
    %swap3A_311 = arith.index_cast %swap3A_310 : i32 to index
    %swap3A_312 = arith.constant 16 : index
    %swap3A_313 = tpu.vector_load %arg11[%swap3A_311, %swap3A_312] {strides = array<i32>} : memref<16x128xi32, #tpu.memory_space<vmem>>, vector<16xi32>,
    tpu.vector_store %arg11[%swap3A_311, %swap3A_312], %broadcast_in_dim3A_82 {strides = array<i32>} : memref<16x128xi32, #tpu.memory_space<vmem>>, vector<16xi32>,
    %swap3A_314 = arith.constant 15 : i32
    %swap3A_315 = arith.index_cast %swap3A_314 : i32 to index
    %swap3A_316 = arith.constant 32 : index
    %swap3A_317 = tpu.vector_load %arg11[%swap3A_315, %swap3A_316] {strides = array<i32>} : memref<16x128xi32, #tpu.memory_space<vmem>>, vector<16xi32>,
    tpu.vector_store %arg11[%swap3A_315, %swap3A_316], %broadcast_in_dim3A_82 {strides = array<i32>} : memref<16x128xi32, #tpu.memory_space<vmem>>, vector<16xi32>,
    %swap3A_318 = arith.constant 15 : i32
    %swap3A_319 = arith.index_cast %swap3A_318 : i32 to index
    %swap3A_320 = arith.constant 48 : index
    %swap3A_321 = tpu.vector_load %arg11[%swap3A_319, %swap3A_320] {strides = array<i32>} : memref<16x128xi32, #tpu.memory_space<vmem>>, vector<16xi32>,
    tpu.vector_store %arg11[%swap3A_319, %swap3A_320], %broadcast_in_dim3A_82 {strides = array<i32>} : memref<16x128xi32, #tpu.memory_space<vmem>>, vector<16xi32>,
    %swap3A_322 = arith.constant 15 : i32
    %swap3A_323 = arith.index_cast %swap3A_322 : i32 to index
    %swap3A_324 = arith.constant 64 : index
    %swap3A_325 = tpu.vector_load %arg11[%swap3A_323, %swap3A_324] {strides = array<i32>} : memref<16x128xi32, #tpu.memory_space<vmem>>, vector<16xi32>,
    tpu.vector_store %arg11[%swap3A_323, %swap3A_324], %broadcast_in_dim3A_82 {strides = array<i32>} : memref<16x128xi32, #tpu.memory_space<vmem>>, vector<16xi32>,
    %swap3A_326 = arith.constant 15 : i32
    %swap3A_327 = arith.index_cast %swap3A_326 : i32 to index
    %swap3A_328 = arith.constant 80 : index
    %swap3A_329 = tpu.vector_load %arg11[%swap3A_327, %swap3A_328] {strides = array<i32>} : memref<16x128xi32, #tpu.memory_space<vmem>>, vector<16xi32>,
    tpu.vector_store %arg11[%swap3A_327, %swap3A_328], %broadcast_in_dim3A_82 {strides = array<i32>} : memref<16x128xi32, #tpu.memory_space<vmem>>, vector<16xi32>,
    %swap3A_330 = arith.constant 15 : i32
    %swap3A_331 = arith.index_cast %swap3A_330 : i32 to index
    %swap3A_332 = arith.constant 96 : index
    %swap3A_333 = tpu.vector_load %arg11[%swap3A_331, %swap3A_332] {strides = array<i32>} : memref<16x128xi32, #tpu.memory_space<vmem>>, vector<16xi32>,
    tpu.vector_store %arg11[%swap3A_331, %swap3A_332], %broadcast_in_dim3A_82 {strides = array<i32>} : memref<16x128xi32, #tpu.memory_space<vmem>>, vector<16xi32>,
    %swap3A_334 = arith.constant 15 : i32
    %swap3A_335 = arith.index_cast %swap3A_334 : i32 to index
    %swap3A_336 = arith.constant 112 : index
    %swap3A_337 = tpu.vector_load %arg11[%swap3A_335, %swap3A_336] {strides = array<i32>} : memref<16x128xi32, #tpu.memory_space<vmem>>, vector<16xi32>,
    tpu.vector_store %arg11[%swap3A_335, %swap3A_336], %broadcast_in_dim3A_82 {strides = array<i32>} : memref<16x128xi32, #tpu.memory_space<vmem>>, vector<16xi32>,
    %scan3A = arith.constant 0 : i32
    %scan3A_338 = arith.constant 4 : i32
    %scan3A_339 = arith.addi %scan3A, %scan3A_338 : i32
    %scan3A_340 = arith.constant 1 : i32
    scf.for %scan3A_355 = %scan3A to %scan3A_339 step %scan3A_340  : i32 {
      %mul3A_356 = arith.constant 2 : i32
      %mul3A_357 = arith.muli %scan3A_355, %mul3A_356 : i32
      %add3A_358 = arith.constant 0 : i32
      %add3A_359 = arith.addi %mul3A_357, %add3A_358 : i32
      %dma_wait3A_360 = arith.constant 0 : i32
      %dma_wait3A_361 = arith.constant 0 : i32
      %dma_wait3A_362 = arith.constant 0 : i32
      %dma_wait3A_363 = tpu.memref_slice %arg10[%dma_wait3A_360, %dma_wait3A_361, %dma_wait3A_362] : memref<2x128x256xf32, #tpu.memory_space<vmem>> -> memref<1x128x256xf32, #tpu.memory_space<vmem>>
      %dma_wait3A_364 = tpu.memref_squeeze %dma_wait3A_363 : memref<1x128x256xf32, #tpu.memory_space<vmem>> -> memref<128x256xf32, #tpu.memory_space<vmem>>
      %dma_wait3A_365 = arith.constant 0 : i32
      %dma_wait3A_366 = tpu.memref_slice %arg5[%arg1, %mul3A_0, %dma_wait3A_365] : memref<16x2048x256xf32, #tpu.memory_space<hbm>> -> memref<1x128x256xf32, #tpu.memory_space<hbm>>
      %dma_wait3A_367 = tpu.memref_squeeze %dma_wait3A_366 : memref<1x128x256xf32, #tpu.memory_space<hbm>> -> memref<128x256xf32, #tpu.memory_space<hbm>>
      %dma_wait3A_368 = arith.constant 0 : i32
      %dma_wait3A_369 = arith.constant 0 : i32
      %dma_wait3A_370 = tpu.memref_slice %arg10[%dma_wait3A_360, %dma_wait3A_368, %dma_wait3A_369] : memref<2x128x256xf32, #tpu.memory_space<vmem>> -> memref<1x128x256xf32, #tpu.memory_space<vmem>>
      %dma_wait3A_371 = tpu.memref_squeeze %dma_wait3A_370 : memref<1x128x256xf32, #tpu.memory_space<vmem>> -> memref<128x256xf32, #tpu.memory_space<vmem>>
      %dma_wait3A_372 = arith.constant 0 : i32
      %dma_wait3A_373 = tpu.memref_slice %arg5[%arg1, %mul3A_0, %dma_wait3A_372] : memref<16x2048x256xf32, #tpu.memory_space<hbm>> -> memref<1x128x256xf32, #tpu.memory_space<hbm>>
      %dma_wait3A_374 = tpu.memref_squeeze %dma_wait3A_373 : memref<1x128x256xf32, #tpu.memory_space<hbm>> -> memref<128x256xf32, #tpu.memory_space<hbm>>
      tpu.wait_dma2 semaphore(%arg17 : memref<!tpu.dma_semaphore, #tpu.memory_space<semaphore_mem>>) src(%dma_wait3A_374 : memref<128x256xf32, #tpu.memory_space<hbm>>) dst(%dma_wait3A_371 : memref<128x256xf32, #tpu.memory_space<vmem>>)
      %dma_wait3A_375 = arith.constant 0 : i32
      %dma_wait3A_376 = arith.constant 0 : i32
      %dma_wait3A_377 = arith.constant 0 : i32
      %dma_wait3A_378 = tpu.memref_slice %arg9[%dma_wait3A_375, %dma_wait3A_376, %dma_wait3A_377] : memref<2x128x8xi32, #tpu.memory_space<vmem>> -> memref<1x128x8xi32, #tpu.memory_space<vmem>>
      %dma_wait3A_379 = tpu.memref_squeeze %dma_wait3A_378 : memref<1x128x8xi32, #tpu.memory_space<vmem>> -> memref<128x8xi32, #tpu.memory_space<vmem>>
      %dma_wait3A_380 = arith.constant 0 : i32
      %dma_wait3A_381 = tpu.memref_slice %arg4[%arg1, %mul3A_0, %dma_wait3A_380] : memref<16x2048x8xi32, #tpu.memory_space<hbm>> -> memref<1x128x8xi32, #tpu.memory_space<hbm>>
      %dma_wait3A_382 = tpu.memref_squeeze %dma_wait3A_381 : memref<1x128x8xi32, #tpu.memory_space<hbm>> -> memref<128x8xi32, #tpu.memory_space<hbm>>
      %dma_wait3A_383 = arith.constant 0 : i32
      %dma_wait3A_384 = arith.constant 0 : i32
      %dma_wait3A_385 = tpu.memref_slice %arg9[%dma_wait3A_375, %dma_wait3A_383, %dma_wait3A_384] : memref<2x128x8xi32, #tpu.memory_space<vmem>> -> memref<1x128x8xi32, #tpu.memory_space<vmem>>
      %dma_wait3A_386 = tpu.memref_squeeze %dma_wait3A_385 : memref<1x128x8xi32, #tpu.memory_space<vmem>> -> memref<128x8xi32, #tpu.memory_space<vmem>>
      %dma_wait3A_387 = arith.constant 0 : i32
      %dma_wait3A_388 = tpu.memref_slice %arg4[%arg1, %mul3A_0, %dma_wait3A_387] : memref<16x2048x8xi32, #tpu.memory_space<hbm>> -> memref<1x128x8xi32, #tpu.memory_space<hbm>>
      %dma_wait3A_389 = tpu.memref_squeeze %dma_wait3A_388 : memref<1x128x8xi32, #tpu.memory_space<hbm>> -> memref<128x8xi32, #tpu.memory_space<hbm>>
      tpu.wait_dma2 semaphore(%arg18 : memref<!tpu.dma_semaphore, #tpu.memory_space<semaphore_mem>>) src(%dma_wait3A_389 : memref<128x8xi32, #tpu.memory_space<hbm>>) dst(%dma_wait3A_386 : memref<128x8xi32, #tpu.memory_space<vmem>>)
      %add3A_390 = arith.constant 0 : i32
      %add3A_391 = vector.broadcast %add3A_390 : i32 to vector<16xi32>
      %add3A_392 = arith.addi %add3A_391, %iota3A : vector<16xi32>
      %broadcast_in_dim3A_393 = arith.constant 0 : i32
      %broadcast_in_dim3A_394 = vector.broadcast %broadcast_in_dim3A_393 : i32 to vector<16xi32>
      %broadcast_in_dim3A_395 = arith.constant 0 : i32
      %broadcast_in_dim3A_396 = vector.broadcast %broadcast_in_dim3A_395 : i32 to vector<16xi32>
      %gather3A = arith.constant 0 : i32
      %gather3A_397 = arith.constant 0 : i32
      %gather3A_398 = arith.constant 0 : i32
      %gather3A_399 = tpu.memref_slice %arg9[%gather3A, %gather3A_397, %gather3A_398] : memref<2x128x8xi32, #tpu.memory_space<vmem>> -> memref<1x128x8xi32, #tpu.memory_space<vmem>>
      %gather3A_400 = tpu.memref_squeeze %gather3A_399 : memref<1x128x8xi32, #tpu.memory_space<vmem>> -> memref<128x8xi32, #tpu.memory_space<vmem>>
      %gather3A_401 = tpu.vector_load_idx %gather3A_400[%add3A_392, %broadcast_in_dim3A_396] : memref<128x8xi32, #tpu.memory_space<vmem>>[vector<16xi32>, vector<16xi32>], vector<16xi32>,
      %shift_right_arithmetic3A = arith.constant 7 : i32
      %shift_right_arithmetic3A_402 = vector.broadcast %shift_right_arithmetic3A : i32 to vector<16xi32>
      %shift_right_arithmetic3A_403 = arith.shrsi %gather3A_401, %shift_right_arithmetic3A_402 : vector<16xi32>
      %and3A = arith.constant 127 : i32
      %and3A_404 = vector.broadcast %and3A : i32 to vector<16xi32>
      %and3A_405 = arith.andi %gather3A_401, %and3A_404 : vector<16xi32>
      %gather3A_406 = tpu.vector_load_idx %arg8[%shift_right_arithmetic3A_403, %and3A_405] : memref<32x128xi32, #tpu.memory_space<vmem>>[vector<16xi32>, vector<16xi32>], vector<16xi32>,
      %gather3A_407 = tpu.vector_load_idx %arg7[%gather3A_406] : memref<8192xi32, #tpu.memory_space<vmem>>[vector<16xi32>], vector<16xi32>,
      %mul3A_408 = arith.constant 1 : i32
      %mul3A_409 = vector.broadcast %mul3A_408 : i32 to vector<16xi32>
      %mul3A_410 = arith.muli %gather3A_407, %mul3A_409 : vector<16xi32>
      %add3A_411 = arith.addi %broadcast_in_dim3A_394, %mul3A_410 : vector<16xi32>
      %broadcast_in_dim3A_412 = arith.constant 1 : i32
      %broadcast_in_dim3A_413 = vector.broadcast %broadcast_in_dim3A_412 : i32 to vector<16xi32>
      %gather3A_414 = arith.constant 0 : i32
      %gather3A_415 = arith.constant 0 : i32
      %gather3A_416 = arith.constant 0 : i32
      %gather3A_417 = tpu.memref_slice %arg9[%gather3A_414, %gather3A_415, %gather3A_416] : memref<2x128x8xi32, #tpu.memory_space<vmem>> -> memref<1x128x8xi32, #tpu.memory_space<vmem>>
      %gather3A_418 = tpu.memref_squeeze %gather3A_417 : memref<1x128x8xi32, #tpu.memory_space<vmem>> -> memref<128x8xi32, #tpu.memory_space<vmem>>
      %gather3A_419 = tpu.vector_load_idx %gather3A_418[%add3A_392, %broadcast_in_dim3A_413] : memref<128x8xi32, #tpu.memory_space<vmem>>[vector<16xi32>, vector<16xi32>], vector<16xi32>,
      %shift_right_arithmetic3A_420 = arith.constant 7 : i32
      %shift_right_arithmetic3A_421 = vector.broadcast %shift_right_arithmetic3A_420 : i32 to vector<16xi32>
      %shift_right_arithmetic3A_422 = arith.shrsi %gather3A_419, %shift_right_arithmetic3A_421 : vector<16xi32>
      %and3A_423 = arith.constant 127 : i32
      %and3A_424 = vector.broadcast %and3A_423 : i32 to vector<16xi32>
      %and3A_425 = arith.andi %gather3A_419, %and3A_424 : vector<16xi32>
      %gather3A_426 = tpu.vector_load_idx %arg8[%shift_right_arithmetic3A_422, %and3A_425] : memref<32x128xi32, #tpu.memory_space<vmem>>[vector<16xi32>, vector<16xi32>], vector<16xi32>,
      %gather3A_427 = tpu.vector_load_idx %arg7[%gather3A_426] : memref<8192xi32, #tpu.memory_space<vmem>>[vector<16xi32>], vector<16xi32>,
      %mul3A_428 = arith.constant 2 : i32
      %mul3A_429 = vector.broadcast %mul3A_428 : i32 to vector<16xi32>
      %mul3A_430 = arith.muli %gather3A_427, %mul3A_429 : vector<16xi32>
      %add3A_431 = arith.addi %add3A_411, %mul3A_430 : vector<16xi32>
      %broadcast_in_dim3A_432 = arith.constant 2 : i32
      %broadcast_in_dim3A_433 = vector.broadcast %broadcast_in_dim3A_432 : i32 to vector<16xi32>
      %gather3A_434 = arith.constant 0 : i32
      %gather3A_435 = arith.constant 0 : i32
      %gather3A_436 = arith.constant 0 : i32
      %gather3A_437 = tpu.memref_slice %arg9[%gather3A_434, %gather3A_435, %gather3A_436] : memref<2x128x8xi32, #tpu.memory_space<vmem>> -> memref<1x128x8xi32, #tpu.memory_space<vmem>>
      %gather3A_438 = tpu.memref_squeeze %gather3A_437 : memref<1x128x8xi32, #tpu.memory_space<vmem>> -> memref<128x8xi32, #tpu.memory_space<vmem>>
      %gather3A_439 = tpu.vector_load_idx %gather3A_438[%add3A_392, %broadcast_in_dim3A_433] : memref<128x8xi32, #tpu.memory_space<vmem>>[vector<16xi32>, vector<16xi32>], vector<16xi32>,
      %shift_right_arithmetic3A_440 = arith.constant 7 : i32
      %shift_right_arithmetic3A_441 = vector.broadcast %shift_right_arithmetic3A_440 : i32 to vector<16xi32>
      %shift_right_arithmetic3A_442 = arith.shrsi %gather3A_439, %shift_right_arithmetic3A_441 : vector<16xi32>
      %and3A_443 = arith.constant 127 : i32
      %and3A_444 = vector.broadcast %and3A_443 : i32 to vector<16xi32>
      %and3A_445 = arith.andi %gather3A_439, %and3A_444 : vector<16xi32>
      %gather3A_446 = tpu.vector_load_idx %arg8[%shift_right_arithmetic3A_442, %and3A_445] : memref<32x128xi32, #tpu.memory_space<vmem>>[vector<16xi32>, vector<16xi32>], vector<16xi32>,
      %gather3A_447 = tpu.vector_load_idx %arg7[%gather3A_446] : memref<8192xi32, #tpu.memory_space<vmem>>[vector<16xi32>], vector<16xi32>,
      %mul3A_448 = arith.constant 4 : i32
      %mul3A_449 = vector.broadcast %mul3A_448 : i32 to vector<16xi32>
      %mul3A_450 = arith.muli %gather3A_447, %mul3A_449 : vector<16xi32>
      %add3A_451 = arith.addi %add3A_431, %mul3A_450 : vector<16xi32>
      %broadcast_in_dim3A_452 = arith.constant 3 : i32
      %broadcast_in_dim3A_453 = vector.broadcast %broadcast_in_dim3A_452 : i32 to vector<16xi32>
      %gather3A_454 = arith.constant 0 : i32
      %gather3A_455 = arith.constant 0 : i32
      %gather3A_456 = arith.constant 0 : i32
      %gather3A_457 = tpu.memref_slice %arg9[%gather3A_454, %gather3A_455, %gather3A_456] : memref<2x128x8xi32, #tpu.memory_space<vmem>> -> memref<1x128x8xi32, #tpu.memory_space<vmem>>
      %gather3A_458 = tpu.memref_squeeze %gather3A_457 : memref<1x128x8xi32, #tpu.memory_space<vmem>> -> memref<128x8xi32, #tpu.memory_space<vmem>>
      %gather3A_459 = tpu.vector_load_idx %gather3A_458[%add3A_392, %broadcast_in_dim3A_453] : memref<128x8xi32, #tpu.memory_space<vmem>>[vector<16xi32>, vector<16xi32>], vector<16xi32>,
      %shift_right_arithmetic3A_460 = arith.constant 7 : i32
      %shift_right_arithmetic3A_461 = vector.broadcast %shift_right_arithmetic3A_460 : i32 to vector<16xi32>
      %shift_right_arithmetic3A_462 = arith.shrsi %gather3A_459, %shift_right_arithmetic3A_461 : vector<16xi32>
      %and3A_463 = arith.constant 127 : i32
      %and3A_464 = vector.broadcast %and3A_463 : i32 to vector<16xi32>
      %and3A_465 = arith.andi %gather3A_459, %and3A_464 : vector<16xi32>
      %gather3A_466 = tpu.vector_load_idx %arg8[%shift_right_arithmetic3A_462, %and3A_465] : memref<32x128xi32, #tpu.memory_space<vmem>>[vector<16xi32>, vector<16xi32>], vector<16xi32>,
      %gather3A_467 = tpu.vector_load_idx %arg7[%gather3A_466] : memref<8192xi32, #tpu.memory_space<vmem>>[vector<16xi32>], vector<16xi32>,
      %mul3A_468 = arith.constant 8 : i32
      %mul3A_469 = vector.broadcast %mul3A_468 : i32 to vector<16xi32>
      %mul3A_470 = arith.muli %gather3A_467, %mul3A_469 : vector<16xi32>
      %add3A_471 = arith.addi %add3A_451, %mul3A_470 : vector<16xi32>
      %broadcast_in_dim3A_472 = arith.constant 4 : i32
      %broadcast_in_dim3A_473 = vector.broadcast %broadcast_in_dim3A_472 : i32 to vector<16xi32>
      %gather3A_474 = arith.constant 0 : i32
      %gather3A_475 = arith.constant 0 : i32
      %gather3A_476 = arith.constant 0 : i32
      %gather3A_477 = tpu.memref_slice %arg9[%gather3A_474, %gather3A_475, %gather3A_476] : memref<2x128x8xi32, #tpu.memory_space<vmem>> -> memref<1x128x8xi32, #tpu.memory_space<vmem>>
      %gather3A_478 = tpu.memref_squeeze %gather3A_477 : memref<1x128x8xi32, #tpu.memory_space<vmem>> -> memref<128x8xi32, #tpu.memory_space<vmem>>
      %gather3A_479 = tpu.vector_load_idx %gather3A_478[%add3A_392, %broadcast_in_dim3A_473] : memref<128x8xi32, #tpu.memory_space<vmem>>[vector<16xi32>, vector<16xi32>], vector<16xi32>,
      %shift_right_arithmetic3A_480 = arith.constant 7 : i32
      %shift_right_arithmetic3A_481 = vector.broadcast %shift_right_arithmetic3A_480 : i32 to vector<16xi32>
      %shift_right_arithmetic3A_482 = arith.shrsi %gather3A_479, %shift_right_arithmetic3A_481 : vector<16xi32>
      %and3A_483 = arith.constant 127 : i32
      %and3A_484 = vector.broadcast %and3A_483 : i32 to vector<16xi32>
      %and3A_485 = arith.andi %gather3A_479, %and3A_484 : vector<16xi32>
      %gather3A_486 = tpu.vector_load_idx %arg8[%shift_right_arithmetic3A_482, %and3A_485] : memref<32x128xi32, #tpu.memory_space<vmem>>[vector<16xi32>, vector<16xi32>], vector<16xi32>,
      %gather3A_487 = tpu.vector_load_idx %arg7[%gather3A_486] : memref<8192xi32, #tpu.memory_space<vmem>>[vector<16xi32>], vector<16xi32>,
      %mul3A_488 = arith.constant 16 : i32
      %mul3A_489 = vector.broadcast %mul3A_488 : i32 to vector<16xi32>
      %mul3A_490 = arith.muli %gather3A_487, %mul3A_489 : vector<16xi32>
      %add3A_491 = arith.addi %add3A_471, %mul3A_490 : vector<16xi32>
      %broadcast_in_dim3A_492 = arith.constant 5 : i32
      %broadcast_in_dim3A_493 = vector.broadcast %broadcast_in_dim3A_492 : i32 to vector<16xi32>
      %gather3A_494 = arith.constant 0 : i32
      %gather3A_495 = arith.constant 0 : i32
      %gather3A_496 = arith.constant 0 : i32
      %gather3A_497 = tpu.memref_slice %arg9[%gather3A_494, %gather3A_495, %gather3A_496] : memref<2x128x8xi32, #tpu.memory_space<vmem>> -> memref<1x128x8xi32, #tpu.memory_space<vmem>>
      %gather3A_498 = tpu.memref_squeeze %gather3A_497 : memref<1x128x8xi32, #tpu.memory_space<vmem>> -> memref<128x8xi32, #tpu.memory_space<vmem>>
      %gather3A_499 = tpu.vector_load_idx %gather3A_498[%add3A_392, %broadcast_in_dim3A_493] : memref<128x8xi32, #tpu.memory_space<vmem>>[vector<16xi32>, vector<16xi32>], vector<16xi32>,
      %shift_right_arithmetic3A_500 = arith.constant 7 : i32
      %shift_right_arithmetic3A_501 = vector.broadcast %shift_right_arithmetic3A_500 : i32 to vector<16xi32>
      %shift_right_arithmetic3A_502 = arith.shrsi %gather3A_499, %shift_right_arithmetic3A_501 : vector<16xi32>
      %and3A_503 = arith.constant 127 : i32
      %and3A_504 = vector.broadcast %and3A_503 : i32 to vector<16xi32>
      %and3A_505 = arith.andi %gather3A_499, %and3A_504 : vector<16xi32>
      %gather3A_506 = tpu.vector_load_idx %arg8[%shift_right_arithmetic3A_502, %and3A_505] : memref<32x128xi32, #tpu.memory_space<vmem>>[vector<16xi32>, vector<16xi32>], vector<16xi32>,
      %gather3A_507 = tpu.vector_load_idx %arg7[%gather3A_506] : memref<8192xi32, #tpu.memory_space<vmem>>[vector<16xi32>], vector<16xi32>,
      %mul3A_508 = arith.constant 32 : i32
      %mul3A_509 = vector.broadcast %mul3A_508 : i32 to vector<16xi32>
      %mul3A_510 = arith.muli %gather3A_507, %mul3A_509 : vector<16xi32>
      %add3A_511 = arith.addi %add3A_491, %mul3A_510 : vector<16xi32>
      %broadcast_in_dim3A_512 = arith.constant 6 : i32
      %broadcast_in_dim3A_513 = vector.broadcast %broadcast_in_dim3A_512 : i32 to vector<16xi32>
      %gather3A_514 = arith.constant 0 : i32
      %gather3A_515 = arith.constant 0 : i32
      %gather3A_516 = arith.constant 0 : i32
      %gather3A_517 = tpu.memref_slice %arg9[%gather3A_514, %gather3A_515, %gather3A_516] : memref<2x128x8xi32, #tpu.memory_space<vmem>> -> memref<1x128x8xi32, #tpu.memory_space<vmem>>
      %gather3A_518 = tpu.memref_squeeze %gather3A_517 : memref<1x128x8xi32, #tpu.memory_space<vmem>> -> memref<128x8xi32, #tpu.memory_space<vmem>>
      %gather3A_519 = tpu.vector_load_idx %gather3A_518[%add3A_392, %broadcast_in_dim3A_513] : memref<128x8xi32, #tpu.memory_space<vmem>>[vector<16xi32>, vector<16xi32>], vector<16xi32>,
      %shift_right_arithmetic3A_520 = arith.constant 7 : i32
      %shift_right_arithmetic3A_521 = vector.broadcast %shift_right_arithmetic3A_520 : i32 to vector<16xi32>
      %shift_right_arithmetic3A_522 = arith.shrsi %gather3A_519, %shift_right_arithmetic3A_521 : vector<16xi32>
      %and3A_523 = arith.constant 127 : i32
      %and3A_524 = vector.broadcast %and3A_523 : i32 to vector<16xi32>
      %and3A_525 = arith.andi %gather3A_519, %and3A_524 : vector<16xi32>
      %gather3A_526 = tpu.vector_load_idx %arg8[%shift_right_arithmetic3A_522, %and3A_525] : memref<32x128xi32, #tpu.memory_space<vmem>>[vector<16xi32>, vector<16xi32>], vector<16xi32>,
      %gather3A_527 = tpu.vector_load_idx %arg7[%gather3A_526] : memref<8192xi32, #tpu.memory_space<vmem>>[vector<16xi32>], vector<16xi32>,
      %mul3A_528 = arith.constant 64 : i32
      %mul3A_529 = vector.broadcast %mul3A_528 : i32 to vector<16xi32>
      %mul3A_530 = arith.muli %gather3A_527, %mul3A_529 : vector<16xi32>
      %add3A_531 = arith.addi %add3A_511, %mul3A_530 : vector<16xi32>
      %broadcast_in_dim3A_532 = arith.constant 7 : i32
      %broadcast_in_dim3A_533 = vector.broadcast %broadcast_in_dim3A_532 : i32 to vector<16xi32>
      %gather3A_534 = arith.constant 0 : i32
      %gather3A_535 = arith.constant 0 : i32
      %gather3A_536 = arith.constant 0 : i32
      %gather3A_537 = tpu.memref_slice %arg9[%gather3A_534, %gather3A_535, %gather3A_536] : memref<2x128x8xi32, #tpu.memory_space<vmem>> -> memref<1x128x8xi32, #tpu.memory_space<vmem>>
      %gather3A_538 = tpu.memref_squeeze %gather3A_537 : memref<1x128x8xi32, #tpu.memory_space<vmem>> -> memref<128x8xi32, #tpu.memory_space<vmem>>
      %gather3A_539 = tpu.vector_load_idx %gather3A_538[%add3A_392, %broadcast_in_dim3A_533] : memref<128x8xi32, #tpu.memory_space<vmem>>[vector<16xi32>, vector<16xi32>], vector<16xi32>,
      %shift_right_arithmetic3A_540 = arith.constant 7 : i32
      %shift_right_arithmetic3A_541 = vector.broadcast %shift_right_arithmetic3A_540 : i32 to vector<16xi32>
      %shift_right_arithmetic3A_542 = arith.shrsi %gather3A_539, %shift_right_arithmetic3A_541 : vector<16xi32>
      %and3A_543 = arith.constant 127 : i32
      %and3A_544 = vector.broadcast %and3A_543 : i32 to vector<16xi32>
      %and3A_545 = arith.andi %gather3A_539, %and3A_544 : vector<16xi32>
      %gather3A_546 = tpu.vector_load_idx %arg8[%shift_right_arithmetic3A_542, %and3A_545] : memref<32x128xi32, #tpu.memory_space<vmem>>[vector<16xi32>, vector<16xi32>], vector<16xi32>,
      %gather3A_547 = tpu.vector_load_idx %arg7[%gather3A_546] : memref<8192xi32, #tpu.memory_space<vmem>>[vector<16xi32>], vector<16xi32>,
      %mul3A_548 = arith.constant 128 : i32
      %mul3A_549 = vector.broadcast %mul3A_548 : i32 to vector<16xi32>
      %mul3A_550 = arith.muli %gather3A_547, %mul3A_549 : vector<16xi32>
      %add3A_551 = arith.addi %add3A_531, %mul3A_550 : vector<16xi32>
      %gather3A_552 = arith.constant 0 : i32
      %gather3A_553 = arith.constant 0 : i32
      %gather3A_554 = arith.constant 0 : i32
      %gather3A_555 = tpu.memref_slice %arg10[%gather3A_552, %gather3A_553, %gather3A_554] : memref<2x128x256xf32, #tpu.memory_space<vmem>> -> memref<1x128x256xf32, #tpu.memory_space<vmem>>
      %gather3A_556 = tpu.memref_squeeze %gather3A_555 : memref<1x128x256xf32, #tpu.memory_space<vmem>> -> memref<128x256xf32, #tpu.memory_space<vmem>>
      %gather3A_557 = tpu.vector_load_idx %gather3A_556[%add3A_392, %add3A_551] : memref<128x256xf32, #tpu.memory_space<vmem>>[vector<16xi32>, vector<16xi32>], vector<16xf32>,
      %gt3A = arith.constant 5.000000e-01 : f32
      %gt3A_558 = vector.broadcast %gt3A : f32 to vector<16xf32>
      %gt3A_559 = arith.cmpf ogt, %gather3A_557, %gt3A_558 : vector<16xf32>
      %jit3A = arith.constant 1 : i32
      %jit3A_560 = arith.constant 0 : i32
      %broadcast_in_dim3A_561 = vector.broadcast %jit3A : i32 to vector<16xi32>
      %broadcast_in_dim3A_562 = vector.broadcast %jit3A_560 : i32 to vector<16xi32>
      %select_n3A = arith.select %gt3A_559, %broadcast_in_dim3A_561, %broadcast_in_dim3A_562 : vector<16xi1>, vector<16xi32>
      %swap3A_563 = arith.index_cast %add3A_359 : i32 to index
      %swap3A_564 = arith.constant 0 : index
      %swap3A_565 = tpu.vector_load %arg11[%swap3A_563, %swap3A_564] {strides = array<i32>} : memref<16x128xi32, #tpu.memory_space<vmem>>, vector<16xi32>,
      tpu.vector_store %arg11[%swap3A_563, %swap3A_564], %select_n3A {strides = array<i32>} : memref<16x128xi32, #tpu.memory_space<vmem>>, vector<16xi32>,
      %add3A_566 = arith.constant 16 : i32
      %add3A_567 = vector.broadcast %add3A_566 : i32 to vector<16xi32>
      %add3A_568 = arith.addi %add3A_567, %iota3A : vector<16xi32>
      %broadcast_in_dim3A_569 = arith.constant 0 : i32
      %broadcast_in_dim3A_570 = vector.broadcast %broadcast_in_dim3A_569 : i32 to vector<16xi32>
      %broadcast_in_dim3A_571 = arith.constant 0 : i32
      %broadcast_in_dim3A_572 = vector.broadcast %broadcast_in_dim3A_571 : i32 to vector<16xi32>
      %gather3A_573 = arith.constant 0 : i32
      %gather3A_574 = arith.constant 0 : i32
      %gather3A_575 = arith.constant 0 : i32
      %gather3A_576 = tpu.memref_slice %arg9[%gather3A_573, %gather3A_574, %gather3A_575] : memref<2x128x8xi32, #tpu.memory_space<vmem>> -> memref<1x128x8xi32, #tpu.memory_space<vmem>>
      %gather3A_577 = tpu.memref_squeeze %gather3A_576 : memref<1x128x8xi32, #tpu.memory_space<vmem>> -> memref<128x8xi32, #tpu.memory_space<vmem>>
      %gather3A_578 = tpu.vector_load_idx %gather3A_577[%add3A_568, %broadcast_in_dim3A_572] : memref<128x8xi32, #tpu.memory_space<vmem>>[vector<16xi32>, vector<16xi32>], vector<16xi32>,
      %shift_right_arithmetic3A_579 = arith.constant 7 : i32
      %shift_right_arithmetic3A_580 = vector.broadcast %shift_right_arithmetic3A_579 : i32 to vector<16xi32>
      %shift_right_arithmetic3A_581 = arith.shrsi %gather3A_578, %shift_right_arithmetic3A_580 : vector<16xi32>
      %and3A_582 = arith.constant 127 : i32
      %and3A_583 = vector.broadcast %and3A_582 : i32 to vector<16xi32>
      %and3A_584 = arith.andi %gather3A_578, %and3A_583 : vector<16xi32>
      %gather3A_585 = tpu.vector_load_idx %arg8[%shift_right_arithmetic3A_581, %and3A_584] : memref<32x128xi32, #tpu.memory_space<vmem>>[vector<16xi32>, vector<16xi32>], vector<16xi32>,
      %gather3A_586 = tpu.vector_load_idx %arg7[%gather3A_585] : memref<8192xi32, #tpu.memory_space<vmem>>[vector<16xi32>], vector<16xi32>,
      %mul3A_587 = arith.constant 1 : i32
      %mul3A_588 = vector.broadcast %mul3A_587 : i32 to vector<16xi32>
      %mul3A_589 = arith.muli %gather3A_586, %mul3A_588 : vector<16xi32>
      %add3A_590 = arith.addi %broadcast_in_dim3A_570, %mul3A_589 : vector<16xi32>
      %broadcast_in_dim3A_591 = arith.constant 1 : i32
      %broadcast_in_dim3A_592 = vector.broadcast %broadcast_in_dim3A_591 : i32 to vector<16xi32>
      %gather3A_593 = arith.constant 0 : i32
      %gather3A_594 = arith.constant 0 : i32
      %gather3A_595 = arith.constant 0 : i32
      %gather3A_596 = tpu.memref_slice %arg9[%gather3A_593, %gather3A_594, %gather3A_595] : memref<2x128x8xi32, #tpu.memory_space<vmem>> -> memref<1x128x8xi32, #tpu.memory_space<vmem>>
      %gather3A_597 = tpu.memref_squeeze %gather3A_596 : memref<1x128x8xi32, #tpu.memory_space<vmem>> -> memref<128x8xi32, #tpu.memory_space<vmem>>
      %gather3A_598 = tpu.vector_load_idx %gather3A_597[%add3A_568, %broadcast_in_dim3A_592] : memref<128x8xi32, #tpu.memory_space<vmem>>[vector<16xi32>, vector<16xi32>], vector<16xi32>,
      %shift_right_arithmetic3A_599 = arith.constant 7 : i32
      %shift_right_arithmetic3A_600 = vector.broadcast %shift_right_arithmetic3A_599 : i32 to vector<16xi32>
      %shift_right_arithmetic3A_601 = arith.shrsi %gather3A_598, %shift_right_arithmetic3A_600 : vector<16xi32>
      %and3A_602 = arith.constant 127 : i32
      %and3A_603 = vector.broadcast %and3A_602 : i32 to vector<16xi32>
      %and3A_604 = arith.andi %gather3A_598, %and3A_603 : vector<16xi32>
      %gather3A_605 = tpu.vector_load_idx %arg8[%shift_right_arithmetic3A_601, %and3A_604] : memref<32x128xi32, #tpu.memory_space<vmem>>[vector<16xi32>, vector<16xi32>], vector<16xi32>,
      %gather3A_606 = tpu.vector_load_idx %arg7[%gather3A_605] : memref<8192xi32, #tpu.memory_space<vmem>>[vector<16xi32>], vector<16xi32>,
      %mul3A_607 = arith.constant 2 : i32
      %mul3A_608 = vector.broadcast %mul3A_607 : i32 to vector<16xi32>
      %mul3A_609 = arith.muli %gather3A_606, %mul3A_608 : vector<16xi32>
      %add3A_610 = arith.addi %add3A_590, %mul3A_609 : vector<16xi32>
      %broadcast_in_dim3A_611 = arith.constant 2 : i32
      %broadcast_in_dim3A_612 = vector.broadcast %broadcast_in_dim3A_611 : i32 to vector<16xi32>
      %gather3A_613 = arith.constant 0 : i32
      %gather3A_614 = arith.constant 0 : i32
      %gather3A_615 = arith.constant 0 : i32
      %gather3A_616 = tpu.memref_slice %arg9[%gather3A_613, %gather3A_614, %gather3A_615] : memref<2x128x8xi32, #tpu.memory_space<vmem>> -> memref<1x128x8xi32, #tpu.memory_space<vmem>>
      %gather3A_617 = tpu.memref_squeeze %gather3A_616 : memref<1x128x8xi32, #tpu.memory_space<vmem>> -> memref<128x8xi32, #tpu.memory_space<vmem>>
      %gather3A_618 = tpu.vector_load_idx %gather3A_617[%add3A_568, %broadcast_in_dim3A_612] : memref<128x8xi32, #tpu.memory_space<vmem>>[vector<16xi32>, vector<16xi32>], vector<16xi32>,
      %shift_right_arithmetic3A_619 = arith.constant 7 : i32
      %shift_right_arithmetic3A_620 = vector.broadcast %shift_right_arithmetic3A_619 : i32 to vector<16xi32>
      %shift_right_arithmetic3A_621 = arith.shrsi %gather3A_618, %shift_right_arithmetic3A_620 : vector<16xi32>
      %and3A_622 = arith.constant 127 : i32
      %and3A_623 = vector.broadcast %and3A_622 : i32 to vector<16xi32>
      %and3A_624 = arith.andi %gather3A_618, %and3A_623 : vector<16xi32>
      %gather3A_625 = tpu.vector_load_idx %arg8[%shift_right_arithmetic3A_621, %and3A_624] : memref<32x128xi32, #tpu.memory_space<vmem>>[vector<16xi32>, vector<16xi32>], vector<16xi32>,
      %gather3A_626 = tpu.vector_load_idx %arg7[%gather3A_625] : memref<8192xi32, #tpu.memory_space<vmem>>[vector<16xi32>], vector<16xi32>,
      %mul3A_627 = arith.constant 4 : i32
      %mul3A_628 = vector.broadcast %mul3A_627 : i32 to vector<16xi32>
      %mul3A_629 = arith.muli %gather3A_626, %mul3A_628 : vector<16xi32>
      %add3A_630 = arith.addi %add3A_610, %mul3A_629 : vector<16xi32>
      %broadcast_in_dim3A_631 = arith.constant 3 : i32
      %broadcast_in_dim3A_632 = vector.broadcast %broadcast_in_dim3A_631 : i32 to vector<16xi32>
      %gather3A_633 = arith.constant 0 : i32
      %gather3A_634 = arith.constant 0 : i32
      %gather3A_635 = arith.constant 0 : i32
      %gather3A_636 = tpu.memref_slice %arg9[%gather3A_633, %gather3A_634, %gather3A_635] : memref<2x128x8xi32, #tpu.memory_space<vmem>> -> memref<1x128x8xi32, #tpu.memory_space<vmem>>
      %gather3A_637 = tpu.memref_squeeze %gather3A_636 : memref<1x128x8xi32, #tpu.memory_space<vmem>> -> memref<128x8xi32, #tpu.memory_space<vmem>>
      %gather3A_638 = tpu.vector_load_idx %gather3A_637[%add3A_568, %broadcast_in_dim3A_632] : memref<128x8xi32, #tpu.memory_space<vmem>>[vector<16xi32>, vector<16xi32>], vector<16xi32>,
      %shift_right_arithmetic3A_639 = arith.constant 7 : i32
      %shift_right_arithmetic3A_640 = vector.broadcast %shift_right_arithmetic3A_639 : i32 to vector<16xi32>
      %shift_right_arithmetic3A_641 = arith.shrsi %gather3A_638, %shift_right_arithmetic3A_640 : vector<16xi32>
      %and3A_642 = arith.constant 127 : i32
      %and3A_643 = vector.broadcast %and3A_642 : i32 to vector<16xi32>
      %and3A_644 = arith.andi %gather3A_638, %and3A_643 : vector<16xi32>
      %gather3A_645 = tpu.vector_load_idx %arg8[%shift_right_arithmetic3A_641, %and3A_644] : memref<32x128xi32, #tpu.memory_space<vmem>>[vector<16xi32>, vector<16xi32>], vector<16xi32>,
      %gather3A_646 = tpu.vector_load_idx %arg7[%gather3A_645] : memref<8192xi32, #tpu.memory_space<vmem>>[vector<16xi32>], vector<16xi32>,
      %mul3A_647 = arith.constant 8 : i32
      %mul3A_648 = vector.broadcast %mul3A_647 : i32 to vector<16xi32>
      %mul3A_649 = arith.muli %gather3A_646, %mul3A_648 : vector<16xi32>
      %add3A_650 = arith.addi %add3A_630, %mul3A_649 : vector<16xi32>
      %broadcast_in_dim3A_651 = arith.constant 4 : i32
      %broadcast_in_dim3A_652 = vector.broadcast %broadcast_in_dim3A_651 : i32 to vector<16xi32>
      %gather3A_653 = arith.constant 0 : i32
      %gather3A_654 = arith.constant 0 : i32
      %gather3A_655 = arith.constant 0 : i32
      %gather3A_656 = tpu.memref_slice %arg9[%gather3A_653, %gather3A_654, %gather3A_655] : memref<2x128x8xi32, #tpu.memory_space<vmem>> -> memref<1x128x8xi32, #tpu.memory_space<vmem>>
      %gather3A_657 = tpu.memref_squeeze %gather3A_656 : memref<1x128x8xi32, #tpu.memory_space<vmem>> -> memref<128x8xi32, #tpu.memory_space<vmem>>
      %gather3A_658 = tpu.vector_load_idx %gather3A_657[%add3A_568, %broadcast_in_dim3A_652] : memref<128x8xi32, #tpu.memory_space<vmem>>[vector<16xi32>, vector<16xi32>], vector<16xi32>,
      %shift_right_arithmetic3A_659 = arith.constant 7 : i32
      %shift_right_arithmetic3A_660 = vector.broadcast %shift_right_arithmetic3A_659 : i32 to vector<16xi32>
      %shift_right_arithmetic3A_661 = arith.shrsi %gather3A_658, %shift_right_arithmetic3A_660 : vector<16xi32>
      %and3A_662 = arith.constant 127 : i32
      %and3A_663 = vector.broadcast %and3A_662 : i32 to vector<16xi32>
      %and3A_664 = arith.andi %gather3A_658, %and3A_663 : vector<16xi32>
      %gather3A_665 = tpu.vector_load_idx %arg8[%shift_right_arithmetic3A_661, %and3A_664] : memref<32x128xi32, #tpu.memory_space<vmem>>[vector<16xi32>, vector<16xi32>], vector<16xi32>,
      %gather3A_666 = tpu.vector_load_idx %arg7[%gather3A_665] : memref<8192xi32, #tpu.memory_space<vmem>>[vector<16xi32>], vector<16xi32>,
      %mul3A_667 = arith.constant 16 : i32
      %mul3A_668 = vector.broadcast %mul3A_667 : i32 to vector<16xi32>
      %mul3A_669 = arith.muli %gather3A_666, %mul3A_668 : vector<16xi32>
      %add3A_670 = arith.addi %add3A_650, %mul3A_669 : vector<16xi32>
      %broadcast_in_dim3A_671 = arith.constant 5 : i32
      %broadcast_in_dim3A_672 = vector.broadcast %broadcast_in_dim3A_671 : i32 to vector<16xi32>
      %gather3A_673 = arith.constant 0 : i32
      %gather3A_674 = arith.constant 0 : i32
      %gather3A_675 = arith.constant 0 : i32
      %gather3A_676 = tpu.memref_slice %arg9[%gather3A_673, %gather3A_674, %gather3A_675] : memref<2x128x8xi32, #tpu.memory_space<vmem>> -> memref<1x128x8xi32, #tpu.memory_space<vmem>>
      %gather3A_677 = tpu.memref_squeeze %gather3A_676 : memref<1x128x8xi32, #tpu.memory_space<vmem>> -> memref<128x8xi32, #tpu.memory_space<vmem>>
      %gather3A_678 = tpu.vector_load_idx %gather3A_677[%add3A_568, %broadcast_in_dim3A_672] : memref<128x8xi32, #tpu.memory_space<vmem>>[vector<16xi32>, vector<16xi32>], vector<16xi32>,
      %shift_right_arithmetic3A_679 = arith.constant 7 : i32
      %shift_right_arithmetic3A_680 = vector.broadcast %shift_right_arithmetic3A_679 : i32 to vector<16xi32>
      %shift_right_arithmetic3A_681 = arith.shrsi %gather3A_678, %shift_right_arithmetic3A_680 : vector<16xi32>
      %and3A_682 = arith.constant 127 : i32
      %and3A_683 = vector.broadcast %and3A_682 : i32 to vector<16xi32>
      %and3A_684 = arith.andi %gather3A_678, %and3A_683 : vector<16xi32>
      %gather3A_685 = tpu.vector_load_idx %arg8[%shift_right_arithmetic3A_681, %and3A_684] : memref<32x128xi32, #tpu.memory_space<vmem>>[vector<16xi32>, vector<16xi32>], vector<16xi32>,
      %gather3A_686 = tpu.vector_load_idx %arg7[%gather3A_685] : memref<8192xi32, #tpu.memory_space<vmem>>[vector<16xi32>], vector<16xi32>,
      %mul3A_687 = arith.constant 32 : i32
      %mul3A_688 = vector.broadcast %mul3A_687 : i32 to vector<16xi32>
      %mul3A_689 = arith.muli %gather3A_686, %mul3A_688 : vector<16xi32>
      %add3A_690 = arith.addi %add3A_670, %mul3A_689 : vector<16xi32>
      %broadcast_in_dim3A_691 = arith.constant 6 : i32
      %broadcast_in_dim3A_692 = vector.broadcast %broadcast_in_dim3A_691 : i32 to vector<16xi32>
      %gather3A_693 = arith.constant 0 : i32
      %gather3A_694 = arith.constant 0 : i32
      %gather3A_695 = arith.constant 0 : i32
      %gather3A_696 = tpu.memref_slice %arg9[%gather3A_693, %gather3A_694, %gather3A_695] : memref<2x128x8xi32, #tpu.memory_space<vmem>> -> memref<1x128x8xi32, #tpu.memory_space<vmem>>
      %gather3A_697 = tpu.memref_squeeze %gather3A_696 : memref<1x128x8xi32, #tpu.memory_space<vmem>> -> memref<128x8xi32, #tpu.memory_space<vmem>>
      %gather3A_698 = tpu.vector_load_idx %gather3A_697[%add3A_568, %broadcast_in_dim3A_692] : memref<128x8xi32, #tpu.memory_space<vmem>>[vector<16xi32>, vector<16xi32>], vector<16xi32>,
      %shift_right_arithmetic3A_699 = arith.constant 7 : i32
      %shift_right_arithmetic3A_700 = vector.broadcast %shift_right_arithmetic3A_699 : i32 to vector<16xi32>
      %shift_right_arithmetic3A_701 = arith.shrsi %gather3A_698, %shift_right_arithmetic3A_700 : vector<16xi32>
      %and3A_702 = arith.constant 127 : i32
      %and3A_703 = vector.broadcast %and3A_702 : i32 to vector<16xi32>
      %and3A_704 = arith.andi %gather3A_698, %and3A_703 : vector<16xi32>
      %gather3A_705 = tpu.vector_load_idx %arg8[%shift_right_arithmetic3A_701, %and3A_704] : memref<32x128xi32, #tpu.memory_space<vmem>>[vector<16xi32>, vector<16xi32>], vector<16xi32>,
      %gather3A_706 = tpu.vector_load_idx %arg7[%gather3A_705] : memref<8192xi32, #tpu.memory_space<vmem>>[vector<16xi32>], vector<16xi32>,
      %mul3A_707 = arith.constant 64 : i32
      %mul3A_708 = vector.broadcast %mul3A_707 : i32 to vector<16xi32>
      %mul3A_709 = arith.muli %gather3A_706, %mul3A_708 : vector<16xi32>
      %add3A_710 = arith.addi %add3A_690, %mul3A_709 : vector<16xi32>
      %broadcast_in_dim3A_711 = arith.constant 7 : i32
      %broadcast_in_dim3A_712 = vector.broadcast %broadcast_in_dim3A_711 : i32 to vector<16xi32>
      %gather3A_713 = arith.constant 0 : i32
      %gather3A_714 = arith.constant 0 : i32
      %gather3A_715 = arith.constant 0 : i32
      %gather3A_716 = tpu.memref_slice %arg9[%gather3A_713, %gather3A_714, %gather3A_715] : memref<2x128x8xi32, #tpu.memory_space<vmem>> -> memref<1x128x8xi32, #tpu.memory_space<vmem>>
      %gather3A_717 = tpu.memref_squeeze %gather3A_716 : memref<1x128x8xi32, #tpu.memory_space<vmem>> -> memref<128x8xi32, #tpu.memory_space<vmem>>
      %gather3A_718 = tpu.vector_load_idx %gather3A_717[%add3A_568, %broadcast_in_dim3A_712] : memref<128x8xi32, #tpu.memory_space<vmem>>[vector<16xi32>, vector<16xi32>], vector<16xi32>,
      %shift_right_arithmetic3A_719 = arith.constant 7 : i32
      %shift_right_arithmetic3A_720 = vector.broadcast %shift_right_arithmetic3A_719 : i32 to vector<16xi32>
      %shift_right_arithmetic3A_721 = arith.shrsi %gather3A_718, %shift_right_arithmetic3A_720 : vector<16xi32>
      %and3A_722 = arith.constant 127 : i32
      %and3A_723 = vector.broadcast %and3A_722 : i32 to vector<16xi32>
      %and3A_724 = arith.andi %gather3A_718, %and3A_723 : vector<16xi32>
      %gather3A_725 = tpu.vector_load_idx %arg8[%shift_right_arithmetic3A_721, %and3A_724] : memref<32x128xi32, #tpu.memory_space<vmem>>[vector<16xi32>, vector<16xi32>], vector<16xi32>,
      %gather3A_726 = tpu.vector_load_idx %arg7[%gather3A_725] : memref<8192xi32, #tpu.memory_space<vmem>>[vector<16xi32>], vector<16xi32>,
      %mul3A_727 = arith.constant 128 : i32
      %mul3A_728 = vector.broadcast %mul3A_727 : i32 to vector<16xi32>
      %mul3A_729 = arith.muli %gather3A_726, %mul3A_728 : vector<16xi32>
      %add3A_730 = arith.addi %add3A_710, %mul3A_729 : vector<16xi32>
      %gather3A_731 = arith.constant 0 : i32
      %gather3A_732 = arith.constant 0 : i32
      %gather3A_733 = arith.constant 0 : i32
      %gather3A_734 = tpu.memref_slice %arg10[%gather3A_731, %gather3A_732, %gather3A_733] : memref<2x128x256xf32, #tpu.memory_space<vmem>> -> memref<1x128x256xf32, #tpu.memory_space<vmem>>
      %gather3A_735 = tpu.memref_squeeze %gather3A_734 : memref<1x128x256xf32, #tpu.memory_space<vmem>> -> memref<128x256xf32, #tpu.memory_space<vmem>>
      %gather3A_736 = tpu.vector_load_idx %gather3A_735[%add3A_568, %add3A_730] : memref<128x256xf32, #tpu.memory_space<vmem>>[vector<16xi32>, vector<16xi32>], vector<16xf32>,
      %gt3A_737 = arith.constant 5.000000e-01 : f32
      %gt3A_738 = vector.broadcast %gt3A_737 : f32 to vector<16xf32>
      %gt3A_739 = arith.cmpf ogt, %gather3A_736, %gt3A_738 : vector<16xf32>
      %jit3A_740 = arith.constant 1 : i32
      %jit3A_741 = arith.constant 0 : i32
      %broadcast_in_dim3A_742 = vector.broadcast %jit3A_740 : i32 to vector<16xi32>
      %broadcast_in_dim3A_743 = vector.broadcast %jit3A_741 : i32 to vector<16xi32>
      %select_n3A_744 = arith.select %gt3A_739, %broadcast_in_dim3A_742, %broadcast_in_dim3A_743 : vector<16xi1>, vector<16xi32>
      %swap3A_745 = arith.index_cast %add3A_359 : i32 to index
      %swap3A_746 = arith.constant 16 : index
      %swap3A_747 = tpu.vector_load %arg11[%swap3A_745, %swap3A_746] {strides = array<i32>} : memref<16x128xi32, #tpu.memory_space<vmem>>, vector<16xi32>,
      tpu.vector_store %arg11[%swap3A_745, %swap3A_746], %select_n3A_744 {strides = array<i32>} : memref<16x128xi32, #tpu.memory_space<vmem>>, vector<16xi32>,
      %add3A_748 = arith.constant 32 : i32
      %add3A_749 = vector.broadcast %add3A_748 : i32 to vector<16xi32>
      %add3A_750 = arith.addi %add3A_749, %iota3A : vector<16xi32>
      %broadcast_in_dim3A_751 = arith.constant 0 : i32
      %broadcast_in_dim3A_752 = vector.broadcast %broadcast_in_dim3A_751 : i32 to vector<16xi32>
      %broadcast_in_dim3A_753 = arith.constant 0 : i32
      %broadcast_in_dim3A_754 = vector.broadcast %broadcast_in_dim3A_753 : i32 to vector<16xi32>
      %gather3A_755 = arith.constant 0 : i32
      %gather3A_756 = arith.constant 0 : i32
      %gather3A_757 = arith.constant 0 : i32
      %gather3A_758 = tpu.memref_slice %arg9[%gather3A_755, %gather3A_756, %gather3A_757] : memref<2x128x8xi32, #tpu.memory_space<vmem>> -> memref<1x128x8xi32, #tpu.memory_space<vmem>>
      %gather3A_759 = tpu.memref_squeeze %gather3A_758 : memref<1x128x8xi32, #tpu.memory_space<vmem>> -> memref<128x8xi32, #tpu.memory_space<vmem>>
      %gather3A_760 = tpu.vector_load_idx %gather3A_759[%add3A_750, %broadcast_in_dim3A_754] : memref<128x8xi32, #tpu.memory_space<vmem>>[vector<16xi32>, vector<16xi32>], vector<16xi32>,
      %shift_right_arithmetic3A_761 = arith.constant 7 : i32
      %shift_right_arithmetic3A_762 = vector.broadcast %shift_right_arithmetic3A_761 : i32 to vector<16xi32>
      %shift_right_arithmetic3A_763 = arith.shrsi %gather3A_760, %shift_right_arithmetic3A_762 : vector<16xi32>
      %and3A_764 = arith.constant 127 : i32
      %and3A_765 = vector.broadcast %and3A_764 : i32 to vector<16xi32>
      %and3A_766 = arith.andi %gather3A_760, %and3A_765 : vector<16xi32>
      %gather3A_767 = tpu.vector_load_idx %arg8[%shift_right_arithmetic3A_763, %and3A_766] : memref<32x128xi32, #tpu.memory_space<vmem>>[vector<16xi32>, vector<16xi32>], vector<16xi32>,
      %gather3A_768 = tpu.vector_load_idx %arg7[%gather3A_767] : memref<8192xi32, #tpu.memory_space<vmem>>[vector<16xi32>], vector<16xi32>,
      %mul3A_769 = arith.constant 1 : i32
      %mul3A_770 = vector.broadcast %mul3A_769 : i32 to vector<16xi32>
      %mul3A_771 = arith.muli %gather3A_768, %mul3A_770 : vector<16xi32>
      %add3A_772 = arith.addi %broadcast_in_dim3A_752, %mul3A_771 : vector<16xi32>
      %broadcast_in_dim3A_773 = arith.constant 1 : i32
      %broadcast_in_dim3A_774 = vector.broadcast %broadcast_in_dim3A_773 : i32 to vector<16xi32>
      %gather3A_775 = arith.constant 0 : i32
      %gather3A_776 = arith.constant 0 : i32
      %gather3A_777 = arith.constant 0 : i32
      %gather3A_778 = tpu.memref_slice %arg9[%gather3A_775, %gather3A_776, %gather3A_777] : memref<2x128x8xi32, #tpu.memory_space<vmem>> -> memref<1x128x8xi32, #tpu.memory_space<vmem>>
      %gather3A_779 = tpu.memref_squeeze %gather3A_778 : memref<1x128x8xi32, #tpu.memory_space<vmem>> -> memref<128x8xi32, #tpu.memory_space<vmem>>
      %gather3A_780 = tpu.vector_load_idx %gather3A_779[%add3A_750, %broadcast_in_dim3A_774] : memref<128x8xi32, #tpu.memory_space<vmem>>[vector<16xi32>, vector<16xi32>], vector<16xi32>,
      %shift_right_arithmetic3A_781 = arith.constant 7 : i32
      %shift_right_arithmetic3A_782 = vector.broadcast %shift_right_arithmetic3A_781 : i32 to vector<16xi32>
      %shift_right_arithmetic3A_783 = arith.shrsi %gather3A_780, %shift_right_arithmetic3A_782 : vector<16xi32>
      %and3A_784 = arith.constant 127 : i32
      %and3A_785 = vector.broadcast %and3A_784 : i32 to vector<16xi32>
      %and3A_786 = arith.andi %gather3A_780, %and3A_785 : vector<16xi32>
      %gather3A_787 = tpu.vector_load_idx %arg8[%shift_right_arithmetic3A_783, %and3A_786] : memref<32x128xi32, #tpu.memory_space<vmem>>[vector<16xi32>, vector<16xi32>], vector<16xi32>,
      %gather3A_788 = tpu.vector_load_idx %arg7[%gather3A_787] : memref<8192xi32, #tpu.memory_space<vmem>>[vector<16xi32>], vector<16xi32>,
      %mul3A_789 = arith.constant 2 : i32
      %mul3A_790 = vector.broadcast %mul3A_789 : i32 to vector<16xi32>
      %mul3A_791 = arith.muli %gather3A_788, %mul3A_790 : vector<16xi32>
      %add3A_792 = arith.addi %add3A_772, %mul3A_791 : vector<16xi32>
      %broadcast_in_dim3A_793 = arith.constant 2 : i32
      %broadcast_in_dim3A_794 = vector.broadcast %broadcast_in_dim3A_793 : i32 to vector<16xi32>
      %gather3A_795 = arith.constant 0 : i32
      %gather3A_796 = arith.constant 0 : i32
      %gather3A_797 = arith.constant 0 : i32
      %gather3A_798 = tpu.memref_slice %arg9[%gather3A_795, %gather3A_796, %gather3A_797] : memref<2x128x8xi32, #tpu.memory_space<vmem>> -> memref<1x128x8xi32, #tpu.memory_space<vmem>>
      %gather3A_799 = tpu.memref_squeeze %gather3A_798 : memref<1x128x8xi32, #tpu.memory_space<vmem>> -> memref<128x8xi32, #tpu.memory_space<vmem>>
      %gather3A_800 = tpu.vector_load_idx %gather3A_799[%add3A_750, %broadcast_in_dim3A_794] : memref<128x8xi32, #tpu.memory_space<vmem>>[vector<16xi32>, vector<16xi32>], vector<16xi32>,
      %shift_right_arithmetic3A_801 = arith.constant 7 : i32
      %shift_right_arithmetic3A_802 = vector.broadcast %shift_right_arithmetic3A_801 : i32 to vector<16xi32>
      %shift_right_arithmetic3A_803 = arith.shrsi %gather3A_800, %shift_right_arithmetic3A_802 : vector<16xi32>
      %and3A_804 = arith.constant 127 : i32
      %and3A_805 = vector.broadcast %and3A_804 : i32 to vector<16xi32>
      %and3A_806 = arith.andi %gather3A_800, %and3A_805 : vector<16xi32>
      %gather3A_807 = tpu.vector_load_idx %arg8[%shift_right_arithmetic3A_803, %and3A_806] : memref<32x128xi32, #tpu.memory_space<vmem>>[vector<16xi32>, vector<16xi32>], vector<16xi32>,
      %gather3A_808 = tpu.vector_load_idx %arg7[%gather3A_807] : memref<8192xi32, #tpu.memory_space<vmem>>[vector<16xi32>], vector<16xi32>,
      %mul3A_809 = arith.constant 4 : i32
      %mul3A_810 = vector.broadcast %mul3A_809 : i32 to vector<16xi32>
      %mul3A_811 = arith.muli %gather3A_808, %mul3A_810 : vector<16xi32>
      %add3A_812 = arith.addi %add3A_792, %mul3A_811 : vector<16xi32>
      %broadcast_in_dim3A_813 = arith.constant 3 : i32
      %broadcast_in_dim3A_814 = vector.broadcast %broadcast_in_dim3A_813 : i32 to vector<16xi32>
      %gather3A_815 = arith.constant 0 : i32
      %gather3A_816 = arith.constant 0 : i32
      %gather3A_817 = arith.constant 0 : i32
      %gather3A_818 = tpu.memref_slice %arg9[%gather3A_815, %gather3A_816, %gather3A_817] : memref<2x128x8xi32, #tpu.memory_space<vmem>> -> memref<1x128x8xi32, #tpu.memory_space<vmem>>
      %gather3A_819 = tpu.memref_squeeze %gather3A_818 : memref<1x128x8xi32, #tpu.memory_space<vmem>> -> memref<128x8xi32, #tpu.memory_space<vmem>>
      %gather3A_820 = tpu.vector_load_idx %gather3A_819[%add3A_750, %broadcast_in_dim3A_814] : memref<128x8xi32, #tpu.memory_space<vmem>>[vector<16xi32>, vector<16xi32>], vector<16xi32>,
      %shift_right_arithmetic3A_821 = arith.constant 7 : i32
      %shift_right_arithmetic3A_822 = vector.broadcast %shift_right_arithmetic3A_821 : i32 to vector<16xi32>
      %shift_right_arithmetic3A_823 = arith.shrsi %gather3A_820, %shift_right_arithmetic3A_822 : vector<16xi32>
      %and3A_824 = arith.constant 127 : i32
      %and3A_825 = vector.broadcast %and3A_824 : i32 to vector<16xi32>
      %and3A_826 = arith.andi %gather3A_820, %and3A_825 : vector<16xi32>
      %gather3A_827 = tpu.vector_load_idx %arg8[%shift_right_arithmetic3A_823, %and3A_826] : memref<32x128xi32, #tpu.memory_space<vmem>>[vector<16xi32>, vector<16xi32>], vector<16xi32>,
      %gather3A_828 = tpu.vector_load_idx %arg7[%gather3A_827] : memref<8192xi32, #tpu.memory_space<vmem>>[vector<16xi32>], vector<16xi32>,
      %mul3A_829 = arith.constant 8 : i32
      %mul3A_830 = vector.broadcast %mul3A_829 : i32 to vector<16xi32>
      %mul3A_831 = arith.muli %gather3A_828, %mul3A_830 : vector<16xi32>
      %add3A_832 = arith.addi %add3A_812, %mul3A_831 : vector<16xi32>
      %broadcast_in_dim3A_833 = arith.constant 4 : i32
      %broadcast_in_dim3A_834 = vector.broadcast %broadcast_in_dim3A_833 : i32 to vector<16xi32>
      %gather3A_835 = arith.constant 0 : i32
      %gather3A_836 = arith.constant 0 : i32
      %gather3A_837 = arith.constant 0 : i32
      %gather3A_838 = tpu.memref_slice %arg9[%gather3A_835, %gather3A_836, %gather3A_837] : memref<2x128x8xi32, #tpu.memory_space<vmem>> -> memref<1x128x8xi32, #tpu.memory_space<vmem>>
      %gather3A_839 = tpu.memref_squeeze %gather3A_838 : memref<1x128x8xi32, #tpu.memory_space<vmem>> -> memref<128x8xi32, #tpu.memory_space<vmem>>
      %gather3A_840 = tpu.vector_load_idx %gather3A_839[%add3A_750, %broadcast_in_dim3A_834] : memref<128x8xi32, #tpu.memory_space<vmem>>[vector<16xi32>, vector<16xi32>], vector<16xi32>,
      %shift_right_arithmetic3A_841 = arith.constant 7 : i32
      %shift_right_arithmetic3A_842 = vector.broadcast %shift_right_arithmetic3A_841 : i32 to vector<16xi32>
      %shift_right_arithmetic3A_843 = arith.shrsi %gather3A_840, %shift_right_arithmetic3A_842 : vector<16xi32>
      %and3A_844 = arith.constant 127 : i32
      %and3A_845 = vector.broadcast %and3A_844 : i32 to vector<16xi32>
      %and3A_846 = arith.andi %gather3A_840, %and3A_845 : vector<16xi32>
      %gather3A_847 = tpu.vector_load_idx %arg8[%shift_right_arithmetic3A_843, %and3A_846] : memref<32x128xi32, #tpu.memory_space<vmem>>[vector<16xi32>, vector<16xi32>], vector<16xi32>,
      %gather3A_848 = tpu.vector_load_idx %arg7[%gather3A_847] : memref<8192xi32, #tpu.memory_space<vmem>>[vector<16xi32>], vector<16xi32>,
      %mul3A_849 = arith.constant 16 : i32
      %mul3A_850 = vector.broadcast %mul3A_849 : i32 to vector<16xi32>
      %mul3A_851 = arith.muli %gather3A_848, %mul3A_850 : vector<16xi32>
      %add3A_852 = arith.addi %add3A_832, %mul3A_851 : vector<16xi32>
      %broadcast_in_dim3A_853 = arith.constant 5 : i32
      %broadcast_in_dim3A_854 = vector.broadcast %broadcast_in_dim3A_853 : i32 to vector<16xi32>
      %gather3A_855 = arith.constant 0 : i32
      %gather3A_856 = arith.constant 0 : i32
      %gather3A_857 = arith.constant 0 : i32
      %gather3A_858 = tpu.memref_slice %arg9[%gather3A_855, %gather3A_856, %gather3A_857] : memref<2x128x8xi32, #tpu.memory_space<vmem>> -> memref<1x128x8xi32, #tpu.memory_space<vmem>>
      %gather3A_859 = tpu.memref_squeeze %gather3A_858 : memref<1x128x8xi32, #tpu.memory_space<vmem>> -> memref<128x8xi32, #tpu.memory_space<vmem>>
      %gather3A_860 = tpu.vector_load_idx %gather3A_859[%add3A_750, %broadcast_in_dim3A_854] : memref<128x8xi32, #tpu.memory_space<vmem>>[vector<16xi32>, vector<16xi32>], vector<16xi32>,
      %shift_right_arithmetic3A_861 = arith.constant 7 : i32
      %shift_right_arithmetic3A_862 = vector.broadcast %shift_right_arithmetic3A_861 : i32 to vector<16xi32>
      %shift_right_arithmetic3A_863 = arith.shrsi %gather3A_860, %shift_right_arithmetic3A_862 : vector<16xi32>
      %and3A_864 = arith.constant 127 : i32
      %and3A_865 = vector.broadcast %and3A_864 : i32 to vector<16xi32>
      %and3A_866 = arith.andi %gather3A_860, %and3A_865 : vector<16xi32>
      %gather3A_867 = tpu.vector_load_idx %arg8[%shift_right_arithmetic3A_863, %and3A_866] : memref<32x128xi32, #tpu.memory_space<vmem>>[vector<16xi32>, vector<16xi32>], vector<16xi32>,
      %gather3A_868 = tpu.vector_load_idx %arg7[%gather3A_867] : memref<8192xi32, #tpu.memory_space<vmem>>[vector<16xi32>], vector<16xi32>,
      %mul3A_869 = arith.constant 32 : i32
      %mul3A_870 = vector.broadcast %mul3A_869 : i32 to vector<16xi32>
      %mul3A_871 = arith.muli %gather3A_868, %mul3A_870 : vector<16xi32>
      %add3A_872 = arith.addi %add3A_852, %mul3A_871 : vector<16xi32>
      %broadcast_in_dim3A_873 = arith.constant 6 : i32
      %broadcast_in_dim3A_874 = vector.broadcast %broadcast_in_dim3A_873 : i32 to vector<16xi32>
      %gather3A_875 = arith.constant 0 : i32
      %gather3A_876 = arith.constant 0 : i32
      %gather3A_877 = arith.constant 0 : i32
      %gather3A_878 = tpu.memref_slice %arg9[%gather3A_875, %gather3A_876, %gather3A_877] : memref<2x128x8xi32, #tpu.memory_space<vmem>> -> memref<1x128x8xi32, #tpu.memory_space<vmem>>
      %gather3A_879 = tpu.memref_squeeze %gather3A_878 : memref<1x128x8xi32, #tpu.memory_space<vmem>> -> memref<128x8xi32, #tpu.memory_space<vmem>>
      %gather3A_880 = tpu.vector_load_idx %gather3A_879[%add3A_750, %broadcast_in_dim3A_874] : memref<128x8xi32, #tpu.memory_space<vmem>>[vector<16xi32>, vector<16xi32>], vector<16xi32>,
      %shift_right_arithmetic3A_881 = arith.constant 7 : i32
      %shift_right_arithmetic3A_882 = vector.broadcast %shift_right_arithmetic3A_881 : i32 to vector<16xi32>
      %shift_right_arithmetic3A_883 = arith.shrsi %gather3A_880, %shift_right_arithmetic3A_882 : vector<16xi32>
      %and3A_884 = arith.constant 127 : i32
      %and3A_885 = vector.broadcast %and3A_884 : i32 to vector<16xi32>
      %and3A_886 = arith.andi %gather3A_880, %and3A_885 : vector<16xi32>
      %gather3A_887 = tpu.vector_load_idx %arg8[%shift_right_arithmetic3A_883, %and3A_886] : memref<32x128xi32, #tpu.memory_space<vmem>>[vector<16xi32>, vector<16xi32>], vector<16xi32>,
      %gather3A_888 = tpu.vector_load_idx %arg7[%gather3A_887] : memref<8192xi32, #tpu.memory_space<vmem>>[vector<16xi32>], vector<16xi32>,
      %mul3A_889 = arith.constant 64 : i32
      %mul3A_890 = vector.broadcast %mul3A_889 : i32 to vector<16xi32>
      %mul3A_891 = arith.muli %gather3A_888, %mul3A_890 : vector<16xi32>
      %add3A_892 = arith.addi %add3A_872, %mul3A_891 : vector<16xi32>
      %broadcast_in_dim3A_893 = arith.constant 7 : i32
      %broadcast_in_dim3A_894 = vector.broadcast %broadcast_in_dim3A_893 : i32 to vector<16xi32>
      %gather3A_895 = arith.constant 0 : i32
      %gather3A_896 = arith.constant 0 : i32
      %gather3A_897 = arith.constant 0 : i32
      %gather3A_898 = tpu.memref_slice %arg9[%gather3A_895, %gather3A_896, %gather3A_897] : memref<2x128x8xi32, #tpu.memory_space<vmem>> -> memref<1x128x8xi32, #tpu.memory_space<vmem>>
      %gather3A_899 = tpu.memref_squeeze %gather3A_898 : memref<1x128x8xi32, #tpu.memory_space<vmem>> -> memref<128x8xi32, #tpu.memory_space<vmem>>
      %gather3A_900 = tpu.vector_load_idx %gather3A_899[%add3A_750, %broadcast_in_dim3A_894] : memref<128x8xi32, #tpu.memory_space<vmem>>[vector<16xi32>, vector<16xi32>], vector<16xi32>,
      %shift_right_arithmetic3A_901 = arith.constant 7 : i32
      %shift_right_arithmetic3A_902 = vector.broadcast %shift_right_arithmetic3A_901 : i32 to vector<16xi32>
      %shift_right_arithmetic3A_903 = arith.shrsi %gather3A_900, %shift_right_arithmetic3A_902 : vector<16xi32>
      %and3A_904 = arith.constant 127 : i32
      %and3A_905 = vector.broadcast %and3A_904 : i32 to vector<16xi32>
      %and3A_906 = arith.andi %gather3A_900, %and3A_905 : vector<16xi32>
      %gather3A_907 = tpu.vector_load_idx %arg8[%shift_right_arithmetic3A_903, %and3A_906] : memref<32x128xi32, #tpu.memory_space<vmem>>[vector<16xi32>, vector<16xi32>], vector<16xi32>,
      %gather3A_908 = tpu.vector_load_idx %arg7[%gather3A_907] : memref<8192xi32, #tpu.memory_space<vmem>>[vector<16xi32>], vector<16xi32>,
      %mul3A_909 = arith.constant 128 : i32
      %mul3A_910 = vector.broadcast %mul3A_909 : i32 to vector<16xi32>
      %mul3A_911 = arith.muli %gather3A_908, %mul3A_910 : vector<16xi32>
      %add3A_912 = arith.addi %add3A_892, %mul3A_911 : vector<16xi32>
      %gather3A_913 = arith.constant 0 : i32
      %gather3A_914 = arith.constant 0 : i32
      %gather3A_915 = arith.constant 0 : i32
      %gather3A_916 = tpu.memref_slice %arg10[%gather3A_913, %gather3A_914, %gather3A_915] : memref<2x128x256xf32, #tpu.memory_space<vmem>> -> memref<1x128x256xf32, #tpu.memory_space<vmem>>
      %gather3A_917 = tpu.memref_squeeze %gather3A_916 : memref<1x128x256xf32, #tpu.memory_space<vmem>> -> memref<128x256xf32, #tpu.memory_space<vmem>>
      %gather3A_918 = tpu.vector_load_idx %gather3A_917[%add3A_750, %add3A_912] : memref<128x256xf32, #tpu.memory_space<vmem>>[vector<16xi32>, vector<16xi32>], vector<16xf32>,
      %gt3A_919 = arith.constant 5.000000e-01 : f32
      %gt3A_920 = vector.broadcast %gt3A_919 : f32 to vector<16xf32>
      %gt3A_921 = arith.cmpf ogt, %gather3A_918, %gt3A_920 : vector<16xf32>
      %jit3A_922 = arith.constant 1 : i32
      %jit3A_923 = arith.constant 0 : i32
      %broadcast_in_dim3A_924 = vector.broadcast %jit3A_922 : i32 to vector<16xi32>
      %broadcast_in_dim3A_925 = vector.broadcast %jit3A_923 : i32 to vector<16xi32>
      %select_n3A_926 = arith.select %gt3A_921, %broadcast_in_dim3A_924, %broadcast_in_dim3A_925 : vector<16xi1>, vector<16xi32>
      %swap3A_927 = arith.index_cast %add3A_359 : i32 to index
      %swap3A_928 = arith.constant 32 : index
      %swap3A_929 = tpu.vector_load %arg11[%swap3A_927, %swap3A_928] {strides = array<i32>} : memref<16x128xi32, #tpu.memory_space<vmem>>, vector<16xi32>,
      tpu.vector_store %arg11[%swap3A_927, %swap3A_928], %select_n3A_926 {strides = array<i32>} : memref<16x128xi32, #tpu.memory_space<vmem>>, vector<16xi32>,
      %add3A_930 = arith.constant 48 : i32
      %add3A_931 = vector.broadcast %add3A_930 : i32 to vector<16xi32>
      %add3A_932 = arith.addi %add3A_931, %iota3A : vector<16xi32>
      %broadcast_in_dim3A_933 = arith.constant 0 : i32
      %broadcast_in_dim3A_934 = vector.broadcast %broadcast_in_dim3A_933 : i32 to vector<16xi32>
      %broadcast_in_dim3A_935 = arith.constant 0 : i32
      %broadcast_in_dim3A_936 = vector.broadcast %broadcast_in_dim3A_935 : i32 to vector<16xi32>
      %gather3A_937 = arith.constant 0 : i32
      %gather3A_938 = arith.constant 0 : i32
      %gather3A_939 = arith.constant 0 : i32
      %gather3A_940 = tpu.memref_slice %arg9[%gather3A_937, %gather3A_938, %gather3A_939] : memref<2x128x8xi32, #tpu.memory_space<vmem>> -> memref<1x128x8xi32, #tpu.memory_space<vmem>>
      %gather3A_941 = tpu.memref_squeeze %gather3A_940 : memref<1x128x8xi32, #tpu.memory_space<vmem>> -> memref<128x8xi32, #tpu.memory_space<vmem>>
      %gather3A_942 = tpu.vector_load_idx %gather3A_941[%add3A_932, %broadcast_in_dim3A_936] : memref<128x8xi32, #tpu.memory_space<vmem>>[vector<16xi32>, vector<16xi32>], vector<16xi32>,
      %shift_right_arithmetic3A_943 = arith.constant 7 : i32
      %shift_right_arithmetic3A_944 = vector.broadcast %shift_right_arithmetic3A_943 : i32 to vector<16xi32>
      %shift_right_arithmetic3A_945 = arith.shrsi %gather3A_942, %shift_right_arithmetic3A_944 : vector<16xi32>
      %and3A_946 = arith.constant 127 : i32
      %and3A_947 = vector.broadcast %and3A_946 : i32 to vector<16xi32>
      %and3A_948 = arith.andi %gather3A_942, %and3A_947 : vector<16xi32>
      %gather3A_949 = tpu.vector_load_idx %arg8[%shift_right_arithmetic3A_945, %and3A_948] : memref<32x128xi32, #tpu.memory_space<vmem>>[vector<16xi32>, vector<16xi32>], vector<16xi32>,
      %gather3A_950 = tpu.vector_load_idx %arg7[%gather3A_949] : memref<8192xi32, #tpu.memory_space<vmem>>[vector<16xi32>], vector<16xi32>,
      %mul3A_951 = arith.constant 1 : i32
      %mul3A_952 = vector.broadcast %mul3A_951 : i32 to vector<16xi32>
      %mul3A_953 = arith.muli %gather3A_950, %mul3A_952 : vector<16xi32>
      %add3A_954 = arith.addi %broadcast_in_dim3A_934, %mul3A_953 : vector<16xi32>
      %broadcast_in_dim3A_955 = arith.constant 1 : i32
      %broadcast_in_dim3A_956 = vector.broadcast %broadcast_in_dim3A_955 : i32 to vector<16xi32>
      %gather3A_957 = arith.constant 0 : i32
      %gather3A_958 = arith.constant 0 : i32
      %gather3A_959 = arith.constant 0 : i32
      %gather3A_960 = tpu.memref_slice %arg9[%gather3A_957, %gather3A_958, %gather3A_959] : memref<2x128x8xi32, #tpu.memory_space<vmem>> -> memref<1x128x8xi32, #tpu.memory_space<vmem>>
      %gather3A_961 = tpu.memref_squeeze %gather3A_960 : memref<1x128x8xi32, #tpu.memory_space<vmem>> -> memref<128x8xi32, #tpu.memory_space<vmem>>
      %gather3A_962 = tpu.vector_load_idx %gather3A_961[%add3A_932, %broadcast_in_dim3A_956] : memref<128x8xi32, #tpu.memory_space<vmem>>[vector<16xi32>, vector<16xi32>], vector<16xi32>,
      %shift_right_arithmetic3A_963 = arith.constant 7 : i32
      %shift_right_arithmetic3A_964 = vector.broadcast %shift_right_arithmetic3A_963 : i32 to vector<16xi32>
      %shift_right_arithmetic3A_965 = arith.shrsi %gather3A_962, %shift_right_arithmetic3A_964 : vector<16xi32>
      %and3A_966 = arith.constant 127 : i32
      %and3A_967 = vector.broadcast %and3A_966 : i32 to vector<16xi32>
      %and3A_968 = arith.andi %gather3A_962, %and3A_967 : vector<16xi32>
      %gather3A_969 = tpu.vector_load_idx %arg8[%shift_right_arithmetic3A_965, %and3A_968] : memref<32x128xi32, #tpu.memory_space<vmem>>[vector<16xi32>, vector<16xi32>], vector<16xi32>,
      %gather3A_970 = tpu.vector_load_idx %arg7[%gather3A_969] : memref<8192xi32, #tpu.memory_space<vmem>>[vector<16xi32>], vector<16xi32>,
      %mul3A_971 = arith.constant 2 : i32
      %mul3A_972 = vector.broadcast %mul3A_971 : i32 to vector<16xi32>
      %mul3A_973 = arith.muli %gather3A_970, %mul3A_972 : vector<16xi32>
      %add3A_974 = arith.addi %add3A_954, %mul3A_973 : vector<16xi32>
      %broadcast_in_dim3A_975 = arith.constant 2 : i32
      %broadcast_in_dim3A_976 = vector.broadcast %broadcast_in_dim3A_975 : i32 to vector<16xi32>
      %gather3A_977 = arith.constant 0 : i32
      %gather3A_978 = arith.constant 0 : i32
      %gather3A_979 = arith.constant 0 : i32
      %gather3A_980 = tpu.memref_slice %arg9[%gather3A_977, %gather3A_978, %gather3A_979] : memref<2x128x8xi32, #tpu.memory_space<vmem>> -> memref<1x128x8xi32, #tpu.memory_space<vmem>>
      %gather3A_981 = tpu.memref_squeeze %gather3A_980 : memref<1x128x8xi32, #tpu.memory_space<vmem>> -> memref<128x8xi32, #tpu.memory_space<vmem>>
      %gather3A_982 = tpu.vector_load_idx %gather3A_981[%add3A_932, %broadcast_in_dim3A_976] : memref<128x8xi32, #tpu.memory_space<vmem>>[vector<16xi32>, vector<16xi32>], vector<16xi32>,
      %shift_right_arithmetic3A_983 = arith.constant 7 : i32
      %shift_right_arithmetic3A_984 = vector.broadcast %shift_right_arithmetic3A_983 : i32 to vector<16xi32>
      %shift_right_arithmetic3A_985 = arith.shrsi %gather3A_982, %shift_right_arithmetic3A_984 : vector<16xi32>
      %and3A_986 = arith.constant 127 : i32
      %and3A_987 = vector.broadcast %and3A_986 : i32 to vector<16xi32>
      %and3A_988 = arith.andi %gather3A_982, %and3A_987 : vector<16xi32>
      %gather3A_989 = tpu.vector_load_idx %arg8[%shift_right_arithmetic3A_985, %and3A_988] : memref<32x128xi32, #tpu.memory_space<vmem>>[vector<16xi32>, vector<16xi32>], vector<16xi32>,
      %gather3A_990 = tpu.vector_load_idx %arg7[%gather3A_989] : memref<8192xi32, #tpu.memory_space<vmem>>[vector<16xi32>], vector<16xi32>,
      %mul3A_991 = arith.constant 4 : i32
      %mul3A_992 = vector.broadcast %mul3A_991 : i32 to vector<16xi32>
      %mul3A_993 = arith.muli %gather3A_990, %mul3A_992 : vector<16xi32>
      %add3A_994 = arith.addi %add3A_974, %mul3A_993 : vector<16xi32>
      %broadcast_in_dim3A_995 = arith.constant 3 : i32
      %broadcast_in_dim3A_996 = vector.broadcast %broadcast_in_dim3A_995 : i32 to vector<16xi32>
      %gather3A_997 = arith.constant 0 : i32
      %gather3A_998 = arith.constant 0 : i32
      %gather3A_999 = arith.constant 0 : i32
      %gather3A_1000 = tpu.memref_slice %arg9[%gather3A_997, %gather3A_998, %gather3A_999] : memref<2x128x8xi32, #tpu.memory_space<vmem>> -> memref<1x128x8xi32, #tpu.memory_space<vmem>>
      %gather3A_1001 = tpu.memref_squeeze %gather3A_1000 : memref<1x128x8xi32, #tpu.memory_space<vmem>> -> memref<128x8xi32, #tpu.memory_space<vmem>>
      %gather3A_1002 = tpu.vector_load_idx %gather3A_1001[%add3A_932, %broadcast_in_dim3A_996] : memref<128x8xi32, #tpu.memory_space<vmem>>[vector<16xi32>, vector<16xi32>], vector<16xi32>,
      %shift_right_arithmetic3A_1003 = arith.constant 7 : i32
      %shift_right_arithmetic3A_1004 = vector.broadcast %shift_right_arithmetic3A_1003 : i32 to vector<16xi32>
      %shift_right_arithmetic3A_1005 = arith.shrsi %gather3A_1002, %shift_right_arithmetic3A_1004 : vector<16xi32>
      %and3A_1006 = arith.constant 127 : i32
      %and3A_1007 = vector.broadcast %and3A_1006 : i32 to vector<16xi32>
      %and3A_1008 = arith.andi %gather3A_1002, %and3A_1007 : vector<16xi32>
      %gather3A_1009 = tpu.vector_load_idx %arg8[%shift_right_arithmetic3A_1005, %and3A_1008] : memref<32x128xi32, #tpu.memory_space<vmem>>[vector<16xi32>, vector<16xi32>], vector<16xi32>,
      %gather3A_1010 = tpu.vector_load_idx %arg7[%gather3A_1009] : memref<8192xi32, #tpu.memory_space<vmem>>[vector<16xi32>], vector<16xi32>,
      %mul3A_1011 = arith.constant 8 : i32
      %mul3A_1012 = vector.broadcast %mul3A_1011 : i32 to vector<16xi32>
      %mul3A_1013 = arith.muli %gather3A_1010, %mul3A_1012 : vector<16xi32>
      %add3A_1014 = arith.addi %add3A_994, %mul3A_1013 : vector<16xi32>
      %broadcast_in_dim3A_1015 = arith.constant 4 : i32
      %broadcast_in_dim3A_1016 = vector.broadcast %broadcast_in_dim3A_1015 : i32 to vector<16xi32>
      %gather3A_1017 = arith.constant 0 : i32
      %gather3A_1018 = arith.constant 0 : i32
      %gather3A_1019 = arith.constant 0 : i32
      %gather3A_1020 = tpu.memref_slice %arg9[%gather3A_1017, %gather3A_1018, %gather3A_1019] : memref<2x128x8xi32, #tpu.memory_space<vmem>> -> memref<1x128x8xi32, #tpu.memory_space<vmem>>
      %gather3A_1021 = tpu.memref_squeeze %gather3A_1020 : memref<1x128x8xi32, #tpu.memory_space<vmem>> -> memref<128x8xi32, #tpu.memory_space<vmem>>
      %gather3A_1022 = tpu.vector_load_idx %gather3A_1021[%add3A_932, %broadcast_in_dim3A_1016] : memref<128x8xi32, #tpu.memory_space<vmem>>[vector<16xi32>, vector<16xi32>], vector<16xi32>,
      %shift_right_arithmetic3A_1023 = arith.constant 7 : i32
      %shift_right_arithmetic3A_1024 = vector.broadcast %shift_right_arithmetic3A_1023 : i32 to vector<16xi32>
      %shift_right_arithmetic3A_1025 = arith.shrsi %gather3A_1022, %shift_right_arithmetic3A_1024 : vector<16xi32>
      %and3A_1026 = arith.constant 127 : i32
      %and3A_1027 = vector.broadcast %and3A_1026 : i32 to vector<16xi32>
      %and3A_1028 = arith.andi %gather3A_1022, %and3A_1027 : vector<16xi32>
      %gather3A_1029 = tpu.vector_load_idx %arg8[%shift_right_arithmetic3A_1025, %and3A_1028] : memref<32x128xi32, #tpu.memory_space<vmem>>[vector<16xi32>, vector<16xi32>], vector<16xi32>,
      %gather3A_1030 = tpu.vector_load_idx %arg7[%gather3A_1029] : memref<8192xi32, #tpu.memory_space<vmem>>[vector<16xi32>], vector<16xi32>,
      %mul3A_1031 = arith.constant 16 : i32
      %mul3A_1032 = vector.broadcast %mul3A_1031 : i32 to vector<16xi32>
      %mul3A_1033 = arith.muli %gather3A_1030, %mul3A_1032 : vector<16xi32>
      %add3A_1034 = arith.addi %add3A_1014, %mul3A_1033 : vector<16xi32>
      %broadcast_in_dim3A_1035 = arith.constant 5 : i32
      %broadcast_in_dim3A_1036 = vector.broadcast %broadcast_in_dim3A_1035 : i32 to vector<16xi32>
      %gather3A_1037 = arith.constant 0 : i32
      %gather3A_1038 = arith.constant 0 : i32
      %gather3A_1039 = arith.constant 0 : i32
      %gather3A_1040 = tpu.memref_slice %arg9[%gather3A_1037, %gather3A_1038, %gather3A_1039] : memref<2x128x8xi32, #tpu.memory_space<vmem>> -> memref<1x128x8xi32, #tpu.memory_space<vmem>>
      %gather3A_1041 = tpu.memref_squeeze %gather3A_1040 : memref<1x128x8xi32, #tpu.memory_space<vmem>> -> memref<128x8xi32, #tpu.memory_space<vmem>>
      %gather3A_1042 = tpu.vector_load_idx %gather3A_1041[%add3A_932, %broadcast_in_dim3A_1036] : memref<128x8xi32, #tpu.memory_space<vmem>>[vector<16xi32>, vector<16xi32>], vector<16xi32>,
      %shift_right_arithmetic3A_1043 = arith.constant 7 : i32
      %shift_right_arithmetic3A_1044 = vector.broadcast %shift_right_arithmetic3A_1043 : i32 to vector<16xi32>
      %shift_right_arithmetic3A_1045 = arith.shrsi %gather3A_1042, %shift_right_arithmetic3A_1044 : vector<16xi32>
      %and3A_1046 = arith.constant 127 : i32
      %and3A_1047 = vector.broadcast %and3A_1046 : i32 to vector<16xi32>
      %and3A_1048 = arith.andi %gather3A_1042, %and3A_1047 : vector<16xi32>
      %gather3A_1049 = tpu.vector_load_idx %arg8[%shift_right_arithmetic3A_1045, %and3A_1048] : memref<32x128xi32, #tpu.memory_space<vmem>>[vector<16xi32>, vector<16xi32>], vector<16xi32>,
      %gather3A_1050 = tpu.vector_load_idx %arg7[%gather3A_1049] : memref<8192xi32, #tpu.memory_space<vmem>>[vector<16xi32>], vector<16xi32>,
      %mul3A_1051 = arith.constant 32 : i32
      %mul3A_1052 = vector.broadcast %mul3A_1051 : i32 to vector<16xi32>
      %mul3A_1053 = arith.muli %gather3A_1050, %mul3A_1052 : vector<16xi32>
      %add3A_1054 = arith.addi %add3A_1034, %mul3A_1053 : vector<16xi32>
      %broadcast_in_dim3A_1055 = arith.constant 6 : i32
      %broadcast_in_dim3A_1056 = vector.broadcast %broadcast_in_dim3A_1055 : i32 to vector<16xi32>
      %gather3A_1057 = arith.constant 0 : i32
      %gather3A_1058 = arith.constant 0 : i32
      %gather3A_1059 = arith.constant 0 : i32
      %gather3A_1060 = tpu.memref_slice %arg9[%gather3A_1057, %gather3A_1058, %gather3A_1059] : memref<2x128x8xi32, #tpu.memory_space<vmem>> -> memref<1x128x8xi32, #tpu.memory_space<vmem>>
      %gather3A_1061 = tpu.memref_squeeze %gather3A_1060 : memref<1x128x8xi32, #tpu.memory_space<vmem>> -> memref<128x8xi32, #tpu.memory_space<vmem>>
      %gather3A_1062 = tpu.vector_load_idx %gather3A_1061[%add3A_932, %broadcast_in_dim3A_1056] : memref<128x8xi32, #tpu.memory_space<vmem>>[vector<16xi32>, vector<16xi32>], vector<16xi32>,
      %shift_right_arithmetic3A_1063 = arith.constant 7 : i32
      %shift_right_arithmetic3A_1064 = vector.broadcast %shift_right_arithmetic3A_1063 : i32 to vector<16xi32>
      %shift_right_arithmetic3A_1065 = arith.shrsi %gather3A_1062, %shift_right_arithmetic3A_1064 : vector<16xi32>
      %and3A_1066 = arith.constant 127 : i32
      %and3A_1067 = vector.broadcast %and3A_1066 : i32 to vector<16xi32>
      %and3A_1068 = arith.andi %gather3A_1062, %and3A_1067 : vector<16xi32>
      %gather3A_1069 = tpu.vector_load_idx %arg8[%shift_right_arithmetic3A_1065, %and3A_1068] : memref<32x128xi32, #tpu.memory_space<vmem>>[vector<16xi32>, vector<16xi32>], vector<16xi32>,
      %gather3A_1070 = tpu.vector_load_idx %arg7[%gather3A_1069] : memref<8192xi32, #tpu.memory_space<vmem>>[vector<16xi32>], vector<16xi32>,
      %mul3A_1071 = arith.constant 64 : i32
      %mul3A_1072 = vector.broadcast %mul3A_1071 : i32 to vector<16xi32>
      %mul3A_1073 = arith.muli %gather3A_1070, %mul3A_1072 : vector<16xi32>
      %add3A_1074 = arith.addi %add3A_1054, %mul3A_1073 : vector<16xi32>
      %broadcast_in_dim3A_1075 = arith.constant 7 : i32
      %broadcast_in_dim3A_1076 = vector.broadcast %broadcast_in_dim3A_1075 : i32 to vector<16xi32>
      %gather3A_1077 = arith.constant 0 : i32
      %gather3A_1078 = arith.constant 0 : i32
      %gather3A_1079 = arith.constant 0 : i32
      %gather3A_1080 = tpu.memref_slice %arg9[%gather3A_1077, %gather3A_1078, %gather3A_1079] : memref<2x128x8xi32, #tpu.memory_space<vmem>> -> memref<1x128x8xi32, #tpu.memory_space<vmem>>
      %gather3A_1081 = tpu.memref_squeeze %gather3A_1080 : memref<1x128x8xi32, #tpu.memory_space<vmem>> -> memref<128x8xi32, #tpu.memory_space<vmem>>
      %gather3A_1082 = tpu.vector_load_idx %gather3A_1081[%add3A_932, %broadcast_in_dim3A_1076] : memref<128x8xi32, #tpu.memory_space<vmem>>[vector<16xi32>, vector<16xi32>], vector<16xi32>,
      %shift_right_arithmetic3A_1083 = arith.constant 7 : i32
      %shift_right_arithmetic3A_1084 = vector.broadcast %shift_right_arithmetic3A_1083 : i32 to vector<16xi32>
      %shift_right_arithmetic3A_1085 = arith.shrsi %gather3A_1082, %shift_right_arithmetic3A_1084 : vector<16xi32>
      %and3A_1086 = arith.constant 127 : i32
      %and3A_1087 = vector.broadcast %and3A_1086 : i32 to vector<16xi32>
      %and3A_1088 = arith.andi %gather3A_1082, %and3A_1087 : vector<16xi32>
      %gather3A_1089 = tpu.vector_load_idx %arg8[%shift_right_arithmetic3A_1085, %and3A_1088] : memref<32x128xi32, #tpu.memory_space<vmem>>[vector<16xi32>, vector<16xi32>], vector<16xi32>,
      %gather3A_1090 = tpu.vector_load_idx %arg7[%gather3A_1089] : memref<8192xi32, #tpu.memory_space<vmem>>[vector<16xi32>], vector<16xi32>,
      %mul3A_1091 = arith.constant 128 : i32
      %mul3A_1092 = vector.broadcast %mul3A_1091 : i32 to vector<16xi32>
      %mul3A_1093 = arith.muli %gather3A_1090, %mul3A_1092 : vector<16xi32>
      %add3A_1094 = arith.addi %add3A_1074, %mul3A_1093 : vector<16xi32>
      %gather3A_1095 = arith.constant 0 : i32
      %gather3A_1096 = arith.constant 0 : i32
      %gather3A_1097 = arith.constant 0 : i32
      %gather3A_1098 = tpu.memref_slice %arg10[%gather3A_1095, %gather3A_1096, %gather3A_1097] : memref<2x128x256xf32, #tpu.memory_space<vmem>> -> memref<1x128x256xf32, #tpu.memory_space<vmem>>
      %gather3A_1099 = tpu.memref_squeeze %gather3A_1098 : memref<1x128x256xf32, #tpu.memory_space<vmem>> -> memref<128x256xf32, #tpu.memory_space<vmem>>
      %gather3A_1100 = tpu.vector_load_idx %gather3A_1099[%add3A_932, %add3A_1094] : memref<128x256xf32, #tpu.memory_space<vmem>>[vector<16xi32>, vector<16xi32>], vector<16xf32>,
      %gt3A_1101 = arith.constant 5.000000e-01 : f32
      %gt3A_1102 = vector.broadcast %gt3A_1101 : f32 to vector<16xf32>
      %gt3A_1103 = arith.cmpf ogt, %gather3A_1100, %gt3A_1102 : vector<16xf32>
      %jit3A_1104 = arith.constant 1 : i32
      %jit3A_1105 = arith.constant 0 : i32
      %broadcast_in_dim3A_1106 = vector.broadcast %jit3A_1104 : i32 to vector<16xi32>
      %broadcast_in_dim3A_1107 = vector.broadcast %jit3A_1105 : i32 to vector<16xi32>
      %select_n3A_1108 = arith.select %gt3A_1103, %broadcast_in_dim3A_1106, %broadcast_in_dim3A_1107 : vector<16xi1>, vector<16xi32>
      %swap3A_1109 = arith.index_cast %add3A_359 : i32 to index
      %swap3A_1110 = arith.constant 48 : index
      %swap3A_1111 = tpu.vector_load %arg11[%swap3A_1109, %swap3A_1110] {strides = array<i32>} : memref<16x128xi32, #tpu.memory_space<vmem>>, vector<16xi32>,
      tpu.vector_store %arg11[%swap3A_1109, %swap3A_1110], %select_n3A_1108 {strides = array<i32>} : memref<16x128xi32, #tpu.memory_space<vmem>>, vector<16xi32>,
      %add3A_1112 = arith.constant 64 : i32
      %add3A_1113 = vector.broadcast %add3A_1112 : i32 to vector<16xi32>
      %add3A_1114 = arith.addi %add3A_1113, %iota3A : vector<16xi32>
      %broadcast_in_dim3A_1115 = arith.constant 0 : i32
      %broadcast_in_dim3A_1116 = vector.broadcast %broadcast_in_dim3A_1115 : i32 to vector<16xi32>
      %broadcast_in_dim3A_1117 = arith.constant 0 : i32
      %broadcast_in_dim3A_1118 = vector.broadcast %broadcast_in_dim3A_1117 : i32 to vector<16xi32>
      %gather3A_1119 = arith.constant 0 : i32
      %gather3A_1120 = arith.constant 0 : i32
      %gather3A_1121 = arith.constant 0 : i32
      %gather3A_1122 = tpu.memref_slice %arg9[%gather3A_1119, %gather3A_1120, %gather3A_1121] : memref<2x128x8xi32, #tpu.memory_space<vmem>> -> memref<1x128x8xi32, #tpu.memory_space<vmem>>
      %gather3A_1123 = tpu.memref_squeeze %gather3A_1122 : memref<1x128x8xi32, #tpu.memory_space<vmem>> -> memref<128x8xi32, #tpu.memory_space<vmem>>
      %gather3A_1124 = tpu.vector_load_idx %gather3A_1123[%add3A_1114, %broadcast_in_dim3A_1118] : memref<128x8xi32, #tpu.memory_space<vmem>>[vector<16xi32>, vector<16xi32>], vector<16xi32>,
      %shift_right_arithmetic3A_1125 = arith.constant 7 : i32
      %shift_right_arithmetic3A_1126 = vector.broadcast %shift_right_arithmetic3A_1125 : i32 to vector<16xi32>
      %shift_right_arithmetic3A_1127 = arith.shrsi %gather3A_1124, %shift_right_arithmetic3A_1126 : vector<16xi32>
      %and3A_1128 = arith.constant 127 : i32
      %and3A_1129 = vector.broadcast %and3A_1128 : i32 to vector<16xi32>
      %and3A_1130 = arith.andi %gather3A_1124, %and3A_1129 : vector<16xi32>
      %gather3A_1131 = tpu.vector_load_idx %arg8[%shift_right_arithmetic3A_1127, %and3A_1130] : memref<32x128xi32, #tpu.memory_space<vmem>>[vector<16xi32>, vector<16xi32>], vector<16xi32>,
      %gather3A_1132 = tpu.vector_load_idx %arg7[%gather3A_1131] : memref<8192xi32, #tpu.memory_space<vmem>>[vector<16xi32>], vector<16xi32>,
      %mul3A_1133 = arith.constant 1 : i32
      %mul3A_1134 = vector.broadcast %mul3A_1133 : i32 to vector<16xi32>
      %mul3A_1135 = arith.muli %gather3A_1132, %mul3A_1134 : vector<16xi32>
      %add3A_1136 = arith.addi %broadcast_in_dim3A_1116, %mul3A_1135 : vector<16xi32>
      %broadcast_in_dim3A_1137 = arith.constant 1 : i32
      %broadcast_in_dim3A_1138 = vector.broadcast %broadcast_in_dim3A_1137 : i32 to vector<16xi32>
      %gather3A_1139 = arith.constant 0 : i32
      %gather3A_1140 = arith.constant 0 : i32
      %gather3A_1141 = arith.constant 0 : i32
      %gather3A_1142 = tpu.memref_slice %arg9[%gather3A_1139, %gather3A_1140, %gather3A_1141] : memref<2x128x8xi32, #tpu.memory_space<vmem>> -> memref<1x128x8xi32, #tpu.memory_space<vmem>>
      %gather3A_1143 = tpu.memref_squeeze %gather3A_1142 : memref<1x128x8xi32, #tpu.memory_space<vmem>> -> memref<128x8xi32, #tpu.memory_space<vmem>>
      %gather3A_1144 = tpu.vector_load_idx %gather3A_1143[%add3A_1114, %broadcast_in_dim3A_1138] : memref<128x8xi32, #tpu.memory_space<vmem>>[vector<16xi32>, vector<16xi32>], vector<16xi32>,
      %shift_right_arithmetic3A_1145 = arith.constant 7 : i32
      %shift_right_arithmetic3A_1146 = vector.broadcast %shift_right_arithmetic3A_1145 : i32 to vector<16xi32>
      %shift_right_arithmetic3A_1147 = arith.shrsi %gather3A_1144, %shift_right_arithmetic3A_1146 : vector<16xi32>
      %and3A_1148 = arith.constant 127 : i32
      %and3A_1149 = vector.broadcast %and3A_1148 : i32 to vector<16xi32>
      %and3A_1150 = arith.andi %gather3A_1144, %and3A_1149 : vector<16xi32>
      %gather3A_1151 = tpu.vector_load_idx %arg8[%shift_right_arithmetic3A_1147, %and3A_1150] : memref<32x128xi32, #tpu.memory_space<vmem>>[vector<16xi32>, vector<16xi32>], vector<16xi32>,
      %gather3A_1152 = tpu.vector_load_idx %arg7[%gather3A_1151] : memref<8192xi32, #tpu.memory_space<vmem>>[vector<16xi32>], vector<16xi32>,
      %mul3A_1153 = arith.constant 2 : i32
      %mul3A_1154 = vector.broadcast %mul3A_1153 : i32 to vector<16xi32>
      %mul3A_1155 = arith.muli %gather3A_1152, %mul3A_1154 : vector<16xi32>
      %add3A_1156 = arith.addi %add3A_1136, %mul3A_1155 : vector<16xi32>
      %broadcast_in_dim3A_1157 = arith.constant 2 : i32
      %broadcast_in_dim3A_1158 = vector.broadcast %broadcast_in_dim3A_1157 : i32 to vector<16xi32>
      %gather3A_1159 = arith.constant 0 : i32
      %gather3A_1160 = arith.constant 0 : i32
      %gather3A_1161 = arith.constant 0 : i32
      %gather3A_1162 = tpu.memref_slice %arg9[%gather3A_1159, %gather3A_1160, %gather3A_1161] : memref<2x128x8xi32, #tpu.memory_space<vmem>> -> memref<1x128x8xi32, #tpu.memory_space<vmem>>
      %gather3A_1163 = tpu.memref_squeeze %gather3A_1162 : memref<1x128x8xi32, #tpu.memory_space<vmem>> -> memref<128x8xi32, #tpu.memory_space<vmem>>
      %gather3A_1164 = tpu.vector_load_idx %gather3A_1163[%add3A_1114, %broadcast_in_dim3A_1158] : memref<128x8xi32, #tpu.memory_space<vmem>>[vector<16xi32>, vector<16xi32>], vector<16xi32>,
      %shift_right_arithmetic3A_1165 = arith.constant 7 : i32
      %shift_right_arithmetic3A_1166 = vector.broadcast %shift_right_arithmetic3A_1165 : i32 to vector<16xi32>
      %shift_right_arithmetic3A_1167 = arith.shrsi %gather3A_1164, %shift_right_arithmetic3A_1166 : vector<16xi32>
      %and3A_1168 = arith.constant 127 : i32
      %and3A_1169 = vector.broadcast %and3A_1168 : i32 to vector<16xi32>
      %and3A_1170 = arith.andi %gather3A_1164, %and3A_1169 : vector<16xi32>
      %gather3A_1171 = tpu.vector_load_idx %arg8[%shift_right_arithmetic3A_1167, %and3A_1170] : memref<32x128xi32, #tpu.memory_space<vmem>>[vector<16xi32>, vector<16xi32>], vector<16xi32>,
      %gather3A_1172 = tpu.vector_load_idx %arg7[%gather3A_1171] : memref<8192xi32, #tpu.memory_space<vmem>>[vector<16xi32>], vector<16xi32>,
      %mul3A_1173 = arith.constant 4 : i32
      %mul3A_1174 = vector.broadcast %mul3A_1173 : i32 to vector<16xi32>
      %mul3A_1175 = arith.muli %gather3A_1172, %mul3A_1174 : vector<16xi32>
      %add3A_1176 = arith.addi %add3A_1156, %mul3A_1175 : vector<16xi32>
      %broadcast_in_dim3A_1177 = arith.constant 3 : i32
      %broadcast_in_dim3A_1178 = vector.broadcast %broadcast_in_dim3A_1177 : i32 to vector<16xi32>
      %gather3A_1179 = arith.constant 0 : i32
      %gather3A_1180 = arith.constant 0 : i32
      %gather3A_1181 = arith.constant 0 : i32
      %gather3A_1182 = tpu.memref_slice %arg9[%gather3A_1179, %gather3A_1180, %gather3A_1181] : memref<2x128x8xi32, #tpu.memory_space<vmem>> -> memref<1x128x8xi32, #tpu.memory_space<vmem>>
      %gather3A_1183 = tpu.memref_squeeze %gather3A_1182 : memref<1x128x8xi32, #tpu.memory_space<vmem>> -> memref<128x8xi32, #tpu.memory_space<vmem>>
      %gather3A_1184 = tpu.vector_load_idx %gather3A_1183[%add3A_1114, %broadcast_in_dim3A_1178] : memref<128x8xi32, #tpu.memory_space<vmem>>[vector<16xi32>, vector<16xi32>], vector<16xi32>,
      %shift_right_arithmetic3A_1185 = arith.constant 7 : i32
      %shift_right_arithmetic3A_1186 = vector.broadcast %shift_right_arithmetic3A_1185 : i32 to vector<16xi32>
      %shift_right_arithmetic3A_1187 = arith.shrsi %gather3A_1184, %shift_right_arithmetic3A_1186 : vector<16xi32>
      %and3A_1188 = arith.constant 127 : i32
      %and3A_1189 = vector.broadcast %and3A_1188 : i32 to vector<16xi32>
      %and3A_1190 = arith.andi %gather3A_1184, %and3A_1189 : vector<16xi32>
      %gather3A_1191 = tpu.vector_load_idx %arg8[%shift_right_arithmetic3A_1187, %and3A_1190] : memref<32x128xi32, #tpu.memory_space<vmem>>[vector<16xi32>, vector<16xi32>], vector<16xi32>,
      %gather3A_1192 = tpu.vector_load_idx %arg7[%gather3A_1191] : memref<8192xi32, #tpu.memory_space<vmem>>[vector<16xi32>], vector<16xi32>,
      %mul3A_1193 = arith.constant 8 : i32
      %mul3A_1194 = vector.broadcast %mul3A_1193 : i32 to vector<16xi32>
      %mul3A_1195 = arith.muli %gather3A_1192, %mul3A_1194 : vector<16xi32>
      %add3A_1196 = arith.addi %add3A_1176, %mul3A_1195 : vector<16xi32>
      %broadcast_in_dim3A_1197 = arith.constant 4 : i32
      %broadcast_in_dim3A_1198 = vector.broadcast %broadcast_in_dim3A_1197 : i32 to vector<16xi32>
      %gather3A_1199 = arith.constant 0 : i32
      %gather3A_1200 = arith.constant 0 : i32
      %gather3A_1201 = arith.constant 0 : i32
      %gather3A_1202 = tpu.memref_slice %arg9[%gather3A_1199, %gather3A_1200, %gather3A_1201] : memref<2x128x8xi32, #tpu.memory_space<vmem>> -> memref<1x128x8xi32, #tpu.memory_space<vmem>>
      %gather3A_1203 = tpu.memref_squeeze %gather3A_1202 : memref<1x128x8xi32, #tpu.memory_space<vmem>> -> memref<128x8xi32, #tpu.memory_space<vmem>>
      %gather3A_1204 = tpu.vector_load_idx %gather3A_1203[%add3A_1114, %broadcast_in_dim3A_1198] : memref<128x8xi32, #tpu.memory_space<vmem>>[vector<16xi32>, vector<16xi32>], vector<16xi32>,
      %shift_right_arithmetic3A_1205 = arith.constant 7 : i32
      %shift_right_arithmetic3A_1206 = vector.broadcast %shift_right_arithmetic3A_1205 : i32 to vector<16xi32>
      %shift_right_arithmetic3A_1207 = arith.shrsi %gather3A_1204, %shift_right_arithmetic3A_1206 : vector<16xi32>
      %and3A_1208 = arith.constant 127 : i32
      %and3A_1209 = vector.broadcast %and3A_1208 : i32 to vector<16xi32>
      %and3A_1210 = arith.andi %gather3A_1204, %and3A_1209 : vector<16xi32>
      %gather3A_1211 = tpu.vector_load_idx %arg8[%shift_right_arithmetic3A_1207, %and3A_1210] : memref<32x128xi32, #tpu.memory_space<vmem>>[vector<16xi32>, vector<16xi32>], vector<16xi32>,
      %gather3A_1212 = tpu.vector_load_idx %arg7[%gather3A_1211] : memref<8192xi32, #tpu.memory_space<vmem>>[vector<16xi32>], vector<16xi32>,
      %mul3A_1213 = arith.constant 16 : i32
      %mul3A_1214 = vector.broadcast %mul3A_1213 : i32 to vector<16xi32>
      %mul3A_1215 = arith.muli %gather3A_1212, %mul3A_1214 : vector<16xi32>
      %add3A_1216 = arith.addi %add3A_1196, %mul3A_1215 : vector<16xi32>
      %broadcast_in_dim3A_1217 = arith.constant 5 : i32
      %broadcast_in_dim3A_1218 = vector.broadcast %broadcast_in_dim3A_1217 : i32 to vector<16xi32>
      %gather3A_1219 = arith.constant 0 : i32
      %gather3A_1220 = arith.constant 0 : i32
      %gather3A_1221 = arith.constant 0 : i32
      %gather3A_1222 = tpu.memref_slice %arg9[%gather3A_1219, %gather3A_1220, %gather3A_1221] : memref<2x128x8xi32, #tpu.memory_space<vmem>> -> memref<1x128x8xi32, #tpu.memory_space<vmem>>
      %gather3A_1223 = tpu.memref_squeeze %gather3A_1222 : memref<1x128x8xi32, #tpu.memory_space<vmem>> -> memref<128x8xi32, #tpu.memory_space<vmem>>
      %gather3A_1224 = tpu.vector_load_idx %gather3A_1223[%add3A_1114, %broadcast_in_dim3A_1218] : memref<128x8xi32, #tpu.memory_space<vmem>>[vector<16xi32>, vector<16xi32>], vector<16xi32>,
      %shift_right_arithmetic3A_1225 = arith.constant 7 : i32
      %shift_right_arithmetic3A_1226 = vector.broadcast %shift_right_arithmetic3A_1225 : i32 to vector<16xi32>
      %shift_right_arithmetic3A_1227 = arith.shrsi %gather3A_1224, %shift_right_arithmetic3A_1226 : vector<16xi32>
      %and3A_1228 = arith.constant 127 : i32
      %and3A_1229 = vector.broadcast %and3A_1228 : i32 to vector<16xi32>
      %and3A_1230 = arith.andi %gather3A_1224, %and3A_1229 : vector<16xi32>
      %gather3A_1231 = tpu.vector_load_idx %arg8[%shift_right_arithmetic3A_1227, %and3A_1230] : memref<32x128xi32, #tpu.memory_space<vmem>>[vector<16xi32>, vector<16xi32>], vector<16xi32>,
      %gather3A_1232 = tpu.vector_load_idx %arg7[%gather3A_1231] : memref<8192xi32, #tpu.memory_space<vmem>>[vector<16xi32>], vector<16xi32>,
      %mul3A_1233 = arith.constant 32 : i32
      %mul3A_1234 = vector.broadcast %mul3A_1233 : i32 to vector<16xi32>
      %mul3A_1235 = arith.muli %gather3A_1232, %mul3A_1234 : vector<16xi32>
      %add3A_1236 = arith.addi %add3A_1216, %mul3A_1235 : vector<16xi32>
      %broadcast_in_dim3A_1237 = arith.constant 6 : i32
      %broadcast_in_dim3A_1238 = vector.broadcast %broadcast_in_dim3A_1237 : i32 to vector<16xi32>
      %gather3A_1239 = arith.constant 0 : i32
      %gather3A_1240 = arith.constant 0 : i32
      %gather3A_1241 = arith.constant 0 : i32
      %gather3A_1242 = tpu.memref_slice %arg9[%gather3A_1239, %gather3A_1240, %gather3A_1241] : memref<2x128x8xi32, #tpu.memory_space<vmem>> -> memref<1x128x8xi32, #tpu.memory_space<vmem>>
      %gather3A_1243 = tpu.memref_squeeze %gather3A_1242 : memref<1x128x8xi32, #tpu.memory_space<vmem>> -> memref<128x8xi32, #tpu.memory_space<vmem>>
      %gather3A_1244 = tpu.vector_load_idx %gather3A_1243[%add3A_1114, %broadcast_in_dim3A_1238] : memref<128x8xi32, #tpu.memory_space<vmem>>[vector<16xi32>, vector<16xi32>], vector<16xi32>,
      %shift_right_arithmetic3A_1245 = arith.constant 7 : i32
      %shift_right_arithmetic3A_1246 = vector.broadcast %shift_right_arithmetic3A_1245 : i32 to vector<16xi32>
      %shift_right_arithmetic3A_1247 = arith.shrsi %gather3A_1244, %shift_right_arithmetic3A_1246 : vector<16xi32>
      %and3A_1248 = arith.constant 127 : i32
      %and3A_1249 = vector.broadcast %and3A_1248 : i32 to vector<16xi32>
      %and3A_1250 = arith.andi %gather3A_1244, %and3A_1249 : vector<16xi32>
      %gather3A_1251 = tpu.vector_load_idx %arg8[%shift_right_arithmetic3A_1247, %and3A_1250] : memref<32x128xi32, #tpu.memory_space<vmem>>[vector<16xi32>, vector<16xi32>], vector<16xi32>,
      %gather3A_1252 = tpu.vector_load_idx %arg7[%gather3A_1251] : memref<8192xi32, #tpu.memory_space<vmem>>[vector<16xi32>], vector<16xi32>,
      %mul3A_1253 = arith.constant 64 : i32
      %mul3A_1254 = vector.broadcast %mul3A_1253 : i32 to vector<16xi32>
      %mul3A_1255 = arith.muli %gather3A_1252, %mul3A_1254 : vector<16xi32>
      %add3A_1256 = arith.addi %add3A_1236, %mul3A_1255 : vector<16xi32>
      %broadcast_in_dim3A_1257 = arith.constant 7 : i32
      %broadcast_in_dim3A_1258 = vector.broadcast %broadcast_in_dim3A_1257 : i32 to vector<16xi32>
      %gather3A_1259 = arith.constant 0 : i32
      %gather3A_1260 = arith.constant 0 : i32
      %gather3A_1261 = arith.constant 0 : i32
      %gather3A_1262 = tpu.memref_slice %arg9[%gather3A_1259, %gather3A_1260, %gather3A_1261] : memref<2x128x8xi32, #tpu.memory_space<vmem>> -> memref<1x128x8xi32, #tpu.memory_space<vmem>>
      %gather3A_1263 = tpu.memref_squeeze %gather3A_1262 : memref<1x128x8xi32, #tpu.memory_space<vmem>> -> memref<128x8xi32, #tpu.memory_space<vmem>>
      %gather3A_1264 = tpu.vector_load_idx %gather3A_1263[%add3A_1114, %broadcast_in_dim3A_1258] : memref<128x8xi32, #tpu.memory_space<vmem>>[vector<16xi32>, vector<16xi32>], vector<16xi32>,
      %shift_right_arithmetic3A_1265 = arith.constant 7 : i32
      %shift_right_arithmetic3A_1266 = vector.broadcast %shift_right_arithmetic3A_1265 : i32 to vector<16xi32>
      %shift_right_arithmetic3A_1267 = arith.shrsi %gather3A_1264, %shift_right_arithmetic3A_1266 : vector<16xi32>
      %and3A_1268 = arith.constant 127 : i32
      %and3A_1269 = vector.broadcast %and3A_1268 : i32 to vector<16xi32>
      %and3A_1270 = arith.andi %gather3A_1264, %and3A_1269 : vector<16xi32>
      %gather3A_1271 = tpu.vector_load_idx %arg8[%shift_right_arithmetic3A_1267, %and3A_1270] : memref<32x128xi32, #tpu.memory_space<vmem>>[vector<16xi32>, vector<16xi32>], vector<16xi32>,
      %gather3A_1272 = tpu.vector_load_idx %arg7[%gather3A_1271] : memref<8192xi32, #tpu.memory_space<vmem>>[vector<16xi32>], vector<16xi32>,
      %mul3A_1273 = arith.constant 128 : i32
      %mul3A_1274 = vector.broadcast %mul3A_1273 : i32 to vector<16xi32>
      %mul3A_1275 = arith.muli %gather3A_1272, %mul3A_1274 : vector<16xi32>
      %add3A_1276 = arith.addi %add3A_1256, %mul3A_1275 : vector<16xi32>
      %gather3A_1277 = arith.constant 0 : i32
      %gather3A_1278 = arith.constant 0 : i32
      %gather3A_1279 = arith.constant 0 : i32
      %gather3A_1280 = tpu.memref_slice %arg10[%gather3A_1277, %gather3A_1278, %gather3A_1279] : memref<2x128x256xf32, #tpu.memory_space<vmem>> -> memref<1x128x256xf32, #tpu.memory_space<vmem>>
      %gather3A_1281 = tpu.memref_squeeze %gather3A_1280 : memref<1x128x256xf32, #tpu.memory_space<vmem>> -> memref<128x256xf32, #tpu.memory_space<vmem>>
      %gather3A_1282 = tpu.vector_load_idx %gather3A_1281[%add3A_1114, %add3A_1276] : memref<128x256xf32, #tpu.memory_space<vmem>>[vector<16xi32>, vector<16xi32>], vector<16xf32>,
      %gt3A_1283 = arith.constant 5.000000e-01 : f32
      %gt3A_1284 = vector.broadcast %gt3A_1283 : f32 to vector<16xf32>
      %gt3A_1285 = arith.cmpf ogt, %gather3A_1282, %gt3A_1284 : vector<16xf32>
      %jit3A_1286 = arith.constant 1 : i32
      %jit3A_1287 = arith.constant 0 : i32
      %broadcast_in_dim3A_1288 = vector.broadcast %jit3A_1286 : i32 to vector<16xi32>
      %broadcast_in_dim3A_1289 = vector.broadcast %jit3A_1287 : i32 to vector<16xi32>
      %select_n3A_1290 = arith.select %gt3A_1285, %broadcast_in_dim3A_1288, %broadcast_in_dim3A_1289 : vector<16xi1>, vector<16xi32>
      %swap3A_1291 = arith.index_cast %add3A_359 : i32 to index
      %swap3A_1292 = arith.constant 64 : index
      %swap3A_1293 = tpu.vector_load %arg11[%swap3A_1291, %swap3A_1292] {strides = array<i32>} : memref<16x128xi32, #tpu.memory_space<vmem>>, vector<16xi32>,
      tpu.vector_store %arg11[%swap3A_1291, %swap3A_1292], %select_n3A_1290 {strides = array<i32>} : memref<16x128xi32, #tpu.memory_space<vmem>>, vector<16xi32>,
      %add3A_1294 = arith.constant 80 : i32
      %add3A_1295 = vector.broadcast %add3A_1294 : i32 to vector<16xi32>
      %add3A_1296 = arith.addi %add3A_1295, %iota3A : vector<16xi32>
      %broadcast_in_dim3A_1297 = arith.constant 0 : i32
      %broadcast_in_dim3A_1298 = vector.broadcast %broadcast_in_dim3A_1297 : i32 to vector<16xi32>
      %broadcast_in_dim3A_1299 = arith.constant 0 : i32
      %broadcast_in_dim3A_1300 = vector.broadcast %broadcast_in_dim3A_1299 : i32 to vector<16xi32>
      %gather3A_1301 = arith.constant 0 : i32
      %gather3A_1302 = arith.constant 0 : i32
      %gather3A_1303 = arith.constant 0 : i32
      %gather3A_1304 = tpu.memref_slice %arg9[%gather3A_1301, %gather3A_1302, %gather3A_1303] : memref<2x128x8xi32, #tpu.memory_space<vmem>> -> memref<1x128x8xi32, #tpu.memory_space<vmem>>
      %gather3A_1305 = tpu.memref_squeeze %gather3A_1304 : memref<1x128x8xi32, #tpu.memory_space<vmem>> -> memref<128x8xi32, #tpu.memory_space<vmem>>
      %gather3A_1306 = tpu.vector_load_idx %gather3A_1305[%add3A_1296, %broadcast_in_dim3A_1300] : memref<128x8xi32, #tpu.memory_space<vmem>>[vector<16xi32>, vector<16xi32>], vector<16xi32>,
      %shift_right_arithmetic3A_1307 = arith.constant 7 : i32
      %shift_right_arithmetic3A_1308 = vector.broadcast %shift_right_arithmetic3A_1307 : i32 to vector<16xi32>
      %shift_right_arithmetic3A_1309 = arith.shrsi %gather3A_1306, %shift_right_arithmetic3A_1308 : vector<16xi32>
      %and3A_1310 = arith.constant 127 : i32
      %and3A_1311 = vector.broadcast %and3A_1310 : i32 to vector<16xi32>
      %and3A_1312 = arith.andi %gather3A_1306, %and3A_1311 : vector<16xi32>
      %gather3A_1313 = tpu.vector_load_idx %arg8[%shift_right_arithmetic3A_1309, %and3A_1312] : memref<32x128xi32, #tpu.memory_space<vmem>>[vector<16xi32>, vector<16xi32>], vector<16xi32>,
      %gather3A_1314 = tpu.vector_load_idx %arg7[%gather3A_1313] : memref<8192xi32, #tpu.memory_space<vmem>>[vector<16xi32>], vector<16xi32>,
      %mul3A_1315 = arith.constant 1 : i32
      %mul3A_1316 = vector.broadcast %mul3A_1315 : i32 to vector<16xi32>
      %mul3A_1317 = arith.muli %gather3A_1314, %mul3A_1316 : vector<16xi32>
      %add3A_1318 = arith.addi %broadcast_in_dim3A_1298, %mul3A_1317 : vector<16xi32>
      %broadcast_in_dim3A_1319 = arith.constant 1 : i32
      %broadcast_in_dim3A_1320 = vector.broadcast %broadcast_in_dim3A_1319 : i32 to vector<16xi32>
      %gather3A_1321 = arith.constant 0 : i32
      %gather3A_1322 = arith.constant 0 : i32
      %gather3A_1323 = arith.constant 0 : i32
      %gather3A_1324 = tpu.memref_slice %arg9[%gather3A_1321, %gather3A_1322, %gather3A_1323] : memref<2x128x8xi32, #tpu.memory_space<vmem>> -> memref<1x128x8xi32, #tpu.memory_space<vmem>>
      %gather3A_1325 = tpu.memref_squeeze %gather3A_1324 : memref<1x128x8xi32, #tpu.memory_space<vmem>> -> memref<128x8xi32, #tpu.memory_space<vmem>>
      %gather3A_1326 = tpu.vector_load_idx %gather3A_1325[%add3A_1296, %broadcast_in_dim3A_1320] : memref<128x8xi32, #tpu.memory_space<vmem>>[vector<16xi32>, vector<16xi32>], vector<16xi32>,
      %shift_right_arithmetic3A_1327 = arith.constant 7 : i32
      %shift_right_arithmetic3A_1328 = vector.broadcast %shift_right_arithmetic3A_1327 : i32 to vector<16xi32>
      %shift_right_arithmetic3A_1329 = arith.shrsi %gather3A_1326, %shift_right_arithmetic3A_1328 : vector<16xi32>
      %and3A_1330 = arith.constant 127 : i32
      %and3A_1331 = vector.broadcast %and3A_1330 : i32 to vector<16xi32>
      %and3A_1332 = arith.andi %gather3A_1326, %and3A_1331 : vector<16xi32>
      %gather3A_1333 = tpu.vector_load_idx %arg8[%shift_right_arithmetic3A_1329, %and3A_1332] : memref<32x128xi32, #tpu.memory_space<vmem>>[vector<16xi32>, vector<16xi32>], vector<16xi32>,
      %gather3A_1334 = tpu.vector_load_idx %arg7[%gather3A_1333] : memref<8192xi32, #tpu.memory_space<vmem>>[vector<16xi32>], vector<16xi32>,
      %mul3A_1335 = arith.constant 2 : i32
      %mul3A_1336 = vector.broadcast %mul3A_1335 : i32 to vector<16xi32>
      %mul3A_1337 = arith.muli %gather3A_1334, %mul3A_1336 : vector<16xi32>
      %add3A_1338 = arith.addi %add3A_1318, %mul3A_1337 : vector<16xi32>
      %broadcast_in_dim3A_1339 = arith.constant 2 : i32
      %broadcast_in_dim3A_1340 = vector.broadcast %broadcast_in_dim3A_1339 : i32 to vector<16xi32>
      %gather3A_1341 = arith.constant 0 : i32
      %gather3A_1342 = arith.constant 0 : i32
      %gather3A_1343 = arith.constant 0 : i32
      %gather3A_1344 = tpu.memref_slice %arg9[%gather3A_1341, %gather3A_1342, %gather3A_1343] : memref<2x128x8xi32, #tpu.memory_space<vmem>> -> memref<1x128x8xi32, #tpu.memory_space<vmem>>
      %gather3A_1345 = tpu.memref_squeeze %gather3A_1344 : memref<1x128x8xi32, #tpu.memory_space<vmem>> -> memref<128x8xi32, #tpu.memory_space<vmem>>
      %gather3A_1346 = tpu.vector_load_idx %gather3A_1345[%add3A_1296, %broadcast_in_dim3A_1340] : memref<128x8xi32, #tpu.memory_space<vmem>>[vector<16xi32>, vector<16xi32>], vector<16xi32>,
      %shift_right_arithmetic3A_1347 = arith.constant 7 : i32
      %shift_right_arithmetic3A_1348 = vector.broadcast %shift_right_arithmetic3A_1347 : i32 to vector<16xi32>
      %shift_right_arithmetic3A_1349 = arith.shrsi %gather3A_1346, %shift_right_arithmetic3A_1348 : vector<16xi32>
      %and3A_1350 = arith.constant 127 : i32
      %and3A_1351 = vector.broadcast %and3A_1350 : i32 to vector<16xi32>
      %and3A_1352 = arith.andi %gather3A_1346, %and3A_1351 : vector<16xi32>
      %gather3A_1353 = tpu.vector_load_idx %arg8[%shift_right_arithmetic3A_1349, %and3A_1352] : memref<32x128xi32, #tpu.memory_space<vmem>>[vector<16xi32>, vector<16xi32>], vector<16xi32>,
      %gather3A_1354 = tpu.vector_load_idx %arg7[%gather3A_1353] : memref<8192xi32, #tpu.memory_space<vmem>>[vector<16xi32>], vector<16xi32>,
      %mul3A_1355 = arith.constant 4 : i32
      %mul3A_1356 = vector.broadcast %mul3A_1355 : i32 to vector<16xi32>
      %mul3A_1357 = arith.muli %gather3A_1354, %mul3A_1356 : vector<16xi32>
      %add3A_1358 = arith.addi %add3A_1338, %mul3A_1357 : vector<16xi32>
      %broadcast_in_dim3A_1359 = arith.constant 3 : i32
      %broadcast_in_dim3A_1360 = vector.broadcast %broadcast_in_dim3A_1359 : i32 to vector<16xi32>
      %gather3A_1361 = arith.constant 0 : i32
      %gather3A_1362 = arith.constant 0 : i32
      %gather3A_1363 = arith.constant 0 : i32
      %gather3A_1364 = tpu.memref_slice %arg9[%gather3A_1361, %gather3A_1362, %gather3A_1363] : memref<2x128x8xi32, #tpu.memory_space<vmem>> -> memref<1x128x8xi32, #tpu.memory_space<vmem>>
      %gather3A_1365 = tpu.memref_squeeze %gather3A_1364 : memref<1x128x8xi32, #tpu.memory_space<vmem>> -> memref<128x8xi32, #tpu.memory_space<vmem>>
      %gather3A_1366 = tpu.vector_load_idx %gather3A_1365[%add3A_1296, %broadcast_in_dim3A_1360] : memref<128x8xi32, #tpu.memory_space<vmem>>[vector<16xi32>, vector<16xi32>], vector<16xi32>,
      %shift_right_arithmetic3A_1367 = arith.constant 7 : i32
      %shift_right_arithmetic3A_1368 = vector.broadcast %shift_right_arithmetic3A_1367 : i32 to vector<16xi32>
      %shift_right_arithmetic3A_1369 = arith.shrsi %gather3A_1366, %shift_right_arithmetic3A_1368 : vector<16xi32>
      %and3A_1370 = arith.constant 127 : i32
      %and3A_1371 = vector.broadcast %and3A_1370 : i32 to vector<16xi32>
      %and3A_1372 = arith.andi %gather3A_1366, %and3A_1371 : vector<16xi32>
      %gather3A_1373 = tpu.vector_load_idx %arg8[%shift_right_arithmetic3A_1369, %and3A_1372] : memref<32x128xi32, #tpu.memory_space<vmem>>[vector<16xi32>, vector<16xi32>], vector<16xi32>,
      %gather3A_1374 = tpu.vector_load_idx %arg7[%gather3A_1373] : memref<8192xi32, #tpu.memory_space<vmem>>[vector<16xi32>], vector<16xi32>,
      %mul3A_1375 = arith.constant 8 : i32
      %mul3A_1376 = vector.broadcast %mul3A_1375 : i32 to vector<16xi32>
      %mul3A_1377 = arith.muli %gather3A_1374, %mul3A_1376 : vector<16xi32>
      %add3A_1378 = arith.addi %add3A_1358, %mul3A_1377 : vector<16xi32>
      %broadcast_in_dim3A_1379 = arith.constant 4 : i32
      %broadcast_in_dim3A_1380 = vector.broadcast %broadcast_in_dim3A_1379 : i32 to vector<16xi32>
      %gather3A_1381 = arith.constant 0 : i32
      %gather3A_1382 = arith.constant 0 : i32
      %gather3A_1383 = arith.constant 0 : i32
      %gather3A_1384 = tpu.memref_slice %arg9[%gather3A_1381, %gather3A_1382, %gather3A_1383] : memref<2x128x8xi32, #tpu.memory_space<vmem>> -> memref<1x128x8xi32, #tpu.memory_space<vmem>>
      %gather3A_1385 = tpu.memref_squeeze %gather3A_1384 : memref<1x128x8xi32, #tpu.memory_space<vmem>> -> memref<128x8xi32, #tpu.memory_space<vmem>>
      %gather3A_1386 = tpu.vector_load_idx %gather3A_1385[%add3A_1296, %broadcast_in_dim3A_1380] : memref<128x8xi32, #tpu.memory_space<vmem>>[vector<16xi32>, vector<16xi32>], vector<16xi32>,
      %shift_right_arithmetic3A_1387 = arith.constant 7 : i32
      %shift_right_arithmetic3A_1388 = vector.broadcast %shift_right_arithmetic3A_1387 : i32 to vector<16xi32>
      %shift_right_arithmetic3A_1389 = arith.shrsi %gather3A_1386, %shift_right_arithmetic3A_1388 : vector<16xi32>
      %and3A_1390 = arith.constant 127 : i32
      %and3A_1391 = vector.broadcast %and3A_1390 : i32 to vector<16xi32>
      %and3A_1392 = arith.andi %gather3A_1386, %and3A_1391 : vector<16xi32>
      %gather3A_1393 = tpu.vector_load_idx %arg8[%shift_right_arithmetic3A_1389, %and3A_1392] : memref<32x128xi32, #tpu.memory_space<vmem>>[vector<16xi32>, vector<16xi32>], vector<16xi32>,
      %gather3A_1394 = tpu.vector_load_idx %arg7[%gather3A_1393] : memref<8192xi32, #tpu.memory_space<vmem>>[vector<16xi32>], vector<16xi32>,
      %mul3A_1395 = arith.constant 16 : i32
      %mul3A_1396 = vector.broadcast %mul3A_1395 : i32 to vector<16xi32>
      %mul3A_1397 = arith.muli %gather3A_1394, %mul3A_1396 : vector<16xi32>
      %add3A_1398 = arith.addi %add3A_1378, %mul3A_1397 : vector<16xi32>
      %broadcast_in_dim3A_1399 = arith.constant 5 : i32
      %broadcast_in_dim3A_1400 = vector.broadcast %broadcast_in_dim3A_1399 : i32 to vector<16xi32>
      %gather3A_1401 = arith.constant 0 : i32
      %gather3A_1402 = arith.constant 0 : i32
      %gather3A_1403 = arith.constant 0 : i32
      %gather3A_1404 = tpu.memref_slice %arg9[%gather3A_1401, %gather3A_1402, %gather3A_1403] : memref<2x128x8xi32, #tpu.memory_space<vmem>> -> memref<1x128x8xi32, #tpu.memory_space<vmem>>
      %gather3A_1405 = tpu.memref_squeeze %gather3A_1404 : memref<1x128x8xi32, #tpu.memory_space<vmem>> -> memref<128x8xi32, #tpu.memory_space<vmem>>
      %gather3A_1406 = tpu.vector_load_idx %gather3A_1405[%add3A_1296, %broadcast_in_dim3A_1400] : memref<128x8xi32, #tpu.memory_space<vmem>>[vector<16xi32>, vector<16xi32>], vector<16xi32>,
      %shift_right_arithmetic3A_1407 = arith.constant 7 : i32
      %shift_right_arithmetic3A_1408 = vector.broadcast %shift_right_arithmetic3A_1407 : i32 to vector<16xi32>
      %shift_right_arithmetic3A_1409 = arith.shrsi %gather3A_1406, %shift_right_arithmetic3A_1408 : vector<16xi32>
      %and3A_1410 = arith.constant 127 : i32
      %and3A_1411 = vector.broadcast %and3A_1410 : i32 to vector<16xi32>
      %and3A_1412 = arith.andi %gather3A_1406, %and3A_1411 : vector<16xi32>
      %gather3A_1413 = tpu.vector_load_idx %arg8[%shift_right_arithmetic3A_1409, %and3A_1412] : memref<32x128xi32, #tpu.memory_space<vmem>>[vector<16xi32>, vector<16xi32>], vector<16xi32>,
      %gather3A_1414 = tpu.vector_load_idx %arg7[%gather3A_1413] : memref<8192xi32, #tpu.memory_space<vmem>>[vector<16xi32>], vector<16xi32>,
      %mul3A_1415 = arith.constant 32 : i32
      %mul3A_1416 = vector.broadcast %mul3A_1415 : i32 to vector<16xi32>
      %mul3A_1417 = arith.muli %gather3A_1414, %mul3A_1416 : vector<16xi32>
      %add3A_1418 = arith.addi %add3A_1398, %mul3A_1417 : vector<16xi32>
      %broadcast_in_dim3A_1419 = arith.constant 6 : i32
      %broadcast_in_dim3A_1420 = vector.broadcast %broadcast_in_dim3A_1419 : i32 to vector<16xi32>
      %gather3A_1421 = arith.constant 0 : i32
      %gather3A_1422 = arith.constant 0 : i32
      %gather3A_1423 = arith.constant 0 : i32
      %gather3A_1424 = tpu.memref_slice %arg9[%gather3A_1421, %gather3A_1422, %gather3A_1423] : memref<2x128x8xi32, #tpu.memory_space<vmem>> -> memref<1x128x8xi32, #tpu.memory_space<vmem>>
      %gather3A_1425 = tpu.memref_squeeze %gather3A_1424 : memref<1x128x8xi32, #tpu.memory_space<vmem>> -> memref<128x8xi32, #tpu.memory_space<vmem>>
      %gather3A_1426 = tpu.vector_load_idx %gather3A_1425[%add3A_1296, %broadcast_in_dim3A_1420] : memref<128x8xi32, #tpu.memory_space<vmem>>[vector<16xi32>, vector<16xi32>], vector<16xi32>,
      %shift_right_arithmetic3A_1427 = arith.constant 7 : i32
      %shift_right_arithmetic3A_1428 = vector.broadcast %shift_right_arithmetic3A_1427 : i32 to vector<16xi32>
      %shift_right_arithmetic3A_1429 = arith.shrsi %gather3A_1426, %shift_right_arithmetic3A_1428 : vector<16xi32>
      %and3A_1430 = arith.constant 127 : i32
      %and3A_1431 = vector.broadcast %and3A_1430 : i32 to vector<16xi32>
      %and3A_1432 = arith.andi %gather3A_1426, %and3A_1431 : vector<16xi32>
      %gather3A_1433 = tpu.vector_load_idx %arg8[%shift_right_arithmetic3A_1429, %and3A_1432] : memref<32x128xi32, #tpu.memory_space<vmem>>[vector<16xi32>, vector<16xi32>], vector<16xi32>,
      %gather3A_1434 = tpu.vector_load_idx %arg7[%gather3A_1433] : memref<8192xi32, #tpu.memory_space<vmem>>[vector<16xi32>], vector<16xi32>,
      %mul3A_1435 = arith.constant 64 : i32
      %mul3A_1436 = vector.broadcast %mul3A_1435 : i32 to vector<16xi32>
      %mul3A_1437 = arith.muli %gather3A_1434, %mul3A_1436 : vector<16xi32>
      %add3A_1438 = arith.addi %add3A_1418, %mul3A_1437 : vector<16xi32>
      %broadcast_in_dim3A_1439 = arith.constant 7 : i32
      %broadcast_in_dim3A_1440 = vector.broadcast %broadcast_in_dim3A_1439 : i32 to vector<16xi32>
      %gather3A_1441 = arith.constant 0 : i32
      %gather3A_1442 = arith.constant 0 : i32
      %gather3A_1443 = arith.constant 0 : i32
      %gather3A_1444 = tpu.memref_slice %arg9[%gather3A_1441, %gather3A_1442, %gather3A_1443] : memref<2x128x8xi32, #tpu.memory_space<vmem>> -> memref<1x128x8xi32, #tpu.memory_space<vmem>>
      %gather3A_1445 = tpu.memref_squeeze %gather3A_1444 : memref<1x128x8xi32, #tpu.memory_space<vmem>> -> memref<128x8xi32, #tpu.memory_space<vmem>>
      %gather3A_1446 = tpu.vector_load_idx %gather3A_1445[%add3A_1296, %broadcast_in_dim3A_1440] : memref<128x8xi32, #tpu.memory_space<vmem>>[vector<16xi32>, vector<16xi32>], vector<16xi32>,
      %shift_right_arithmetic3A_1447 = arith.constant 7 : i32
      %shift_right_arithmetic3A_1448 = vector.broadcast %shift_right_arithmetic3A_1447 : i32 to vector<16xi32>
      %shift_right_arithmetic3A_1449 = arith.shrsi %gather3A_1446, %shift_right_arithmetic3A_1448 : vector<16xi32>
      %and3A_1450 = arith.constant 127 : i32
      %and3A_1451 = vector.broadcast %and3A_1450 : i32 to vector<16xi32>
      %and3A_1452 = arith.andi %gather3A_1446, %and3A_1451 : vector<16xi32>
      %gather3A_1453 = tpu.vector_load_idx %arg8[%shift_right_arithmetic3A_1449, %and3A_1452] : memref<32x128xi32, #tpu.memory_space<vmem>>[vector<16xi32>, vector<16xi32>], vector<16xi32>,
      %gather3A_1454 = tpu.vector_load_idx %arg7[%gather3A_1453] : memref<8192xi32, #tpu.memory_space<vmem>>[vector<16xi32>], vector<16xi32>,
      %mul3A_1455 = arith.constant 128 : i32
      %mul3A_1456 = vector.broadcast %mul3A_1455 : i32 to vector<16xi32>
      %mul3A_1457 = arith.muli %gather3A_1454, %mul3A_1456 : vector<16xi32>
      %add3A_1458 = arith.addi %add3A_1438, %mul3A_1457 : vector<16xi32>
      %gather3A_1459 = arith.constant 0 : i32
      %gather3A_1460 = arith.constant 0 : i32
      %gather3A_1461 = arith.constant 0 : i32
      %gather3A_1462 = tpu.memref_slice %arg10[%gather3A_1459, %gather3A_1460, %gather3A_1461] : memref<2x128x256xf32, #tpu.memory_space<vmem>> -> memref<1x128x256xf32, #tpu.memory_space<vmem>>
      %gather3A_1463 = tpu.memref_squeeze %gather3A_1462 : memref<1x128x256xf32, #tpu.memory_space<vmem>> -> memref<128x256xf32, #tpu.memory_space<vmem>>
      %gather3A_1464 = tpu.vector_load_idx %gather3A_1463[%add3A_1296, %add3A_1458] : memref<128x256xf32, #tpu.memory_space<vmem>>[vector<16xi32>, vector<16xi32>], vector<16xf32>,
      %gt3A_1465 = arith.constant 5.000000e-01 : f32
      %gt3A_1466 = vector.broadcast %gt3A_1465 : f32 to vector<16xf32>
      %gt3A_1467 = arith.cmpf ogt, %gather3A_1464, %gt3A_1466 : vector<16xf32>
      %jit3A_1468 = arith.constant 1 : i32
      %jit3A_1469 = arith.constant 0 : i32
      %broadcast_in_dim3A_1470 = vector.broadcast %jit3A_1468 : i32 to vector<16xi32>
      %broadcast_in_dim3A_1471 = vector.broadcast %jit3A_1469 : i32 to vector<16xi32>
      %select_n3A_1472 = arith.select %gt3A_1467, %broadcast_in_dim3A_1470, %broadcast_in_dim3A_1471 : vector<16xi1>, vector<16xi32>
      %swap3A_1473 = arith.index_cast %add3A_359 : i32 to index
      %swap3A_1474 = arith.constant 80 : index
      %swap3A_1475 = tpu.vector_load %arg11[%swap3A_1473, %swap3A_1474] {strides = array<i32>} : memref<16x128xi32, #tpu.memory_space<vmem>>, vector<16xi32>,
      tpu.vector_store %arg11[%swap3A_1473, %swap3A_1474], %select_n3A_1472 {strides = array<i32>} : memref<16x128xi32, #tpu.memory_space<vmem>>, vector<16xi32>,
      %add3A_1476 = arith.constant 96 : i32
      %add3A_1477 = vector.broadcast %add3A_1476 : i32 to vector<16xi32>
      %add3A_1478 = arith.addi %add3A_1477, %iota3A : vector<16xi32>
      %broadcast_in_dim3A_1479 = arith.constant 0 : i32
      %broadcast_in_dim3A_1480 = vector.broadcast %broadcast_in_dim3A_1479 : i32 to vector<16xi32>
      %broadcast_in_dim3A_1481 = arith.constant 0 : i32
      %broadcast_in_dim3A_1482 = vector.broadcast %broadcast_in_dim3A_1481 : i32 to vector<16xi32>
      %gather3A_1483 = arith.constant 0 : i32
      %gather3A_1484 = arith.constant 0 : i32
      %gather3A_1485 = arith.constant 0 : i32
      %gather3A_1486 = tpu.memref_slice %arg9[%gather3A_1483, %gather3A_1484, %gather3A_1485] : memref<2x128x8xi32, #tpu.memory_space<vmem>> -> memref<1x128x8xi32, #tpu.memory_space<vmem>>
      %gather3A_1487 = tpu.memref_squeeze %gather3A_1486 : memref<1x128x8xi32, #tpu.memory_space<vmem>> -> memref<128x8xi32, #tpu.memory_space<vmem>>
      %gather3A_1488 = tpu.vector_load_idx %gather3A_1487[%add3A_1478, %broadcast_in_dim3A_1482] : memref<128x8xi32, #tpu.memory_space<vmem>>[vector<16xi32>, vector<16xi32>], vector<16xi32>,
      %shift_right_arithmetic3A_1489 = arith.constant 7 : i32
      %shift_right_arithmetic3A_1490 = vector.broadcast %shift_right_arithmetic3A_1489 : i32 to vector<16xi32>
      %shift_right_arithmetic3A_1491 = arith.shrsi %gather3A_1488, %shift_right_arithmetic3A_1490 : vector<16xi32>
      %and3A_1492 = arith.constant 127 : i32
      %and3A_1493 = vector.broadcast %and3A_1492 : i32 to vector<16xi32>
      %and3A_1494 = arith.andi %gather3A_1488, %and3A_1493 : vector<16xi32>
      %gather3A_1495 = tpu.vector_load_idx %arg8[%shift_right_arithmetic3A_1491, %and3A_1494] : memref<32x128xi32, #tpu.memory_space<vmem>>[vector<16xi32>, vector<16xi32>], vector<16xi32>,
      %gather3A_1496 = tpu.vector_load_idx %arg7[%gather3A_1495] : memref<8192xi32, #tpu.memory_space<vmem>>[vector<16xi32>], vector<16xi32>,
      %mul3A_1497 = arith.constant 1 : i32
      %mul3A_1498 = vector.broadcast %mul3A_1497 : i32 to vector<16xi32>
      %mul3A_1499 = arith.muli %gather3A_1496, %mul3A_1498 : vector<16xi32>
      %add3A_1500 = arith.addi %broadcast_in_dim3A_1480, %mul3A_1499 : vector<16xi32>
      %broadcast_in_dim3A_1501 = arith.constant 1 : i32
      %broadcast_in_dim3A_1502 = vector.broadcast %broadcast_in_dim3A_1501 : i32 to vector<16xi32>
      %gather3A_1503 = arith.constant 0 : i32
      %gather3A_1504 = arith.constant 0 : i32
      %gather3A_1505 = arith.constant 0 : i32
      %gather3A_1506 = tpu.memref_slice %arg9[%gather3A_1503, %gather3A_1504, %gather3A_1505] : memref<2x128x8xi32, #tpu.memory_space<vmem>> -> memref<1x128x8xi32, #tpu.memory_space<vmem>>
      %gather3A_1507 = tpu.memref_squeeze %gather3A_1506 : memref<1x128x8xi32, #tpu.memory_space<vmem>> -> memref<128x8xi32, #tpu.memory_space<vmem>>
      %gather3A_1508 = tpu.vector_load_idx %gather3A_1507[%add3A_1478, %broadcast_in_dim3A_1502] : memref<128x8xi32, #tpu.memory_space<vmem>>[vector<16xi32>, vector<16xi32>], vector<16xi32>,
      %shift_right_arithmetic3A_1509 = arith.constant 7 : i32
      %shift_right_arithmetic3A_1510 = vector.broadcast %shift_right_arithmetic3A_1509 : i32 to vector<16xi32>
      %shift_right_arithmetic3A_1511 = arith.shrsi %gather3A_1508, %shift_right_arithmetic3A_1510 : vector<16xi32>
      %and3A_1512 = arith.constant 127 : i32
      %and3A_1513 = vector.broadcast %and3A_1512 : i32 to vector<16xi32>
      %and3A_1514 = arith.andi %gather3A_1508, %and3A_1513 : vector<16xi32>
      %gather3A_1515 = tpu.vector_load_idx %arg8[%shift_right_arithmetic3A_1511, %and3A_1514] : memref<32x128xi32, #tpu.memory_space<vmem>>[vector<16xi32>, vector<16xi32>], vector<16xi32>,
      %gather3A_1516 = tpu.vector_load_idx %arg7[%gather3A_1515] : memref<8192xi32, #tpu.memory_space<vmem>>[vector<16xi32>], vector<16xi32>,
      %mul3A_1517 = arith.constant 2 : i32
      %mul3A_1518 = vector.broadcast %mul3A_1517 : i32 to vector<16xi32>
      %mul3A_1519 = arith.muli %gather3A_1516, %mul3A_1518 : vector<16xi32>
      %add3A_1520 = arith.addi %add3A_1500, %mul3A_1519 : vector<16xi32>
      %broadcast_in_dim3A_1521 = arith.constant 2 : i32
      %broadcast_in_dim3A_1522 = vector.broadcast %broadcast_in_dim3A_1521 : i32 to vector<16xi32>
      %gather3A_1523 = arith.constant 0 : i32
      %gather3A_1524 = arith.constant 0 : i32
      %gather3A_1525 = arith.constant 0 : i32
      %gather3A_1526 = tpu.memref_slice %arg9[%gather3A_1523, %gather3A_1524, %gather3A_1525] : memref<2x128x8xi32, #tpu.memory_space<vmem>> -> memref<1x128x8xi32, #tpu.memory_space<vmem>>
      %gather3A_1527 = tpu.memref_squeeze %gather3A_1526 : memref<1x128x8xi32, #tpu.memory_space<vmem>> -> memref<128x8xi32, #tpu.memory_space<vmem>>
      %gather3A_1528 = tpu.vector_load_idx %gather3A_1527[%add3A_1478, %broadcast_in_dim3A_1522] : memref<128x8xi32, #tpu.memory_space<vmem>>[vector<16xi32>, vector<16xi32>], vector<16xi32>,
      %shift_right_arithmetic3A_1529 = arith.constant 7 : i32
      %shift_right_arithmetic3A_1530 = vector.broadcast %shift_right_arithmetic3A_1529 : i32 to vector<16xi32>
      %shift_right_arithmetic3A_1531 = arith.shrsi %gather3A_1528, %shift_right_arithmetic3A_1530 : vector<16xi32>
      %and3A_1532 = arith.constant 127 : i32
      %and3A_1533 = vector.broadcast %and3A_1532 : i32 to vector<16xi32>
      %and3A_1534 = arith.andi %gather3A_1528, %and3A_1533 : vector<16xi32>
      %gather3A_1535 = tpu.vector_load_idx %arg8[%shift_right_arithmetic3A_1531, %and3A_1534] : memref<32x128xi32, #tpu.memory_space<vmem>>[vector<16xi32>, vector<16xi32>], vector<16xi32>,
      %gather3A_1536 = tpu.vector_load_idx %arg7[%gather3A_1535] : memref<8192xi32, #tpu.memory_space<vmem>>[vector<16xi32>], vector<16xi32>,
      %mul3A_1537 = arith.constant 4 : i32
      %mul3A_1538 = vector.broadcast %mul3A_1537 : i32 to vector<16xi32>
      %mul3A_1539 = arith.muli %gather3A_1536, %mul3A_1538 : vector<16xi32>
      %add3A_1540 = arith.addi %add3A_1520, %mul3A_1539 : vector<16xi32>
      %broadcast_in_dim3A_1541 = arith.constant 3 : i32
      %broadcast_in_dim3A_1542 = vector.broadcast %broadcast_in_dim3A_1541 : i32 to vector<16xi32>
      %gather3A_1543 = arith.constant 0 : i32
      %gather3A_1544 = arith.constant 0 : i32
      %gather3A_1545 = arith.constant 0 : i32
      %gather3A_1546 = tpu.memref_slice %arg9[%gather3A_1543, %gather3A_1544, %gather3A_1545] : memref<2x128x8xi32, #tpu.memory_space<vmem>> -> memref<1x128x8xi32, #tpu.memory_space<vmem>>
      %gather3A_1547 = tpu.memref_squeeze %gather3A_1546 : memref<1x128x8xi32, #tpu.memory_space<vmem>> -> memref<128x8xi32, #tpu.memory_space<vmem>>
      %gather3A_1548 = tpu.vector_load_idx %gather3A_1547[%add3A_1478, %broadcast_in_dim3A_1542] : memref<128x8xi32, #tpu.memory_space<vmem>>[vector<16xi32>, vector<16xi32>], vector<16xi32>,
      %shift_right_arithmetic3A_1549 = arith.constant 7 : i32
      %shift_right_arithmetic3A_1550 = vector.broadcast %shift_right_arithmetic3A_1549 : i32 to vector<16xi32>
      %shift_right_arithmetic3A_1551 = arith.shrsi %gather3A_1548, %shift_right_arithmetic3A_1550 : vector<16xi32>
      %and3A_1552 = arith.constant 127 : i32
      %and3A_1553 = vector.broadcast %and3A_1552 : i32 to vector<16xi32>
      %and3A_1554 = arith.andi %gather3A_1548, %and3A_1553 : vector<16xi32>
      %gather3A_1555 = tpu.vector_load_idx %arg8[%shift_right_arithmetic3A_1551, %and3A_1554] : memref<32x128xi32, #tpu.memory_space<vmem>>[vector<16xi32>, vector<16xi32>], vector<16xi32>,
      %gather3A_1556 = tpu.vector_load_idx %arg7[%gather3A_1555] : memref<8192xi32, #tpu.memory_space<vmem>>[vector<16xi32>], vector<16xi32>,
      %mul3A_1557 = arith.constant 8 : i32
      %mul3A_1558 = vector.broadcast %mul3A_1557 : i32 to vector<16xi32>
      %mul3A_1559 = arith.muli %gather3A_1556, %mul3A_1558 : vector<16xi32>
      %add3A_1560 = arith.addi %add3A_1540, %mul3A_1559 : vector<16xi32>
      %broadcast_in_dim3A_1561 = arith.constant 4 : i32
      %broadcast_in_dim3A_1562 = vector.broadcast %broadcast_in_dim3A_1561 : i32 to vector<16xi32>
      %gather3A_1563 = arith.constant 0 : i32
      %gather3A_1564 = arith.constant 0 : i32
      %gather3A_1565 = arith.constant 0 : i32
      %gather3A_1566 = tpu.memref_slice %arg9[%gather3A_1563, %gather3A_1564, %gather3A_1565] : memref<2x128x8xi32, #tpu.memory_space<vmem>> -> memref<1x128x8xi32, #tpu.memory_space<vmem>>
      %gather3A_1567 = tpu.memref_squeeze %gather3A_1566 : memref<1x128x8xi32, #tpu.memory_space<vmem>> -> memref<128x8xi32, #tpu.memory_space<vmem>>
      %gather3A_1568 = tpu.vector_load_idx %gather3A_1567[%add3A_1478, %broadcast_in_dim3A_1562] : memref<128x8xi32, #tpu.memory_space<vmem>>[vector<16xi32>, vector<16xi32>], vector<16xi32>,
      %shift_right_arithmetic3A_1569 = arith.constant 7 : i32
      %shift_right_arithmetic3A_1570 = vector.broadcast %shift_right_arithmetic3A_1569 : i32 to vector<16xi32>
      %shift_right_arithmetic3A_1571 = arith.shrsi %gather3A_1568, %shift_right_arithmetic3A_1570 : vector<16xi32>
      %and3A_1572 = arith.constant 127 : i32
      %and3A_1573 = vector.broadcast %and3A_1572 : i32 to vector<16xi32>
      %and3A_1574 = arith.andi %gather3A_1568, %and3A_1573 : vector<16xi32>
      %gather3A_1575 = tpu.vector_load_idx %arg8[%shift_right_arithmetic3A_1571, %and3A_1574] : memref<32x128xi32, #tpu.memory_space<vmem>>[vector<16xi32>, vector<16xi32>], vector<16xi32>,
      %gather3A_1576 = tpu.vector_load_idx %arg7[%gather3A_1575] : memref<8192xi32, #tpu.memory_space<vmem>>[vector<16xi32>], vector<16xi32>,
      %mul3A_1577 = arith.constant 16 : i32
      %mul3A_1578 = vector.broadcast %mul3A_1577 : i32 to vector<16xi32>
      %mul3A_1579 = arith.muli %gather3A_1576, %mul3A_1578 : vector<16xi32>
      %add3A_1580 = arith.addi %add3A_1560, %mul3A_1579 : vector<16xi32>
      %broadcast_in_dim3A_1581 = arith.constant 5 : i32
      %broadcast_in_dim3A_1582 = vector.broadcast %broadcast_in_dim3A_1581 : i32 to vector<16xi32>
      %gather3A_1583 = arith.constant 0 : i32
      %gather3A_1584 = arith.constant 0 : i32
      %gather3A_1585 = arith.constant 0 : i32
      %gather3A_1586 = tpu.memref_slice %arg9[%gather3A_1583, %gather3A_1584, %gather3A_1585] : memref<2x128x8xi32, #tpu.memory_space<vmem>> -> memref<1x128x8xi32, #tpu.memory_space<vmem>>
      %gather3A_1587 = tpu.memref_squeeze %gather3A_1586 : memref<1x128x8xi32, #tpu.memory_space<vmem>> -> memref<128x8xi32, #tpu.memory_space<vmem>>
      %gather3A_1588 = tpu.vector_load_idx %gather3A_1587[%add3A_1478, %broadcast_in_dim3A_1582] : memref<128x8xi32, #tpu.memory_space<vmem>>[vector<16xi32>, vector<16xi32>], vector<16xi32>,
      %shift_right_arithmetic3A_1589 = arith.constant 7 : i32
      %shift_right_arithmetic3A_1590 = vector.broadcast %shift_right_arithmetic3A_1589 : i32 to vector<16xi32>
      %shift_right_arithmetic3A_1591 = arith.shrsi %gather3A_1588, %shift_right_arithmetic3A_1590 : vector<16xi32>
      %and3A_1592 = arith.constant 127 : i32
      %and3A_1593 = vector.broadcast %and3A_1592 : i32 to vector<16xi32>
      %and3A_1594 = arith.andi %gather3A_1588, %and3A_1593 : vector<16xi32>
      %gather3A_1595 = tpu.vector_load_idx %arg8[%shift_right_arithmetic3A_1591, %and3A_1594] : memref<32x128xi32, #tpu.memory_space<vmem>>[vector<16xi32>, vector<16xi32>], vector<16xi32>,
      %gather3A_1596 = tpu.vector_load_idx %arg7[%gather3A_1595] : memref<8192xi32, #tpu.memory_space<vmem>>[vector<16xi32>], vector<16xi32>,
      %mul3A_1597 = arith.constant 32 : i32
      %mul3A_1598 = vector.broadcast %mul3A_1597 : i32 to vector<16xi32>
      %mul3A_1599 = arith.muli %gather3A_1596, %mul3A_1598 : vector<16xi32>
      %add3A_1600 = arith.addi %add3A_1580, %mul3A_1599 : vector<16xi32>
      %broadcast_in_dim3A_1601 = arith.constant 6 : i32
      %broadcast_in_dim3A_1602 = vector.broadcast %broadcast_in_dim3A_1601 : i32 to vector<16xi32>
      %gather3A_1603 = arith.constant 0 : i32
      %gather3A_1604 = arith.constant 0 : i32
      %gather3A_1605 = arith.constant 0 : i32
      %gather3A_1606 = tpu.memref_slice %arg9[%gather3A_1603, %gather3A_1604, %gather3A_1605] : memref<2x128x8xi32, #tpu.memory_space<vmem>> -> memref<1x128x8xi32, #tpu.memory_space<vmem>>
      %gather3A_1607 = tpu.memref_squeeze %gather3A_1606 : memref<1x128x8xi32, #tpu.memory_space<vmem>> -> memref<128x8xi32, #tpu.memory_space<vmem>>
      %gather3A_1608 = tpu.vector_load_idx %gather3A_1607[%add3A_1478, %broadcast_in_dim3A_1602] : memref<128x8xi32, #tpu.memory_space<vmem>>[vector<16xi32>, vector<16xi32>], vector<16xi32>,
      %shift_right_arithmetic3A_1609 = arith.constant 7 : i32
      %shift_right_arithmetic3A_1610 = vector.broadcast %shift_right_arithmetic3A_1609 : i32 to vector<16xi32>
      %shift_right_arithmetic3A_1611 = arith.shrsi %gather3A_1608, %shift_right_arithmetic3A_1610 : vector<16xi32>
      %and3A_1612 = arith.constant 127 : i32
      %and3A_1613 = vector.broadcast %and3A_1612 : i32 to vector<16xi32>
      %and3A_1614 = arith.andi %gather3A_1608, %and3A_1613 : vector<16xi32>
      %gather3A_1615 = tpu.vector_load_idx %arg8[%shift_right_arithmetic3A_1611, %and3A_1614] : memref<32x128xi32, #tpu.memory_space<vmem>>[vector<16xi32>, vector<16xi32>], vector<16xi32>,
      %gather3A_1616 = tpu.vector_load_idx %arg7[%gather3A_1615] : memref<8192xi32, #tpu.memory_space<vmem>>[vector<16xi32>], vector<16xi32>,
      %mul3A_1617 = arith.constant 64 : i32
      %mul3A_1618 = vector.broadcast %mul3A_1617 : i32 to vector<16xi32>
      %mul3A_1619 = arith.muli %gather3A_1616, %mul3A_1618 : vector<16xi32>
      %add3A_1620 = arith.addi %add3A_1600, %mul3A_1619 : vector<16xi32>
      %broadcast_in_dim3A_1621 = arith.constant 7 : i32
      %broadcast_in_dim3A_1622 = vector.broadcast %broadcast_in_dim3A_1621 : i32 to vector<16xi32>
      %gather3A_1623 = arith.constant 0 : i32
      %gather3A_1624 = arith.constant 0 : i32
      %gather3A_1625 = arith.constant 0 : i32
      %gather3A_1626 = tpu.memref_slice %arg9[%gather3A_1623, %gather3A_1624, %gather3A_1625] : memref<2x128x8xi32, #tpu.memory_space<vmem>> -> memref<1x128x8xi32, #tpu.memory_space<vmem>>
      %gather3A_1627 = tpu.memref_squeeze %gather3A_1626 : memref<1x128x8xi32, #tpu.memory_space<vmem>> -> memref<128x8xi32, #tpu.memory_space<vmem>>
      %gather3A_1628 = tpu.vector_load_idx %gather3A_1627[%add3A_1478, %broadcast_in_dim3A_1622] : memref<128x8xi32, #tpu.memory_space<vmem>>[vector<16xi32>, vector<16xi32>], vector<16xi32>,
      %shift_right_arithmetic3A_1629 = arith.constant 7 : i32
      %shift_right_arithmetic3A_1630 = vector.broadcast %shift_right_arithmetic3A_1629 : i32 to vector<16xi32>
      %shift_right_arithmetic3A_1631 = arith.shrsi %gather3A_1628, %shift_right_arithmetic3A_1630 : vector<16xi32>
      %and3A_1632 = arith.constant 127 : i32
      %and3A_1633 = vector.broadcast %and3A_1632 : i32 to vector<16xi32>
      %and3A_1634 = arith.andi %gather3A_1628, %and3A_1633 : vector<16xi32>
      %gather3A_1635 = tpu.vector_load_idx %arg8[%shift_right_arithmetic3A_1631, %and3A_1634] : memref<32x128xi32, #tpu.memory_space<vmem>>[vector<16xi32>, vector<16xi32>], vector<16xi32>,
      %gather3A_1636 = tpu.vector_load_idx %arg7[%gather3A_1635] : memref<8192xi32, #tpu.memory_space<vmem>>[vector<16xi32>], vector<16xi32>,
      %mul3A_1637 = arith.constant 128 : i32
      %mul3A_1638 = vector.broadcast %mul3A_1637 : i32 to vector<16xi32>
      %mul3A_1639 = arith.muli %gather3A_1636, %mul3A_1638 : vector<16xi32>
      %add3A_1640 = arith.addi %add3A_1620, %mul3A_1639 : vector<16xi32>
      %gather3A_1641 = arith.constant 0 : i32
      %gather3A_1642 = arith.constant 0 : i32
      %gather3A_1643 = arith.constant 0 : i32
      %gather3A_1644 = tpu.memref_slice %arg10[%gather3A_1641, %gather3A_1642, %gather3A_1643] : memref<2x128x256xf32, #tpu.memory_space<vmem>> -> memref<1x128x256xf32, #tpu.memory_space<vmem>>
      %gather3A_1645 = tpu.memref_squeeze %gather3A_1644 : memref<1x128x256xf32, #tpu.memory_space<vmem>> -> memref<128x256xf32, #tpu.memory_space<vmem>>
      %gather3A_1646 = tpu.vector_load_idx %gather3A_1645[%add3A_1478, %add3A_1640] : memref<128x256xf32, #tpu.memory_space<vmem>>[vector<16xi32>, vector<16xi32>], vector<16xf32>,
      %gt3A_1647 = arith.constant 5.000000e-01 : f32
      %gt3A_1648 = vector.broadcast %gt3A_1647 : f32 to vector<16xf32>
      %gt3A_1649 = arith.cmpf ogt, %gather3A_1646, %gt3A_1648 : vector<16xf32>
      %jit3A_1650 = arith.constant 1 : i32
      %jit3A_1651 = arith.constant 0 : i32
      %broadcast_in_dim3A_1652 = vector.broadcast %jit3A_1650 : i32 to vector<16xi32>
      %broadcast_in_dim3A_1653 = vector.broadcast %jit3A_1651 : i32 to vector<16xi32>
      %select_n3A_1654 = arith.select %gt3A_1649, %broadcast_in_dim3A_1652, %broadcast_in_dim3A_1653 : vector<16xi1>, vector<16xi32>
      %swap3A_1655 = arith.index_cast %add3A_359 : i32 to index
      %swap3A_1656 = arith.constant 96 : index
      %swap3A_1657 = tpu.vector_load %arg11[%swap3A_1655, %swap3A_1656] {strides = array<i32>} : memref<16x128xi32, #tpu.memory_space<vmem>>, vector<16xi32>,
      tpu.vector_store %arg11[%swap3A_1655, %swap3A_1656], %select_n3A_1654 {strides = array<i32>} : memref<16x128xi32, #tpu.memory_space<vmem>>, vector<16xi32>,
      %add3A_1658 = arith.constant 112 : i32
      %add3A_1659 = vector.broadcast %add3A_1658 : i32 to vector<16xi32>
      %add3A_1660 = arith.addi %add3A_1659, %iota3A : vector<16xi32>
      %broadcast_in_dim3A_1661 = arith.constant 0 : i32
      %broadcast_in_dim3A_1662 = vector.broadcast %broadcast_in_dim3A_1661 : i32 to vector<16xi32>
      %broadcast_in_dim3A_1663 = arith.constant 0 : i32
      %broadcast_in_dim3A_1664 = vector.broadcast %broadcast_in_dim3A_1663 : i32 to vector<16xi32>
      %gather3A_1665 = arith.constant 0 : i32
      %gather3A_1666 = arith.constant 0 : i32
      %gather3A_1667 = arith.constant 0 : i32
      %gather3A_1668 = tpu.memref_slice %arg9[%gather3A_1665, %gather3A_1666, %gather3A_1667] : memref<2x128x8xi32, #tpu.memory_space<vmem>> -> memref<1x128x8xi32, #tpu.memory_space<vmem>>
      %gather3A_1669 = tpu.memref_squeeze %gather3A_1668 : memref<1x128x8xi32, #tpu.memory_space<vmem>> -> memref<128x8xi32, #tpu.memory_space<vmem>>
      %gather3A_1670 = tpu.vector_load_idx %gather3A_1669[%add3A_1660, %broadcast_in_dim3A_1664] : memref<128x8xi32, #tpu.memory_space<vmem>>[vector<16xi32>, vector<16xi32>], vector<16xi32>,
      %shift_right_arithmetic3A_1671 = arith.constant 7 : i32
      %shift_right_arithmetic3A_1672 = vector.broadcast %shift_right_arithmetic3A_1671 : i32 to vector<16xi32>
      %shift_right_arithmetic3A_1673 = arith.shrsi %gather3A_1670, %shift_right_arithmetic3A_1672 : vector<16xi32>
      %and3A_1674 = arith.constant 127 : i32
      %and3A_1675 = vector.broadcast %and3A_1674 : i32 to vector<16xi32>
      %and3A_1676 = arith.andi %gather3A_1670, %and3A_1675 : vector<16xi32>
      %gather3A_1677 = tpu.vector_load_idx %arg8[%shift_right_arithmetic3A_1673, %and3A_1676] : memref<32x128xi32, #tpu.memory_space<vmem>>[vector<16xi32>, vector<16xi32>], vector<16xi32>,
      %gather3A_1678 = tpu.vector_load_idx %arg7[%gather3A_1677] : memref<8192xi32, #tpu.memory_space<vmem>>[vector<16xi32>], vector<16xi32>,
      %mul3A_1679 = arith.constant 1 : i32
      %mul3A_1680 = vector.broadcast %mul3A_1679 : i32 to vector<16xi32>
      %mul3A_1681 = arith.muli %gather3A_1678, %mul3A_1680 : vector<16xi32>
      %add3A_1682 = arith.addi %broadcast_in_dim3A_1662, %mul3A_1681 : vector<16xi32>
      %broadcast_in_dim3A_1683 = arith.constant 1 : i32
      %broadcast_in_dim3A_1684 = vector.broadcast %broadcast_in_dim3A_1683 : i32 to vector<16xi32>
      %gather3A_1685 = arith.constant 0 : i32
      %gather3A_1686 = arith.constant 0 : i32
      %gather3A_1687 = arith.constant 0 : i32
      %gather3A_1688 = tpu.memref_slice %arg9[%gather3A_1685, %gather3A_1686, %gather3A_1687] : memref<2x128x8xi32, #tpu.memory_space<vmem>> -> memref<1x128x8xi32, #tpu.memory_space<vmem>>
      %gather3A_1689 = tpu.memref_squeeze %gather3A_1688 : memref<1x128x8xi32, #tpu.memory_space<vmem>> -> memref<128x8xi32, #tpu.memory_space<vmem>>
      %gather3A_1690 = tpu.vector_load_idx %gather3A_1689[%add3A_1660, %broadcast_in_dim3A_1684] : memref<128x8xi32, #tpu.memory_space<vmem>>[vector<16xi32>, vector<16xi32>], vector<16xi32>,
      %shift_right_arithmetic3A_1691 = arith.constant 7 : i32
      %shift_right_arithmetic3A_1692 = vector.broadcast %shift_right_arithmetic3A_1691 : i32 to vector<16xi32>
      %shift_right_arithmetic3A_1693 = arith.shrsi %gather3A_1690, %shift_right_arithmetic3A_1692 : vector<16xi32>
      %and3A_1694 = arith.constant 127 : i32
      %and3A_1695 = vector.broadcast %and3A_1694 : i32 to vector<16xi32>
      %and3A_1696 = arith.andi %gather3A_1690, %and3A_1695 : vector<16xi32>
      %gather3A_1697 = tpu.vector_load_idx %arg8[%shift_right_arithmetic3A_1693, %and3A_1696] : memref<32x128xi32, #tpu.memory_space<vmem>>[vector<16xi32>, vector<16xi32>], vector<16xi32>,
      %gather3A_1698 = tpu.vector_load_idx %arg7[%gather3A_1697] : memref<8192xi32, #tpu.memory_space<vmem>>[vector<16xi32>], vector<16xi32>,
      %mul3A_1699 = arith.constant 2 : i32
      %mul3A_1700 = vector.broadcast %mul3A_1699 : i32 to vector<16xi32>
      %mul3A_1701 = arith.muli %gather3A_1698, %mul3A_1700 : vector<16xi32>
      %add3A_1702 = arith.addi %add3A_1682, %mul3A_1701 : vector<16xi32>
      %broadcast_in_dim3A_1703 = arith.constant 2 : i32
      %broadcast_in_dim3A_1704 = vector.broadcast %broadcast_in_dim3A_1703 : i32 to vector<16xi32>
      %gather3A_1705 = arith.constant 0 : i32
      %gather3A_1706 = arith.constant 0 : i32
      %gather3A_1707 = arith.constant 0 : i32
      %gather3A_1708 = tpu.memref_slice %arg9[%gather3A_1705, %gather3A_1706, %gather3A_1707] : memref<2x128x8xi32, #tpu.memory_space<vmem>> -> memref<1x128x8xi32, #tpu.memory_space<vmem>>
      %gather3A_1709 = tpu.memref_squeeze %gather3A_1708 : memref<1x128x8xi32, #tpu.memory_space<vmem>> -> memref<128x8xi32, #tpu.memory_space<vmem>>
      %gather3A_1710 = tpu.vector_load_idx %gather3A_1709[%add3A_1660, %broadcast_in_dim3A_1704] : memref<128x8xi32, #tpu.memory_space<vmem>>[vector<16xi32>, vector<16xi32>], vector<16xi32>,
      %shift_right_arithmetic3A_1711 = arith.constant 7 : i32
      %shift_right_arithmetic3A_1712 = vector.broadcast %shift_right_arithmetic3A_1711 : i32 to vector<16xi32>
      %shift_right_arithmetic3A_1713 = arith.shrsi %gather3A_1710, %shift_right_arithmetic3A_1712 : vector<16xi32>
      %and3A_1714 = arith.constant 127 : i32
      %and3A_1715 = vector.broadcast %and3A_1714 : i32 to vector<16xi32>
      %and3A_1716 = arith.andi %gather3A_1710, %and3A_1715 : vector<16xi32>
      %gather3A_1717 = tpu.vector_load_idx %arg8[%shift_right_arithmetic3A_1713, %and3A_1716] : memref<32x128xi32, #tpu.memory_space<vmem>>[vector<16xi32>, vector<16xi32>], vector<16xi32>,
      %gather3A_1718 = tpu.vector_load_idx %arg7[%gather3A_1717] : memref<8192xi32, #tpu.memory_space<vmem>>[vector<16xi32>], vector<16xi32>,
      %mul3A_1719 = arith.constant 4 : i32
      %mul3A_1720 = vector.broadcast %mul3A_1719 : i32 to vector<16xi32>
      %mul3A_1721 = arith.muli %gather3A_1718, %mul3A_1720 : vector<16xi32>
      %add3A_1722 = arith.addi %add3A_1702, %mul3A_1721 : vector<16xi32>
      %broadcast_in_dim3A_1723 = arith.constant 3 : i32
      %broadcast_in_dim3A_1724 = vector.broadcast %broadcast_in_dim3A_1723 : i32 to vector<16xi32>
      %gather3A_1725 = arith.constant 0 : i32
      %gather3A_1726 = arith.constant 0 : i32
      %gather3A_1727 = arith.constant 0 : i32
      %gather3A_1728 = tpu.memref_slice %arg9[%gather3A_1725, %gather3A_1726, %gather3A_1727] : memref<2x128x8xi32, #tpu.memory_space<vmem>> -> memref<1x128x8xi32, #tpu.memory_space<vmem>>
      %gather3A_1729 = tpu.memref_squeeze %gather3A_1728 : memref<1x128x8xi32, #tpu.memory_space<vmem>> -> memref<128x8xi32, #tpu.memory_space<vmem>>
      %gather3A_1730 = tpu.vector_load_idx %gather3A_1729[%add3A_1660, %broadcast_in_dim3A_1724] : memref<128x8xi32, #tpu.memory_space<vmem>>[vector<16xi32>, vector<16xi32>], vector<16xi32>,
      %shift_right_arithmetic3A_1731 = arith.constant 7 : i32
      %shift_right_arithmetic3A_1732 = vector.broadcast %shift_right_arithmetic3A_1731 : i32 to vector<16xi32>
      %shift_right_arithmetic3A_1733 = arith.shrsi %gather3A_1730, %shift_right_arithmetic3A_1732 : vector<16xi32>
      %and3A_1734 = arith.constant 127 : i32
      %and3A_1735 = vector.broadcast %and3A_1734 : i32 to vector<16xi32>
      %and3A_1736 = arith.andi %gather3A_1730, %and3A_1735 : vector<16xi32>
      %gather3A_1737 = tpu.vector_load_idx %arg8[%shift_right_arithmetic3A_1733, %and3A_1736] : memref<32x128xi32, #tpu.memory_space<vmem>>[vector<16xi32>, vector<16xi32>], vector<16xi32>,
      %gather3A_1738 = tpu.vector_load_idx %arg7[%gather3A_1737] : memref<8192xi32, #tpu.memory_space<vmem>>[vector<16xi32>], vector<16xi32>,
      %mul3A_1739 = arith.constant 8 : i32
      %mul3A_1740 = vector.broadcast %mul3A_1739 : i32 to vector<16xi32>
      %mul3A_1741 = arith.muli %gather3A_1738, %mul3A_1740 : vector<16xi32>
      %add3A_1742 = arith.addi %add3A_1722, %mul3A_1741 : vector<16xi32>
      %broadcast_in_dim3A_1743 = arith.constant 4 : i32
      %broadcast_in_dim3A_1744 = vector.broadcast %broadcast_in_dim3A_1743 : i32 to vector<16xi32>
      %gather3A_1745 = arith.constant 0 : i32
      %gather3A_1746 = arith.constant 0 : i32
      %gather3A_1747 = arith.constant 0 : i32
      %gather3A_1748 = tpu.memref_slice %arg9[%gather3A_1745, %gather3A_1746, %gather3A_1747] : memref<2x128x8xi32, #tpu.memory_space<vmem>> -> memref<1x128x8xi32, #tpu.memory_space<vmem>>
      %gather3A_1749 = tpu.memref_squeeze %gather3A_1748 : memref<1x128x8xi32, #tpu.memory_space<vmem>> -> memref<128x8xi32, #tpu.memory_space<vmem>>
      %gather3A_1750 = tpu.vector_load_idx %gather3A_1749[%add3A_1660, %broadcast_in_dim3A_1744] : memref<128x8xi32, #tpu.memory_space<vmem>>[vector<16xi32>, vector<16xi32>], vector<16xi32>,
      %shift_right_arithmetic3A_1751 = arith.constant 7 : i32
      %shift_right_arithmetic3A_1752 = vector.broadcast %shift_right_arithmetic3A_1751 : i32 to vector<16xi32>
      %shift_right_arithmetic3A_1753 = arith.shrsi %gather3A_1750, %shift_right_arithmetic3A_1752 : vector<16xi32>
      %and3A_1754 = arith.constant 127 : i32
      %and3A_1755 = vector.broadcast %and3A_1754 : i32 to vector<16xi32>
      %and3A_1756 = arith.andi %gather3A_1750, %and3A_1755 : vector<16xi32>
      %gather3A_1757 = tpu.vector_load_idx %arg8[%shift_right_arithmetic3A_1753, %and3A_1756] : memref<32x128xi32, #tpu.memory_space<vmem>>[vector<16xi32>, vector<16xi32>], vector<16xi32>,
      %gather3A_1758 = tpu.vector_load_idx %arg7[%gather3A_1757] : memref<8192xi32, #tpu.memory_space<vmem>>[vector<16xi32>], vector<16xi32>,
      %mul3A_1759 = arith.constant 16 : i32
      %mul3A_1760 = vector.broadcast %mul3A_1759 : i32 to vector<16xi32>
      %mul3A_1761 = arith.muli %gather3A_1758, %mul3A_1760 : vector<16xi32>
      %add3A_1762 = arith.addi %add3A_1742, %mul3A_1761 : vector<16xi32>
      %broadcast_in_dim3A_1763 = arith.constant 5 : i32
      %broadcast_in_dim3A_1764 = vector.broadcast %broadcast_in_dim3A_1763 : i32 to vector<16xi32>
      %gather3A_1765 = arith.constant 0 : i32
      %gather3A_1766 = arith.constant 0 : i32
      %gather3A_1767 = arith.constant 0 : i32
      %gather3A_1768 = tpu.memref_slice %arg9[%gather3A_1765, %gather3A_1766, %gather3A_1767] : memref<2x128x8xi32, #tpu.memory_space<vmem>> -> memref<1x128x8xi32, #tpu.memory_space<vmem>>
      %gather3A_1769 = tpu.memref_squeeze %gather3A_1768 : memref<1x128x8xi32, #tpu.memory_space<vmem>> -> memref<128x8xi32, #tpu.memory_space<vmem>>
      %gather3A_1770 = tpu.vector_load_idx %gather3A_1769[%add3A_1660, %broadcast_in_dim3A_1764] : memref<128x8xi32, #tpu.memory_space<vmem>>[vector<16xi32>, vector<16xi32>], vector<16xi32>,
      %shift_right_arithmetic3A_1771 = arith.constant 7 : i32
      %shift_right_arithmetic3A_1772 = vector.broadcast %shift_right_arithmetic3A_1771 : i32 to vector<16xi32>
      %shift_right_arithmetic3A_1773 = arith.shrsi %gather3A_1770, %shift_right_arithmetic3A_1772 : vector<16xi32>
      %and3A_1774 = arith.constant 127 : i32
      %and3A_1775 = vector.broadcast %and3A_1774 : i32 to vector<16xi32>
      %and3A_1776 = arith.andi %gather3A_1770, %and3A_1775 : vector<16xi32>
      %gather3A_1777 = tpu.vector_load_idx %arg8[%shift_right_arithmetic3A_1773, %and3A_1776] : memref<32x128xi32, #tpu.memory_space<vmem>>[vector<16xi32>, vector<16xi32>], vector<16xi32>,
      %gather3A_1778 = tpu.vector_load_idx %arg7[%gather3A_1777] : memref<8192xi32, #tpu.memory_space<vmem>>[vector<16xi32>], vector<16xi32>,
      %mul3A_1779 = arith.constant 32 : i32
      %mul3A_1780 = vector.broadcast %mul3A_1779 : i32 to vector<16xi32>
      %mul3A_1781 = arith.muli %gather3A_1778, %mul3A_1780 : vector<16xi32>
      %add3A_1782 = arith.addi %add3A_1762, %mul3A_1781 : vector<16xi32>
      %broadcast_in_dim3A_1783 = arith.constant 6 : i32
      %broadcast_in_dim3A_1784 = vector.broadcast %broadcast_in_dim3A_1783 : i32 to vector<16xi32>
      %gather3A_1785 = arith.constant 0 : i32
      %gather3A_1786 = arith.constant 0 : i32
      %gather3A_1787 = arith.constant 0 : i32
      %gather3A_1788 = tpu.memref_slice %arg9[%gather3A_1785, %gather3A_1786, %gather3A_1787] : memref<2x128x8xi32, #tpu.memory_space<vmem>> -> memref<1x128x8xi32, #tpu.memory_space<vmem>>
      %gather3A_1789 = tpu.memref_squeeze %gather3A_1788 : memref<1x128x8xi32, #tpu.memory_space<vmem>> -> memref<128x8xi32, #tpu.memory_space<vmem>>
      %gather3A_1790 = tpu.vector_load_idx %gather3A_1789[%add3A_1660, %broadcast_in_dim3A_1784] : memref<128x8xi32, #tpu.memory_space<vmem>>[vector<16xi32>, vector<16xi32>], vector<16xi32>,
      %shift_right_arithmetic3A_1791 = arith.constant 7 : i32
      %shift_right_arithmetic3A_1792 = vector.broadcast %shift_right_arithmetic3A_1791 : i32 to vector<16xi32>
      %shift_right_arithmetic3A_1793 = arith.shrsi %gather3A_1790, %shift_right_arithmetic3A_1792 : vector<16xi32>
      %and3A_1794 = arith.constant 127 : i32
      %and3A_1795 = vector.broadcast %and3A_1794 : i32 to vector<16xi32>
      %and3A_1796 = arith.andi %gather3A_1790, %and3A_1795 : vector<16xi32>
      %gather3A_1797 = tpu.vector_load_idx %arg8[%shift_right_arithmetic3A_1793, %and3A_1796] : memref<32x128xi32, #tpu.memory_space<vmem>>[vector<16xi32>, vector<16xi32>], vector<16xi32>,
      %gather3A_1798 = tpu.vector_load_idx %arg7[%gather3A_1797] : memref<8192xi32, #tpu.memory_space<vmem>>[vector<16xi32>], vector<16xi32>,
      %mul3A_1799 = arith.constant 64 : i32
      %mul3A_1800 = vector.broadcast %mul3A_1799 : i32 to vector<16xi32>
      %mul3A_1801 = arith.muli %gather3A_1798, %mul3A_1800 : vector<16xi32>
      %add3A_1802 = arith.addi %add3A_1782, %mul3A_1801 : vector<16xi32>
      %broadcast_in_dim3A_1803 = arith.constant 7 : i32
      %broadcast_in_dim3A_1804 = vector.broadcast %broadcast_in_dim3A_1803 : i32 to vector<16xi32>
      %gather3A_1805 = arith.constant 0 : i32
      %gather3A_1806 = arith.constant 0 : i32
      %gather3A_1807 = arith.constant 0 : i32
      %gather3A_1808 = tpu.memref_slice %arg9[%gather3A_1805, %gather3A_1806, %gather3A_1807] : memref<2x128x8xi32, #tpu.memory_space<vmem>> -> memref<1x128x8xi32, #tpu.memory_space<vmem>>
      %gather3A_1809 = tpu.memref_squeeze %gather3A_1808 : memref<1x128x8xi32, #tpu.memory_space<vmem>> -> memref<128x8xi32, #tpu.memory_space<vmem>>
      %gather3A_1810 = tpu.vector_load_idx %gather3A_1809[%add3A_1660, %broadcast_in_dim3A_1804] : memref<128x8xi32, #tpu.memory_space<vmem>>[vector<16xi32>, vector<16xi32>], vector<16xi32>,
      %shift_right_arithmetic3A_1811 = arith.constant 7 : i32
      %shift_right_arithmetic3A_1812 = vector.broadcast %shift_right_arithmetic3A_1811 : i32 to vector<16xi32>
      %shift_right_arithmetic3A_1813 = arith.shrsi %gather3A_1810, %shift_right_arithmetic3A_1812 : vector<16xi32>
      %and3A_1814 = arith.constant 127 : i32
      %and3A_1815 = vector.broadcast %and3A_1814 : i32 to vector<16xi32>
      %and3A_1816 = arith.andi %gather3A_1810, %and3A_1815 : vector<16xi32>
      %gather3A_1817 = tpu.vector_load_idx %arg8[%shift_right_arithmetic3A_1813, %and3A_1816] : memref<32x128xi32, #tpu.memory_space<vmem>>[vector<16xi32>, vector<16xi32>], vector<16xi32>,
      %gather3A_1818 = tpu.vector_load_idx %arg7[%gather3A_1817] : memref<8192xi32, #tpu.memory_space<vmem>>[vector<16xi32>], vector<16xi32>,
      %mul3A_1819 = arith.constant 128 : i32
      %mul3A_1820 = vector.broadcast %mul3A_1819 : i32 to vector<16xi32>
      %mul3A_1821 = arith.muli %gather3A_1818, %mul3A_1820 : vector<16xi32>
      %add3A_1822 = arith.addi %add3A_1802, %mul3A_1821 : vector<16xi32>
      %gather3A_1823 = arith.constant 0 : i32
      %gather3A_1824 = arith.constant 0 : i32
      %gather3A_1825 = arith.constant 0 : i32
      %gather3A_1826 = tpu.memref_slice %arg10[%gather3A_1823, %gather3A_1824, %gather3A_1825] : memref<2x128x256xf32, #tpu.memory_space<vmem>> -> memref<1x128x256xf32, #tpu.memory_space<vmem>>
      %gather3A_1827 = tpu.memref_squeeze %gather3A_1826 : memref<1x128x256xf32, #tpu.memory_space<vmem>> -> memref<128x256xf32, #tpu.memory_space<vmem>>
      %gather3A_1828 = tpu.vector_load_idx %gather3A_1827[%add3A_1660, %add3A_1822] : memref<128x256xf32, #tpu.memory_space<vmem>>[vector<16xi32>, vector<16xi32>], vector<16xf32>,
      %gt3A_1829 = arith.constant 5.000000e-01 : f32
      %gt3A_1830 = vector.broadcast %gt3A_1829 : f32 to vector<16xf32>
      %gt3A_1831 = arith.cmpf ogt, %gather3A_1828, %gt3A_1830 : vector<16xf32>
      %jit3A_1832 = arith.constant 1 : i32
      %jit3A_1833 = arith.constant 0 : i32
      %broadcast_in_dim3A_1834 = vector.broadcast %jit3A_1832 : i32 to vector<16xi32>
      %broadcast_in_dim3A_1835 = vector.broadcast %jit3A_1833 : i32 to vector<16xi32>
      %select_n3A_1836 = arith.select %gt3A_1831, %broadcast_in_dim3A_1834, %broadcast_in_dim3A_1835 : vector<16xi1>, vector<16xi32>
      %swap3A_1837 = arith.index_cast %add3A_359 : i32 to index
      %swap3A_1838 = arith.constant 112 : index
      %swap3A_1839 = tpu.vector_load %arg11[%swap3A_1837, %swap3A_1838] {strides = array<i32>} : memref<16x128xi32, #tpu.memory_space<vmem>>, vector<16xi32>,
      tpu.vector_store %arg11[%swap3A_1837, %swap3A_1838], %select_n3A_1836 {strides = array<i32>} : memref<16x128xi32, #tpu.memory_space<vmem>>, vector<16xi32>,
      %lt3A_1840 = arith.constant 6 : i32
      %lt3A_1841 = arith.cmpi slt, %add3A_359, %lt3A_1840 : i32
      %convert_element_type3A_1842 = arith.extui %lt3A_1841 : i1 to i32
      %cond3A_1843 = arith.constant 0 : i32
      %cond3A_1844 = arith.cmpi ne, %convert_element_type3A_1842, %cond3A_1843 : i32
      scf.if %cond3A_1844 {
        %add3A_3340 = arith.constant 2 : i32
        %add3A_3341 = arith.addi %add3A_359, %add3A_3340 : i32
        %mul3A_3342 = arith.constant 128 : i32
        %mul3A_3343 = arith.muli %add3A_3341, %mul3A_3342 : i32
        %add3A_3344 = arith.addi %mul3A_0, %mul3A_3343 : i32
        %dma_start3A_3345 = arith.constant 0 : i32
        %dma_start3A_3346 = arith.constant 0 : i32
        %dma_start3A_3347 = arith.constant 0 : i32
        %dma_start3A_3348 = tpu.memref_slice %arg10[%dma_start3A_3345, %dma_start3A_3346, %dma_start3A_3347] : memref<2x128x256xf32, #tpu.memory_space<vmem>> -> memref<1x128x256xf32, #tpu.memory_space<vmem>>
        %dma_start3A_3349 = tpu.memref_squeeze %dma_start3A_3348 : memref<1x128x256xf32, #tpu.memory_space<vmem>> -> memref<128x256xf32, #tpu.memory_space<vmem>>
        %dma_start3A_3350 = arith.constant 0 : i32
        %dma_start3A_3351 = tpu.memref_slice %arg5[%arg1, %add3A_3344, %dma_start3A_3350] : memref<16x2048x256xf32, #tpu.memory_space<hbm>> -> memref<1x128x256xf32, #tpu.memory_space<hbm>>
        %dma_start3A_3352 = tpu.memref_squeeze %dma_start3A_3351 : memref<1x128x256xf32, #tpu.memory_space<hbm>> -> memref<128x256xf32, #tpu.memory_space<hbm>>
        %dma_start3A_3353 = arith.constant 0 : i32
        %dma_start3A_3354 = arith.constant 0 : i32
        %dma_start3A_3355 = tpu.memref_slice %arg10[%dma_start3A_3345, %dma_start3A_3353, %dma_start3A_3354] : memref<2x128x256xf32, #tpu.memory_space<vmem>> -> memref<1x128x256xf32, #tpu.memory_space<vmem>>
        %dma_start3A_3356 = tpu.memref_squeeze %dma_start3A_3355 : memref<1x128x256xf32, #tpu.memory_space<vmem>> -> memref<128x256xf32, #tpu.memory_space<vmem>>
        %dma_start3A_3357 = arith.constant 0 : i32
        %dma_start3A_3358 = tpu.memref_slice %arg5[%arg1, %add3A_3344, %dma_start3A_3357] : memref<16x2048x256xf32, #tpu.memory_space<hbm>> -> memref<1x128x256xf32, #tpu.memory_space<hbm>>
        %dma_start3A_3359 = tpu.memref_squeeze %dma_start3A_3358 : memref<1x128x256xf32, #tpu.memory_space<hbm>> -> memref<128x256xf32, #tpu.memory_space<hbm>>
        tpu.enqueue_dma source(%dma_start3A_3359 : memref<128x256xf32, #tpu.memory_space<hbm>>) target(%dma_start3A_3356 : memref<128x256xf32, #tpu.memory_space<vmem>>) target_semaphore(%arg17 : memref<!tpu.dma_semaphore, #tpu.memory_space<semaphore_mem>>)
        %add3A_3360 = arith.constant 2 : i32
        %add3A_3361 = arith.addi %add3A_359, %add3A_3360 : i32
        %mul3A_3362 = arith.constant 128 : i32
        %mul3A_3363 = arith.muli %add3A_3361, %mul3A_3362 : i32
        %add3A_3364 = arith.addi %mul3A_0, %mul3A_3363 : i32
        %dma_start3A_3365 = arith.constant 0 : i32
        %dma_start3A_3366 = arith.constant 0 : i32
        %dma_start3A_3367 = arith.constant 0 : i32
        %dma_start3A_3368 = tpu.memref_slice %arg9[%dma_start3A_3365, %dma_start3A_3366, %dma_start3A_3367] : memref<2x128x8xi32, #tpu.memory_space<vmem>> -> memref<1x128x8xi32, #tpu.memory_space<vmem>>
        %dma_start3A_3369 = tpu.memref_squeeze %dma_start3A_3368 : memref<1x128x8xi32, #tpu.memory_space<vmem>> -> memref<128x8xi32, #tpu.memory_space<vmem>>
        %dma_start3A_3370 = arith.constant 0 : i32
        %dma_start3A_3371 = tpu.memref_slice %arg4[%arg1, %add3A_3364, %dma_start3A_3370] : memref<16x2048x8xi32, #tpu.memory_space<hbm>> -> memref<1x128x8xi32, #tpu.memory_space<hbm>>
        %dma_start3A_3372 = tpu.memref_squeeze %dma_start3A_3371 : memref<1x128x8xi32, #tpu.memory_space<hbm>> -> memref<128x8xi32, #tpu.memory_space<hbm>>
        %dma_start3A_3373 = arith.constant 0 : i32
        %dma_start3A_3374 = arith.constant 0 : i32
        %dma_start3A_3375 = tpu.memref_slice %arg9[%dma_start3A_3365, %dma_start3A_3373, %dma_start3A_3374] : memref<2x128x8xi32, #tpu.memory_space<vmem>> -> memref<1x128x8xi32, #tpu.memory_space<vmem>>
        %dma_start3A_3376 = tpu.memref_squeeze %dma_start3A_3375 : memref<1x128x8xi32, #tpu.memory_space<vmem>> -> memref<128x8xi32, #tpu.memory_space<vmem>>
        %dma_start3A_3377 = arith.constant 0 : i32
        %dma_start3A_3378 = tpu.memref_slice %arg4[%arg1, %add3A_3364, %dma_start3A_3377] : memref<16x2048x8xi32, #tpu.memory_space<hbm>> -> memref<1x128x8xi32, #tpu.memory_space<hbm>>
        %dma_start3A_3379 = tpu.memref_squeeze %dma_start3A_3378 : memref<1x128x8xi32, #tpu.memory_space<hbm>> -> memref<128x8xi32, #tpu.memory_space<hbm>>
        tpu.enqueue_dma source(%dma_start3A_3379 : memref<128x8xi32, #tpu.memory_space<hbm>>) target(%dma_start3A_3376 : memref<128x8xi32, #tpu.memory_space<vmem>>) target_semaphore(%arg18 : memref<!tpu.dma_semaphore, #tpu.memory_space<semaphore_mem>>)
      } else {
      }
      %mul3A_1845 = arith.constant 2 : i32
      %mul3A_1846 = arith.muli %scan3A_355, %mul3A_1845 : i32
      %add3A_1847 = arith.constant 1 : i32
      %add3A_1848 = arith.addi %mul3A_1846, %add3A_1847 : i32
      %dma_wait3A_1849 = arith.constant 1 : i32
      %dma_wait3A_1850 = arith.constant 0 : i32
      %dma_wait3A_1851 = arith.constant 0 : i32
      %dma_wait3A_1852 = tpu.memref_slice %arg10[%dma_wait3A_1849, %dma_wait3A_1850, %dma_wait3A_1851] : memref<2x128x256xf32, #tpu.memory_space<vmem>> -> memref<1x128x256xf32, #tpu.memory_space<vmem>>
      %dma_wait3A_1853 = tpu.memref_squeeze %dma_wait3A_1852 : memref<1x128x256xf32, #tpu.memory_space<vmem>> -> memref<128x256xf32, #tpu.memory_space<vmem>>
      %dma_wait3A_1854 = arith.constant 0 : i32
      %dma_wait3A_1855 = tpu.memref_slice %arg5[%arg1, %mul3A_0, %dma_wait3A_1854] : memref<16x2048x256xf32, #tpu.memory_space<hbm>> -> memref<1x128x256xf32, #tpu.memory_space<hbm>>
      %dma_wait3A_1856 = tpu.memref_squeeze %dma_wait3A_1855 : memref<1x128x256xf32, #tpu.memory_space<hbm>> -> memref<128x256xf32, #tpu.memory_space<hbm>>
      %dma_wait3A_1857 = arith.constant 0 : i32
      %dma_wait3A_1858 = arith.constant 0 : i32
      %dma_wait3A_1859 = tpu.memref_slice %arg10[%dma_wait3A_1849, %dma_wait3A_1857, %dma_wait3A_1858] : memref<2x128x256xf32, #tpu.memory_space<vmem>> -> memref<1x128x256xf32, #tpu.memory_space<vmem>>
      %dma_wait3A_1860 = tpu.memref_squeeze %dma_wait3A_1859 : memref<1x128x256xf32, #tpu.memory_space<vmem>> -> memref<128x256xf32, #tpu.memory_space<vmem>>
      %dma_wait3A_1861 = arith.constant 0 : i32
      %dma_wait3A_1862 = tpu.memref_slice %arg5[%arg1, %mul3A_0, %dma_wait3A_1861] : memref<16x2048x256xf32, #tpu.memory_space<hbm>> -> memref<1x128x256xf32, #tpu.memory_space<hbm>>
      %dma_wait3A_1863 = tpu.memref_squeeze %dma_wait3A_1862 : memref<1x128x256xf32, #tpu.memory_space<hbm>> -> memref<128x256xf32, #tpu.memory_space<hbm>>
      tpu.wait_dma2 semaphore(%arg17 : memref<!tpu.dma_semaphore, #tpu.memory_space<semaphore_mem>>) src(%dma_wait3A_1863 : memref<128x256xf32, #tpu.memory_space<hbm>>) dst(%dma_wait3A_1860 : memref<128x256xf32, #tpu.memory_space<vmem>>)
      %dma_wait3A_1864 = arith.constant 1 : i32
      %dma_wait3A_1865 = arith.constant 0 : i32
      %dma_wait3A_1866 = arith.constant 0 : i32
      %dma_wait3A_1867 = tpu.memref_slice %arg9[%dma_wait3A_1864, %dma_wait3A_1865, %dma_wait3A_1866] : memref<2x128x8xi32, #tpu.memory_space<vmem>> -> memref<1x128x8xi32, #tpu.memory_space<vmem>>
      %dma_wait3A_1868 = tpu.memref_squeeze %dma_wait3A_1867 : memref<1x128x8xi32, #tpu.memory_space<vmem>> -> memref<128x8xi32, #tpu.memory_space<vmem>>
      %dma_wait3A_1869 = arith.constant 0 : i32
      %dma_wait3A_1870 = tpu.memref_slice %arg4[%arg1, %mul3A_0, %dma_wait3A_1869] : memref<16x2048x8xi32, #tpu.memory_space<hbm>> -> memref<1x128x8xi32, #tpu.memory_space<hbm>>
      %dma_wait3A_1871 = tpu.memref_squeeze %dma_wait3A_1870 : memref<1x128x8xi32, #tpu.memory_space<hbm>> -> memref<128x8xi32, #tpu.memory_space<hbm>>
      %dma_wait3A_1872 = arith.constant 0 : i32
      %dma_wait3A_1873 = arith.constant 0 : i32
      %dma_wait3A_1874 = tpu.memref_slice %arg9[%dma_wait3A_1864, %dma_wait3A_1872, %dma_wait3A_1873] : memref<2x128x8xi32, #tpu.memory_space<vmem>> -> memref<1x128x8xi32, #tpu.memory_space<vmem>>
      %dma_wait3A_1875 = tpu.memref_squeeze %dma_wait3A_1874 : memref<1x128x8xi32, #tpu.memory_space<vmem>> -> memref<128x8xi32, #tpu.memory_space<vmem>>
      %dma_wait3A_1876 = arith.constant 0 : i32
      %dma_wait3A_1877 = tpu.memref_slice %arg4[%arg1, %mul3A_0, %dma_wait3A_1876] : memref<16x2048x8xi32, #tpu.memory_space<hbm>> -> memref<1x128x8xi32, #tpu.memory_space<hbm>>
      %dma_wait3A_1878 = tpu.memref_squeeze %dma_wait3A_1877 : memref<1x128x8xi32, #tpu.memory_space<hbm>> -> memref<128x8xi32, #tpu.memory_space<hbm>>
      tpu.wait_dma2 semaphore(%arg18 : memref<!tpu.dma_semaphore, #tpu.memory_space<semaphore_mem>>) src(%dma_wait3A_1878 : memref<128x8xi32, #tpu.memory_space<hbm>>) dst(%dma_wait3A_1875 : memref<128x8xi32, #tpu.memory_space<vmem>>)
      %add3A_1879 = arith.constant 0 : i32
      %add3A_1880 = vector.broadcast %add3A_1879 : i32 to vector<16xi32>
      %add3A_1881 = arith.addi %add3A_1880, %iota3A : vector<16xi32>
      %broadcast_in_dim3A_1882 = arith.constant 0 : i32
      %broadcast_in_dim3A_1883 = vector.broadcast %broadcast_in_dim3A_1882 : i32 to vector<16xi32>
      %broadcast_in_dim3A_1884 = arith.constant 0 : i32
      %broadcast_in_dim3A_1885 = vector.broadcast %broadcast_in_dim3A_1884 : i32 to vector<16xi32>
      %gather3A_1886 = arith.constant 1 : i32
      %gather3A_1887 = arith.constant 0 : i32
      %gather3A_1888 = arith.constant 0 : i32
      %gather3A_1889 = tpu.memref_slice %arg9[%gather3A_1886, %gather3A_1887, %gather3A_1888] : memref<2x128x8xi32, #tpu.memory_space<vmem>> -> memref<1x128x8xi32, #tpu.memory_space<vmem>>
      %gather3A_1890 = tpu.memref_squeeze %gather3A_1889 : memref<1x128x8xi32, #tpu.memory_space<vmem>> -> memref<128x8xi32, #tpu.memory_space<vmem>>
      %gather3A_1891 = tpu.vector_load_idx %gather3A_1890[%add3A_1881, %broadcast_in_dim3A_1885] : memref<128x8xi32, #tpu.memory_space<vmem>>[vector<16xi32>, vector<16xi32>], vector<16xi32>,
      %shift_right_arithmetic3A_1892 = arith.constant 7 : i32
      %shift_right_arithmetic3A_1893 = vector.broadcast %shift_right_arithmetic3A_1892 : i32 to vector<16xi32>
      %shift_right_arithmetic3A_1894 = arith.shrsi %gather3A_1891, %shift_right_arithmetic3A_1893 : vector<16xi32>
      %and3A_1895 = arith.constant 127 : i32
      %and3A_1896 = vector.broadcast %and3A_1895 : i32 to vector<16xi32>
      %and3A_1897 = arith.andi %gather3A_1891, %and3A_1896 : vector<16xi32>
      %gather3A_1898 = tpu.vector_load_idx %arg8[%shift_right_arithmetic3A_1894, %and3A_1897] : memref<32x128xi32, #tpu.memory_space<vmem>>[vector<16xi32>, vector<16xi32>], vector<16xi32>,
      %gather3A_1899 = tpu.vector_load_idx %arg7[%gather3A_1898] : memref<8192xi32, #tpu.memory_space<vmem>>[vector<16xi32>], vector<16xi32>,
      %mul3A_1900 = arith.constant 1 : i32
      %mul3A_1901 = vector.broadcast %mul3A_1900 : i32 to vector<16xi32>
      %mul3A_1902 = arith.muli %gather3A_1899, %mul3A_1901 : vector<16xi32>
      %add3A_1903 = arith.addi %broadcast_in_dim3A_1883, %mul3A_1902 : vector<16xi32>
      %broadcast_in_dim3A_1904 = arith.constant 1 : i32
      %broadcast_in_dim3A_1905 = vector.broadcast %broadcast_in_dim3A_1904 : i32 to vector<16xi32>
      %gather3A_1906 = arith.constant 1 : i32
      %gather3A_1907 = arith.constant 0 : i32
      %gather3A_1908 = arith.constant 0 : i32
      %gather3A_1909 = tpu.memref_slice %arg9[%gather3A_1906, %gather3A_1907, %gather3A_1908] : memref<2x128x8xi32, #tpu.memory_space<vmem>> -> memref<1x128x8xi32, #tpu.memory_space<vmem>>
      %gather3A_1910 = tpu.memref_squeeze %gather3A_1909 : memref<1x128x8xi32, #tpu.memory_space<vmem>> -> memref<128x8xi32, #tpu.memory_space<vmem>>
      %gather3A_1911 = tpu.vector_load_idx %gather3A_1910[%add3A_1881, %broadcast_in_dim3A_1905] : memref<128x8xi32, #tpu.memory_space<vmem>>[vector<16xi32>, vector<16xi32>], vector<16xi32>,
      %shift_right_arithmetic3A_1912 = arith.constant 7 : i32
      %shift_right_arithmetic3A_1913 = vector.broadcast %shift_right_arithmetic3A_1912 : i32 to vector<16xi32>
      %shift_right_arithmetic3A_1914 = arith.shrsi %gather3A_1911, %shift_right_arithmetic3A_1913 : vector<16xi32>
      %and3A_1915 = arith.constant 127 : i32
      %and3A_1916 = vector.broadcast %and3A_1915 : i32 to vector<16xi32>
      %and3A_1917 = arith.andi %gather3A_1911, %and3A_1916 : vector<16xi32>
      %gather3A_1918 = tpu.vector_load_idx %arg8[%shift_right_arithmetic3A_1914, %and3A_1917] : memref<32x128xi32, #tpu.memory_space<vmem>>[vector<16xi32>, vector<16xi32>], vector<16xi32>,
      %gather3A_1919 = tpu.vector_load_idx %arg7[%gather3A_1918] : memref<8192xi32, #tpu.memory_space<vmem>>[vector<16xi32>], vector<16xi32>,
      %mul3A_1920 = arith.constant 2 : i32
      %mul3A_1921 = vector.broadcast %mul3A_1920 : i32 to vector<16xi32>
      %mul3A_1922 = arith.muli %gather3A_1919, %mul3A_1921 : vector<16xi32>
      %add3A_1923 = arith.addi %add3A_1903, %mul3A_1922 : vector<16xi32>
      %broadcast_in_dim3A_1924 = arith.constant 2 : i32
      %broadcast_in_dim3A_1925 = vector.broadcast %broadcast_in_dim3A_1924 : i32 to vector<16xi32>
      %gather3A_1926 = arith.constant 1 : i32
      %gather3A_1927 = arith.constant 0 : i32
      %gather3A_1928 = arith.constant 0 : i32
      %gather3A_1929 = tpu.memref_slice %arg9[%gather3A_1926, %gather3A_1927, %gather3A_1928] : memref<2x128x8xi32, #tpu.memory_space<vmem>> -> memref<1x128x8xi32, #tpu.memory_space<vmem>>
      %gather3A_1930 = tpu.memref_squeeze %gather3A_1929 : memref<1x128x8xi32, #tpu.memory_space<vmem>> -> memref<128x8xi32, #tpu.memory_space<vmem>>
      %gather3A_1931 = tpu.vector_load_idx %gather3A_1930[%add3A_1881, %broadcast_in_dim3A_1925] : memref<128x8xi32, #tpu.memory_space<vmem>>[vector<16xi32>, vector<16xi32>], vector<16xi32>,
      %shift_right_arithmetic3A_1932 = arith.constant 7 : i32
      %shift_right_arithmetic3A_1933 = vector.broadcast %shift_right_arithmetic3A_1932 : i32 to vector<16xi32>
      %shift_right_arithmetic3A_1934 = arith.shrsi %gather3A_1931, %shift_right_arithmetic3A_1933 : vector<16xi32>
      %and3A_1935 = arith.constant 127 : i32
      %and3A_1936 = vector.broadcast %and3A_1935 : i32 to vector<16xi32>
      %and3A_1937 = arith.andi %gather3A_1931, %and3A_1936 : vector<16xi32>
      %gather3A_1938 = tpu.vector_load_idx %arg8[%shift_right_arithmetic3A_1934, %and3A_1937] : memref<32x128xi32, #tpu.memory_space<vmem>>[vector<16xi32>, vector<16xi32>], vector<16xi32>,
      %gather3A_1939 = tpu.vector_load_idx %arg7[%gather3A_1938] : memref<8192xi32, #tpu.memory_space<vmem>>[vector<16xi32>], vector<16xi32>,
      %mul3A_1940 = arith.constant 4 : i32
      %mul3A_1941 = vector.broadcast %mul3A_1940 : i32 to vector<16xi32>
      %mul3A_1942 = arith.muli %gather3A_1939, %mul3A_1941 : vector<16xi32>
      %add3A_1943 = arith.addi %add3A_1923, %mul3A_1942 : vector<16xi32>
      %broadcast_in_dim3A_1944 = arith.constant 3 : i32
      %broadcast_in_dim3A_1945 = vector.broadcast %broadcast_in_dim3A_1944 : i32 to vector<16xi32>
      %gather3A_1946 = arith.constant 1 : i32
      %gather3A_1947 = arith.constant 0 : i32
      %gather3A_1948 = arith.constant 0 : i32
      %gather3A_1949 = tpu.memref_slice %arg9[%gather3A_1946, %gather3A_1947, %gather3A_1948] : memref<2x128x8xi32, #tpu.memory_space<vmem>> -> memref<1x128x8xi32, #tpu.memory_space<vmem>>
      %gather3A_1950 = tpu.memref_squeeze %gather3A_1949 : memref<1x128x8xi32, #tpu.memory_space<vmem>> -> memref<128x8xi32, #tpu.memory_space<vmem>>
      %gather3A_1951 = tpu.vector_load_idx %gather3A_1950[%add3A_1881, %broadcast_in_dim3A_1945] : memref<128x8xi32, #tpu.memory_space<vmem>>[vector<16xi32>, vector<16xi32>], vector<16xi32>,
      %shift_right_arithmetic3A_1952 = arith.constant 7 : i32
      %shift_right_arithmetic3A_1953 = vector.broadcast %shift_right_arithmetic3A_1952 : i32 to vector<16xi32>
      %shift_right_arithmetic3A_1954 = arith.shrsi %gather3A_1951, %shift_right_arithmetic3A_1953 : vector<16xi32>
      %and3A_1955 = arith.constant 127 : i32
      %and3A_1956 = vector.broadcast %and3A_1955 : i32 to vector<16xi32>
      %and3A_1957 = arith.andi %gather3A_1951, %and3A_1956 : vector<16xi32>
      %gather3A_1958 = tpu.vector_load_idx %arg8[%shift_right_arithmetic3A_1954, %and3A_1957] : memref<32x128xi32, #tpu.memory_space<vmem>>[vector<16xi32>, vector<16xi32>], vector<16xi32>,
      %gather3A_1959 = tpu.vector_load_idx %arg7[%gather3A_1958] : memref<8192xi32, #tpu.memory_space<vmem>>[vector<16xi32>], vector<16xi32>,
      %mul3A_1960 = arith.constant 8 : i32
      %mul3A_1961 = vector.broadcast %mul3A_1960 : i32 to vector<16xi32>
      %mul3A_1962 = arith.muli %gather3A_1959, %mul3A_1961 : vector<16xi32>
      %add3A_1963 = arith.addi %add3A_1943, %mul3A_1962 : vector<16xi32>
      %broadcast_in_dim3A_1964 = arith.constant 4 : i32
      %broadcast_in_dim3A_1965 = vector.broadcast %broadcast_in_dim3A_1964 : i32 to vector<16xi32>
      %gather3A_1966 = arith.constant 1 : i32
      %gather3A_1967 = arith.constant 0 : i32
      %gather3A_1968 = arith.constant 0 : i32
      %gather3A_1969 = tpu.memref_slice %arg9[%gather3A_1966, %gather3A_1967, %gather3A_1968] : memref<2x128x8xi32, #tpu.memory_space<vmem>> -> memref<1x128x8xi32, #tpu.memory_space<vmem>>
      %gather3A_1970 = tpu.memref_squeeze %gather3A_1969 : memref<1x128x8xi32, #tpu.memory_space<vmem>> -> memref<128x8xi32, #tpu.memory_space<vmem>>
      %gather3A_1971 = tpu.vector_load_idx %gather3A_1970[%add3A_1881, %broadcast_in_dim3A_1965] : memref<128x8xi32, #tpu.memory_space<vmem>>[vector<16xi32>, vector<16xi32>], vector<16xi32>,
      %shift_right_arithmetic3A_1972 = arith.constant 7 : i32
      %shift_right_arithmetic3A_1973 = vector.broadcast %shift_right_arithmetic3A_1972 : i32 to vector<16xi32>
      %shift_right_arithmetic3A_1974 = arith.shrsi %gather3A_1971, %shift_right_arithmetic3A_1973 : vector<16xi32>
      %and3A_1975 = arith.constant 127 : i32
      %and3A_1976 = vector.broadcast %and3A_1975 : i32 to vector<16xi32>
      %and3A_1977 = arith.andi %gather3A_1971, %and3A_1976 : vector<16xi32>
      %gather3A_1978 = tpu.vector_load_idx %arg8[%shift_right_arithmetic3A_1974, %and3A_1977] : memref<32x128xi32, #tpu.memory_space<vmem>>[vector<16xi32>, vector<16xi32>], vector<16xi32>,
      %gather3A_1979 = tpu.vector_load_idx %arg7[%gather3A_1978] : memref<8192xi32, #tpu.memory_space<vmem>>[vector<16xi32>], vector<16xi32>,
      %mul3A_1980 = arith.constant 16 : i32
      %mul3A_1981 = vector.broadcast %mul3A_1980 : i32 to vector<16xi32>
      %mul3A_1982 = arith.muli %gather3A_1979, %mul3A_1981 : vector<16xi32>
      %add3A_1983 = arith.addi %add3A_1963, %mul3A_1982 : vector<16xi32>
      %broadcast_in_dim3A_1984 = arith.constant 5 : i32
      %broadcast_in_dim3A_1985 = vector.broadcast %broadcast_in_dim3A_1984 : i32 to vector<16xi32>
      %gather3A_1986 = arith.constant 1 : i32
      %gather3A_1987 = arith.constant 0 : i32
      %gather3A_1988 = arith.constant 0 : i32
      %gather3A_1989 = tpu.memref_slice %arg9[%gather3A_1986, %gather3A_1987, %gather3A_1988] : memref<2x128x8xi32, #tpu.memory_space<vmem>> -> memref<1x128x8xi32, #tpu.memory_space<vmem>>
      %gather3A_1990 = tpu.memref_squeeze %gather3A_1989 : memref<1x128x8xi32, #tpu.memory_space<vmem>> -> memref<128x8xi32, #tpu.memory_space<vmem>>
      %gather3A_1991 = tpu.vector_load_idx %gather3A_1990[%add3A_1881, %broadcast_in_dim3A_1985] : memref<128x8xi32, #tpu.memory_space<vmem>>[vector<16xi32>, vector<16xi32>], vector<16xi32>,
      %shift_right_arithmetic3A_1992 = arith.constant 7 : i32
      %shift_right_arithmetic3A_1993 = vector.broadcast %shift_right_arithmetic3A_1992 : i32 to vector<16xi32>
      %shift_right_arithmetic3A_1994 = arith.shrsi %gather3A_1991, %shift_right_arithmetic3A_1993 : vector<16xi32>
      %and3A_1995 = arith.constant 127 : i32
      %and3A_1996 = vector.broadcast %and3A_1995 : i32 to vector<16xi32>
      %and3A_1997 = arith.andi %gather3A_1991, %and3A_1996 : vector<16xi32>
      %gather3A_1998 = tpu.vector_load_idx %arg8[%shift_right_arithmetic3A_1994, %and3A_1997] : memref<32x128xi32, #tpu.memory_space<vmem>>[vector<16xi32>, vector<16xi32>], vector<16xi32>,
      %gather3A_1999 = tpu.vector_load_idx %arg7[%gather3A_1998] : memref<8192xi32, #tpu.memory_space<vmem>>[vector<16xi32>], vector<16xi32>,
      %mul3A_2000 = arith.constant 32 : i32
      %mul3A_2001 = vector.broadcast %mul3A_2000 : i32 to vector<16xi32>
      %mul3A_2002 = arith.muli %gather3A_1999, %mul3A_2001 : vector<16xi32>
      %add3A_2003 = arith.addi %add3A_1983, %mul3A_2002 : vector<16xi32>
      %broadcast_in_dim3A_2004 = arith.constant 6 : i32
      %broadcast_in_dim3A_2005 = vector.broadcast %broadcast_in_dim3A_2004 : i32 to vector<16xi32>
      %gather3A_2006 = arith.constant 1 : i32
      %gather3A_2007 = arith.constant 0 : i32
      %gather3A_2008 = arith.constant 0 : i32
      %gather3A_2009 = tpu.memref_slice %arg9[%gather3A_2006, %gather3A_2007, %gather3A_2008] : memref<2x128x8xi32, #tpu.memory_space<vmem>> -> memref<1x128x8xi32, #tpu.memory_space<vmem>>
      %gather3A_2010 = tpu.memref_squeeze %gather3A_2009 : memref<1x128x8xi32, #tpu.memory_space<vmem>> -> memref<128x8xi32, #tpu.memory_space<vmem>>
      %gather3A_2011 = tpu.vector_load_idx %gather3A_2010[%add3A_1881, %broadcast_in_dim3A_2005] : memref<128x8xi32, #tpu.memory_space<vmem>>[vector<16xi32>, vector<16xi32>], vector<16xi32>,
      %shift_right_arithmetic3A_2012 = arith.constant 7 : i32
      %shift_right_arithmetic3A_2013 = vector.broadcast %shift_right_arithmetic3A_2012 : i32 to vector<16xi32>
      %shift_right_arithmetic3A_2014 = arith.shrsi %gather3A_2011, %shift_right_arithmetic3A_2013 : vector<16xi32>
      %and3A_2015 = arith.constant 127 : i32
      %and3A_2016 = vector.broadcast %and3A_2015 : i32 to vector<16xi32>
      %and3A_2017 = arith.andi %gather3A_2011, %and3A_2016 : vector<16xi32>
      %gather3A_2018 = tpu.vector_load_idx %arg8[%shift_right_arithmetic3A_2014, %and3A_2017] : memref<32x128xi32, #tpu.memory_space<vmem>>[vector<16xi32>, vector<16xi32>], vector<16xi32>,
      %gather3A_2019 = tpu.vector_load_idx %arg7[%gather3A_2018] : memref<8192xi32, #tpu.memory_space<vmem>>[vector<16xi32>], vector<16xi32>,
      %mul3A_2020 = arith.constant 64 : i32
      %mul3A_2021 = vector.broadcast %mul3A_2020 : i32 to vector<16xi32>
      %mul3A_2022 = arith.muli %gather3A_2019, %mul3A_2021 : vector<16xi32>
      %add3A_2023 = arith.addi %add3A_2003, %mul3A_2022 : vector<16xi32>
      %broadcast_in_dim3A_2024 = arith.constant 7 : i32
      %broadcast_in_dim3A_2025 = vector.broadcast %broadcast_in_dim3A_2024 : i32 to vector<16xi32>
      %gather3A_2026 = arith.constant 1 : i32
      %gather3A_2027 = arith.constant 0 : i32
      %gather3A_2028 = arith.constant 0 : i32
      %gather3A_2029 = tpu.memref_slice %arg9[%gather3A_2026, %gather3A_2027, %gather3A_2028] : memref<2x128x8xi32, #tpu.memory_space<vmem>> -> memref<1x128x8xi32, #tpu.memory_space<vmem>>
      %gather3A_2030 = tpu.memref_squeeze %gather3A_2029 : memref<1x128x8xi32, #tpu.memory_space<vmem>> -> memref<128x8xi32, #tpu.memory_space<vmem>>
      %gather3A_2031 = tpu.vector_load_idx %gather3A_2030[%add3A_1881, %broadcast_in_dim3A_2025] : memref<128x8xi32, #tpu.memory_space<vmem>>[vector<16xi32>, vector<16xi32>], vector<16xi32>,
      %shift_right_arithmetic3A_2032 = arith.constant 7 : i32
      %shift_right_arithmetic3A_2033 = vector.broadcast %shift_right_arithmetic3A_2032 : i32 to vector<16xi32>
      %shift_right_arithmetic3A_2034 = arith.shrsi %gather3A_2031, %shift_right_arithmetic3A_2033 : vector<16xi32>
      %and3A_2035 = arith.constant 127 : i32
      %and3A_2036 = vector.broadcast %and3A_2035 : i32 to vector<16xi32>
      %and3A_2037 = arith.andi %gather3A_2031, %and3A_2036 : vector<16xi32>
      %gather3A_2038 = tpu.vector_load_idx %arg8[%shift_right_arithmetic3A_2034, %and3A_2037] : memref<32x128xi32, #tpu.memory_space<vmem>>[vector<16xi32>, vector<16xi32>], vector<16xi32>,
      %gather3A_2039 = tpu.vector_load_idx %arg7[%gather3A_2038] : memref<8192xi32, #tpu.memory_space<vmem>>[vector<16xi32>], vector<16xi32>,
      %mul3A_2040 = arith.constant 128 : i32
      %mul3A_2041 = vector.broadcast %mul3A_2040 : i32 to vector<16xi32>
      %mul3A_2042 = arith.muli %gather3A_2039, %mul3A_2041 : vector<16xi32>
      %add3A_2043 = arith.addi %add3A_2023, %mul3A_2042 : vector<16xi32>
      %gather3A_2044 = arith.constant 1 : i32
      %gather3A_2045 = arith.constant 0 : i32
      %gather3A_2046 = arith.constant 0 : i32
      %gather3A_2047 = tpu.memref_slice %arg10[%gather3A_2044, %gather3A_2045, %gather3A_2046] : memref<2x128x256xf32, #tpu.memory_space<vmem>> -> memref<1x128x256xf32, #tpu.memory_space<vmem>>
      %gather3A_2048 = tpu.memref_squeeze %gather3A_2047 : memref<1x128x256xf32, #tpu.memory_space<vmem>> -> memref<128x256xf32, #tpu.memory_space<vmem>>
      %gather3A_2049 = tpu.vector_load_idx %gather3A_2048[%add3A_1881, %add3A_2043] : memref<128x256xf32, #tpu.memory_space<vmem>>[vector<16xi32>, vector<16xi32>], vector<16xf32>,
      %gt3A_2050 = arith.constant 5.000000e-01 : f32
      %gt3A_2051 = vector.broadcast %gt3A_2050 : f32 to vector<16xf32>
      %gt3A_2052 = arith.cmpf ogt, %gather3A_2049, %gt3A_2051 : vector<16xf32>
      %jit3A_2053 = arith.constant 1 : i32
      %jit3A_2054 = arith.constant 0 : i32
      %broadcast_in_dim3A_2055 = vector.broadcast %jit3A_2053 : i32 to vector<16xi32>
      %broadcast_in_dim3A_2056 = vector.broadcast %jit3A_2054 : i32 to vector<16xi32>
      %select_n3A_2057 = arith.select %gt3A_2052, %broadcast_in_dim3A_2055, %broadcast_in_dim3A_2056 : vector<16xi1>, vector<16xi32>
      %swap3A_2058 = arith.index_cast %add3A_1848 : i32 to index
      %swap3A_2059 = arith.constant 0 : index
      %swap3A_2060 = tpu.vector_load %arg11[%swap3A_2058, %swap3A_2059] {strides = array<i32>} : memref<16x128xi32, #tpu.memory_space<vmem>>, vector<16xi32>,
      tpu.vector_store %arg11[%swap3A_2058, %swap3A_2059], %select_n3A_2057 {strides = array<i32>} : memref<16x128xi32, #tpu.memory_space<vmem>>, vector<16xi32>,
      %add3A_2061 = arith.constant 16 : i32
      %add3A_2062 = vector.broadcast %add3A_2061 : i32 to vector<16xi32>
      %add3A_2063 = arith.addi %add3A_2062, %iota3A : vector<16xi32>
      %broadcast_in_dim3A_2064 = arith.constant 0 : i32
      %broadcast_in_dim3A_2065 = vector.broadcast %broadcast_in_dim3A_2064 : i32 to vector<16xi32>
      %broadcast_in_dim3A_2066 = arith.constant 0 : i32
      %broadcast_in_dim3A_2067 = vector.broadcast %broadcast_in_dim3A_2066 : i32 to vector<16xi32>
      %gather3A_2068 = arith.constant 1 : i32
      %gather3A_2069 = arith.constant 0 : i32
      %gather3A_2070 = arith.constant 0 : i32
      %gather3A_2071 = tpu.memref_slice %arg9[%gather3A_2068, %gather3A_2069, %gather3A_2070] : memref<2x128x8xi32, #tpu.memory_space<vmem>> -> memref<1x128x8xi32, #tpu.memory_space<vmem>>
      %gather3A_2072 = tpu.memref_squeeze %gather3A_2071 : memref<1x128x8xi32, #tpu.memory_space<vmem>> -> memref<128x8xi32, #tpu.memory_space<vmem>>
      %gather3A_2073 = tpu.vector_load_idx %gather3A_2072[%add3A_2063, %broadcast_in_dim3A_2067] : memref<128x8xi32, #tpu.memory_space<vmem>>[vector<16xi32>, vector<16xi32>], vector<16xi32>,
      %shift_right_arithmetic3A_2074 = arith.constant 7 : i32
      %shift_right_arithmetic3A_2075 = vector.broadcast %shift_right_arithmetic3A_2074 : i32 to vector<16xi32>
      %shift_right_arithmetic3A_2076 = arith.shrsi %gather3A_2073, %shift_right_arithmetic3A_2075 : vector<16xi32>
      %and3A_2077 = arith.constant 127 : i32
      %and3A_2078 = vector.broadcast %and3A_2077 : i32 to vector<16xi32>
      %and3A_2079 = arith.andi %gather3A_2073, %and3A_2078 : vector<16xi32>
      %gather3A_2080 = tpu.vector_load_idx %arg8[%shift_right_arithmetic3A_2076, %and3A_2079] : memref<32x128xi32, #tpu.memory_space<vmem>>[vector<16xi32>, vector<16xi32>], vector<16xi32>,
      %gather3A_2081 = tpu.vector_load_idx %arg7[%gather3A_2080] : memref<8192xi32, #tpu.memory_space<vmem>>[vector<16xi32>], vector<16xi32>,
      %mul3A_2082 = arith.constant 1 : i32
      %mul3A_2083 = vector.broadcast %mul3A_2082 : i32 to vector<16xi32>
      %mul3A_2084 = arith.muli %gather3A_2081, %mul3A_2083 : vector<16xi32>
      %add3A_2085 = arith.addi %broadcast_in_dim3A_2065, %mul3A_2084 : vector<16xi32>
      %broadcast_in_dim3A_2086 = arith.constant 1 : i32
      %broadcast_in_dim3A_2087 = vector.broadcast %broadcast_in_dim3A_2086 : i32 to vector<16xi32>
      %gather3A_2088 = arith.constant 1 : i32
      %gather3A_2089 = arith.constant 0 : i32
      %gather3A_2090 = arith.constant 0 : i32
      %gather3A_2091 = tpu.memref_slice %arg9[%gather3A_2088, %gather3A_2089, %gather3A_2090] : memref<2x128x8xi32, #tpu.memory_space<vmem>> -> memref<1x128x8xi32, #tpu.memory_space<vmem>>
      %gather3A_2092 = tpu.memref_squeeze %gather3A_2091 : memref<1x128x8xi32, #tpu.memory_space<vmem>> -> memref<128x8xi32, #tpu.memory_space<vmem>>
      %gather3A_2093 = tpu.vector_load_idx %gather3A_2092[%add3A_2063, %broadcast_in_dim3A_2087] : memref<128x8xi32, #tpu.memory_space<vmem>>[vector<16xi32>, vector<16xi32>], vector<16xi32>,
      %shift_right_arithmetic3A_2094 = arith.constant 7 : i32
      %shift_right_arithmetic3A_2095 = vector.broadcast %shift_right_arithmetic3A_2094 : i32 to vector<16xi32>
      %shift_right_arithmetic3A_2096 = arith.shrsi %gather3A_2093, %shift_right_arithmetic3A_2095 : vector<16xi32>
      %and3A_2097 = arith.constant 127 : i32
      %and3A_2098 = vector.broadcast %and3A_2097 : i32 to vector<16xi32>
      %and3A_2099 = arith.andi %gather3A_2093, %and3A_2098 : vector<16xi32>
      %gather3A_2100 = tpu.vector_load_idx %arg8[%shift_right_arithmetic3A_2096, %and3A_2099] : memref<32x128xi32, #tpu.memory_space<vmem>>[vector<16xi32>, vector<16xi32>], vector<16xi32>,
      %gather3A_2101 = tpu.vector_load_idx %arg7[%gather3A_2100] : memref<8192xi32, #tpu.memory_space<vmem>>[vector<16xi32>], vector<16xi32>,
      %mul3A_2102 = arith.constant 2 : i32
      %mul3A_2103 = vector.broadcast %mul3A_2102 : i32 to vector<16xi32>
      %mul3A_2104 = arith.muli %gather3A_2101, %mul3A_2103 : vector<16xi32>
      %add3A_2105 = arith.addi %add3A_2085, %mul3A_2104 : vector<16xi32>
      %broadcast_in_dim3A_2106 = arith.constant 2 : i32
      %broadcast_in_dim3A_2107 = vector.broadcast %broadcast_in_dim3A_2106 : i32 to vector<16xi32>
      %gather3A_2108 = arith.constant 1 : i32
      %gather3A_2109 = arith.constant 0 : i32
      %gather3A_2110 = arith.constant 0 : i32
      %gather3A_2111 = tpu.memref_slice %arg9[%gather3A_2108, %gather3A_2109, %gather3A_2110] : memref<2x128x8xi32, #tpu.memory_space<vmem>> -> memref<1x128x8xi32, #tpu.memory_space<vmem>>
      %gather3A_2112 = tpu.memref_squeeze %gather3A_2111 : memref<1x128x8xi32, #tpu.memory_space<vmem>> -> memref<128x8xi32, #tpu.memory_space<vmem>>
      %gather3A_2113 = tpu.vector_load_idx %gather3A_2112[%add3A_2063, %broadcast_in_dim3A_2107] : memref<128x8xi32, #tpu.memory_space<vmem>>[vector<16xi32>, vector<16xi32>], vector<16xi32>,
      %shift_right_arithmetic3A_2114 = arith.constant 7 : i32
      %shift_right_arithmetic3A_2115 = vector.broadcast %shift_right_arithmetic3A_2114 : i32 to vector<16xi32>
      %shift_right_arithmetic3A_2116 = arith.shrsi %gather3A_2113, %shift_right_arithmetic3A_2115 : vector<16xi32>
      %and3A_2117 = arith.constant 127 : i32
      %and3A_2118 = vector.broadcast %and3A_2117 : i32 to vector<16xi32>
      %and3A_2119 = arith.andi %gather3A_2113, %and3A_2118 : vector<16xi32>
      %gather3A_2120 = tpu.vector_load_idx %arg8[%shift_right_arithmetic3A_2116, %and3A_2119] : memref<32x128xi32, #tpu.memory_space<vmem>>[vector<16xi32>, vector<16xi32>], vector<16xi32>,
      %gather3A_2121 = tpu.vector_load_idx %arg7[%gather3A_2120] : memref<8192xi32, #tpu.memory_space<vmem>>[vector<16xi32>], vector<16xi32>,
      %mul3A_2122 = arith.constant 4 : i32
      %mul3A_2123 = vector.broadcast %mul3A_2122 : i32 to vector<16xi32>
      %mul3A_2124 = arith.muli %gather3A_2121, %mul3A_2123 : vector<16xi32>
      %add3A_2125 = arith.addi %add3A_2105, %mul3A_2124 : vector<16xi32>
      %broadcast_in_dim3A_2126 = arith.constant 3 : i32
      %broadcast_in_dim3A_2127 = vector.broadcast %broadcast_in_dim3A_2126 : i32 to vector<16xi32>
      %gather3A_2128 = arith.constant 1 : i32
      %gather3A_2129 = arith.constant 0 : i32
      %gather3A_2130 = arith.constant 0 : i32
      %gather3A_2131 = tpu.memref_slice %arg9[%gather3A_2128, %gather3A_2129, %gather3A_2130] : memref<2x128x8xi32, #tpu.memory_space<vmem>> -> memref<1x128x8xi32, #tpu.memory_space<vmem>>
      %gather3A_2132 = tpu.memref_squeeze %gather3A_2131 : memref<1x128x8xi32, #tpu.memory_space<vmem>> -> memref<128x8xi32, #tpu.memory_space<vmem>>
      %gather3A_2133 = tpu.vector_load_idx %gather3A_2132[%add3A_2063, %broadcast_in_dim3A_2127] : memref<128x8xi32, #tpu.memory_space<vmem>>[vector<16xi32>, vector<16xi32>], vector<16xi32>,
      %shift_right_arithmetic3A_2134 = arith.constant 7 : i32
      %shift_right_arithmetic3A_2135 = vector.broadcast %shift_right_arithmetic3A_2134 : i32 to vector<16xi32>
      %shift_right_arithmetic3A_2136 = arith.shrsi %gather3A_2133, %shift_right_arithmetic3A_2135 : vector<16xi32>
      %and3A_2137 = arith.constant 127 : i32
      %and3A_2138 = vector.broadcast %and3A_2137 : i32 to vector<16xi32>
      %and3A_2139 = arith.andi %gather3A_2133, %and3A_2138 : vector<16xi32>
      %gather3A_2140 = tpu.vector_load_idx %arg8[%shift_right_arithmetic3A_2136, %and3A_2139] : memref<32x128xi32, #tpu.memory_space<vmem>>[vector<16xi32>, vector<16xi32>], vector<16xi32>,
      %gather3A_2141 = tpu.vector_load_idx %arg7[%gather3A_2140] : memref<8192xi32, #tpu.memory_space<vmem>>[vector<16xi32>], vector<16xi32>,
      %mul3A_2142 = arith.constant 8 : i32
      %mul3A_2143 = vector.broadcast %mul3A_2142 : i32 to vector<16xi32>
      %mul3A_2144 = arith.muli %gather3A_2141, %mul3A_2143 : vector<16xi32>
      %add3A_2145 = arith.addi %add3A_2125, %mul3A_2144 : vector<16xi32>
      %broadcast_in_dim3A_2146 = arith.constant 4 : i32
      %broadcast_in_dim3A_2147 = vector.broadcast %broadcast_in_dim3A_2146 : i32 to vector<16xi32>
      %gather3A_2148 = arith.constant 1 : i32
      %gather3A_2149 = arith.constant 0 : i32
      %gather3A_2150 = arith.constant 0 : i32
      %gather3A_2151 = tpu.memref_slice %arg9[%gather3A_2148, %gather3A_2149, %gather3A_2150] : memref<2x128x8xi32, #tpu.memory_space<vmem>> -> memref<1x128x8xi32, #tpu.memory_space<vmem>>
      %gather3A_2152 = tpu.memref_squeeze %gather3A_2151 : memref<1x128x8xi32, #tpu.memory_space<vmem>> -> memref<128x8xi32, #tpu.memory_space<vmem>>
      %gather3A_2153 = tpu.vector_load_idx %gather3A_2152[%add3A_2063, %broadcast_in_dim3A_2147] : memref<128x8xi32, #tpu.memory_space<vmem>>[vector<16xi32>, vector<16xi32>], vector<16xi32>,
      %shift_right_arithmetic3A_2154 = arith.constant 7 : i32
      %shift_right_arithmetic3A_2155 = vector.broadcast %shift_right_arithmetic3A_2154 : i32 to vector<16xi32>
      %shift_right_arithmetic3A_2156 = arith.shrsi %gather3A_2153, %shift_right_arithmetic3A_2155 : vector<16xi32>
      %and3A_2157 = arith.constant 127 : i32
      %and3A_2158 = vector.broadcast %and3A_2157 : i32 to vector<16xi32>
      %and3A_2159 = arith.andi %gather3A_2153, %and3A_2158 : vector<16xi32>
      %gather3A_2160 = tpu.vector_load_idx %arg8[%shift_right_arithmetic3A_2156, %and3A_2159] : memref<32x128xi32, #tpu.memory_space<vmem>>[vector<16xi32>, vector<16xi32>], vector<16xi32>,
      %gather3A_2161 = tpu.vector_load_idx %arg7[%gather3A_2160] : memref<8192xi32, #tpu.memory_space<vmem>>[vector<16xi32>], vector<16xi32>,
      %mul3A_2162 = arith.constant 16 : i32
      %mul3A_2163 = vector.broadcast %mul3A_2162 : i32 to vector<16xi32>
      %mul3A_2164 = arith.muli %gather3A_2161, %mul3A_2163 : vector<16xi32>
      %add3A_2165 = arith.addi %add3A_2145, %mul3A_2164 : vector<16xi32>
      %broadcast_in_dim3A_2166 = arith.constant 5 : i32
      %broadcast_in_dim3A_2167 = vector.broadcast %broadcast_in_dim3A_2166 : i32 to vector<16xi32>
      %gather3A_2168 = arith.constant 1 : i32
      %gather3A_2169 = arith.constant 0 : i32
      %gather3A_2170 = arith.constant 0 : i32
      %gather3A_2171 = tpu.memref_slice %arg9[%gather3A_2168, %gather3A_2169, %gather3A_2170] : memref<2x128x8xi32, #tpu.memory_space<vmem>> -> memref<1x128x8xi32, #tpu.memory_space<vmem>>
      %gather3A_2172 = tpu.memref_squeeze %gather3A_2171 : memref<1x128x8xi32, #tpu.memory_space<vmem>> -> memref<128x8xi32, #tpu.memory_space<vmem>>
      %gather3A_2173 = tpu.vector_load_idx %gather3A_2172[%add3A_2063, %broadcast_in_dim3A_2167] : memref<128x8xi32, #tpu.memory_space<vmem>>[vector<16xi32>, vector<16xi32>], vector<16xi32>,
      %shift_right_arithmetic3A_2174 = arith.constant 7 : i32
      %shift_right_arithmetic3A_2175 = vector.broadcast %shift_right_arithmetic3A_2174 : i32 to vector<16xi32>
      %shift_right_arithmetic3A_2176 = arith.shrsi %gather3A_2173, %shift_right_arithmetic3A_2175 : vector<16xi32>
      %and3A_2177 = arith.constant 127 : i32
      %and3A_2178 = vector.broadcast %and3A_2177 : i32 to vector<16xi32>
      %and3A_2179 = arith.andi %gather3A_2173, %and3A_2178 : vector<16xi32>
      %gather3A_2180 = tpu.vector_load_idx %arg8[%shift_right_arithmetic3A_2176, %and3A_2179] : memref<32x128xi32, #tpu.memory_space<vmem>>[vector<16xi32>, vector<16xi32>], vector<16xi32>,
      %gather3A_2181 = tpu.vector_load_idx %arg7[%gather3A_2180] : memref<8192xi32, #tpu.memory_space<vmem>>[vector<16xi32>], vector<16xi32>,
      %mul3A_2182 = arith.constant 32 : i32
      %mul3A_2183 = vector.broadcast %mul3A_2182 : i32 to vector<16xi32>
      %mul3A_2184 = arith.muli %gather3A_2181, %mul3A_2183 : vector<16xi32>
      %add3A_2185 = arith.addi %add3A_2165, %mul3A_2184 : vector<16xi32>
      %broadcast_in_dim3A_2186 = arith.constant 6 : i32
      %broadcast_in_dim3A_2187 = vector.broadcast %broadcast_in_dim3A_2186 : i32 to vector<16xi32>
      %gather3A_2188 = arith.constant 1 : i32
      %gather3A_2189 = arith.constant 0 : i32
      %gather3A_2190 = arith.constant 0 : i32
      %gather3A_2191 = tpu.memref_slice %arg9[%gather3A_2188, %gather3A_2189, %gather3A_2190] : memref<2x128x8xi32, #tpu.memory_space<vmem>> -> memref<1x128x8xi32, #tpu.memory_space<vmem>>
      %gather3A_2192 = tpu.memref_squeeze %gather3A_2191 : memref<1x128x8xi32, #tpu.memory_space<vmem>> -> memref<128x8xi32, #tpu.memory_space<vmem>>
      %gather3A_2193 = tpu.vector_load_idx %gather3A_2192[%add3A_2063, %broadcast_in_dim3A_2187] : memref<128x8xi32, #tpu.memory_space<vmem>>[vector<16xi32>, vector<16xi32>], vector<16xi32>,
      %shift_right_arithmetic3A_2194 = arith.constant 7 : i32
      %shift_right_arithmetic3A_2195 = vector.broadcast %shift_right_arithmetic3A_2194 : i32 to vector<16xi32>
      %shift_right_arithmetic3A_2196 = arith.shrsi %gather3A_2193, %shift_right_arithmetic3A_2195 : vector<16xi32>
      %and3A_2197 = arith.constant 127 : i32
      %and3A_2198 = vector.broadcast %and3A_2197 : i32 to vector<16xi32>
      %and3A_2199 = arith.andi %gather3A_2193, %and3A_2198 : vector<16xi32>
      %gather3A_2200 = tpu.vector_load_idx %arg8[%shift_right_arithmetic3A_2196, %and3A_2199] : memref<32x128xi32, #tpu.memory_space<vmem>>[vector<16xi32>, vector<16xi32>], vector<16xi32>,
      %gather3A_2201 = tpu.vector_load_idx %arg7[%gather3A_2200] : memref<8192xi32, #tpu.memory_space<vmem>>[vector<16xi32>], vector<16xi32>,
      %mul3A_2202 = arith.constant 64 : i32
      %mul3A_2203 = vector.broadcast %mul3A_2202 : i32 to vector<16xi32>
      %mul3A_2204 = arith.muli %gather3A_2201, %mul3A_2203 : vector<16xi32>
      %add3A_2205 = arith.addi %add3A_2185, %mul3A_2204 : vector<16xi32>
      %broadcast_in_dim3A_2206 = arith.constant 7 : i32
      %broadcast_in_dim3A_2207 = vector.broadcast %broadcast_in_dim3A_2206 : i32 to vector<16xi32>
      %gather3A_2208 = arith.constant 1 : i32
      %gather3A_2209 = arith.constant 0 : i32
      %gather3A_2210 = arith.constant 0 : i32
      %gather3A_2211 = tpu.memref_slice %arg9[%gather3A_2208, %gather3A_2209, %gather3A_2210] : memref<2x128x8xi32, #tpu.memory_space<vmem>> -> memref<1x128x8xi32, #tpu.memory_space<vmem>>
      %gather3A_2212 = tpu.memref_squeeze %gather3A_2211 : memref<1x128x8xi32, #tpu.memory_space<vmem>> -> memref<128x8xi32, #tpu.memory_space<vmem>>
      %gather3A_2213 = tpu.vector_load_idx %gather3A_2212[%add3A_2063, %broadcast_in_dim3A_2207] : memref<128x8xi32, #tpu.memory_space<vmem>>[vector<16xi32>, vector<16xi32>], vector<16xi32>,
      %shift_right_arithmetic3A_2214 = arith.constant 7 : i32
      %shift_right_arithmetic3A_2215 = vector.broadcast %shift_right_arithmetic3A_2214 : i32 to vector<16xi32>
      %shift_right_arithmetic3A_2216 = arith.shrsi %gather3A_2213, %shift_right_arithmetic3A_2215 : vector<16xi32>
      %and3A_2217 = arith.constant 127 : i32
      %and3A_2218 = vector.broadcast %and3A_2217 : i32 to vector<16xi32>
      %and3A_2219 = arith.andi %gather3A_2213, %and3A_2218 : vector<16xi32>
      %gather3A_2220 = tpu.vector_load_idx %arg8[%shift_right_arithmetic3A_2216, %and3A_2219] : memref<32x128xi32, #tpu.memory_space<vmem>>[vector<16xi32>, vector<16xi32>], vector<16xi32>,
      %gather3A_2221 = tpu.vector_load_idx %arg7[%gather3A_2220] : memref<8192xi32, #tpu.memory_space<vmem>>[vector<16xi32>], vector<16xi32>,
      %mul3A_2222 = arith.constant 128 : i32
      %mul3A_2223 = vector.broadcast %mul3A_2222 : i32 to vector<16xi32>
      %mul3A_2224 = arith.muli %gather3A_2221, %mul3A_2223 : vector<16xi32>
      %add3A_2225 = arith.addi %add3A_2205, %mul3A_2224 : vector<16xi32>
      %gather3A_2226 = arith.constant 1 : i32
      %gather3A_2227 = arith.constant 0 : i32
      %gather3A_2228 = arith.constant 0 : i32
      %gather3A_2229 = tpu.memref_slice %arg10[%gather3A_2226, %gather3A_2227, %gather3A_2228] : memref<2x128x256xf32, #tpu.memory_space<vmem>> -> memref<1x128x256xf32, #tpu.memory_space<vmem>>
      %gather3A_2230 = tpu.memref_squeeze %gather3A_2229 : memref<1x128x256xf32, #tpu.memory_space<vmem>> -> memref<128x256xf32, #tpu.memory_space<vmem>>
      %gather3A_2231 = tpu.vector_load_idx %gather3A_2230[%add3A_2063, %add3A_2225] : memref<128x256xf32, #tpu.memory_space<vmem>>[vector<16xi32>, vector<16xi32>], vector<16xf32>,
      %gt3A_2232 = arith.constant 5.000000e-01 : f32
      %gt3A_2233 = vector.broadcast %gt3A_2232 : f32 to vector<16xf32>
      %gt3A_2234 = arith.cmpf ogt, %gather3A_2231, %gt3A_2233 : vector<16xf32>
      %jit3A_2235 = arith.constant 1 : i32
      %jit3A_2236 = arith.constant 0 : i32
      %broadcast_in_dim3A_2237 = vector.broadcast %jit3A_2235 : i32 to vector<16xi32>
      %broadcast_in_dim3A_2238 = vector.broadcast %jit3A_2236 : i32 to vector<16xi32>
      %select_n3A_2239 = arith.select %gt3A_2234, %broadcast_in_dim3A_2237, %broadcast_in_dim3A_2238 : vector<16xi1>, vector<16xi32>
      %swap3A_2240 = arith.index_cast %add3A_1848 : i32 to index
      %swap3A_2241 = arith.constant 16 : index
      %swap3A_2242 = tpu.vector_load %arg11[%swap3A_2240, %swap3A_2241] {strides = array<i32>} : memref<16x128xi32, #tpu.memory_space<vmem>>, vector<16xi32>,
      tpu.vector_store %arg11[%swap3A_2240, %swap3A_2241], %select_n3A_2239 {strides = array<i32>} : memref<16x128xi32, #tpu.memory_space<vmem>>, vector<16xi32>,
      %add3A_2243 = arith.constant 32 : i32
      %add3A_2244 = vector.broadcast %add3A_2243 : i32 to vector<16xi32>
      %add3A_2245 = arith.addi %add3A_2244, %iota3A : vector<16xi32>
      %broadcast_in_dim3A_2246 = arith.constant 0 : i32
      %broadcast_in_dim3A_2247 = vector.broadcast %broadcast_in_dim3A_2246 : i32 to vector<16xi32>
      %broadcast_in_dim3A_2248 = arith.constant 0 : i32
      %broadcast_in_dim3A_2249 = vector.broadcast %broadcast_in_dim3A_2248 : i32 to vector<16xi32>
      %gather3A_2250 = arith.constant 1 : i32
      %gather3A_2251 = arith.constant 0 : i32
      %gather3A_2252 = arith.constant 0 : i32
      %gather3A_2253 = tpu.memref_slice %arg9[%gather3A_2250, %gather3A_2251, %gather3A_2252] : memref<2x128x8xi32, #tpu.memory_space<vmem>> -> memref<1x128x8xi32, #tpu.memory_space<vmem>>
      %gather3A_2254 = tpu.memref_squeeze %gather3A_2253 : memref<1x128x8xi32, #tpu.memory_space<vmem>> -> memref<128x8xi32, #tpu.memory_space<vmem>>
      %gather3A_2255 = tpu.vector_load_idx %gather3A_2254[%add3A_2245, %broadcast_in_dim3A_2249] : memref<128x8xi32, #tpu.memory_space<vmem>>[vector<16xi32>, vector<16xi32>], vector<16xi32>,
      %shift_right_arithmetic3A_2256 = arith.constant 7 : i32
      %shift_right_arithmetic3A_2257 = vector.broadcast %shift_right_arithmetic3A_2256 : i32 to vector<16xi32>
      %shift_right_arithmetic3A_2258 = arith.shrsi %gather3A_2255, %shift_right_arithmetic3A_2257 : vector<16xi32>
      %and3A_2259 = arith.constant 127 : i32
      %and3A_2260 = vector.broadcast %and3A_2259 : i32 to vector<16xi32>
      %and3A_2261 = arith.andi %gather3A_2255, %and3A_2260 : vector<16xi32>
      %gather3A_2262 = tpu.vector_load_idx %arg8[%shift_right_arithmetic3A_2258, %and3A_2261] : memref<32x128xi32, #tpu.memory_space<vmem>>[vector<16xi32>, vector<16xi32>], vector<16xi32>,
      %gather3A_2263 = tpu.vector_load_idx %arg7[%gather3A_2262] : memref<8192xi32, #tpu.memory_space<vmem>>[vector<16xi32>], vector<16xi32>,
      %mul3A_2264 = arith.constant 1 : i32
      %mul3A_2265 = vector.broadcast %mul3A_2264 : i32 to vector<16xi32>
      %mul3A_2266 = arith.muli %gather3A_2263, %mul3A_2265 : vector<16xi32>
      %add3A_2267 = arith.addi %broadcast_in_dim3A_2247, %mul3A_2266 : vector<16xi32>
      %broadcast_in_dim3A_2268 = arith.constant 1 : i32
      %broadcast_in_dim3A_2269 = vector.broadcast %broadcast_in_dim3A_2268 : i32 to vector<16xi32>
      %gather3A_2270 = arith.constant 1 : i32
      %gather3A_2271 = arith.constant 0 : i32
      %gather3A_2272 = arith.constant 0 : i32
      %gather3A_2273 = tpu.memref_slice %arg9[%gather3A_2270, %gather3A_2271, %gather3A_2272] : memref<2x128x8xi32, #tpu.memory_space<vmem>> -> memref<1x128x8xi32, #tpu.memory_space<vmem>>
      %gather3A_2274 = tpu.memref_squeeze %gather3A_2273 : memref<1x128x8xi32, #tpu.memory_space<vmem>> -> memref<128x8xi32, #tpu.memory_space<vmem>>
      %gather3A_2275 = tpu.vector_load_idx %gather3A_2274[%add3A_2245, %broadcast_in_dim3A_2269] : memref<128x8xi32, #tpu.memory_space<vmem>>[vector<16xi32>, vector<16xi32>], vector<16xi32>,
      %shift_right_arithmetic3A_2276 = arith.constant 7 : i32
      %shift_right_arithmetic3A_2277 = vector.broadcast %shift_right_arithmetic3A_2276 : i32 to vector<16xi32>
      %shift_right_arithmetic3A_2278 = arith.shrsi %gather3A_2275, %shift_right_arithmetic3A_2277 : vector<16xi32>
      %and3A_2279 = arith.constant 127 : i32
      %and3A_2280 = vector.broadcast %and3A_2279 : i32 to vector<16xi32>
      %and3A_2281 = arith.andi %gather3A_2275, %and3A_2280 : vector<16xi32>
      %gather3A_2282 = tpu.vector_load_idx %arg8[%shift_right_arithmetic3A_2278, %and3A_2281] : memref<32x128xi32, #tpu.memory_space<vmem>>[vector<16xi32>, vector<16xi32>], vector<16xi32>,
      %gather3A_2283 = tpu.vector_load_idx %arg7[%gather3A_2282] : memref<8192xi32, #tpu.memory_space<vmem>>[vector<16xi32>], vector<16xi32>,
      %mul3A_2284 = arith.constant 2 : i32
      %mul3A_2285 = vector.broadcast %mul3A_2284 : i32 to vector<16xi32>
      %mul3A_2286 = arith.muli %gather3A_2283, %mul3A_2285 : vector<16xi32>
      %add3A_2287 = arith.addi %add3A_2267, %mul3A_2286 : vector<16xi32>
      %broadcast_in_dim3A_2288 = arith.constant 2 : i32
      %broadcast_in_dim3A_2289 = vector.broadcast %broadcast_in_dim3A_2288 : i32 to vector<16xi32>
      %gather3A_2290 = arith.constant 1 : i32
      %gather3A_2291 = arith.constant 0 : i32
      %gather3A_2292 = arith.constant 0 : i32
      %gather3A_2293 = tpu.memref_slice %arg9[%gather3A_2290, %gather3A_2291, %gather3A_2292] : memref<2x128x8xi32, #tpu.memory_space<vmem>> -> memref<1x128x8xi32, #tpu.memory_space<vmem>>
      %gather3A_2294 = tpu.memref_squeeze %gather3A_2293 : memref<1x128x8xi32, #tpu.memory_space<vmem>> -> memref<128x8xi32, #tpu.memory_space<vmem>>
      %gather3A_2295 = tpu.vector_load_idx %gather3A_2294[%add3A_2245, %broadcast_in_dim3A_2289] : memref<128x8xi32, #tpu.memory_space<vmem>>[vector<16xi32>, vector<16xi32>], vector<16xi32>,
      %shift_right_arithmetic3A_2296 = arith.constant 7 : i32
      %shift_right_arithmetic3A_2297 = vector.broadcast %shift_right_arithmetic3A_2296 : i32 to vector<16xi32>
      %shift_right_arithmetic3A_2298 = arith.shrsi %gather3A_2295, %shift_right_arithmetic3A_2297 : vector<16xi32>
      %and3A_2299 = arith.constant 127 : i32
      %and3A_2300 = vector.broadcast %and3A_2299 : i32 to vector<16xi32>
      %and3A_2301 = arith.andi %gather3A_2295, %and3A_2300 : vector<16xi32>
      %gather3A_2302 = tpu.vector_load_idx %arg8[%shift_right_arithmetic3A_2298, %and3A_2301] : memref<32x128xi32, #tpu.memory_space<vmem>>[vector<16xi32>, vector<16xi32>], vector<16xi32>,
      %gather3A_2303 = tpu.vector_load_idx %arg7[%gather3A_2302] : memref<8192xi32, #tpu.memory_space<vmem>>[vector<16xi32>], vector<16xi32>,
      %mul3A_2304 = arith.constant 4 : i32
      %mul3A_2305 = vector.broadcast %mul3A_2304 : i32 to vector<16xi32>
      %mul3A_2306 = arith.muli %gather3A_2303, %mul3A_2305 : vector<16xi32>
      %add3A_2307 = arith.addi %add3A_2287, %mul3A_2306 : vector<16xi32>
      %broadcast_in_dim3A_2308 = arith.constant 3 : i32
      %broadcast_in_dim3A_2309 = vector.broadcast %broadcast_in_dim3A_2308 : i32 to vector<16xi32>
      %gather3A_2310 = arith.constant 1 : i32
      %gather3A_2311 = arith.constant 0 : i32
      %gather3A_2312 = arith.constant 0 : i32
      %gather3A_2313 = tpu.memref_slice %arg9[%gather3A_2310, %gather3A_2311, %gather3A_2312] : memref<2x128x8xi32, #tpu.memory_space<vmem>> -> memref<1x128x8xi32, #tpu.memory_space<vmem>>
      %gather3A_2314 = tpu.memref_squeeze %gather3A_2313 : memref<1x128x8xi32, #tpu.memory_space<vmem>> -> memref<128x8xi32, #tpu.memory_space<vmem>>
      %gather3A_2315 = tpu.vector_load_idx %gather3A_2314[%add3A_2245, %broadcast_in_dim3A_2309] : memref<128x8xi32, #tpu.memory_space<vmem>>[vector<16xi32>, vector<16xi32>], vector<16xi32>,
      %shift_right_arithmetic3A_2316 = arith.constant 7 : i32
      %shift_right_arithmetic3A_2317 = vector.broadcast %shift_right_arithmetic3A_2316 : i32 to vector<16xi32>
      %shift_right_arithmetic3A_2318 = arith.shrsi %gather3A_2315, %shift_right_arithmetic3A_2317 : vector<16xi32>
      %and3A_2319 = arith.constant 127 : i32
      %and3A_2320 = vector.broadcast %and3A_2319 : i32 to vector<16xi32>
      %and3A_2321 = arith.andi %gather3A_2315, %and3A_2320 : vector<16xi32>
      %gather3A_2322 = tpu.vector_load_idx %arg8[%shift_right_arithmetic3A_2318, %and3A_2321] : memref<32x128xi32, #tpu.memory_space<vmem>>[vector<16xi32>, vector<16xi32>], vector<16xi32>,
      %gather3A_2323 = tpu.vector_load_idx %arg7[%gather3A_2322] : memref<8192xi32, #tpu.memory_space<vmem>>[vector<16xi32>], vector<16xi32>,
      %mul3A_2324 = arith.constant 8 : i32
      %mul3A_2325 = vector.broadcast %mul3A_2324 : i32 to vector<16xi32>
      %mul3A_2326 = arith.muli %gather3A_2323, %mul3A_2325 : vector<16xi32>
      %add3A_2327 = arith.addi %add3A_2307, %mul3A_2326 : vector<16xi32>
      %broadcast_in_dim3A_2328 = arith.constant 4 : i32
      %broadcast_in_dim3A_2329 = vector.broadcast %broadcast_in_dim3A_2328 : i32 to vector<16xi32>
      %gather3A_2330 = arith.constant 1 : i32
      %gather3A_2331 = arith.constant 0 : i32
      %gather3A_2332 = arith.constant 0 : i32
      %gather3A_2333 = tpu.memref_slice %arg9[%gather3A_2330, %gather3A_2331, %gather3A_2332] : memref<2x128x8xi32, #tpu.memory_space<vmem>> -> memref<1x128x8xi32, #tpu.memory_space<vmem>>
      %gather3A_2334 = tpu.memref_squeeze %gather3A_2333 : memref<1x128x8xi32, #tpu.memory_space<vmem>> -> memref<128x8xi32, #tpu.memory_space<vmem>>
      %gather3A_2335 = tpu.vector_load_idx %gather3A_2334[%add3A_2245, %broadcast_in_dim3A_2329] : memref<128x8xi32, #tpu.memory_space<vmem>>[vector<16xi32>, vector<16xi32>], vector<16xi32>,
      %shift_right_arithmetic3A_2336 = arith.constant 7 : i32
      %shift_right_arithmetic3A_2337 = vector.broadcast %shift_right_arithmetic3A_2336 : i32 to vector<16xi32>
      %shift_right_arithmetic3A_2338 = arith.shrsi %gather3A_2335, %shift_right_arithmetic3A_2337 : vector<16xi32>
      %and3A_2339 = arith.constant 127 : i32
      %and3A_2340 = vector.broadcast %and3A_2339 : i32 to vector<16xi32>
      %and3A_2341 = arith.andi %gather3A_2335, %and3A_2340 : vector<16xi32>
      %gather3A_2342 = tpu.vector_load_idx %arg8[%shift_right_arithmetic3A_2338, %and3A_2341] : memref<32x128xi32, #tpu.memory_space<vmem>>[vector<16xi32>, vector<16xi32>], vector<16xi32>,
      %gather3A_2343 = tpu.vector_load_idx %arg7[%gather3A_2342] : memref<8192xi32, #tpu.memory_space<vmem>>[vector<16xi32>], vector<16xi32>,
      %mul3A_2344 = arith.constant 16 : i32
      %mul3A_2345 = vector.broadcast %mul3A_2344 : i32 to vector<16xi32>
      %mul3A_2346 = arith.muli %gather3A_2343, %mul3A_2345 : vector<16xi32>
      %add3A_2347 = arith.addi %add3A_2327, %mul3A_2346 : vector<16xi32>
      %broadcast_in_dim3A_2348 = arith.constant 5 : i32
      %broadcast_in_dim3A_2349 = vector.broadcast %broadcast_in_dim3A_2348 : i32 to vector<16xi32>
      %gather3A_2350 = arith.constant 1 : i32
      %gather3A_2351 = arith.constant 0 : i32
      %gather3A_2352 = arith.constant 0 : i32
      %gather3A_2353 = tpu.memref_slice %arg9[%gather3A_2350, %gather3A_2351, %gather3A_2352] : memref<2x128x8xi32, #tpu.memory_space<vmem>> -> memref<1x128x8xi32, #tpu.memory_space<vmem>>
      %gather3A_2354 = tpu.memref_squeeze %gather3A_2353 : memref<1x128x8xi32, #tpu.memory_space<vmem>> -> memref<128x8xi32, #tpu.memory_space<vmem>>
      %gather3A_2355 = tpu.vector_load_idx %gather3A_2354[%add3A_2245, %broadcast_in_dim3A_2349] : memref<128x8xi32, #tpu.memory_space<vmem>>[vector<16xi32>, vector<16xi32>], vector<16xi32>,
      %shift_right_arithmetic3A_2356 = arith.constant 7 : i32
      %shift_right_arithmetic3A_2357 = vector.broadcast %shift_right_arithmetic3A_2356 : i32 to vector<16xi32>
      %shift_right_arithmetic3A_2358 = arith.shrsi %gather3A_2355, %shift_right_arithmetic3A_2357 : vector<16xi32>
      %and3A_2359 = arith.constant 127 : i32
      %and3A_2360 = vector.broadcast %and3A_2359 : i32 to vector<16xi32>
      %and3A_2361 = arith.andi %gather3A_2355, %and3A_2360 : vector<16xi32>
      %gather3A_2362 = tpu.vector_load_idx %arg8[%shift_right_arithmetic3A_2358, %and3A_2361] : memref<32x128xi32, #tpu.memory_space<vmem>>[vector<16xi32>, vector<16xi32>], vector<16xi32>,
      %gather3A_2363 = tpu.vector_load_idx %arg7[%gather3A_2362] : memref<8192xi32, #tpu.memory_space<vmem>>[vector<16xi32>], vector<16xi32>,
      %mul3A_2364 = arith.constant 32 : i32
      %mul3A_2365 = vector.broadcast %mul3A_2364 : i32 to vector<16xi32>
      %mul3A_2366 = arith.muli %gather3A_2363, %mul3A_2365 : vector<16xi32>
      %add3A_2367 = arith.addi %add3A_2347, %mul3A_2366 : vector<16xi32>
      %broadcast_in_dim3A_2368 = arith.constant 6 : i32
      %broadcast_in_dim3A_2369 = vector.broadcast %broadcast_in_dim3A_2368 : i32 to vector<16xi32>
      %gather3A_2370 = arith.constant 1 : i32
      %gather3A_2371 = arith.constant 0 : i32
      %gather3A_2372 = arith.constant 0 : i32
      %gather3A_2373 = tpu.memref_slice %arg9[%gather3A_2370, %gather3A_2371, %gather3A_2372] : memref<2x128x8xi32, #tpu.memory_space<vmem>> -> memref<1x128x8xi32, #tpu.memory_space<vmem>>
      %gather3A_2374 = tpu.memref_squeeze %gather3A_2373 : memref<1x128x8xi32, #tpu.memory_space<vmem>> -> memref<128x8xi32, #tpu.memory_space<vmem>>
      %gather3A_2375 = tpu.vector_load_idx %gather3A_2374[%add3A_2245, %broadcast_in_dim3A_2369] : memref<128x8xi32, #tpu.memory_space<vmem>>[vector<16xi32>, vector<16xi32>], vector<16xi32>,
      %shift_right_arithmetic3A_2376 = arith.constant 7 : i32
      %shift_right_arithmetic3A_2377 = vector.broadcast %shift_right_arithmetic3A_2376 : i32 to vector<16xi32>
      %shift_right_arithmetic3A_2378 = arith.shrsi %gather3A_2375, %shift_right_arithmetic3A_2377 : vector<16xi32>
      %and3A_2379 = arith.constant 127 : i32
      %and3A_2380 = vector.broadcast %and3A_2379 : i32 to vector<16xi32>
      %and3A_2381 = arith.andi %gather3A_2375, %and3A_2380 : vector<16xi32>
      %gather3A_2382 = tpu.vector_load_idx %arg8[%shift_right_arithmetic3A_2378, %and3A_2381] : memref<32x128xi32, #tpu.memory_space<vmem>>[vector<16xi32>, vector<16xi32>], vector<16xi32>,
      %gather3A_2383 = tpu.vector_load_idx %arg7[%gather3A_2382] : memref<8192xi32, #tpu.memory_space<vmem>>[vector<16xi32>], vector<16xi32>,
      %mul3A_2384 = arith.constant 64 : i32
      %mul3A_2385 = vector.broadcast %mul3A_2384 : i32 to vector<16xi32>
      %mul3A_2386 = arith.muli %gather3A_2383, %mul3A_2385 : vector<16xi32>
      %add3A_2387 = arith.addi %add3A_2367, %mul3A_2386 : vector<16xi32>
      %broadcast_in_dim3A_2388 = arith.constant 7 : i32
      %broadcast_in_dim3A_2389 = vector.broadcast %broadcast_in_dim3A_2388 : i32 to vector<16xi32>
      %gather3A_2390 = arith.constant 1 : i32
      %gather3A_2391 = arith.constant 0 : i32
      %gather3A_2392 = arith.constant 0 : i32
      %gather3A_2393 = tpu.memref_slice %arg9[%gather3A_2390, %gather3A_2391, %gather3A_2392] : memref<2x128x8xi32, #tpu.memory_space<vmem>> -> memref<1x128x8xi32, #tpu.memory_space<vmem>>
      %gather3A_2394 = tpu.memref_squeeze %gather3A_2393 : memref<1x128x8xi32, #tpu.memory_space<vmem>> -> memref<128x8xi32, #tpu.memory_space<vmem>>
      %gather3A_2395 = tpu.vector_load_idx %gather3A_2394[%add3A_2245, %broadcast_in_dim3A_2389] : memref<128x8xi32, #tpu.memory_space<vmem>>[vector<16xi32>, vector<16xi32>], vector<16xi32>,
      %shift_right_arithmetic3A_2396 = arith.constant 7 : i32
      %shift_right_arithmetic3A_2397 = vector.broadcast %shift_right_arithmetic3A_2396 : i32 to vector<16xi32>
      %shift_right_arithmetic3A_2398 = arith.shrsi %gather3A_2395, %shift_right_arithmetic3A_2397 : vector<16xi32>
      %and3A_2399 = arith.constant 127 : i32
      %and3A_2400 = vector.broadcast %and3A_2399 : i32 to vector<16xi32>
      %and3A_2401 = arith.andi %gather3A_2395, %and3A_2400 : vector<16xi32>
      %gather3A_2402 = tpu.vector_load_idx %arg8[%shift_right_arithmetic3A_2398, %and3A_2401] : memref<32x128xi32, #tpu.memory_space<vmem>>[vector<16xi32>, vector<16xi32>], vector<16xi32>,
      %gather3A_2403 = tpu.vector_load_idx %arg7[%gather3A_2402] : memref<8192xi32, #tpu.memory_space<vmem>>[vector<16xi32>], vector<16xi32>,
      %mul3A_2404 = arith.constant 128 : i32
      %mul3A_2405 = vector.broadcast %mul3A_2404 : i32 to vector<16xi32>
      %mul3A_2406 = arith.muli %gather3A_2403, %mul3A_2405 : vector<16xi32>
      %add3A_2407 = arith.addi %add3A_2387, %mul3A_2406 : vector<16xi32>
      %gather3A_2408 = arith.constant 1 : i32
      %gather3A_2409 = arith.constant 0 : i32
      %gather3A_2410 = arith.constant 0 : i32
      %gather3A_2411 = tpu.memref_slice %arg10[%gather3A_2408, %gather3A_2409, %gather3A_2410] : memref<2x128x256xf32, #tpu.memory_space<vmem>> -> memref<1x128x256xf32, #tpu.memory_space<vmem>>
      %gather3A_2412 = tpu.memref_squeeze %gather3A_2411 : memref<1x128x256xf32, #tpu.memory_space<vmem>> -> memref<128x256xf32, #tpu.memory_space<vmem>>
      %gather3A_2413 = tpu.vector_load_idx %gather3A_2412[%add3A_2245, %add3A_2407] : memref<128x256xf32, #tpu.memory_space<vmem>>[vector<16xi32>, vector<16xi32>], vector<16xf32>,
      %gt3A_2414 = arith.constant 5.000000e-01 : f32
      %gt3A_2415 = vector.broadcast %gt3A_2414 : f32 to vector<16xf32>
      %gt3A_2416 = arith.cmpf ogt, %gather3A_2413, %gt3A_2415 : vector<16xf32>
      %jit3A_2417 = arith.constant 1 : i32
      %jit3A_2418 = arith.constant 0 : i32
      %broadcast_in_dim3A_2419 = vector.broadcast %jit3A_2417 : i32 to vector<16xi32>
      %broadcast_in_dim3A_2420 = vector.broadcast %jit3A_2418 : i32 to vector<16xi32>
      %select_n3A_2421 = arith.select %gt3A_2416, %broadcast_in_dim3A_2419, %broadcast_in_dim3A_2420 : vector<16xi1>, vector<16xi32>
      %swap3A_2422 = arith.index_cast %add3A_1848 : i32 to index
      %swap3A_2423 = arith.constant 32 : index
      %swap3A_2424 = tpu.vector_load %arg11[%swap3A_2422, %swap3A_2423] {strides = array<i32>} : memref<16x128xi32, #tpu.memory_space<vmem>>, vector<16xi32>,
      tpu.vector_store %arg11[%swap3A_2422, %swap3A_2423], %select_n3A_2421 {strides = array<i32>} : memref<16x128xi32, #tpu.memory_space<vmem>>, vector<16xi32>,
      %add3A_2425 = arith.constant 48 : i32
      %add3A_2426 = vector.broadcast %add3A_2425 : i32 to vector<16xi32>
      %add3A_2427 = arith.addi %add3A_2426, %iota3A : vector<16xi32>
      %broadcast_in_dim3A_2428 = arith.constant 0 : i32
      %broadcast_in_dim3A_2429 = vector.broadcast %broadcast_in_dim3A_2428 : i32 to vector<16xi32>
      %broadcast_in_dim3A_2430 = arith.constant 0 : i32
      %broadcast_in_dim3A_2431 = vector.broadcast %broadcast_in_dim3A_2430 : i32 to vector<16xi32>
      %gather3A_2432 = arith.constant 1 : i32
      %gather3A_2433 = arith.constant 0 : i32
      %gather3A_2434 = arith.constant 0 : i32
      %gather3A_2435 = tpu.memref_slice %arg9[%gather3A_2432, %gather3A_2433, %gather3A_2434] : memref<2x128x8xi32, #tpu.memory_space<vmem>> -> memref<1x128x8xi32, #tpu.memory_space<vmem>>
      %gather3A_2436 = tpu.memref_squeeze %gather3A_2435 : memref<1x128x8xi32, #tpu.memory_space<vmem>> -> memref<128x8xi32, #tpu.memory_space<vmem>>
      %gather3A_2437 = tpu.vector_load_idx %gather3A_2436[%add3A_2427, %broadcast_in_dim3A_2431] : memref<128x8xi32, #tpu.memory_space<vmem>>[vector<16xi32>, vector<16xi32>], vector<16xi32>,
      %shift_right_arithmetic3A_2438 = arith.constant 7 : i32
      %shift_right_arithmetic3A_2439 = vector.broadcast %shift_right_arithmetic3A_2438 : i32 to vector<16xi32>
      %shift_right_arithmetic3A_2440 = arith.shrsi %gather3A_2437, %shift_right_arithmetic3A_2439 : vector<16xi32>
      %and3A_2441 = arith.constant 127 : i32
      %and3A_2442 = vector.broadcast %and3A_2441 : i32 to vector<16xi32>
      %and3A_2443 = arith.andi %gather3A_2437, %and3A_2442 : vector<16xi32>
      %gather3A_2444 = tpu.vector_load_idx %arg8[%shift_right_arithmetic3A_2440, %and3A_2443] : memref<32x128xi32, #tpu.memory_space<vmem>>[vector<16xi32>, vector<16xi32>], vector<16xi32>,
      %gather3A_2445 = tpu.vector_load_idx %arg7[%gather3A_2444] : memref<8192xi32, #tpu.memory_space<vmem>>[vector<16xi32>], vector<16xi32>,
      %mul3A_2446 = arith.constant 1 : i32
      %mul3A_2447 = vector.broadcast %mul3A_2446 : i32 to vector<16xi32>
      %mul3A_2448 = arith.muli %gather3A_2445, %mul3A_2447 : vector<16xi32>
      %add3A_2449 = arith.addi %broadcast_in_dim3A_2429, %mul3A_2448 : vector<16xi32>
      %broadcast_in_dim3A_2450 = arith.constant 1 : i32
      %broadcast_in_dim3A_2451 = vector.broadcast %broadcast_in_dim3A_2450 : i32 to vector<16xi32>
      %gather3A_2452 = arith.constant 1 : i32
      %gather3A_2453 = arith.constant 0 : i32
      %gather3A_2454 = arith.constant 0 : i32
      %gather3A_2455 = tpu.memref_slice %arg9[%gather3A_2452, %gather3A_2453, %gather3A_2454] : memref<2x128x8xi32, #tpu.memory_space<vmem>> -> memref<1x128x8xi32, #tpu.memory_space<vmem>>
      %gather3A_2456 = tpu.memref_squeeze %gather3A_2455 : memref<1x128x8xi32, #tpu.memory_space<vmem>> -> memref<128x8xi32, #tpu.memory_space<vmem>>
      %gather3A_2457 = tpu.vector_load_idx %gather3A_2456[%add3A_2427, %broadcast_in_dim3A_2451] : memref<128x8xi32, #tpu.memory_space<vmem>>[vector<16xi32>, vector<16xi32>], vector<16xi32>,
      %shift_right_arithmetic3A_2458 = arith.constant 7 : i32
      %shift_right_arithmetic3A_2459 = vector.broadcast %shift_right_arithmetic3A_2458 : i32 to vector<16xi32>
      %shift_right_arithmetic3A_2460 = arith.shrsi %gather3A_2457, %shift_right_arithmetic3A_2459 : vector<16xi32>
      %and3A_2461 = arith.constant 127 : i32
      %and3A_2462 = vector.broadcast %and3A_2461 : i32 to vector<16xi32>
      %and3A_2463 = arith.andi %gather3A_2457, %and3A_2462 : vector<16xi32>
      %gather3A_2464 = tpu.vector_load_idx %arg8[%shift_right_arithmetic3A_2460, %and3A_2463] : memref<32x128xi32, #tpu.memory_space<vmem>>[vector<16xi32>, vector<16xi32>], vector<16xi32>,
      %gather3A_2465 = tpu.vector_load_idx %arg7[%gather3A_2464] : memref<8192xi32, #tpu.memory_space<vmem>>[vector<16xi32>], vector<16xi32>,
      %mul3A_2466 = arith.constant 2 : i32
      %mul3A_2467 = vector.broadcast %mul3A_2466 : i32 to vector<16xi32>
      %mul3A_2468 = arith.muli %gather3A_2465, %mul3A_2467 : vector<16xi32>
      %add3A_2469 = arith.addi %add3A_2449, %mul3A_2468 : vector<16xi32>
      %broadcast_in_dim3A_2470 = arith.constant 2 : i32
      %broadcast_in_dim3A_2471 = vector.broadcast %broadcast_in_dim3A_2470 : i32 to vector<16xi32>
      %gather3A_2472 = arith.constant 1 : i32
      %gather3A_2473 = arith.constant 0 : i32
      %gather3A_2474 = arith.constant 0 : i32
      %gather3A_2475 = tpu.memref_slice %arg9[%gather3A_2472, %gather3A_2473, %gather3A_2474] : memref<2x128x8xi32, #tpu.memory_space<vmem>> -> memref<1x128x8xi32, #tpu.memory_space<vmem>>
      %gather3A_2476 = tpu.memref_squeeze %gather3A_2475 : memref<1x128x8xi32, #tpu.memory_space<vmem>> -> memref<128x8xi32, #tpu.memory_space<vmem>>
      %gather3A_2477 = tpu.vector_load_idx %gather3A_2476[%add3A_2427, %broadcast_in_dim3A_2471] : memref<128x8xi32, #tpu.memory_space<vmem>>[vector<16xi32>, vector<16xi32>], vector<16xi32>,
      %shift_right_arithmetic3A_2478 = arith.constant 7 : i32
      %shift_right_arithmetic3A_2479 = vector.broadcast %shift_right_arithmetic3A_2478 : i32 to vector<16xi32>
      %shift_right_arithmetic3A_2480 = arith.shrsi %gather3A_2477, %shift_right_arithmetic3A_2479 : vector<16xi32>
      %and3A_2481 = arith.constant 127 : i32
      %and3A_2482 = vector.broadcast %and3A_2481 : i32 to vector<16xi32>
      %and3A_2483 = arith.andi %gather3A_2477, %and3A_2482 : vector<16xi32>
      %gather3A_2484 = tpu.vector_load_idx %arg8[%shift_right_arithmetic3A_2480, %and3A_2483] : memref<32x128xi32, #tpu.memory_space<vmem>>[vector<16xi32>, vector<16xi32>], vector<16xi32>,
      %gather3A_2485 = tpu.vector_load_idx %arg7[%gather3A_2484] : memref<8192xi32, #tpu.memory_space<vmem>>[vector<16xi32>], vector<16xi32>,
      %mul3A_2486 = arith.constant 4 : i32
      %mul3A_2487 = vector.broadcast %mul3A_2486 : i32 to vector<16xi32>
      %mul3A_2488 = arith.muli %gather3A_2485, %mul3A_2487 : vector<16xi32>
      %add3A_2489 = arith.addi %add3A_2469, %mul3A_2488 : vector<16xi32>
      %broadcast_in_dim3A_2490 = arith.constant 3 : i32
      %broadcast_in_dim3A_2491 = vector.broadcast %broadcast_in_dim3A_2490 : i32 to vector<16xi32>
      %gather3A_2492 = arith.constant 1 : i32
      %gather3A_2493 = arith.constant 0 : i32
      %gather3A_2494 = arith.constant 0 : i32
      %gather3A_2495 = tpu.memref_slice %arg9[%gather3A_2492, %gather3A_2493, %gather3A_2494] : memref<2x128x8xi32, #tpu.memory_space<vmem>> -> memref<1x128x8xi32, #tpu.memory_space<vmem>>
      %gather3A_2496 = tpu.memref_squeeze %gather3A_2495 : memref<1x128x8xi32, #tpu.memory_space<vmem>> -> memref<128x8xi32, #tpu.memory_space<vmem>>
      %gather3A_2497 = tpu.vector_load_idx %gather3A_2496[%add3A_2427, %broadcast_in_dim3A_2491] : memref<128x8xi32, #tpu.memory_space<vmem>>[vector<16xi32>, vector<16xi32>], vector<16xi32>,
      %shift_right_arithmetic3A_2498 = arith.constant 7 : i32
      %shift_right_arithmetic3A_2499 = vector.broadcast %shift_right_arithmetic3A_2498 : i32 to vector<16xi32>
      %shift_right_arithmetic3A_2500 = arith.shrsi %gather3A_2497, %shift_right_arithmetic3A_2499 : vector<16xi32>
      %and3A_2501 = arith.constant 127 : i32
      %and3A_2502 = vector.broadcast %and3A_2501 : i32 to vector<16xi32>
      %and3A_2503 = arith.andi %gather3A_2497, %and3A_2502 : vector<16xi32>
      %gather3A_2504 = tpu.vector_load_idx %arg8[%shift_right_arithmetic3A_2500, %and3A_2503] : memref<32x128xi32, #tpu.memory_space<vmem>>[vector<16xi32>, vector<16xi32>], vector<16xi32>,
      %gather3A_2505 = tpu.vector_load_idx %arg7[%gather3A_2504] : memref<8192xi32, #tpu.memory_space<vmem>>[vector<16xi32>], vector<16xi32>,
      %mul3A_2506 = arith.constant 8 : i32
      %mul3A_2507 = vector.broadcast %mul3A_2506 : i32 to vector<16xi32>
      %mul3A_2508 = arith.muli %gather3A_2505, %mul3A_2507 : vector<16xi32>
      %add3A_2509 = arith.addi %add3A_2489, %mul3A_2508 : vector<16xi32>
      %broadcast_in_dim3A_2510 = arith.constant 4 : i32
      %broadcast_in_dim3A_2511 = vector.broadcast %broadcast_in_dim3A_2510 : i32 to vector<16xi32>
      %gather3A_2512 = arith.constant 1 : i32
      %gather3A_2513 = arith.constant 0 : i32
      %gather3A_2514 = arith.constant 0 : i32
      %gather3A_2515 = tpu.memref_slice %arg9[%gather3A_2512, %gather3A_2513, %gather3A_2514] : memref<2x128x8xi32, #tpu.memory_space<vmem>> -> memref<1x128x8xi32, #tpu.memory_space<vmem>>
      %gather3A_2516 = tpu.memref_squeeze %gather3A_2515 : memref<1x128x8xi32, #tpu.memory_space<vmem>> -> memref<128x8xi32, #tpu.memory_space<vmem>>
      %gather3A_2517 = tpu.vector_load_idx %gather3A_2516[%add3A_2427, %broadcast_in_dim3A_2511] : memref<128x8xi32, #tpu.memory_space<vmem>>[vector<16xi32>, vector<16xi32>], vector<16xi32>,
      %shift_right_arithmetic3A_2518 = arith.constant 7 : i32
      %shift_right_arithmetic3A_2519 = vector.broadcast %shift_right_arithmetic3A_2518 : i32 to vector<16xi32>
      %shift_right_arithmetic3A_2520 = arith.shrsi %gather3A_2517, %shift_right_arithmetic3A_2519 : vector<16xi32>
      %and3A_2521 = arith.constant 127 : i32
      %and3A_2522 = vector.broadcast %and3A_2521 : i32 to vector<16xi32>
      %and3A_2523 = arith.andi %gather3A_2517, %and3A_2522 : vector<16xi32>
      %gather3A_2524 = tpu.vector_load_idx %arg8[%shift_right_arithmetic3A_2520, %and3A_2523] : memref<32x128xi32, #tpu.memory_space<vmem>>[vector<16xi32>, vector<16xi32>], vector<16xi32>,
      %gather3A_2525 = tpu.vector_load_idx %arg7[%gather3A_2524] : memref<8192xi32, #tpu.memory_space<vmem>>[vector<16xi32>], vector<16xi32>,
      %mul3A_2526 = arith.constant 16 : i32
      %mul3A_2527 = vector.broadcast %mul3A_2526 : i32 to vector<16xi32>
      %mul3A_2528 = arith.muli %gather3A_2525, %mul3A_2527 : vector<16xi32>
      %add3A_2529 = arith.addi %add3A_2509, %mul3A_2528 : vector<16xi32>
      %broadcast_in_dim3A_2530 = arith.constant 5 : i32
      %broadcast_in_dim3A_2531 = vector.broadcast %broadcast_in_dim3A_2530 : i32 to vector<16xi32>
      %gather3A_2532 = arith.constant 1 : i32
      %gather3A_2533 = arith.constant 0 : i32
      %gather3A_2534 = arith.constant 0 : i32
      %gather3A_2535 = tpu.memref_slice %arg9[%gather3A_2532, %gather3A_2533, %gather3A_2534] : memref<2x128x8xi32, #tpu.memory_space<vmem>> -> memref<1x128x8xi32, #tpu.memory_space<vmem>>
      %gather3A_2536 = tpu.memref_squeeze %gather3A_2535 : memref<1x128x8xi32, #tpu.memory_space<vmem>> -> memref<128x8xi32, #tpu.memory_space<vmem>>
      %gather3A_2537 = tpu.vector_load_idx %gather3A_2536[%add3A_2427, %broadcast_in_dim3A_2531] : memref<128x8xi32, #tpu.memory_space<vmem>>[vector<16xi32>, vector<16xi32>], vector<16xi32>,
      %shift_right_arithmetic3A_2538 = arith.constant 7 : i32
      %shift_right_arithmetic3A_2539 = vector.broadcast %shift_right_arithmetic3A_2538 : i32 to vector<16xi32>
      %shift_right_arithmetic3A_2540 = arith.shrsi %gather3A_2537, %shift_right_arithmetic3A_2539 : vector<16xi32>
      %and3A_2541 = arith.constant 127 : i32
      %and3A_2542 = vector.broadcast %and3A_2541 : i32 to vector<16xi32>
      %and3A_2543 = arith.andi %gather3A_2537, %and3A_2542 : vector<16xi32>
      %gather3A_2544 = tpu.vector_load_idx %arg8[%shift_right_arithmetic3A_2540, %and3A_2543] : memref<32x128xi32, #tpu.memory_space<vmem>>[vector<16xi32>, vector<16xi32>], vector<16xi32>,
      %gather3A_2545 = tpu.vector_load_idx %arg7[%gather3A_2544] : memref<8192xi32, #tpu.memory_space<vmem>>[vector<16xi32>], vector<16xi32>,
      %mul3A_2546 = arith.constant 32 : i32
      %mul3A_2547 = vector.broadcast %mul3A_2546 : i32 to vector<16xi32>
      %mul3A_2548 = arith.muli %gather3A_2545, %mul3A_2547 : vector<16xi32>
      %add3A_2549 = arith.addi %add3A_2529, %mul3A_2548 : vector<16xi32>
      %broadcast_in_dim3A_2550 = arith.constant 6 : i32
      %broadcast_in_dim3A_2551 = vector.broadcast %broadcast_in_dim3A_2550 : i32 to vector<16xi32>
      %gather3A_2552 = arith.constant 1 : i32
      %gather3A_2553 = arith.constant 0 : i32
      %gather3A_2554 = arith.constant 0 : i32
      %gather3A_2555 = tpu.memref_slice %arg9[%gather3A_2552, %gather3A_2553, %gather3A_2554] : memref<2x128x8xi32, #tpu.memory_space<vmem>> -> memref<1x128x8xi32, #tpu.memory_space<vmem>>
      %gather3A_2556 = tpu.memref_squeeze %gather3A_2555 : memref<1x128x8xi32, #tpu.memory_space<vmem>> -> memref<128x8xi32, #tpu.memory_space<vmem>>
      %gather3A_2557 = tpu.vector_load_idx %gather3A_2556[%add3A_2427, %broadcast_in_dim3A_2551] : memref<128x8xi32, #tpu.memory_space<vmem>>[vector<16xi32>, vector<16xi32>], vector<16xi32>,
      %shift_right_arithmetic3A_2558 = arith.constant 7 : i32
      %shift_right_arithmetic3A_2559 = vector.broadcast %shift_right_arithmetic3A_2558 : i32 to vector<16xi32>
      %shift_right_arithmetic3A_2560 = arith.shrsi %gather3A_2557, %shift_right_arithmetic3A_2559 : vector<16xi32>
      %and3A_2561 = arith.constant 127 : i32
      %and3A_2562 = vector.broadcast %and3A_2561 : i32 to vector<16xi32>
      %and3A_2563 = arith.andi %gather3A_2557, %and3A_2562 : vector<16xi32>
      %gather3A_2564 = tpu.vector_load_idx %arg8[%shift_right_arithmetic3A_2560, %and3A_2563] : memref<32x128xi32, #tpu.memory_space<vmem>>[vector<16xi32>, vector<16xi32>], vector<16xi32>,
      %gather3A_2565 = tpu.vector_load_idx %arg7[%gather3A_2564] : memref<8192xi32, #tpu.memory_space<vmem>>[vector<16xi32>], vector<16xi32>,
      %mul3A_2566 = arith.constant 64 : i32
      %mul3A_2567 = vector.broadcast %mul3A_2566 : i32 to vector<16xi32>
      %mul3A_2568 = arith.muli %gather3A_2565, %mul3A_2567 : vector<16xi32>
      %add3A_2569 = arith.addi %add3A_2549, %mul3A_2568 : vector<16xi32>
      %broadcast_in_dim3A_2570 = arith.constant 7 : i32
      %broadcast_in_dim3A_2571 = vector.broadcast %broadcast_in_dim3A_2570 : i32 to vector<16xi32>
      %gather3A_2572 = arith.constant 1 : i32
      %gather3A_2573 = arith.constant 0 : i32
      %gather3A_2574 = arith.constant 0 : i32
      %gather3A_2575 = tpu.memref_slice %arg9[%gather3A_2572, %gather3A_2573, %gather3A_2574] : memref<2x128x8xi32, #tpu.memory_space<vmem>> -> memref<1x128x8xi32, #tpu.memory_space<vmem>>
      %gather3A_2576 = tpu.memref_squeeze %gather3A_2575 : memref<1x128x8xi32, #tpu.memory_space<vmem>> -> memref<128x8xi32, #tpu.memory_space<vmem>>
      %gather3A_2577 = tpu.vector_load_idx %gather3A_2576[%add3A_2427, %broadcast_in_dim3A_2571] : memref<128x8xi32, #tpu.memory_space<vmem>>[vector<16xi32>, vector<16xi32>], vector<16xi32>,
      %shift_right_arithmetic3A_2578 = arith.constant 7 : i32
      %shift_right_arithmetic3A_2579 = vector.broadcast %shift_right_arithmetic3A_2578 : i32 to vector<16xi32>
      %shift_right_arithmetic3A_2580 = arith.shrsi %gather3A_2577, %shift_right_arithmetic3A_2579 : vector<16xi32>
      %and3A_2581 = arith.constant 127 : i32
      %and3A_2582 = vector.broadcast %and3A_2581 : i32 to vector<16xi32>
      %and3A_2583 = arith.andi %gather3A_2577, %and3A_2582 : vector<16xi32>
      %gather3A_2584 = tpu.vector_load_idx %arg8[%shift_right_arithmetic3A_2580, %and3A_2583] : memref<32x128xi32, #tpu.memory_space<vmem>>[vector<16xi32>, vector<16xi32>], vector<16xi32>,
      %gather3A_2585 = tpu.vector_load_idx %arg7[%gather3A_2584] : memref<8192xi32, #tpu.memory_space<vmem>>[vector<16xi32>], vector<16xi32>,
      %mul3A_2586 = arith.constant 128 : i32
      %mul3A_2587 = vector.broadcast %mul3A_2586 : i32 to vector<16xi32>
      %mul3A_2588 = arith.muli %gather3A_2585, %mul3A_2587 : vector<16xi32>
      %add3A_2589 = arith.addi %add3A_2569, %mul3A_2588 : vector<16xi32>
      %gather3A_2590 = arith.constant 1 : i32
      %gather3A_2591 = arith.constant 0 : i32
      %gather3A_2592 = arith.constant 0 : i32
      %gather3A_2593 = tpu.memref_slice %arg10[%gather3A_2590, %gather3A_2591, %gather3A_2592] : memref<2x128x256xf32, #tpu.memory_space<vmem>> -> memref<1x128x256xf32, #tpu.memory_space<vmem>>
      %gather3A_2594 = tpu.memref_squeeze %gather3A_2593 : memref<1x128x256xf32, #tpu.memory_space<vmem>> -> memref<128x256xf32, #tpu.memory_space<vmem>>
      %gather3A_2595 = tpu.vector_load_idx %gather3A_2594[%add3A_2427, %add3A_2589] : memref<128x256xf32, #tpu.memory_space<vmem>>[vector<16xi32>, vector<16xi32>], vector<16xf32>,
      %gt3A_2596 = arith.constant 5.000000e-01 : f32
      %gt3A_2597 = vector.broadcast %gt3A_2596 : f32 to vector<16xf32>
      %gt3A_2598 = arith.cmpf ogt, %gather3A_2595, %gt3A_2597 : vector<16xf32>
      %jit3A_2599 = arith.constant 1 : i32
      %jit3A_2600 = arith.constant 0 : i32
      %broadcast_in_dim3A_2601 = vector.broadcast %jit3A_2599 : i32 to vector<16xi32>
      %broadcast_in_dim3A_2602 = vector.broadcast %jit3A_2600 : i32 to vector<16xi32>
      %select_n3A_2603 = arith.select %gt3A_2598, %broadcast_in_dim3A_2601, %broadcast_in_dim3A_2602 : vector<16xi1>, vector<16xi32>
      %swap3A_2604 = arith.index_cast %add3A_1848 : i32 to index
      %swap3A_2605 = arith.constant 48 : index
      %swap3A_2606 = tpu.vector_load %arg11[%swap3A_2604, %swap3A_2605] {strides = array<i32>} : memref<16x128xi32, #tpu.memory_space<vmem>>, vector<16xi32>,
      tpu.vector_store %arg11[%swap3A_2604, %swap3A_2605], %select_n3A_2603 {strides = array<i32>} : memref<16x128xi32, #tpu.memory_space<vmem>>, vector<16xi32>,
      %add3A_2607 = arith.constant 64 : i32
      %add3A_2608 = vector.broadcast %add3A_2607 : i32 to vector<16xi32>
      %add3A_2609 = arith.addi %add3A_2608, %iota3A : vector<16xi32>
      %broadcast_in_dim3A_2610 = arith.constant 0 : i32
      %broadcast_in_dim3A_2611 = vector.broadcast %broadcast_in_dim3A_2610 : i32 to vector<16xi32>
      %broadcast_in_dim3A_2612 = arith.constant 0 : i32
      %broadcast_in_dim3A_2613 = vector.broadcast %broadcast_in_dim3A_2612 : i32 to vector<16xi32>
      %gather3A_2614 = arith.constant 1 : i32
      %gather3A_2615 = arith.constant 0 : i32
      %gather3A_2616 = arith.constant 0 : i32
      %gather3A_2617 = tpu.memref_slice %arg9[%gather3A_2614, %gather3A_2615, %gather3A_2616] : memref<2x128x8xi32, #tpu.memory_space<vmem>> -> memref<1x128x8xi32, #tpu.memory_space<vmem>>
      %gather3A_2618 = tpu.memref_squeeze %gather3A_2617 : memref<1x128x8xi32, #tpu.memory_space<vmem>> -> memref<128x8xi32, #tpu.memory_space<vmem>>
      %gather3A_2619 = tpu.vector_load_idx %gather3A_2618[%add3A_2609, %broadcast_in_dim3A_2613] : memref<128x8xi32, #tpu.memory_space<vmem>>[vector<16xi32>, vector<16xi32>], vector<16xi32>,
      %shift_right_arithmetic3A_2620 = arith.constant 7 : i32
      %shift_right_arithmetic3A_2621 = vector.broadcast %shift_right_arithmetic3A_2620 : i32 to vector<16xi32>
      %shift_right_arithmetic3A_2622 = arith.shrsi %gather3A_2619, %shift_right_arithmetic3A_2621 : vector<16xi32>
      %and3A_2623 = arith.constant 127 : i32
      %and3A_2624 = vector.broadcast %and3A_2623 : i32 to vector<16xi32>
      %and3A_2625 = arith.andi %gather3A_2619, %and3A_2624 : vector<16xi32>
      %gather3A_2626 = tpu.vector_load_idx %arg8[%shift_right_arithmetic3A_2622, %and3A_2625] : memref<32x128xi32, #tpu.memory_space<vmem>>[vector<16xi32>, vector<16xi32>], vector<16xi32>,
      %gather3A_2627 = tpu.vector_load_idx %arg7[%gather3A_2626] : memref<8192xi32, #tpu.memory_space<vmem>>[vector<16xi32>], vector<16xi32>,
      %mul3A_2628 = arith.constant 1 : i32
      %mul3A_2629 = vector.broadcast %mul3A_2628 : i32 to vector<16xi32>
      %mul3A_2630 = arith.muli %gather3A_2627, %mul3A_2629 : vector<16xi32>
      %add3A_2631 = arith.addi %broadcast_in_dim3A_2611, %mul3A_2630 : vector<16xi32>
      %broadcast_in_dim3A_2632 = arith.constant 1 : i32
      %broadcast_in_dim3A_2633 = vector.broadcast %broadcast_in_dim3A_2632 : i32 to vector<16xi32>
      %gather3A_2634 = arith.constant 1 : i32
      %gather3A_2635 = arith.constant 0 : i32
      %gather3A_2636 = arith.constant 0 : i32
      %gather3A_2637 = tpu.memref_slice %arg9[%gather3A_2634, %gather3A_2635, %gather3A_2636] : memref<2x128x8xi32, #tpu.memory_space<vmem>> -> memref<1x128x8xi32, #tpu.memory_space<vmem>>
      %gather3A_2638 = tpu.memref_squeeze %gather3A_2637 : memref<1x128x8xi32, #tpu.memory_space<vmem>> -> memref<128x8xi32, #tpu.memory_space<vmem>>
      %gather3A_2639 = tpu.vector_load_idx %gather3A_2638[%add3A_2609, %broadcast_in_dim3A_2633] : memref<128x8xi32, #tpu.memory_space<vmem>>[vector<16xi32>, vector<16xi32>], vector<16xi32>,
      %shift_right_arithmetic3A_2640 = arith.constant 7 : i32
      %shift_right_arithmetic3A_2641 = vector.broadcast %shift_right_arithmetic3A_2640 : i32 to vector<16xi32>
      %shift_right_arithmetic3A_2642 = arith.shrsi %gather3A_2639, %shift_right_arithmetic3A_2641 : vector<16xi32>
      %and3A_2643 = arith.constant 127 : i32
      %and3A_2644 = vector.broadcast %and3A_2643 : i32 to vector<16xi32>
      %and3A_2645 = arith.andi %gather3A_2639, %and3A_2644 : vector<16xi32>
      %gather3A_2646 = tpu.vector_load_idx %arg8[%shift_right_arithmetic3A_2642, %and3A_2645] : memref<32x128xi32, #tpu.memory_space<vmem>>[vector<16xi32>, vector<16xi32>], vector<16xi32>,
      %gather3A_2647 = tpu.vector_load_idx %arg7[%gather3A_2646] : memref<8192xi32, #tpu.memory_space<vmem>>[vector<16xi32>], vector<16xi32>,
      %mul3A_2648 = arith.constant 2 : i32
      %mul3A_2649 = vector.broadcast %mul3A_2648 : i32 to vector<16xi32>
      %mul3A_2650 = arith.muli %gather3A_2647, %mul3A_2649 : vector<16xi32>
      %add3A_2651 = arith.addi %add3A_2631, %mul3A_2650 : vector<16xi32>
      %broadcast_in_dim3A_2652 = arith.constant 2 : i32
      %broadcast_in_dim3A_2653 = vector.broadcast %broadcast_in_dim3A_2652 : i32 to vector<16xi32>
      %gather3A_2654 = arith.constant 1 : i32
      %gather3A_2655 = arith.constant 0 : i32
      %gather3A_2656 = arith.constant 0 : i32
      %gather3A_2657 = tpu.memref_slice %arg9[%gather3A_2654, %gather3A_2655, %gather3A_2656] : memref<2x128x8xi32, #tpu.memory_space<vmem>> -> memref<1x128x8xi32, #tpu.memory_space<vmem>>
      %gather3A_2658 = tpu.memref_squeeze %gather3A_2657 : memref<1x128x8xi32, #tpu.memory_space<vmem>> -> memref<128x8xi32, #tpu.memory_space<vmem>>
      %gather3A_2659 = tpu.vector_load_idx %gather3A_2658[%add3A_2609, %broadcast_in_dim3A_2653] : memref<128x8xi32, #tpu.memory_space<vmem>>[vector<16xi32>, vector<16xi32>], vector<16xi32>,
      %shift_right_arithmetic3A_2660 = arith.constant 7 : i32
      %shift_right_arithmetic3A_2661 = vector.broadcast %shift_right_arithmetic3A_2660 : i32 to vector<16xi32>
      %shift_right_arithmetic3A_2662 = arith.shrsi %gather3A_2659, %shift_right_arithmetic3A_2661 : vector<16xi32>
      %and3A_2663 = arith.constant 127 : i32
      %and3A_2664 = vector.broadcast %and3A_2663 : i32 to vector<16xi32>
      %and3A_2665 = arith.andi %gather3A_2659, %and3A_2664 : vector<16xi32>
      %gather3A_2666 = tpu.vector_load_idx %arg8[%shift_right_arithmetic3A_2662, %and3A_2665] : memref<32x128xi32, #tpu.memory_space<vmem>>[vector<16xi32>, vector<16xi32>], vector<16xi32>,
      %gather3A_2667 = tpu.vector_load_idx %arg7[%gather3A_2666] : memref<8192xi32, #tpu.memory_space<vmem>>[vector<16xi32>], vector<16xi32>,
      %mul3A_2668 = arith.constant 4 : i32
      %mul3A_2669 = vector.broadcast %mul3A_2668 : i32 to vector<16xi32>
      %mul3A_2670 = arith.muli %gather3A_2667, %mul3A_2669 : vector<16xi32>
      %add3A_2671 = arith.addi %add3A_2651, %mul3A_2670 : vector<16xi32>
      %broadcast_in_dim3A_2672 = arith.constant 3 : i32
      %broadcast_in_dim3A_2673 = vector.broadcast %broadcast_in_dim3A_2672 : i32 to vector<16xi32>
      %gather3A_2674 = arith.constant 1 : i32
      %gather3A_2675 = arith.constant 0 : i32
      %gather3A_2676 = arith.constant 0 : i32
      %gather3A_2677 = tpu.memref_slice %arg9[%gather3A_2674, %gather3A_2675, %gather3A_2676] : memref<2x128x8xi32, #tpu.memory_space<vmem>> -> memref<1x128x8xi32, #tpu.memory_space<vmem>>
      %gather3A_2678 = tpu.memref_squeeze %gather3A_2677 : memref<1x128x8xi32, #tpu.memory_space<vmem>> -> memref<128x8xi32, #tpu.memory_space<vmem>>
      %gather3A_2679 = tpu.vector_load_idx %gather3A_2678[%add3A_2609, %broadcast_in_dim3A_2673] : memref<128x8xi32, #tpu.memory_space<vmem>>[vector<16xi32>, vector<16xi32>], vector<16xi32>,
      %shift_right_arithmetic3A_2680 = arith.constant 7 : i32
      %shift_right_arithmetic3A_2681 = vector.broadcast %shift_right_arithmetic3A_2680 : i32 to vector<16xi32>
      %shift_right_arithmetic3A_2682 = arith.shrsi %gather3A_2679, %shift_right_arithmetic3A_2681 : vector<16xi32>
      %and3A_2683 = arith.constant 127 : i32
      %and3A_2684 = vector.broadcast %and3A_2683 : i32 to vector<16xi32>
      %and3A_2685 = arith.andi %gather3A_2679, %and3A_2684 : vector<16xi32>
      %gather3A_2686 = tpu.vector_load_idx %arg8[%shift_right_arithmetic3A_2682, %and3A_2685] : memref<32x128xi32, #tpu.memory_space<vmem>>[vector<16xi32>, vector<16xi32>], vector<16xi32>,
      %gather3A_2687 = tpu.vector_load_idx %arg7[%gather3A_2686] : memref<8192xi32, #tpu.memory_space<vmem>>[vector<16xi32>], vector<16xi32>,
      %mul3A_2688 = arith.constant 8 : i32
      %mul3A_2689 = vector.broadcast %mul3A_2688 : i32 to vector<16xi32>
      %mul3A_2690 = arith.muli %gather3A_2687, %mul3A_2689 : vector<16xi32>
      %add3A_2691 = arith.addi %add3A_2671, %mul3A_2690 : vector<16xi32>
      %broadcast_in_dim3A_2692 = arith.constant 4 : i32
      %broadcast_in_dim3A_2693 = vector.broadcast %broadcast_in_dim3A_2692 : i32 to vector<16xi32>
      %gather3A_2694 = arith.constant 1 : i32
      %gather3A_2695 = arith.constant 0 : i32
      %gather3A_2696 = arith.constant 0 : i32
      %gather3A_2697 = tpu.memref_slice %arg9[%gather3A_2694, %gather3A_2695, %gather3A_2696] : memref<2x128x8xi32, #tpu.memory_space<vmem>> -> memref<1x128x8xi32, #tpu.memory_space<vmem>>
      %gather3A_2698 = tpu.memref_squeeze %gather3A_2697 : memref<1x128x8xi32, #tpu.memory_space<vmem>> -> memref<128x8xi32, #tpu.memory_space<vmem>>
      %gather3A_2699 = tpu.vector_load_idx %gather3A_2698[%add3A_2609, %broadcast_in_dim3A_2693] : memref<128x8xi32, #tpu.memory_space<vmem>>[vector<16xi32>, vector<16xi32>], vector<16xi32>,
      %shift_right_arithmetic3A_2700 = arith.constant 7 : i32
      %shift_right_arithmetic3A_2701 = vector.broadcast %shift_right_arithmetic3A_2700 : i32 to vector<16xi32>
      %shift_right_arithmetic3A_2702 = arith.shrsi %gather3A_2699, %shift_right_arithmetic3A_2701 : vector<16xi32>
      %and3A_2703 = arith.constant 127 : i32
      %and3A_2704 = vector.broadcast %and3A_2703 : i32 to vector<16xi32>
      %and3A_2705 = arith.andi %gather3A_2699, %and3A_2704 : vector<16xi32>
      %gather3A_2706 = tpu.vector_load_idx %arg8[%shift_right_arithmetic3A_2702, %and3A_2705] : memref<32x128xi32, #tpu.memory_space<vmem>>[vector<16xi32>, vector<16xi32>], vector<16xi32>,
      %gather3A_2707 = tpu.vector_load_idx %arg7[%gather3A_2706] : memref<8192xi32, #tpu.memory_space<vmem>>[vector<16xi32>], vector<16xi32>,
      %mul3A_2708 = arith.constant 16 : i32
      %mul3A_2709 = vector.broadcast %mul3A_2708 : i32 to vector<16xi32>
      %mul3A_2710 = arith.muli %gather3A_2707, %mul3A_2709 : vector<16xi32>
      %add3A_2711 = arith.addi %add3A_2691, %mul3A_2710 : vector<16xi32>
      %broadcast_in_dim3A_2712 = arith.constant 5 : i32
      %broadcast_in_dim3A_2713 = vector.broadcast %broadcast_in_dim3A_2712 : i32 to vector<16xi32>
      %gather3A_2714 = arith.constant 1 : i32
      %gather3A_2715 = arith.constant 0 : i32
      %gather3A_2716 = arith.constant 0 : i32
      %gather3A_2717 = tpu.memref_slice %arg9[%gather3A_2714, %gather3A_2715, %gather3A_2716] : memref<2x128x8xi32, #tpu.memory_space<vmem>> -> memref<1x128x8xi32, #tpu.memory_space<vmem>>
      %gather3A_2718 = tpu.memref_squeeze %gather3A_2717 : memref<1x128x8xi32, #tpu.memory_space<vmem>> -> memref<128x8xi32, #tpu.memory_space<vmem>>
      %gather3A_2719 = tpu.vector_load_idx %gather3A_2718[%add3A_2609, %broadcast_in_dim3A_2713] : memref<128x8xi32, #tpu.memory_space<vmem>>[vector<16xi32>, vector<16xi32>], vector<16xi32>,
      %shift_right_arithmetic3A_2720 = arith.constant 7 : i32
      %shift_right_arithmetic3A_2721 = vector.broadcast %shift_right_arithmetic3A_2720 : i32 to vector<16xi32>
      %shift_right_arithmetic3A_2722 = arith.shrsi %gather3A_2719, %shift_right_arithmetic3A_2721 : vector<16xi32>
      %and3A_2723 = arith.constant 127 : i32
      %and3A_2724 = vector.broadcast %and3A_2723 : i32 to vector<16xi32>
      %and3A_2725 = arith.andi %gather3A_2719, %and3A_2724 : vector<16xi32>
      %gather3A_2726 = tpu.vector_load_idx %arg8[%shift_right_arithmetic3A_2722, %and3A_2725] : memref<32x128xi32, #tpu.memory_space<vmem>>[vector<16xi32>, vector<16xi32>], vector<16xi32>,
      %gather3A_2727 = tpu.vector_load_idx %arg7[%gather3A_2726] : memref<8192xi32, #tpu.memory_space<vmem>>[vector<16xi32>], vector<16xi32>,
      %mul3A_2728 = arith.constant 32 : i32
      %mul3A_2729 = vector.broadcast %mul3A_2728 : i32 to vector<16xi32>
      %mul3A_2730 = arith.muli %gather3A_2727, %mul3A_2729 : vector<16xi32>
      %add3A_2731 = arith.addi %add3A_2711, %mul3A_2730 : vector<16xi32>
      %broadcast_in_dim3A_2732 = arith.constant 6 : i32
      %broadcast_in_dim3A_2733 = vector.broadcast %broadcast_in_dim3A_2732 : i32 to vector<16xi32>
      %gather3A_2734 = arith.constant 1 : i32
      %gather3A_2735 = arith.constant 0 : i32
      %gather3A_2736 = arith.constant 0 : i32
      %gather3A_2737 = tpu.memref_slice %arg9[%gather3A_2734, %gather3A_2735, %gather3A_2736] : memref<2x128x8xi32, #tpu.memory_space<vmem>> -> memref<1x128x8xi32, #tpu.memory_space<vmem>>
      %gather3A_2738 = tpu.memref_squeeze %gather3A_2737 : memref<1x128x8xi32, #tpu.memory_space<vmem>> -> memref<128x8xi32, #tpu.memory_space<vmem>>
      %gather3A_2739 = tpu.vector_load_idx %gather3A_2738[%add3A_2609, %broadcast_in_dim3A_2733] : memref<128x8xi32, #tpu.memory_space<vmem>>[vector<16xi32>, vector<16xi32>], vector<16xi32>,
      %shift_right_arithmetic3A_2740 = arith.constant 7 : i32
      %shift_right_arithmetic3A_2741 = vector.broadcast %shift_right_arithmetic3A_2740 : i32 to vector<16xi32>
      %shift_right_arithmetic3A_2742 = arith.shrsi %gather3A_2739, %shift_right_arithmetic3A_2741 : vector<16xi32>
      %and3A_2743 = arith.constant 127 : i32
      %and3A_2744 = vector.broadcast %and3A_2743 : i32 to vector<16xi32>
      %and3A_2745 = arith.andi %gather3A_2739, %and3A_2744 : vector<16xi32>
      %gather3A_2746 = tpu.vector_load_idx %arg8[%shift_right_arithmetic3A_2742, %and3A_2745] : memref<32x128xi32, #tpu.memory_space<vmem>>[vector<16xi32>, vector<16xi32>], vector<16xi32>,
      %gather3A_2747 = tpu.vector_load_idx %arg7[%gather3A_2746] : memref<8192xi32, #tpu.memory_space<vmem>>[vector<16xi32>], vector<16xi32>,
      %mul3A_2748 = arith.constant 64 : i32
      %mul3A_2749 = vector.broadcast %mul3A_2748 : i32 to vector<16xi32>
      %mul3A_2750 = arith.muli %gather3A_2747, %mul3A_2749 : vector<16xi32>
      %add3A_2751 = arith.addi %add3A_2731, %mul3A_2750 : vector<16xi32>
      %broadcast_in_dim3A_2752 = arith.constant 7 : i32
      %broadcast_in_dim3A_2753 = vector.broadcast %broadcast_in_dim3A_2752 : i32 to vector<16xi32>
      %gather3A_2754 = arith.constant 1 : i32
      %gather3A_2755 = arith.constant 0 : i32
      %gather3A_2756 = arith.constant 0 : i32
      %gather3A_2757 = tpu.memref_slice %arg9[%gather3A_2754, %gather3A_2755, %gather3A_2756] : memref<2x128x8xi32, #tpu.memory_space<vmem>> -> memref<1x128x8xi32, #tpu.memory_space<vmem>>
      %gather3A_2758 = tpu.memref_squeeze %gather3A_2757 : memref<1x128x8xi32, #tpu.memory_space<vmem>> -> memref<128x8xi32, #tpu.memory_space<vmem>>
      %gather3A_2759 = tpu.vector_load_idx %gather3A_2758[%add3A_2609, %broadcast_in_dim3A_2753] : memref<128x8xi32, #tpu.memory_space<vmem>>[vector<16xi32>, vector<16xi32>], vector<16xi32>,
      %shift_right_arithmetic3A_2760 = arith.constant 7 : i32
      %shift_right_arithmetic3A_2761 = vector.broadcast %shift_right_arithmetic3A_2760 : i32 to vector<16xi32>
      %shift_right_arithmetic3A_2762 = arith.shrsi %gather3A_2759, %shift_right_arithmetic3A_2761 : vector<16xi32>
      %and3A_2763 = arith.constant 127 : i32
      %and3A_2764 = vector.broadcast %and3A_2763 : i32 to vector<16xi32>
      %and3A_2765 = arith.andi %gather3A_2759, %and3A_2764 : vector<16xi32>
      %gather3A_2766 = tpu.vector_load_idx %arg8[%shift_right_arithmetic3A_2762, %and3A_2765] : memref<32x128xi32, #tpu.memory_space<vmem>>[vector<16xi32>, vector<16xi32>], vector<16xi32>,
      %gather3A_2767 = tpu.vector_load_idx %arg7[%gather3A_2766] : memref<8192xi32, #tpu.memory_space<vmem>>[vector<16xi32>], vector<16xi32>,
      %mul3A_2768 = arith.constant 128 : i32
      %mul3A_2769 = vector.broadcast %mul3A_2768 : i32 to vector<16xi32>
      %mul3A_2770 = arith.muli %gather3A_2767, %mul3A_2769 : vector<16xi32>
      %add3A_2771 = arith.addi %add3A_2751, %mul3A_2770 : vector<16xi32>
      %gather3A_2772 = arith.constant 1 : i32
      %gather3A_2773 = arith.constant 0 : i32
      %gather3A_2774 = arith.constant 0 : i32
      %gather3A_2775 = tpu.memref_slice %arg10[%gather3A_2772, %gather3A_2773, %gather3A_2774] : memref<2x128x256xf32, #tpu.memory_space<vmem>> -> memref<1x128x256xf32, #tpu.memory_space<vmem>>
      %gather3A_2776 = tpu.memref_squeeze %gather3A_2775 : memref<1x128x256xf32, #tpu.memory_space<vmem>> -> memref<128x256xf32, #tpu.memory_space<vmem>>
      %gather3A_2777 = tpu.vector_load_idx %gather3A_2776[%add3A_2609, %add3A_2771] : memref<128x256xf32, #tpu.memory_space<vmem>>[vector<16xi32>, vector<16xi32>], vector<16xf32>,
      %gt3A_2778 = arith.constant 5.000000e-01 : f32
      %gt3A_2779 = vector.broadcast %gt3A_2778 : f32 to vector<16xf32>
      %gt3A_2780 = arith.cmpf ogt, %gather3A_2777, %gt3A_2779 : vector<16xf32>
      %jit3A_2781 = arith.constant 1 : i32
      %jit3A_2782 = arith.constant 0 : i32
      %broadcast_in_dim3A_2783 = vector.broadcast %jit3A_2781 : i32 to vector<16xi32>
      %broadcast_in_dim3A_2784 = vector.broadcast %jit3A_2782 : i32 to vector<16xi32>
      %select_n3A_2785 = arith.select %gt3A_2780, %broadcast_in_dim3A_2783, %broadcast_in_dim3A_2784 : vector<16xi1>, vector<16xi32>
      %swap3A_2786 = arith.index_cast %add3A_1848 : i32 to index
      %swap3A_2787 = arith.constant 64 : index
      %swap3A_2788 = tpu.vector_load %arg11[%swap3A_2786, %swap3A_2787] {strides = array<i32>} : memref<16x128xi32, #tpu.memory_space<vmem>>, vector<16xi32>,
      tpu.vector_store %arg11[%swap3A_2786, %swap3A_2787], %select_n3A_2785 {strides = array<i32>} : memref<16x128xi32, #tpu.memory_space<vmem>>, vector<16xi32>,
      %add3A_2789 = arith.constant 80 : i32
      %add3A_2790 = vector.broadcast %add3A_2789 : i32 to vector<16xi32>
      %add3A_2791 = arith.addi %add3A_2790, %iota3A : vector<16xi32>
      %broadcast_in_dim3A_2792 = arith.constant 0 : i32
      %broadcast_in_dim3A_2793 = vector.broadcast %broadcast_in_dim3A_2792 : i32 to vector<16xi32>
      %broadcast_in_dim3A_2794 = arith.constant 0 : i32
      %broadcast_in_dim3A_2795 = vector.broadcast %broadcast_in_dim3A_2794 : i32 to vector<16xi32>
      %gather3A_2796 = arith.constant 1 : i32
      %gather3A_2797 = arith.constant 0 : i32
      %gather3A_2798 = arith.constant 0 : i32
      %gather3A_2799 = tpu.memref_slice %arg9[%gather3A_2796, %gather3A_2797, %gather3A_2798] : memref<2x128x8xi32, #tpu.memory_space<vmem>> -> memref<1x128x8xi32, #tpu.memory_space<vmem>>
      %gather3A_2800 = tpu.memref_squeeze %gather3A_2799 : memref<1x128x8xi32, #tpu.memory_space<vmem>> -> memref<128x8xi32, #tpu.memory_space<vmem>>
      %gather3A_2801 = tpu.vector_load_idx %gather3A_2800[%add3A_2791, %broadcast_in_dim3A_2795] : memref<128x8xi32, #tpu.memory_space<vmem>>[vector<16xi32>, vector<16xi32>], vector<16xi32>,
      %shift_right_arithmetic3A_2802 = arith.constant 7 : i32
      %shift_right_arithmetic3A_2803 = vector.broadcast %shift_right_arithmetic3A_2802 : i32 to vector<16xi32>
      %shift_right_arithmetic3A_2804 = arith.shrsi %gather3A_2801, %shift_right_arithmetic3A_2803 : vector<16xi32>
      %and3A_2805 = arith.constant 127 : i32
      %and3A_2806 = vector.broadcast %and3A_2805 : i32 to vector<16xi32>
      %and3A_2807 = arith.andi %gather3A_2801, %and3A_2806 : vector<16xi32>
      %gather3A_2808 = tpu.vector_load_idx %arg8[%shift_right_arithmetic3A_2804, %and3A_2807] : memref<32x128xi32, #tpu.memory_space<vmem>>[vector<16xi32>, vector<16xi32>], vector<16xi32>,
      %gather3A_2809 = tpu.vector_load_idx %arg7[%gather3A_2808] : memref<8192xi32, #tpu.memory_space<vmem>>[vector<16xi32>], vector<16xi32>,
      %mul3A_2810 = arith.constant 1 : i32
      %mul3A_2811 = vector.broadcast %mul3A_2810 : i32 to vector<16xi32>
      %mul3A_2812 = arith.muli %gather3A_2809, %mul3A_2811 : vector<16xi32>
      %add3A_2813 = arith.addi %broadcast_in_dim3A_2793, %mul3A_2812 : vector<16xi32>
      %broadcast_in_dim3A_2814 = arith.constant 1 : i32
      %broadcast_in_dim3A_2815 = vector.broadcast %broadcast_in_dim3A_2814 : i32 to vector<16xi32>
      %gather3A_2816 = arith.constant 1 : i32
      %gather3A_2817 = arith.constant 0 : i32
      %gather3A_2818 = arith.constant 0 : i32
      %gather3A_2819 = tpu.memref_slice %arg9[%gather3A_2816, %gather3A_2817, %gather3A_2818] : memref<2x128x8xi32, #tpu.memory_space<vmem>> -> memref<1x128x8xi32, #tpu.memory_space<vmem>>
      %gather3A_2820 = tpu.memref_squeeze %gather3A_2819 : memref<1x128x8xi32, #tpu.memory_space<vmem>> -> memref<128x8xi32, #tpu.memory_space<vmem>>
      %gather3A_2821 = tpu.vector_load_idx %gather3A_2820[%add3A_2791, %broadcast_in_dim3A_2815] : memref<128x8xi32, #tpu.memory_space<vmem>>[vector<16xi32>, vector<16xi32>], vector<16xi32>,
      %shift_right_arithmetic3A_2822 = arith.constant 7 : i32
      %shift_right_arithmetic3A_2823 = vector.broadcast %shift_right_arithmetic3A_2822 : i32 to vector<16xi32>
      %shift_right_arithmetic3A_2824 = arith.shrsi %gather3A_2821, %shift_right_arithmetic3A_2823 : vector<16xi32>
      %and3A_2825 = arith.constant 127 : i32
      %and3A_2826 = vector.broadcast %and3A_2825 : i32 to vector<16xi32>
      %and3A_2827 = arith.andi %gather3A_2821, %and3A_2826 : vector<16xi32>
      %gather3A_2828 = tpu.vector_load_idx %arg8[%shift_right_arithmetic3A_2824, %and3A_2827] : memref<32x128xi32, #tpu.memory_space<vmem>>[vector<16xi32>, vector<16xi32>], vector<16xi32>,
      %gather3A_2829 = tpu.vector_load_idx %arg7[%gather3A_2828] : memref<8192xi32, #tpu.memory_space<vmem>>[vector<16xi32>], vector<16xi32>,
      %mul3A_2830 = arith.constant 2 : i32
      %mul3A_2831 = vector.broadcast %mul3A_2830 : i32 to vector<16xi32>
      %mul3A_2832 = arith.muli %gather3A_2829, %mul3A_2831 : vector<16xi32>
      %add3A_2833 = arith.addi %add3A_2813, %mul3A_2832 : vector<16xi32>
      %broadcast_in_dim3A_2834 = arith.constant 2 : i32
      %broadcast_in_dim3A_2835 = vector.broadcast %broadcast_in_dim3A_2834 : i32 to vector<16xi32>
      %gather3A_2836 = arith.constant 1 : i32
      %gather3A_2837 = arith.constant 0 : i32
      %gather3A_2838 = arith.constant 0 : i32
      %gather3A_2839 = tpu.memref_slice %arg9[%gather3A_2836, %gather3A_2837, %gather3A_2838] : memref<2x128x8xi32, #tpu.memory_space<vmem>> -> memref<1x128x8xi32, #tpu.memory_space<vmem>>
      %gather3A_2840 = tpu.memref_squeeze %gather3A_2839 : memref<1x128x8xi32, #tpu.memory_space<vmem>> -> memref<128x8xi32, #tpu.memory_space<vmem>>
      %gather3A_2841 = tpu.vector_load_idx %gather3A_2840[%add3A_2791, %broadcast_in_dim3A_2835] : memref<128x8xi32, #tpu.memory_space<vmem>>[vector<16xi32>, vector<16xi32>], vector<16xi32>,
      %shift_right_arithmetic3A_2842 = arith.constant 7 : i32
      %shift_right_arithmetic3A_2843 = vector.broadcast %shift_right_arithmetic3A_2842 : i32 to vector<16xi32>
      %shift_right_arithmetic3A_2844 = arith.shrsi %gather3A_2841, %shift_right_arithmetic3A_2843 : vector<16xi32>
      %and3A_2845 = arith.constant 127 : i32
      %and3A_2846 = vector.broadcast %and3A_2845 : i32 to vector<16xi32>
      %and3A_2847 = arith.andi %gather3A_2841, %and3A_2846 : vector<16xi32>
      %gather3A_2848 = tpu.vector_load_idx %arg8[%shift_right_arithmetic3A_2844, %and3A_2847] : memref<32x128xi32, #tpu.memory_space<vmem>>[vector<16xi32>, vector<16xi32>], vector<16xi32>,
      %gather3A_2849 = tpu.vector_load_idx %arg7[%gather3A_2848] : memref<8192xi32, #tpu.memory_space<vmem>>[vector<16xi32>], vector<16xi32>,
      %mul3A_2850 = arith.constant 4 : i32
      %mul3A_2851 = vector.broadcast %mul3A_2850 : i32 to vector<16xi32>
      %mul3A_2852 = arith.muli %gather3A_2849, %mul3A_2851 : vector<16xi32>
      %add3A_2853 = arith.addi %add3A_2833, %mul3A_2852 : vector<16xi32>
      %broadcast_in_dim3A_2854 = arith.constant 3 : i32
      %broadcast_in_dim3A_2855 = vector.broadcast %broadcast_in_dim3A_2854 : i32 to vector<16xi32>
      %gather3A_2856 = arith.constant 1 : i32
      %gather3A_2857 = arith.constant 0 : i32
      %gather3A_2858 = arith.constant 0 : i32
      %gather3A_2859 = tpu.memref_slice %arg9[%gather3A_2856, %gather3A_2857, %gather3A_2858] : memref<2x128x8xi32, #tpu.memory_space<vmem>> -> memref<1x128x8xi32, #tpu.memory_space<vmem>>
      %gather3A_2860 = tpu.memref_squeeze %gather3A_2859 : memref<1x128x8xi32, #tpu.memory_space<vmem>> -> memref<128x8xi32, #tpu.memory_space<vmem>>
      %gather3A_2861 = tpu.vector_load_idx %gather3A_2860[%add3A_2791, %broadcast_in_dim3A_2855] : memref<128x8xi32, #tpu.memory_space<vmem>>[vector<16xi32>, vector<16xi32>], vector<16xi32>,
      %shift_right_arithmetic3A_2862 = arith.constant 7 : i32
      %shift_right_arithmetic3A_2863 = vector.broadcast %shift_right_arithmetic3A_2862 : i32 to vector<16xi32>
      %shift_right_arithmetic3A_2864 = arith.shrsi %gather3A_2861, %shift_right_arithmetic3A_2863 : vector<16xi32>
      %and3A_2865 = arith.constant 127 : i32
      %and3A_2866 = vector.broadcast %and3A_2865 : i32 to vector<16xi32>
      %and3A_2867 = arith.andi %gather3A_2861, %and3A_2866 : vector<16xi32>
      %gather3A_2868 = tpu.vector_load_idx %arg8[%shift_right_arithmetic3A_2864, %and3A_2867] : memref<32x128xi32, #tpu.memory_space<vmem>>[vector<16xi32>, vector<16xi32>], vector<16xi32>,
      %gather3A_2869 = tpu.vector_load_idx %arg7[%gather3A_2868] : memref<8192xi32, #tpu.memory_space<vmem>>[vector<16xi32>], vector<16xi32>,
      %mul3A_2870 = arith.constant 8 : i32
      %mul3A_2871 = vector.broadcast %mul3A_2870 : i32 to vector<16xi32>
      %mul3A_2872 = arith.muli %gather3A_2869, %mul3A_2871 : vector<16xi32>
      %add3A_2873 = arith.addi %add3A_2853, %mul3A_2872 : vector<16xi32>
      %broadcast_in_dim3A_2874 = arith.constant 4 : i32
      %broadcast_in_dim3A_2875 = vector.broadcast %broadcast_in_dim3A_2874 : i32 to vector<16xi32>
      %gather3A_2876 = arith.constant 1 : i32
      %gather3A_2877 = arith.constant 0 : i32
      %gather3A_2878 = arith.constant 0 : i32
      %gather3A_2879 = tpu.memref_slice %arg9[%gather3A_2876, %gather3A_2877, %gather3A_2878] : memref<2x128x8xi32, #tpu.memory_space<vmem>> -> memref<1x128x8xi32, #tpu.memory_space<vmem>>
      %gather3A_2880 = tpu.memref_squeeze %gather3A_2879 : memref<1x128x8xi32, #tpu.memory_space<vmem>> -> memref<128x8xi32, #tpu.memory_space<vmem>>
      %gather3A_2881 = tpu.vector_load_idx %gather3A_2880[%add3A_2791, %broadcast_in_dim3A_2875] : memref<128x8xi32, #tpu.memory_space<vmem>>[vector<16xi32>, vector<16xi32>], vector<16xi32>,
      %shift_right_arithmetic3A_2882 = arith.constant 7 : i32
      %shift_right_arithmetic3A_2883 = vector.broadcast %shift_right_arithmetic3A_2882 : i32 to vector<16xi32>
      %shift_right_arithmetic3A_2884 = arith.shrsi %gather3A_2881, %shift_right_arithmetic3A_2883 : vector<16xi32>
      %and3A_2885 = arith.constant 127 : i32
      %and3A_2886 = vector.broadcast %and3A_2885 : i32 to vector<16xi32>
      %and3A_2887 = arith.andi %gather3A_2881, %and3A_2886 : vector<16xi32>
      %gather3A_2888 = tpu.vector_load_idx %arg8[%shift_right_arithmetic3A_2884, %and3A_2887] : memref<32x128xi32, #tpu.memory_space<vmem>>[vector<16xi32>, vector<16xi32>], vector<16xi32>,
      %gather3A_2889 = tpu.vector_load_idx %arg7[%gather3A_2888] : memref<8192xi32, #tpu.memory_space<vmem>>[vector<16xi32>], vector<16xi32>,
      %mul3A_2890 = arith.constant 16 : i32
      %mul3A_2891 = vector.broadcast %mul3A_2890 : i32 to vector<16xi32>
      %mul3A_2892 = arith.muli %gather3A_2889, %mul3A_2891 : vector<16xi32>
      %add3A_2893 = arith.addi %add3A_2873, %mul3A_2892 : vector<16xi32>
      %broadcast_in_dim3A_2894 = arith.constant 5 : i32
      %broadcast_in_dim3A_2895 = vector.broadcast %broadcast_in_dim3A_2894 : i32 to vector<16xi32>
      %gather3A_2896 = arith.constant 1 : i32
      %gather3A_2897 = arith.constant 0 : i32
      %gather3A_2898 = arith.constant 0 : i32
      %gather3A_2899 = tpu.memref_slice %arg9[%gather3A_2896, %gather3A_2897, %gather3A_2898] : memref<2x128x8xi32, #tpu.memory_space<vmem>> -> memref<1x128x8xi32, #tpu.memory_space<vmem>>
      %gather3A_2900 = tpu.memref_squeeze %gather3A_2899 : memref<1x128x8xi32, #tpu.memory_space<vmem>> -> memref<128x8xi32, #tpu.memory_space<vmem>>
      %gather3A_2901 = tpu.vector_load_idx %gather3A_2900[%add3A_2791, %broadcast_in_dim3A_2895] : memref<128x8xi32, #tpu.memory_space<vmem>>[vector<16xi32>, vector<16xi32>], vector<16xi32>,
      %shift_right_arithmetic3A_2902 = arith.constant 7 : i32
      %shift_right_arithmetic3A_2903 = vector.broadcast %shift_right_arithmetic3A_2902 : i32 to vector<16xi32>
      %shift_right_arithmetic3A_2904 = arith.shrsi %gather3A_2901, %shift_right_arithmetic3A_2903 : vector<16xi32>
      %and3A_2905 = arith.constant 127 : i32
      %and3A_2906 = vector.broadcast %and3A_2905 : i32 to vector<16xi32>
      %and3A_2907 = arith.andi %gather3A_2901, %and3A_2906 : vector<16xi32>
      %gather3A_2908 = tpu.vector_load_idx %arg8[%shift_right_arithmetic3A_2904, %and3A_2907] : memref<32x128xi32, #tpu.memory_space<vmem>>[vector<16xi32>, vector<16xi32>], vector<16xi32>,
      %gather3A_2909 = tpu.vector_load_idx %arg7[%gather3A_2908] : memref<8192xi32, #tpu.memory_space<vmem>>[vector<16xi32>], vector<16xi32>,
      %mul3A_2910 = arith.constant 32 : i32
      %mul3A_2911 = vector.broadcast %mul3A_2910 : i32 to vector<16xi32>
      %mul3A_2912 = arith.muli %gather3A_2909, %mul3A_2911 : vector<16xi32>
      %add3A_2913 = arith.addi %add3A_2893, %mul3A_2912 : vector<16xi32>
      %broadcast_in_dim3A_2914 = arith.constant 6 : i32
      %broadcast_in_dim3A_2915 = vector.broadcast %broadcast_in_dim3A_2914 : i32 to vector<16xi32>
      %gather3A_2916 = arith.constant 1 : i32
      %gather3A_2917 = arith.constant 0 : i32
      %gather3A_2918 = arith.constant 0 : i32
      %gather3A_2919 = tpu.memref_slice %arg9[%gather3A_2916, %gather3A_2917, %gather3A_2918] : memref<2x128x8xi32, #tpu.memory_space<vmem>> -> memref<1x128x8xi32, #tpu.memory_space<vmem>>
      %gather3A_2920 = tpu.memref_squeeze %gather3A_2919 : memref<1x128x8xi32, #tpu.memory_space<vmem>> -> memref<128x8xi32, #tpu.memory_space<vmem>>
      %gather3A_2921 = tpu.vector_load_idx %gather3A_2920[%add3A_2791, %broadcast_in_dim3A_2915] : memref<128x8xi32, #tpu.memory_space<vmem>>[vector<16xi32>, vector<16xi32>], vector<16xi32>,
      %shift_right_arithmetic3A_2922 = arith.constant 7 : i32
      %shift_right_arithmetic3A_2923 = vector.broadcast %shift_right_arithmetic3A_2922 : i32 to vector<16xi32>
      %shift_right_arithmetic3A_2924 = arith.shrsi %gather3A_2921, %shift_right_arithmetic3A_2923 : vector<16xi32>
      %and3A_2925 = arith.constant 127 : i32
      %and3A_2926 = vector.broadcast %and3A_2925 : i32 to vector<16xi32>
      %and3A_2927 = arith.andi %gather3A_2921, %and3A_2926 : vector<16xi32>
      %gather3A_2928 = tpu.vector_load_idx %arg8[%shift_right_arithmetic3A_2924, %and3A_2927] : memref<32x128xi32, #tpu.memory_space<vmem>>[vector<16xi32>, vector<16xi32>], vector<16xi32>,
      %gather3A_2929 = tpu.vector_load_idx %arg7[%gather3A_2928] : memref<8192xi32, #tpu.memory_space<vmem>>[vector<16xi32>], vector<16xi32>,
      %mul3A_2930 = arith.constant 64 : i32
      %mul3A_2931 = vector.broadcast %mul3A_2930 : i32 to vector<16xi32>
      %mul3A_2932 = arith.muli %gather3A_2929, %mul3A_2931 : vector<16xi32>
      %add3A_2933 = arith.addi %add3A_2913, %mul3A_2932 : vector<16xi32>
      %broadcast_in_dim3A_2934 = arith.constant 7 : i32
      %broadcast_in_dim3A_2935 = vector.broadcast %broadcast_in_dim3A_2934 : i32 to vector<16xi32>
      %gather3A_2936 = arith.constant 1 : i32
      %gather3A_2937 = arith.constant 0 : i32
      %gather3A_2938 = arith.constant 0 : i32
      %gather3A_2939 = tpu.memref_slice %arg9[%gather3A_2936, %gather3A_2937, %gather3A_2938] : memref<2x128x8xi32, #tpu.memory_space<vmem>> -> memref<1x128x8xi32, #tpu.memory_space<vmem>>
      %gather3A_2940 = tpu.memref_squeeze %gather3A_2939 : memref<1x128x8xi32, #tpu.memory_space<vmem>> -> memref<128x8xi32, #tpu.memory_space<vmem>>
      %gather3A_2941 = tpu.vector_load_idx %gather3A_2940[%add3A_2791, %broadcast_in_dim3A_2935] : memref<128x8xi32, #tpu.memory_space<vmem>>[vector<16xi32>, vector<16xi32>], vector<16xi32>,
      %shift_right_arithmetic3A_2942 = arith.constant 7 : i32
      %shift_right_arithmetic3A_2943 = vector.broadcast %shift_right_arithmetic3A_2942 : i32 to vector<16xi32>
      %shift_right_arithmetic3A_2944 = arith.shrsi %gather3A_2941, %shift_right_arithmetic3A_2943 : vector<16xi32>
      %and3A_2945 = arith.constant 127 : i32
      %and3A_2946 = vector.broadcast %and3A_2945 : i32 to vector<16xi32>
      %and3A_2947 = arith.andi %gather3A_2941, %and3A_2946 : vector<16xi32>
      %gather3A_2948 = tpu.vector_load_idx %arg8[%shift_right_arithmetic3A_2944, %and3A_2947] : memref<32x128xi32, #tpu.memory_space<vmem>>[vector<16xi32>, vector<16xi32>], vector<16xi32>,
      %gather3A_2949 = tpu.vector_load_idx %arg7[%gather3A_2948] : memref<8192xi32, #tpu.memory_space<vmem>>[vector<16xi32>], vector<16xi32>,
      %mul3A_2950 = arith.constant 128 : i32
      %mul3A_2951 = vector.broadcast %mul3A_2950 : i32 to vector<16xi32>
      %mul3A_2952 = arith.muli %gather3A_2949, %mul3A_2951 : vector<16xi32>
      %add3A_2953 = arith.addi %add3A_2933, %mul3A_2952 : vector<16xi32>
      %gather3A_2954 = arith.constant 1 : i32
      %gather3A_2955 = arith.constant 0 : i32
      %gather3A_2956 = arith.constant 0 : i32
      %gather3A_2957 = tpu.memref_slice %arg10[%gather3A_2954, %gather3A_2955, %gather3A_2956] : memref<2x128x256xf32, #tpu.memory_space<vmem>> -> memref<1x128x256xf32, #tpu.memory_space<vmem>>
      %gather3A_2958 = tpu.memref_squeeze %gather3A_2957 : memref<1x128x256xf32, #tpu.memory_space<vmem>> -> memref<128x256xf32, #tpu.memory_space<vmem>>
      %gather3A_2959 = tpu.vector_load_idx %gather3A_2958[%add3A_2791, %add3A_2953] : memref<128x256xf32, #tpu.memory_space<vmem>>[vector<16xi32>, vector<16xi32>], vector<16xf32>,
      %gt3A_2960 = arith.constant 5.000000e-01 : f32
      %gt3A_2961 = vector.broadcast %gt3A_2960 : f32 to vector<16xf32>
      %gt3A_2962 = arith.cmpf ogt, %gather3A_2959, %gt3A_2961 : vector<16xf32>
      %jit3A_2963 = arith.constant 1 : i32
      %jit3A_2964 = arith.constant 0 : i32
      %broadcast_in_dim3A_2965 = vector.broadcast %jit3A_2963 : i32 to vector<16xi32>
      %broadcast_in_dim3A_2966 = vector.broadcast %jit3A_2964 : i32 to vector<16xi32>
      %select_n3A_2967 = arith.select %gt3A_2962, %broadcast_in_dim3A_2965, %broadcast_in_dim3A_2966 : vector<16xi1>, vector<16xi32>
      %swap3A_2968 = arith.index_cast %add3A_1848 : i32 to index
      %swap3A_2969 = arith.constant 80 : index
      %swap3A_2970 = tpu.vector_load %arg11[%swap3A_2968, %swap3A_2969] {strides = array<i32>} : memref<16x128xi32, #tpu.memory_space<vmem>>, vector<16xi32>,
      tpu.vector_store %arg11[%swap3A_2968, %swap3A_2969], %select_n3A_2967 {strides = array<i32>} : memref<16x128xi32, #tpu.memory_space<vmem>>, vector<16xi32>,
      %add3A_2971 = arith.constant 96 : i32
      %add3A_2972 = vector.broadcast %add3A_2971 : i32 to vector<16xi32>
      %add3A_2973 = arith.addi %add3A_2972, %iota3A : vector<16xi32>
      %broadcast_in_dim3A_2974 = arith.constant 0 : i32
      %broadcast_in_dim3A_2975 = vector.broadcast %broadcast_in_dim3A_2974 : i32 to vector<16xi32>
      %broadcast_in_dim3A_2976 = arith.constant 0 : i32
      %broadcast_in_dim3A_2977 = vector.broadcast %broadcast_in_dim3A_2976 : i32 to vector<16xi32>
      %gather3A_2978 = arith.constant 1 : i32
      %gather3A_2979 = arith.constant 0 : i32
      %gather3A_2980 = arith.constant 0 : i32
      %gather3A_2981 = tpu.memref_slice %arg9[%gather3A_2978, %gather3A_2979, %gather3A_2980] : memref<2x128x8xi32, #tpu.memory_space<vmem>> -> memref<1x128x8xi32, #tpu.memory_space<vmem>>
      %gather3A_2982 = tpu.memref_squeeze %gather3A_2981 : memref<1x128x8xi32, #tpu.memory_space<vmem>> -> memref<128x8xi32, #tpu.memory_space<vmem>>
      %gather3A_2983 = tpu.vector_load_idx %gather3A_2982[%add3A_2973, %broadcast_in_dim3A_2977] : memref<128x8xi32, #tpu.memory_space<vmem>>[vector<16xi32>, vector<16xi32>], vector<16xi32>,
      %shift_right_arithmetic3A_2984 = arith.constant 7 : i32
      %shift_right_arithmetic3A_2985 = vector.broadcast %shift_right_arithmetic3A_2984 : i32 to vector<16xi32>
      %shift_right_arithmetic3A_2986 = arith.shrsi %gather3A_2983, %shift_right_arithmetic3A_2985 : vector<16xi32>
      %and3A_2987 = arith.constant 127 : i32
      %and3A_2988 = vector.broadcast %and3A_2987 : i32 to vector<16xi32>
      %and3A_2989 = arith.andi %gather3A_2983, %and3A_2988 : vector<16xi32>
      %gather3A_2990 = tpu.vector_load_idx %arg8[%shift_right_arithmetic3A_2986, %and3A_2989] : memref<32x128xi32, #tpu.memory_space<vmem>>[vector<16xi32>, vector<16xi32>], vector<16xi32>,
      %gather3A_2991 = tpu.vector_load_idx %arg7[%gather3A_2990] : memref<8192xi32, #tpu.memory_space<vmem>>[vector<16xi32>], vector<16xi32>,
      %mul3A_2992 = arith.constant 1 : i32
      %mul3A_2993 = vector.broadcast %mul3A_2992 : i32 to vector<16xi32>
      %mul3A_2994 = arith.muli %gather3A_2991, %mul3A_2993 : vector<16xi32>
      %add3A_2995 = arith.addi %broadcast_in_dim3A_2975, %mul3A_2994 : vector<16xi32>
      %broadcast_in_dim3A_2996 = arith.constant 1 : i32
      %broadcast_in_dim3A_2997 = vector.broadcast %broadcast_in_dim3A_2996 : i32 to vector<16xi32>
      %gather3A_2998 = arith.constant 1 : i32
      %gather3A_2999 = arith.constant 0 : i32
      %gather3A_3000 = arith.constant 0 : i32
      %gather3A_3001 = tpu.memref_slice %arg9[%gather3A_2998, %gather3A_2999, %gather3A_3000] : memref<2x128x8xi32, #tpu.memory_space<vmem>> -> memref<1x128x8xi32, #tpu.memory_space<vmem>>
      %gather3A_3002 = tpu.memref_squeeze %gather3A_3001 : memref<1x128x8xi32, #tpu.memory_space<vmem>> -> memref<128x8xi32, #tpu.memory_space<vmem>>
      %gather3A_3003 = tpu.vector_load_idx %gather3A_3002[%add3A_2973, %broadcast_in_dim3A_2997] : memref<128x8xi32, #tpu.memory_space<vmem>>[vector<16xi32>, vector<16xi32>], vector<16xi32>,
      %shift_right_arithmetic3A_3004 = arith.constant 7 : i32
      %shift_right_arithmetic3A_3005 = vector.broadcast %shift_right_arithmetic3A_3004 : i32 to vector<16xi32>
      %shift_right_arithmetic3A_3006 = arith.shrsi %gather3A_3003, %shift_right_arithmetic3A_3005 : vector<16xi32>
      %and3A_3007 = arith.constant 127 : i32
      %and3A_3008 = vector.broadcast %and3A_3007 : i32 to vector<16xi32>
      %and3A_3009 = arith.andi %gather3A_3003, %and3A_3008 : vector<16xi32>
      %gather3A_3010 = tpu.vector_load_idx %arg8[%shift_right_arithmetic3A_3006, %and3A_3009] : memref<32x128xi32, #tpu.memory_space<vmem>>[vector<16xi32>, vector<16xi32>], vector<16xi32>,
      %gather3A_3011 = tpu.vector_load_idx %arg7[%gather3A_3010] : memref<8192xi32, #tpu.memory_space<vmem>>[vector<16xi32>], vector<16xi32>,
      %mul3A_3012 = arith.constant 2 : i32
      %mul3A_3013 = vector.broadcast %mul3A_3012 : i32 to vector<16xi32>
      %mul3A_3014 = arith.muli %gather3A_3011, %mul3A_3013 : vector<16xi32>
      %add3A_3015 = arith.addi %add3A_2995, %mul3A_3014 : vector<16xi32>
      %broadcast_in_dim3A_3016 = arith.constant 2 : i32
      %broadcast_in_dim3A_3017 = vector.broadcast %broadcast_in_dim3A_3016 : i32 to vector<16xi32>
      %gather3A_3018 = arith.constant 1 : i32
      %gather3A_3019 = arith.constant 0 : i32
      %gather3A_3020 = arith.constant 0 : i32
      %gather3A_3021 = tpu.memref_slice %arg9[%gather3A_3018, %gather3A_3019, %gather3A_3020] : memref<2x128x8xi32, #tpu.memory_space<vmem>> -> memref<1x128x8xi32, #tpu.memory_space<vmem>>
      %gather3A_3022 = tpu.memref_squeeze %gather3A_3021 : memref<1x128x8xi32, #tpu.memory_space<vmem>> -> memref<128x8xi32, #tpu.memory_space<vmem>>
      %gather3A_3023 = tpu.vector_load_idx %gather3A_3022[%add3A_2973, %broadcast_in_dim3A_3017] : memref<128x8xi32, #tpu.memory_space<vmem>>[vector<16xi32>, vector<16xi32>], vector<16xi32>,
      %shift_right_arithmetic3A_3024 = arith.constant 7 : i32
      %shift_right_arithmetic3A_3025 = vector.broadcast %shift_right_arithmetic3A_3024 : i32 to vector<16xi32>
      %shift_right_arithmetic3A_3026 = arith.shrsi %gather3A_3023, %shift_right_arithmetic3A_3025 : vector<16xi32>
      %and3A_3027 = arith.constant 127 : i32
      %and3A_3028 = vector.broadcast %and3A_3027 : i32 to vector<16xi32>
      %and3A_3029 = arith.andi %gather3A_3023, %and3A_3028 : vector<16xi32>
      %gather3A_3030 = tpu.vector_load_idx %arg8[%shift_right_arithmetic3A_3026, %and3A_3029] : memref<32x128xi32, #tpu.memory_space<vmem>>[vector<16xi32>, vector<16xi32>], vector<16xi32>,
      %gather3A_3031 = tpu.vector_load_idx %arg7[%gather3A_3030] : memref<8192xi32, #tpu.memory_space<vmem>>[vector<16xi32>], vector<16xi32>,
      %mul3A_3032 = arith.constant 4 : i32
      %mul3A_3033 = vector.broadcast %mul3A_3032 : i32 to vector<16xi32>
      %mul3A_3034 = arith.muli %gather3A_3031, %mul3A_3033 : vector<16xi32>
      %add3A_3035 = arith.addi %add3A_3015, %mul3A_3034 : vector<16xi32>
      %broadcast_in_dim3A_3036 = arith.constant 3 : i32
      %broadcast_in_dim3A_3037 = vector.broadcast %broadcast_in_dim3A_3036 : i32 to vector<16xi32>
      %gather3A_3038 = arith.constant 1 : i32
      %gather3A_3039 = arith.constant 0 : i32
      %gather3A_3040 = arith.constant 0 : i32
      %gather3A_3041 = tpu.memref_slice %arg9[%gather3A_3038, %gather3A_3039, %gather3A_3040] : memref<2x128x8xi32, #tpu.memory_space<vmem>> -> memref<1x128x8xi32, #tpu.memory_space<vmem>>
      %gather3A_3042 = tpu.memref_squeeze %gather3A_3041 : memref<1x128x8xi32, #tpu.memory_space<vmem>> -> memref<128x8xi32, #tpu.memory_space<vmem>>
      %gather3A_3043 = tpu.vector_load_idx %gather3A_3042[%add3A_2973, %broadcast_in_dim3A_3037] : memref<128x8xi32, #tpu.memory_space<vmem>>[vector<16xi32>, vector<16xi32>], vector<16xi32>,
      %shift_right_arithmetic3A_3044 = arith.constant 7 : i32
      %shift_right_arithmetic3A_3045 = vector.broadcast %shift_right_arithmetic3A_3044 : i32 to vector<16xi32>
      %shift_right_arithmetic3A_3046 = arith.shrsi %gather3A_3043, %shift_right_arithmetic3A_3045 : vector<16xi32>
      %and3A_3047 = arith.constant 127 : i32
      %and3A_3048 = vector.broadcast %and3A_3047 : i32 to vector<16xi32>
      %and3A_3049 = arith.andi %gather3A_3043, %and3A_3048 : vector<16xi32>
      %gather3A_3050 = tpu.vector_load_idx %arg8[%shift_right_arithmetic3A_3046, %and3A_3049] : memref<32x128xi32, #tpu.memory_space<vmem>>[vector<16xi32>, vector<16xi32>], vector<16xi32>,
      %gather3A_3051 = tpu.vector_load_idx %arg7[%gather3A_3050] : memref<8192xi32, #tpu.memory_space<vmem>>[vector<16xi32>], vector<16xi32>,
      %mul3A_3052 = arith.constant 8 : i32
      %mul3A_3053 = vector.broadcast %mul3A_3052 : i32 to vector<16xi32>
      %mul3A_3054 = arith.muli %gather3A_3051, %mul3A_3053 : vector<16xi32>
      %add3A_3055 = arith.addi %add3A_3035, %mul3A_3054 : vector<16xi32>
      %broadcast_in_dim3A_3056 = arith.constant 4 : i32
      %broadcast_in_dim3A_3057 = vector.broadcast %broadcast_in_dim3A_3056 : i32 to vector<16xi32>
      %gather3A_3058 = arith.constant 1 : i32
      %gather3A_3059 = arith.constant 0 : i32
      %gather3A_3060 = arith.constant 0 : i32
      %gather3A_3061 = tpu.memref_slice %arg9[%gather3A_3058, %gather3A_3059, %gather3A_3060] : memref<2x128x8xi32, #tpu.memory_space<vmem>> -> memref<1x128x8xi32, #tpu.memory_space<vmem>>
      %gather3A_3062 = tpu.memref_squeeze %gather3A_3061 : memref<1x128x8xi32, #tpu.memory_space<vmem>> -> memref<128x8xi32, #tpu.memory_space<vmem>>
      %gather3A_3063 = tpu.vector_load_idx %gather3A_3062[%add3A_2973, %broadcast_in_dim3A_3057] : memref<128x8xi32, #tpu.memory_space<vmem>>[vector<16xi32>, vector<16xi32>], vector<16xi32>,
      %shift_right_arithmetic3A_3064 = arith.constant 7 : i32
      %shift_right_arithmetic3A_3065 = vector.broadcast %shift_right_arithmetic3A_3064 : i32 to vector<16xi32>
      %shift_right_arithmetic3A_3066 = arith.shrsi %gather3A_3063, %shift_right_arithmetic3A_3065 : vector<16xi32>
      %and3A_3067 = arith.constant 127 : i32
      %and3A_3068 = vector.broadcast %and3A_3067 : i32 to vector<16xi32>
      %and3A_3069 = arith.andi %gather3A_3063, %and3A_3068 : vector<16xi32>
      %gather3A_3070 = tpu.vector_load_idx %arg8[%shift_right_arithmetic3A_3066, %and3A_3069] : memref<32x128xi32, #tpu.memory_space<vmem>>[vector<16xi32>, vector<16xi32>], vector<16xi32>,
      %gather3A_3071 = tpu.vector_load_idx %arg7[%gather3A_3070] : memref<8192xi32, #tpu.memory_space<vmem>>[vector<16xi32>], vector<16xi32>,
      %mul3A_3072 = arith.constant 16 : i32
      %mul3A_3073 = vector.broadcast %mul3A_3072 : i32 to vector<16xi32>
      %mul3A_3074 = arith.muli %gather3A_3071, %mul3A_3073 : vector<16xi32>
      %add3A_3075 = arith.addi %add3A_3055, %mul3A_3074 : vector<16xi32>
      %broadcast_in_dim3A_3076 = arith.constant 5 : i32
      %broadcast_in_dim3A_3077 = vector.broadcast %broadcast_in_dim3A_3076 : i32 to vector<16xi32>
      %gather3A_3078 = arith.constant 1 : i32
      %gather3A_3079 = arith.constant 0 : i32
      %gather3A_3080 = arith.constant 0 : i32
      %gather3A_3081 = tpu.memref_slice %arg9[%gather3A_3078, %gather3A_3079, %gather3A_3080] : memref<2x128x8xi32, #tpu.memory_space<vmem>> -> memref<1x128x8xi32, #tpu.memory_space<vmem>>
      %gather3A_3082 = tpu.memref_squeeze %gather3A_3081 : memref<1x128x8xi32, #tpu.memory_space<vmem>> -> memref<128x8xi32, #tpu.memory_space<vmem>>
      %gather3A_3083 = tpu.vector_load_idx %gather3A_3082[%add3A_2973, %broadcast_in_dim3A_3077] : memref<128x8xi32, #tpu.memory_space<vmem>>[vector<16xi32>, vector<16xi32>], vector<16xi32>,
      %shift_right_arithmetic3A_3084 = arith.constant 7 : i32
      %shift_right_arithmetic3A_3085 = vector.broadcast %shift_right_arithmetic3A_3084 : i32 to vector<16xi32>
      %shift_right_arithmetic3A_3086 = arith.shrsi %gather3A_3083, %shift_right_arithmetic3A_3085 : vector<16xi32>
      %and3A_3087 = arith.constant 127 : i32
      %and3A_3088 = vector.broadcast %and3A_3087 : i32 to vector<16xi32>
      %and3A_3089 = arith.andi %gather3A_3083, %and3A_3088 : vector<16xi32>
      %gather3A_3090 = tpu.vector_load_idx %arg8[%shift_right_arithmetic3A_3086, %and3A_3089] : memref<32x128xi32, #tpu.memory_space<vmem>>[vector<16xi32>, vector<16xi32>], vector<16xi32>,
      %gather3A_3091 = tpu.vector_load_idx %arg7[%gather3A_3090] : memref<8192xi32, #tpu.memory_space<vmem>>[vector<16xi32>], vector<16xi32>,
      %mul3A_3092 = arith.constant 32 : i32
      %mul3A_3093 = vector.broadcast %mul3A_3092 : i32 to vector<16xi32>
      %mul3A_3094 = arith.muli %gather3A_3091, %mul3A_3093 : vector<16xi32>
      %add3A_3095 = arith.addi %add3A_3075, %mul3A_3094 : vector<16xi32>
      %broadcast_in_dim3A_3096 = arith.constant 6 : i32
      %broadcast_in_dim3A_3097 = vector.broadcast %broadcast_in_dim3A_3096 : i32 to vector<16xi32>
      %gather3A_3098 = arith.constant 1 : i32
      %gather3A_3099 = arith.constant 0 : i32
      %gather3A_3100 = arith.constant 0 : i32
      %gather3A_3101 = tpu.memref_slice %arg9[%gather3A_3098, %gather3A_3099, %gather3A_3100] : memref<2x128x8xi32, #tpu.memory_space<vmem>> -> memref<1x128x8xi32, #tpu.memory_space<vmem>>
      %gather3A_3102 = tpu.memref_squeeze %gather3A_3101 : memref<1x128x8xi32, #tpu.memory_space<vmem>> -> memref<128x8xi32, #tpu.memory_space<vmem>>
      %gather3A_3103 = tpu.vector_load_idx %gather3A_3102[%add3A_2973, %broadcast_in_dim3A_3097] : memref<128x8xi32, #tpu.memory_space<vmem>>[vector<16xi32>, vector<16xi32>], vector<16xi32>,
      %shift_right_arithmetic3A_3104 = arith.constant 7 : i32
      %shift_right_arithmetic3A_3105 = vector.broadcast %shift_right_arithmetic3A_3104 : i32 to vector<16xi32>
      %shift_right_arithmetic3A_3106 = arith.shrsi %gather3A_3103, %shift_right_arithmetic3A_3105 : vector<16xi32>
      %and3A_3107 = arith.constant 127 : i32
      %and3A_3108 = vector.broadcast %and3A_3107 : i32 to vector<16xi32>
      %and3A_3109 = arith.andi %gather3A_3103, %and3A_3108 : vector<16xi32>
      %gather3A_3110 = tpu.vector_load_idx %arg8[%shift_right_arithmetic3A_3106, %and3A_3109] : memref<32x128xi32, #tpu.memory_space<vmem>>[vector<16xi32>, vector<16xi32>], vector<16xi32>,
      %gather3A_3111 = tpu.vector_load_idx %arg7[%gather3A_3110] : memref<8192xi32, #tpu.memory_space<vmem>>[vector<16xi32>], vector<16xi32>,
      %mul3A_3112 = arith.constant 64 : i32
      %mul3A_3113 = vector.broadcast %mul3A_3112 : i32 to vector<16xi32>
      %mul3A_3114 = arith.muli %gather3A_3111, %mul3A_3113 : vector<16xi32>
      %add3A_3115 = arith.addi %add3A_3095, %mul3A_3114 : vector<16xi32>
      %broadcast_in_dim3A_3116 = arith.constant 7 : i32
      %broadcast_in_dim3A_3117 = vector.broadcast %broadcast_in_dim3A_3116 : i32 to vector<16xi32>
      %gather3A_3118 = arith.constant 1 : i32
      %gather3A_3119 = arith.constant 0 : i32
      %gather3A_3120 = arith.constant 0 : i32
      %gather3A_3121 = tpu.memref_slice %arg9[%gather3A_3118, %gather3A_3119, %gather3A_3120] : memref<2x128x8xi32, #tpu.memory_space<vmem>> -> memref<1x128x8xi32, #tpu.memory_space<vmem>>
      %gather3A_3122 = tpu.memref_squeeze %gather3A_3121 : memref<1x128x8xi32, #tpu.memory_space<vmem>> -> memref<128x8xi32, #tpu.memory_space<vmem>>
      %gather3A_3123 = tpu.vector_load_idx %gather3A_3122[%add3A_2973, %broadcast_in_dim3A_3117] : memref<128x8xi32, #tpu.memory_space<vmem>>[vector<16xi32>, vector<16xi32>], vector<16xi32>,
      %shift_right_arithmetic3A_3124 = arith.constant 7 : i32
      %shift_right_arithmetic3A_3125 = vector.broadcast %shift_right_arithmetic3A_3124 : i32 to vector<16xi32>
      %shift_right_arithmetic3A_3126 = arith.shrsi %gather3A_3123, %shift_right_arithmetic3A_3125 : vector<16xi32>
      %and3A_3127 = arith.constant 127 : i32
      %and3A_3128 = vector.broadcast %and3A_3127 : i32 to vector<16xi32>
      %and3A_3129 = arith.andi %gather3A_3123, %and3A_3128 : vector<16xi32>
      %gather3A_3130 = tpu.vector_load_idx %arg8[%shift_right_arithmetic3A_3126, %and3A_3129] : memref<32x128xi32, #tpu.memory_space<vmem>>[vector<16xi32>, vector<16xi32>], vector<16xi32>,
      %gather3A_3131 = tpu.vector_load_idx %arg7[%gather3A_3130] : memref<8192xi32, #tpu.memory_space<vmem>>[vector<16xi32>], vector<16xi32>,
      %mul3A_3132 = arith.constant 128 : i32
      %mul3A_3133 = vector.broadcast %mul3A_3132 : i32 to vector<16xi32>
      %mul3A_3134 = arith.muli %gather3A_3131, %mul3A_3133 : vector<16xi32>
      %add3A_3135 = arith.addi %add3A_3115, %mul3A_3134 : vector<16xi32>
      %gather3A_3136 = arith.constant 1 : i32
      %gather3A_3137 = arith.constant 0 : i32
      %gather3A_3138 = arith.constant 0 : i32
      %gather3A_3139 = tpu.memref_slice %arg10[%gather3A_3136, %gather3A_3137, %gather3A_3138] : memref<2x128x256xf32, #tpu.memory_space<vmem>> -> memref<1x128x256xf32, #tpu.memory_space<vmem>>
      %gather3A_3140 = tpu.memref_squeeze %gather3A_3139 : memref<1x128x256xf32, #tpu.memory_space<vmem>> -> memref<128x256xf32, #tpu.memory_space<vmem>>
      %gather3A_3141 = tpu.vector_load_idx %gather3A_3140[%add3A_2973, %add3A_3135] : memref<128x256xf32, #tpu.memory_space<vmem>>[vector<16xi32>, vector<16xi32>], vector<16xf32>,
      %gt3A_3142 = arith.constant 5.000000e-01 : f32
      %gt3A_3143 = vector.broadcast %gt3A_3142 : f32 to vector<16xf32>
      %gt3A_3144 = arith.cmpf ogt, %gather3A_3141, %gt3A_3143 : vector<16xf32>
      %jit3A_3145 = arith.constant 1 : i32
      %jit3A_3146 = arith.constant 0 : i32
      %broadcast_in_dim3A_3147 = vector.broadcast %jit3A_3145 : i32 to vector<16xi32>
      %broadcast_in_dim3A_3148 = vector.broadcast %jit3A_3146 : i32 to vector<16xi32>
      %select_n3A_3149 = arith.select %gt3A_3144, %broadcast_in_dim3A_3147, %broadcast_in_dim3A_3148 : vector<16xi1>, vector<16xi32>
      %swap3A_3150 = arith.index_cast %add3A_1848 : i32 to index
      %swap3A_3151 = arith.constant 96 : index
      %swap3A_3152 = tpu.vector_load %arg11[%swap3A_3150, %swap3A_3151] {strides = array<i32>} : memref<16x128xi32, #tpu.memory_space<vmem>>, vector<16xi32>,
      tpu.vector_store %arg11[%swap3A_3150, %swap3A_3151], %select_n3A_3149 {strides = array<i32>} : memref<16x128xi32, #tpu.memory_space<vmem>>, vector<16xi32>,
      %add3A_3153 = arith.constant 112 : i32
      %add3A_3154 = vector.broadcast %add3A_3153 : i32 to vector<16xi32>
      %add3A_3155 = arith.addi %add3A_3154, %iota3A : vector<16xi32>
      %broadcast_in_dim3A_3156 = arith.constant 0 : i32
      %broadcast_in_dim3A_3157 = vector.broadcast %broadcast_in_dim3A_3156 : i32 to vector<16xi32>
      %broadcast_in_dim3A_3158 = arith.constant 0 : i32
      %broadcast_in_dim3A_3159 = vector.broadcast %broadcast_in_dim3A_3158 : i32 to vector<16xi32>
      %gather3A_3160 = arith.constant 1 : i32
      %gather3A_3161 = arith.constant 0 : i32
      %gather3A_3162 = arith.constant 0 : i32
      %gather3A_3163 = tpu.memref_slice %arg9[%gather3A_3160, %gather3A_3161, %gather3A_3162] : memref<2x128x8xi32, #tpu.memory_space<vmem>> -> memref<1x128x8xi32, #tpu.memory_space<vmem>>
      %gather3A_3164 = tpu.memref_squeeze %gather3A_3163 : memref<1x128x8xi32, #tpu.memory_space<vmem>> -> memref<128x8xi32, #tpu.memory_space<vmem>>
      %gather3A_3165 = tpu.vector_load_idx %gather3A_3164[%add3A_3155, %broadcast_in_dim3A_3159] : memref<128x8xi32, #tpu.memory_space<vmem>>[vector<16xi32>, vector<16xi32>], vector<16xi32>,
      %shift_right_arithmetic3A_3166 = arith.constant 7 : i32
      %shift_right_arithmetic3A_3167 = vector.broadcast %shift_right_arithmetic3A_3166 : i32 to vector<16xi32>
      %shift_right_arithmetic3A_3168 = arith.shrsi %gather3A_3165, %shift_right_arithmetic3A_3167 : vector<16xi32>
      %and3A_3169 = arith.constant 127 : i32
      %and3A_3170 = vector.broadcast %and3A_3169 : i32 to vector<16xi32>
      %and3A_3171 = arith.andi %gather3A_3165, %and3A_3170 : vector<16xi32>
      %gather3A_3172 = tpu.vector_load_idx %arg8[%shift_right_arithmetic3A_3168, %and3A_3171] : memref<32x128xi32, #tpu.memory_space<vmem>>[vector<16xi32>, vector<16xi32>], vector<16xi32>,
      %gather3A_3173 = tpu.vector_load_idx %arg7[%gather3A_3172] : memref<8192xi32, #tpu.memory_space<vmem>>[vector<16xi32>], vector<16xi32>,
      %mul3A_3174 = arith.constant 1 : i32
      %mul3A_3175 = vector.broadcast %mul3A_3174 : i32 to vector<16xi32>
      %mul3A_3176 = arith.muli %gather3A_3173, %mul3A_3175 : vector<16xi32>
      %add3A_3177 = arith.addi %broadcast_in_dim3A_3157, %mul3A_3176 : vector<16xi32>
      %broadcast_in_dim3A_3178 = arith.constant 1 : i32
      %broadcast_in_dim3A_3179 = vector.broadcast %broadcast_in_dim3A_3178 : i32 to vector<16xi32>
      %gather3A_3180 = arith.constant 1 : i32
      %gather3A_3181 = arith.constant 0 : i32
      %gather3A_3182 = arith.constant 0 : i32
      %gather3A_3183 = tpu.memref_slice %arg9[%gather3A_3180, %gather3A_3181, %gather3A_3182] : memref<2x128x8xi32, #tpu.memory_space<vmem>> -> memref<1x128x8xi32, #tpu.memory_space<vmem>>
      %gather3A_3184 = tpu.memref_squeeze %gather3A_3183 : memref<1x128x8xi32, #tpu.memory_space<vmem>> -> memref<128x8xi32, #tpu.memory_space<vmem>>
      %gather3A_3185 = tpu.vector_load_idx %gather3A_3184[%add3A_3155, %broadcast_in_dim3A_3179] : memref<128x8xi32, #tpu.memory_space<vmem>>[vector<16xi32>, vector<16xi32>], vector<16xi32>,
      %shift_right_arithmetic3A_3186 = arith.constant 7 : i32
      %shift_right_arithmetic3A_3187 = vector.broadcast %shift_right_arithmetic3A_3186 : i32 to vector<16xi32>
      %shift_right_arithmetic3A_3188 = arith.shrsi %gather3A_3185, %shift_right_arithmetic3A_3187 : vector<16xi32>
      %and3A_3189 = arith.constant 127 : i32
      %and3A_3190 = vector.broadcast %and3A_3189 : i32 to vector<16xi32>
      %and3A_3191 = arith.andi %gather3A_3185, %and3A_3190 : vector<16xi32>
      %gather3A_3192 = tpu.vector_load_idx %arg8[%shift_right_arithmetic3A_3188, %and3A_3191] : memref<32x128xi32, #tpu.memory_space<vmem>>[vector<16xi32>, vector<16xi32>], vector<16xi32>,
      %gather3A_3193 = tpu.vector_load_idx %arg7[%gather3A_3192] : memref<8192xi32, #tpu.memory_space<vmem>>[vector<16xi32>], vector<16xi32>,
      %mul3A_3194 = arith.constant 2 : i32
      %mul3A_3195 = vector.broadcast %mul3A_3194 : i32 to vector<16xi32>
      %mul3A_3196 = arith.muli %gather3A_3193, %mul3A_3195 : vector<16xi32>
      %add3A_3197 = arith.addi %add3A_3177, %mul3A_3196 : vector<16xi32>
      %broadcast_in_dim3A_3198 = arith.constant 2 : i32
      %broadcast_in_dim3A_3199 = vector.broadcast %broadcast_in_dim3A_3198 : i32 to vector<16xi32>
      %gather3A_3200 = arith.constant 1 : i32
      %gather3A_3201 = arith.constant 0 : i32
      %gather3A_3202 = arith.constant 0 : i32
      %gather3A_3203 = tpu.memref_slice %arg9[%gather3A_3200, %gather3A_3201, %gather3A_3202] : memref<2x128x8xi32, #tpu.memory_space<vmem>> -> memref<1x128x8xi32, #tpu.memory_space<vmem>>
      %gather3A_3204 = tpu.memref_squeeze %gather3A_3203 : memref<1x128x8xi32, #tpu.memory_space<vmem>> -> memref<128x8xi32, #tpu.memory_space<vmem>>
      %gather3A_3205 = tpu.vector_load_idx %gather3A_3204[%add3A_3155, %broadcast_in_dim3A_3199] : memref<128x8xi32, #tpu.memory_space<vmem>>[vector<16xi32>, vector<16xi32>], vector<16xi32>,
      %shift_right_arithmetic3A_3206 = arith.constant 7 : i32
      %shift_right_arithmetic3A_3207 = vector.broadcast %shift_right_arithmetic3A_3206 : i32 to vector<16xi32>
      %shift_right_arithmetic3A_3208 = arith.shrsi %gather3A_3205, %shift_right_arithmetic3A_3207 : vector<16xi32>
      %and3A_3209 = arith.constant 127 : i32
      %and3A_3210 = vector.broadcast %and3A_3209 : i32 to vector<16xi32>
      %and3A_3211 = arith.andi %gather3A_3205, %and3A_3210 : vector<16xi32>
      %gather3A_3212 = tpu.vector_load_idx %arg8[%shift_right_arithmetic3A_3208, %and3A_3211] : memref<32x128xi32, #tpu.memory_space<vmem>>[vector<16xi32>, vector<16xi32>], vector<16xi32>,
      %gather3A_3213 = tpu.vector_load_idx %arg7[%gather3A_3212] : memref<8192xi32, #tpu.memory_space<vmem>>[vector<16xi32>], vector<16xi32>,
      %mul3A_3214 = arith.constant 4 : i32
      %mul3A_3215 = vector.broadcast %mul3A_3214 : i32 to vector<16xi32>
      %mul3A_3216 = arith.muli %gather3A_3213, %mul3A_3215 : vector<16xi32>
      %add3A_3217 = arith.addi %add3A_3197, %mul3A_3216 : vector<16xi32>
      %broadcast_in_dim3A_3218 = arith.constant 3 : i32
      %broadcast_in_dim3A_3219 = vector.broadcast %broadcast_in_dim3A_3218 : i32 to vector<16xi32>
      %gather3A_3220 = arith.constant 1 : i32
      %gather3A_3221 = arith.constant 0 : i32
      %gather3A_3222 = arith.constant 0 : i32
      %gather3A_3223 = tpu.memref_slice %arg9[%gather3A_3220, %gather3A_3221, %gather3A_3222] : memref<2x128x8xi32, #tpu.memory_space<vmem>> -> memref<1x128x8xi32, #tpu.memory_space<vmem>>
      %gather3A_3224 = tpu.memref_squeeze %gather3A_3223 : memref<1x128x8xi32, #tpu.memory_space<vmem>> -> memref<128x8xi32, #tpu.memory_space<vmem>>
      %gather3A_3225 = tpu.vector_load_idx %gather3A_3224[%add3A_3155, %broadcast_in_dim3A_3219] : memref<128x8xi32, #tpu.memory_space<vmem>>[vector<16xi32>, vector<16xi32>], vector<16xi32>,
      %shift_right_arithmetic3A_3226 = arith.constant 7 : i32
      %shift_right_arithmetic3A_3227 = vector.broadcast %shift_right_arithmetic3A_3226 : i32 to vector<16xi32>
      %shift_right_arithmetic3A_3228 = arith.shrsi %gather3A_3225, %shift_right_arithmetic3A_3227 : vector<16xi32>
      %and3A_3229 = arith.constant 127 : i32
      %and3A_3230 = vector.broadcast %and3A_3229 : i32 to vector<16xi32>
      %and3A_3231 = arith.andi %gather3A_3225, %and3A_3230 : vector<16xi32>
      %gather3A_3232 = tpu.vector_load_idx %arg8[%shift_right_arithmetic3A_3228, %and3A_3231] : memref<32x128xi32, #tpu.memory_space<vmem>>[vector<16xi32>, vector<16xi32>], vector<16xi32>,
      %gather3A_3233 = tpu.vector_load_idx %arg7[%gather3A_3232] : memref<8192xi32, #tpu.memory_space<vmem>>[vector<16xi32>], vector<16xi32>,
      %mul3A_3234 = arith.constant 8 : i32
      %mul3A_3235 = vector.broadcast %mul3A_3234 : i32 to vector<16xi32>
      %mul3A_3236 = arith.muli %gather3A_3233, %mul3A_3235 : vector<16xi32>
      %add3A_3237 = arith.addi %add3A_3217, %mul3A_3236 : vector<16xi32>
      %broadcast_in_dim3A_3238 = arith.constant 4 : i32
      %broadcast_in_dim3A_3239 = vector.broadcast %broadcast_in_dim3A_3238 : i32 to vector<16xi32>
      %gather3A_3240 = arith.constant 1 : i32
      %gather3A_3241 = arith.constant 0 : i32
      %gather3A_3242 = arith.constant 0 : i32
      %gather3A_3243 = tpu.memref_slice %arg9[%gather3A_3240, %gather3A_3241, %gather3A_3242] : memref<2x128x8xi32, #tpu.memory_space<vmem>> -> memref<1x128x8xi32, #tpu.memory_space<vmem>>
      %gather3A_3244 = tpu.memref_squeeze %gather3A_3243 : memref<1x128x8xi32, #tpu.memory_space<vmem>> -> memref<128x8xi32, #tpu.memory_space<vmem>>
      %gather3A_3245 = tpu.vector_load_idx %gather3A_3244[%add3A_3155, %broadcast_in_dim3A_3239] : memref<128x8xi32, #tpu.memory_space<vmem>>[vector<16xi32>, vector<16xi32>], vector<16xi32>,
      %shift_right_arithmetic3A_3246 = arith.constant 7 : i32
      %shift_right_arithmetic3A_3247 = vector.broadcast %shift_right_arithmetic3A_3246 : i32 to vector<16xi32>
      %shift_right_arithmetic3A_3248 = arith.shrsi %gather3A_3245, %shift_right_arithmetic3A_3247 : vector<16xi32>
      %and3A_3249 = arith.constant 127 : i32
      %and3A_3250 = vector.broadcast %and3A_3249 : i32 to vector<16xi32>
      %and3A_3251 = arith.andi %gather3A_3245, %and3A_3250 : vector<16xi32>
      %gather3A_3252 = tpu.vector_load_idx %arg8[%shift_right_arithmetic3A_3248, %and3A_3251] : memref<32x128xi32, #tpu.memory_space<vmem>>[vector<16xi32>, vector<16xi32>], vector<16xi32>,
      %gather3A_3253 = tpu.vector_load_idx %arg7[%gather3A_3252] : memref<8192xi32, #tpu.memory_space<vmem>>[vector<16xi32>], vector<16xi32>,
      %mul3A_3254 = arith.constant 16 : i32
      %mul3A_3255 = vector.broadcast %mul3A_3254 : i32 to vector<16xi32>
      %mul3A_3256 = arith.muli %gather3A_3253, %mul3A_3255 : vector<16xi32>
      %add3A_3257 = arith.addi %add3A_3237, %mul3A_3256 : vector<16xi32>
      %broadcast_in_dim3A_3258 = arith.constant 5 : i32
      %broadcast_in_dim3A_3259 = vector.broadcast %broadcast_in_dim3A_3258 : i32 to vector<16xi32>
      %gather3A_3260 = arith.constant 1 : i32
      %gather3A_3261 = arith.constant 0 : i32
      %gather3A_3262 = arith.constant 0 : i32
      %gather3A_3263 = tpu.memref_slice %arg9[%gather3A_3260, %gather3A_3261, %gather3A_3262] : memref<2x128x8xi32, #tpu.memory_space<vmem>> -> memref<1x128x8xi32, #tpu.memory_space<vmem>>
      %gather3A_3264 = tpu.memref_squeeze %gather3A_3263 : memref<1x128x8xi32, #tpu.memory_space<vmem>> -> memref<128x8xi32, #tpu.memory_space<vmem>>
      %gather3A_3265 = tpu.vector_load_idx %gather3A_3264[%add3A_3155, %broadcast_in_dim3A_3259] : memref<128x8xi32, #tpu.memory_space<vmem>>[vector<16xi32>, vector<16xi32>], vector<16xi32>,
      %shift_right_arithmetic3A_3266 = arith.constant 7 : i32
      %shift_right_arithmetic3A_3267 = vector.broadcast %shift_right_arithmetic3A_3266 : i32 to vector<16xi32>
      %shift_right_arithmetic3A_3268 = arith.shrsi %gather3A_3265, %shift_right_arithmetic3A_3267 : vector<16xi32>
      %and3A_3269 = arith.constant 127 : i32
      %and3A_3270 = vector.broadcast %and3A_3269 : i32 to vector<16xi32>
      %and3A_3271 = arith.andi %gather3A_3265, %and3A_3270 : vector<16xi32>
      %gather3A_3272 = tpu.vector_load_idx %arg8[%shift_right_arithmetic3A_3268, %and3A_3271] : memref<32x128xi32, #tpu.memory_space<vmem>>[vector<16xi32>, vector<16xi32>], vector<16xi32>,
      %gather3A_3273 = tpu.vector_load_idx %arg7[%gather3A_3272] : memref<8192xi32, #tpu.memory_space<vmem>>[vector<16xi32>], vector<16xi32>,
      %mul3A_3274 = arith.constant 32 : i32
      %mul3A_3275 = vector.broadcast %mul3A_3274 : i32 to vector<16xi32>
      %mul3A_3276 = arith.muli %gather3A_3273, %mul3A_3275 : vector<16xi32>
      %add3A_3277 = arith.addi %add3A_3257, %mul3A_3276 : vector<16xi32>
      %broadcast_in_dim3A_3278 = arith.constant 6 : i32
      %broadcast_in_dim3A_3279 = vector.broadcast %broadcast_in_dim3A_3278 : i32 to vector<16xi32>
      %gather3A_3280 = arith.constant 1 : i32
      %gather3A_3281 = arith.constant 0 : i32
      %gather3A_3282 = arith.constant 0 : i32
      %gather3A_3283 = tpu.memref_slice %arg9[%gather3A_3280, %gather3A_3281, %gather3A_3282] : memref<2x128x8xi32, #tpu.memory_space<vmem>> -> memref<1x128x8xi32, #tpu.memory_space<vmem>>
      %gather3A_3284 = tpu.memref_squeeze %gather3A_3283 : memref<1x128x8xi32, #tpu.memory_space<vmem>> -> memref<128x8xi32, #tpu.memory_space<vmem>>
      %gather3A_3285 = tpu.vector_load_idx %gather3A_3284[%add3A_3155, %broadcast_in_dim3A_3279] : memref<128x8xi32, #tpu.memory_space<vmem>>[vector<16xi32>, vector<16xi32>], vector<16xi32>,
      %shift_right_arithmetic3A_3286 = arith.constant 7 : i32
      %shift_right_arithmetic3A_3287 = vector.broadcast %shift_right_arithmetic3A_3286 : i32 to vector<16xi32>
      %shift_right_arithmetic3A_3288 = arith.shrsi %gather3A_3285, %shift_right_arithmetic3A_3287 : vector<16xi32>
      %and3A_3289 = arith.constant 127 : i32
      %and3A_3290 = vector.broadcast %and3A_3289 : i32 to vector<16xi32>
      %and3A_3291 = arith.andi %gather3A_3285, %and3A_3290 : vector<16xi32>
      %gather3A_3292 = tpu.vector_load_idx %arg8[%shift_right_arithmetic3A_3288, %and3A_3291] : memref<32x128xi32, #tpu.memory_space<vmem>>[vector<16xi32>, vector<16xi32>], vector<16xi32>,
      %gather3A_3293 = tpu.vector_load_idx %arg7[%gather3A_3292] : memref<8192xi32, #tpu.memory_space<vmem>>[vector<16xi32>], vector<16xi32>,
      %mul3A_3294 = arith.constant 64 : i32
      %mul3A_3295 = vector.broadcast %mul3A_3294 : i32 to vector<16xi32>
      %mul3A_3296 = arith.muli %gather3A_3293, %mul3A_3295 : vector<16xi32>
      %add3A_3297 = arith.addi %add3A_3277, %mul3A_3296 : vector<16xi32>
      %broadcast_in_dim3A_3298 = arith.constant 7 : i32
      %broadcast_in_dim3A_3299 = vector.broadcast %broadcast_in_dim3A_3298 : i32 to vector<16xi32>
      %gather3A_3300 = arith.constant 1 : i32
      %gather3A_3301 = arith.constant 0 : i32
      %gather3A_3302 = arith.constant 0 : i32
      %gather3A_3303 = tpu.memref_slice %arg9[%gather3A_3300, %gather3A_3301, %gather3A_3302] : memref<2x128x8xi32, #tpu.memory_space<vmem>> -> memref<1x128x8xi32, #tpu.memory_space<vmem>>
      %gather3A_3304 = tpu.memref_squeeze %gather3A_3303 : memref<1x128x8xi32, #tpu.memory_space<vmem>> -> memref<128x8xi32, #tpu.memory_space<vmem>>
      %gather3A_3305 = tpu.vector_load_idx %gather3A_3304[%add3A_3155, %broadcast_in_dim3A_3299] : memref<128x8xi32, #tpu.memory_space<vmem>>[vector<16xi32>, vector<16xi32>], vector<16xi32>,
      %shift_right_arithmetic3A_3306 = arith.constant 7 : i32
      %shift_right_arithmetic3A_3307 = vector.broadcast %shift_right_arithmetic3A_3306 : i32 to vector<16xi32>
      %shift_right_arithmetic3A_3308 = arith.shrsi %gather3A_3305, %shift_right_arithmetic3A_3307 : vector<16xi32>
      %and3A_3309 = arith.constant 127 : i32
      %and3A_3310 = vector.broadcast %and3A_3309 : i32 to vector<16xi32>
      %and3A_3311 = arith.andi %gather3A_3305, %and3A_3310 : vector<16xi32>
      %gather3A_3312 = tpu.vector_load_idx %arg8[%shift_right_arithmetic3A_3308, %and3A_3311] : memref<32x128xi32, #tpu.memory_space<vmem>>[vector<16xi32>, vector<16xi32>], vector<16xi32>,
      %gather3A_3313 = tpu.vector_load_idx %arg7[%gather3A_3312] : memref<8192xi32, #tpu.memory_space<vmem>>[vector<16xi32>], vector<16xi32>,
      %mul3A_3314 = arith.constant 128 : i32
      %mul3A_3315 = vector.broadcast %mul3A_3314 : i32 to vector<16xi32>
      %mul3A_3316 = arith.muli %gather3A_3313, %mul3A_3315 : vector<16xi32>
      %add3A_3317 = arith.addi %add3A_3297, %mul3A_3316 : vector<16xi32>
      %gather3A_3318 = arith.constant 1 : i32
      %gather3A_3319 = arith.constant 0 : i32
      %gather3A_3320 = arith.constant 0 : i32
      %gather3A_3321 = tpu.memref_slice %arg10[%gather3A_3318, %gather3A_3319, %gather3A_3320] : memref<2x128x256xf32, #tpu.memory_space<vmem>> -> memref<1x128x256xf32, #tpu.memory_space<vmem>>
      %gather3A_3322 = tpu.memref_squeeze %gather3A_3321 : memref<1x128x256xf32, #tpu.memory_space<vmem>> -> memref<128x256xf32, #tpu.memory_space<vmem>>
      %gather3A_3323 = tpu.vector_load_idx %gather3A_3322[%add3A_3155, %add3A_3317] : memref<128x256xf32, #tpu.memory_space<vmem>>[vector<16xi32>, vector<16xi32>], vector<16xf32>,
      %gt3A_3324 = arith.constant 5.000000e-01 : f32
      %gt3A_3325 = vector.broadcast %gt3A_3324 : f32 to vector<16xf32>
      %gt3A_3326 = arith.cmpf ogt, %gather3A_3323, %gt3A_3325 : vector<16xf32>
      %jit3A_3327 = arith.constant 1 : i32
      %jit3A_3328 = arith.constant 0 : i32
      %broadcast_in_dim3A_3329 = vector.broadcast %jit3A_3327 : i32 to vector<16xi32>
      %broadcast_in_dim3A_3330 = vector.broadcast %jit3A_3328 : i32 to vector<16xi32>
      %select_n3A_3331 = arith.select %gt3A_3326, %broadcast_in_dim3A_3329, %broadcast_in_dim3A_3330 : vector<16xi1>, vector<16xi32>
      %swap3A_3332 = arith.index_cast %add3A_1848 : i32 to index
      %swap3A_3333 = arith.constant 112 : index
      %swap3A_3334 = tpu.vector_load %arg11[%swap3A_3332, %swap3A_3333] {strides = array<i32>} : memref<16x128xi32, #tpu.memory_space<vmem>>, vector<16xi32>,
      tpu.vector_store %arg11[%swap3A_3332, %swap3A_3333], %select_n3A_3331 {strides = array<i32>} : memref<16x128xi32, #tpu.memory_space<vmem>>, vector<16xi32>,
      %lt3A_3335 = arith.constant 6 : i32
      %lt3A_3336 = arith.cmpi slt, %add3A_1848, %lt3A_3335 : i32
      %convert_element_type3A_3337 = arith.extui %lt3A_3336 : i1 to i32
      %cond3A_3338 = arith.constant 0 : i32
      %cond3A_3339 = arith.cmpi ne, %convert_element_type3A_3337, %cond3A_3338 : i32
      scf.if %cond3A_3339 {
        %add3A_3340 = arith.constant 2 : i32
        %add3A_3341 = arith.addi %add3A_1848, %add3A_3340 : i32
        %mul3A_3342 = arith.constant 128 : i32
        %mul3A_3343 = arith.muli %add3A_3341, %mul3A_3342 : i32
        %add3A_3344 = arith.addi %mul3A_0, %mul3A_3343 : i32
        %dma_start3A_3345 = arith.constant 1 : i32
        %dma_start3A_3346 = arith.constant 0 : i32
        %dma_start3A_3347 = arith.constant 0 : i32
        %dma_start3A_3348 = tpu.memref_slice %arg10[%dma_start3A_3345, %dma_start3A_3346, %dma_start3A_3347] : memref<2x128x256xf32, #tpu.memory_space<vmem>> -> memref<1x128x256xf32, #tpu.memory_space<vmem>>
        %dma_start3A_3349 = tpu.memref_squeeze %dma_start3A_3348 : memref<1x128x256xf32, #tpu.memory_space<vmem>> -> memref<128x256xf32, #tpu.memory_space<vmem>>
        %dma_start3A_3350 = arith.constant 0 : i32
        %dma_start3A_3351 = tpu.memref_slice %arg5[%arg1, %add3A_3344, %dma_start3A_3350] : memref<16x2048x256xf32, #tpu.memory_space<hbm>> -> memref<1x128x256xf32, #tpu.memory_space<hbm>>
        %dma_start3A_3352 = tpu.memref_squeeze %dma_start3A_3351 : memref<1x128x256xf32, #tpu.memory_space<hbm>> -> memref<128x256xf32, #tpu.memory_space<hbm>>
        %dma_start3A_3353 = arith.constant 0 : i32
        %dma_start3A_3354 = arith.constant 0 : i32
        %dma_start3A_3355 = tpu.memref_slice %arg10[%dma_start3A_3345, %dma_start3A_3353, %dma_start3A_3354] : memref<2x128x256xf32, #tpu.memory_space<vmem>> -> memref<1x128x256xf32, #tpu.memory_space<vmem>>
        %dma_start3A_3356 = tpu.memref_squeeze %dma_start3A_3355 : memref<1x128x256xf32, #tpu.memory_space<vmem>> -> memref<128x256xf32, #tpu.memory_space<vmem>>
        %dma_start3A_3357 = arith.constant 0 : i32
        %dma_start3A_3358 = tpu.memref_slice %arg5[%arg1, %add3A_3344, %dma_start3A_3357] : memref<16x2048x256xf32, #tpu.memory_space<hbm>> -> memref<1x128x256xf32, #tpu.memory_space<hbm>>
        %dma_start3A_3359 = tpu.memref_squeeze %dma_start3A_3358 : memref<1x128x256xf32, #tpu.memory_space<hbm>> -> memref<128x256xf32, #tpu.memory_space<hbm>>
        tpu.enqueue_dma source(%dma_start3A_3359 : memref<128x256xf32, #tpu.memory_space<hbm>>) target(%dma_start3A_3356 : memref<128x256xf32, #tpu.memory_space<vmem>>) target_semaphore(%arg17 : memref<!tpu.dma_semaphore, #tpu.memory_space<semaphore_mem>>)
        %add3A_3360 = arith.constant 2 : i32
        %add3A_3361 = arith.addi %add3A_1848, %add3A_3360 : i32
        %mul3A_3362 = arith.constant 128 : i32
        %mul3A_3363 = arith.muli %add3A_3361, %mul3A_3362 : i32
        %add3A_3364 = arith.addi %mul3A_0, %mul3A_3363 : i32
        %dma_start3A_3365 = arith.constant 1 : i32
        %dma_start3A_3366 = arith.constant 0 : i32
        %dma_start3A_3367 = arith.constant 0 : i32
        %dma_start3A_3368 = tpu.memref_slice %arg9[%dma_start3A_3365, %dma_start3A_3366, %dma_start3A_3367] : memref<2x128x8xi32, #tpu.memory_space<vmem>> -> memref<1x128x8xi32, #tpu.memory_space<vmem>>
        %dma_start3A_3369 = tpu.memref_squeeze %dma_start3A_3368 : memref<1x128x8xi32, #tpu.memory_space<vmem>> -> memref<128x8xi32, #tpu.memory_space<vmem>>
        %dma_start3A_3370 = arith.constant 0 : i32
        %dma_start3A_3371 = tpu.memref_slice %arg4[%arg1, %add3A_3364, %dma_start3A_3370] : memref<16x2048x8xi32, #tpu.memory_space<hbm>> -> memref<1x128x8xi32, #tpu.memory_space<hbm>>
        %dma_start3A_3372 = tpu.memref_squeeze %dma_start3A_3371 : memref<1x128x8xi32, #tpu.memory_space<hbm>> -> memref<128x8xi32, #tpu.memory_space<hbm>>
        %dma_start3A_3373 = arith.constant 0 : i32
        %dma_start3A_3374 = arith.constant 0 : i32
        %dma_start3A_3375 = tpu.memref_slice %arg9[%dma_start3A_3365, %dma_start3A_3373, %dma_start3A_3374] : memref<2x128x8xi32, #tpu.memory_space<vmem>> -> memref<1x128x8xi32, #tpu.memory_space<vmem>>
        %dma_start3A_3376 = tpu.memref_squeeze %dma_start3A_3375 : memref<1x128x8xi32, #tpu.memory_space<vmem>> -> memref<128x8xi32, #tpu.memory_space<vmem>>
        %dma_start3A_3377 = arith.constant 0 : i32
        %dma_start3A_3378 = tpu.memref_slice %arg4[%arg1, %add3A_3364, %dma_start3A_3377] : memref<16x2048x8xi32, #tpu.memory_space<hbm>> -> memref<1x128x8xi32, #tpu.memory_space<hbm>>
        %dma_start3A_3379 = tpu.memref_squeeze %dma_start3A_3378 : memref<1x128x8xi32, #tpu.memory_space<hbm>> -> memref<128x8xi32, #tpu.memory_space<hbm>>
        tpu.enqueue_dma source(%dma_start3A_3379 : memref<128x8xi32, #tpu.memory_space<hbm>>) target(%dma_start3A_3376 : memref<128x8xi32, #tpu.memory_space<vmem>>) target_semaphore(%arg18 : memref<!tpu.dma_semaphore, #tpu.memory_space<semaphore_mem>>)
      } else {
      }
    }
    %scan3A_341 = arith.constant 4 : i32
    %swap3A_342 = arith.constant 0 : index
    %swap3A_343 = tpu.vector_load %arg12[%swap3A_342] {strides = array<i32>} : memref<16xi32, #tpu.memory_space<vmem>>, vector<16xi32>,
    tpu.vector_store %arg12[%swap3A_342], %iota3A {strides = array<i32>} : memref<16xi32, #tpu.memory_space<vmem>>, vector<16xi32>,
    %eq3A = arith.constant 0 : i32
    %eq3A_344 = arith.cmpi eq, %arg1, %eq3A : i32
    %convert_element_type3A = arith.extui %eq3A_344 : i1 to i32
    %cond3A = arith.constant 0 : i32
    %cond3A_345 = arith.cmpi ne, %convert_element_type3A, %cond3A : i32
    scf.if %cond3A_345 {
      "tpu.region"() ({
        %run_scoped3A = tpu.sem_alloc : memref<!tpu.dma_semaphore, #tpu.memory_space<semaphore_mem>>
        tpu.enqueue_dma source(%arg11 : memref<16x128xi32, #tpu.memory_space<vmem>>) target(%arg15 : memref<16x128xi32, #tpu.memory_space<vmem_shared>>) target_semaphore(%run_scoped3A : memref<!tpu.dma_semaphore, #tpu.memory_space<semaphore_mem>>)
        tpu.wait_dma2 semaphore(%run_scoped3A : memref<!tpu.dma_semaphore, #tpu.memory_space<semaphore_mem>>) src(%arg11 : memref<16x128xi32, #tpu.memory_space<vmem>>) dst(%arg15 : memref<16x128xi32, #tpu.memory_space<vmem_shared>>)
        tpu.yield
      }) : () -> ()
    } else {
    }
    %barrier3A = arith.constant 0 : index
    tpu.barrier barrier_id(%barrier3A)
    %ne3A = arith.constant 0 : i32
    %ne3A_346 = arith.cmpi ne, %arg1, %ne3A : i32
    %convert_element_type3A_347 = arith.extui %ne3A_346 : i1 to i32
    %cond3A_348 = arith.constant 0 : i32
    %cond3A_349 = arith.cmpi ne, %convert_element_type3A_347, %cond3A_348 : i32
    scf.if %cond3A_349 {
      "tpu.region"() ({
        %run_scoped3A = tpu.sem_alloc : memref<!tpu.dma_semaphore, #tpu.memory_space<semaphore_mem>>
        %dma_start3A_355 = arith.constant 0 : i32
        %dma_start3A_356 = arith.constant 0 : i32
        %dma_start3A_357 = tpu.memref_slice %arg15[%dma_start3A_355, %dma_start3A_356] : memref<16x128xi32, #tpu.memory_space<vmem_shared>> -> memref<16x128xi32, #tpu.memory_space<vmem_shared>>
        tpu.enqueue_indirect_dma source(%arg11 : memref<16x128xi32, #tpu.memory_space<vmem>>) target(%dma_start3A_357 : memref<16x128xi32, #tpu.memory_space<vmem_shared>>) offsets(%arg12 : memref<16xi32, #tpu.memory_space<vmem>>) semaphore(%run_scoped3A : memref<!tpu.dma_semaphore, #tpu.memory_space<semaphore_mem>>) {add = true}
        %dma_wait3A_358 = arith.constant 0 : i32
        %dma_wait3A_359 = arith.constant 0 : i32
        %dma_wait3A_360 = tpu.memref_slice %arg15[%dma_wait3A_358, %dma_wait3A_359] : memref<16x128xi32, #tpu.memory_space<vmem_shared>> -> memref<16x128xi32, #tpu.memory_space<vmem_shared>>
        tpu.wait_indirect_dma semaphore(%run_scoped3A : memref<!tpu.dma_semaphore, #tpu.memory_space<semaphore_mem>>) src(%arg11 : memref<16x128xi32, #tpu.memory_space<vmem>>) dst(%dma_wait3A_360 : memref<16x128xi32, #tpu.memory_space<vmem_shared>>)
        tpu.yield
      }) : () -> ()
    } else {
    }
    %barrier3A_350 = arith.constant 0 : index
    tpu.barrier barrier_id(%barrier3A_350)
    %lt3A = arith.constant 8 : i32
    %lt3A_351 = arith.cmpi slt, %arg1, %lt3A : i32
    %convert_element_type3A_352 = arith.extui %lt3A_351 : i1 to i32
    %cond3A_353 = arith.constant 0 : i32
    %cond3A_354 = arith.cmpi ne, %convert_element_type3A_352, %cond3A_353 : i32
    scf.if %cond3A_354 {
      "tpu.region"() ({
        %run_scoped3A = tpu.sem_alloc : memref<!tpu.dma_semaphore, #tpu.memory_space<semaphore_mem>>
        tpu.enqueue_dma source(%arg15 : memref<16x128xi32, #tpu.memory_space<vmem_shared>>) target(%arg13 : memref<16x128xi32, #tpu.memory_space<vmem>>) target_semaphore(%run_scoped3A : memref<!tpu.dma_semaphore, #tpu.memory_space<semaphore_mem>>)
        tpu.wait_dma2 semaphore(%run_scoped3A : memref<!tpu.dma_semaphore, #tpu.memory_space<semaphore_mem>>) src(%arg15 : memref<16x128xi32, #tpu.memory_space<vmem_shared>>) dst(%arg13 : memref<16x128xi32, #tpu.memory_space<vmem>>)
        tpu.yield
      }) : () -> ()
      %get3A = arith.index_cast %arg1 : i32 to index
      %get3A_355 = arith.constant 0 : index
      %get3A_356 = tpu.vector_load %arg13[%get3A, %get3A_355] {strides = array<i32>} : memref<16x128xi32, #tpu.memory_space<vmem>>, vector<16xi32>,
      %gt3A = arith.constant 8 : i32
      %gt3A_357 = vector.broadcast %gt3A : i32 to vector<16xi32>
      %gt3A_358 = arith.cmpi sgt, %get3A_356, %gt3A_357 : vector<16xi32>
      %jit3A = arith.constant 1 : i32
      %jit3A_359 = arith.constant 0 : i32
      %broadcast_in_dim3A_360 = vector.broadcast %jit3A : i32 to vector<16xi32>
      %broadcast_in_dim3A_361 = vector.broadcast %jit3A_359 : i32 to vector<16xi32>
      %select_n3A = arith.select %gt3A_358, %broadcast_in_dim3A_360, %broadcast_in_dim3A_361 : vector<16xi1>, vector<16xi32>
      %swap3A_362 = arith.constant 0 : index
      %swap3A_363 = tpu.vector_load %arg14[%swap3A_362] {strides = array<i32>} : memref<128xi32, #tpu.memory_space<vmem>>, vector<16xi32>,
      tpu.vector_store %arg14[%swap3A_362], %select_n3A {strides = array<i32>} : memref<128xi32, #tpu.memory_space<vmem>>, vector<16xi32>,
      %get3A_364 = arith.index_cast %arg1 : i32 to index
      %get3A_365 = arith.constant 16 : index
      %get3A_366 = tpu.vector_load %arg13[%get3A_364, %get3A_365] {strides = array<i32>} : memref<16x128xi32, #tpu.memory_space<vmem>>, vector<16xi32>,
      %gt3A_367 = arith.constant 8 : i32
      %gt3A_368 = vector.broadcast %gt3A_367 : i32 to vector<16xi32>
      %gt3A_369 = arith.cmpi sgt, %get3A_366, %gt3A_368 : vector<16xi32>
      %jit3A_370 = arith.constant 1 : i32
      %jit3A_371 = arith.constant 0 : i32
      %broadcast_in_dim3A_372 = vector.broadcast %jit3A_370 : i32 to vector<16xi32>
      %broadcast_in_dim3A_373 = vector.broadcast %jit3A_371 : i32 to vector<16xi32>
      %select_n3A_374 = arith.select %gt3A_369, %broadcast_in_dim3A_372, %broadcast_in_dim3A_373 : vector<16xi1>, vector<16xi32>
      %swap3A_375 = arith.constant 16 : index
      %swap3A_376 = tpu.vector_load %arg14[%swap3A_375] {strides = array<i32>} : memref<128xi32, #tpu.memory_space<vmem>>, vector<16xi32>,
      tpu.vector_store %arg14[%swap3A_375], %select_n3A_374 {strides = array<i32>} : memref<128xi32, #tpu.memory_space<vmem>>, vector<16xi32>,
      %get3A_377 = arith.index_cast %arg1 : i32 to index
      %get3A_378 = arith.constant 32 : index
      %get3A_379 = tpu.vector_load %arg13[%get3A_377, %get3A_378] {strides = array<i32>} : memref<16x128xi32, #tpu.memory_space<vmem>>, vector<16xi32>,
      %gt3A_380 = arith.constant 8 : i32
      %gt3A_381 = vector.broadcast %gt3A_380 : i32 to vector<16xi32>
      %gt3A_382 = arith.cmpi sgt, %get3A_379, %gt3A_381 : vector<16xi32>
      %jit3A_383 = arith.constant 1 : i32
      %jit3A_384 = arith.constant 0 : i32
      %broadcast_in_dim3A_385 = vector.broadcast %jit3A_383 : i32 to vector<16xi32>
      %broadcast_in_dim3A_386 = vector.broadcast %jit3A_384 : i32 to vector<16xi32>
      %select_n3A_387 = arith.select %gt3A_382, %broadcast_in_dim3A_385, %broadcast_in_dim3A_386 : vector<16xi1>, vector<16xi32>
      %swap3A_388 = arith.constant 32 : index
      %swap3A_389 = tpu.vector_load %arg14[%swap3A_388] {strides = array<i32>} : memref<128xi32, #tpu.memory_space<vmem>>, vector<16xi32>,
      tpu.vector_store %arg14[%swap3A_388], %select_n3A_387 {strides = array<i32>} : memref<128xi32, #tpu.memory_space<vmem>>, vector<16xi32>,
      %get3A_390 = arith.index_cast %arg1 : i32 to index
      %get3A_391 = arith.constant 48 : index
      %get3A_392 = tpu.vector_load %arg13[%get3A_390, %get3A_391] {strides = array<i32>} : memref<16x128xi32, #tpu.memory_space<vmem>>, vector<16xi32>,
      %gt3A_393 = arith.constant 8 : i32
      %gt3A_394 = vector.broadcast %gt3A_393 : i32 to vector<16xi32>
      %gt3A_395 = arith.cmpi sgt, %get3A_392, %gt3A_394 : vector<16xi32>
      %jit3A_396 = arith.constant 1 : i32
      %jit3A_397 = arith.constant 0 : i32
      %broadcast_in_dim3A_398 = vector.broadcast %jit3A_396 : i32 to vector<16xi32>
      %broadcast_in_dim3A_399 = vector.broadcast %jit3A_397 : i32 to vector<16xi32>
      %select_n3A_400 = arith.select %gt3A_395, %broadcast_in_dim3A_398, %broadcast_in_dim3A_399 : vector<16xi1>, vector<16xi32>
      %swap3A_401 = arith.constant 48 : index
      %swap3A_402 = tpu.vector_load %arg14[%swap3A_401] {strides = array<i32>} : memref<128xi32, #tpu.memory_space<vmem>>, vector<16xi32>,
      tpu.vector_store %arg14[%swap3A_401], %select_n3A_400 {strides = array<i32>} : memref<128xi32, #tpu.memory_space<vmem>>, vector<16xi32>,
      %get3A_403 = arith.index_cast %arg1 : i32 to index
      %get3A_404 = arith.constant 64 : index
      %get3A_405 = tpu.vector_load %arg13[%get3A_403, %get3A_404] {strides = array<i32>} : memref<16x128xi32, #tpu.memory_space<vmem>>, vector<16xi32>,
      %gt3A_406 = arith.constant 8 : i32
      %gt3A_407 = vector.broadcast %gt3A_406 : i32 to vector<16xi32>
      %gt3A_408 = arith.cmpi sgt, %get3A_405, %gt3A_407 : vector<16xi32>
      %jit3A_409 = arith.constant 1 : i32
      %jit3A_410 = arith.constant 0 : i32
      %broadcast_in_dim3A_411 = vector.broadcast %jit3A_409 : i32 to vector<16xi32>
      %broadcast_in_dim3A_412 = vector.broadcast %jit3A_410 : i32 to vector<16xi32>
      %select_n3A_413 = arith.select %gt3A_408, %broadcast_in_dim3A_411, %broadcast_in_dim3A_412 : vector<16xi1>, vector<16xi32>
      %swap3A_414 = arith.constant 64 : index
      %swap3A_415 = tpu.vector_load %arg14[%swap3A_414] {strides = array<i32>} : memref<128xi32, #tpu.memory_space<vmem>>, vector<16xi32>,
      tpu.vector_store %arg14[%swap3A_414], %select_n3A_413 {strides = array<i32>} : memref<128xi32, #tpu.memory_space<vmem>>, vector<16xi32>,
      %get3A_416 = arith.index_cast %arg1 : i32 to index
      %get3A_417 = arith.constant 80 : index
      %get3A_418 = tpu.vector_load %arg13[%get3A_416, %get3A_417] {strides = array<i32>} : memref<16x128xi32, #tpu.memory_space<vmem>>, vector<16xi32>,
      %gt3A_419 = arith.constant 8 : i32
      %gt3A_420 = vector.broadcast %gt3A_419 : i32 to vector<16xi32>
      %gt3A_421 = arith.cmpi sgt, %get3A_418, %gt3A_420 : vector<16xi32>
      %jit3A_422 = arith.constant 1 : i32
      %jit3A_423 = arith.constant 0 : i32
      %broadcast_in_dim3A_424 = vector.broadcast %jit3A_422 : i32 to vector<16xi32>
      %broadcast_in_dim3A_425 = vector.broadcast %jit3A_423 : i32 to vector<16xi32>
      %select_n3A_426 = arith.select %gt3A_421, %broadcast_in_dim3A_424, %broadcast_in_dim3A_425 : vector<16xi1>, vector<16xi32>
      %swap3A_427 = arith.constant 80 : index
      %swap3A_428 = tpu.vector_load %arg14[%swap3A_427] {strides = array<i32>} : memref<128xi32, #tpu.memory_space<vmem>>, vector<16xi32>,
      tpu.vector_store %arg14[%swap3A_427], %select_n3A_426 {strides = array<i32>} : memref<128xi32, #tpu.memory_space<vmem>>, vector<16xi32>,
      %get3A_429 = arith.index_cast %arg1 : i32 to index
      %get3A_430 = arith.constant 96 : index
      %get3A_431 = tpu.vector_load %arg13[%get3A_429, %get3A_430] {strides = array<i32>} : memref<16x128xi32, #tpu.memory_space<vmem>>, vector<16xi32>,
      %gt3A_432 = arith.constant 8 : i32
      %gt3A_433 = vector.broadcast %gt3A_432 : i32 to vector<16xi32>
      %gt3A_434 = arith.cmpi sgt, %get3A_431, %gt3A_433 : vector<16xi32>
      %jit3A_435 = arith.constant 1 : i32
      %jit3A_436 = arith.constant 0 : i32
      %broadcast_in_dim3A_437 = vector.broadcast %jit3A_435 : i32 to vector<16xi32>
      %broadcast_in_dim3A_438 = vector.broadcast %jit3A_436 : i32 to vector<16xi32>
      %select_n3A_439 = arith.select %gt3A_434, %broadcast_in_dim3A_437, %broadcast_in_dim3A_438 : vector<16xi1>, vector<16xi32>
      %swap3A_440 = arith.constant 96 : index
      %swap3A_441 = tpu.vector_load %arg14[%swap3A_440] {strides = array<i32>} : memref<128xi32, #tpu.memory_space<vmem>>, vector<16xi32>,
      tpu.vector_store %arg14[%swap3A_440], %select_n3A_439 {strides = array<i32>} : memref<128xi32, #tpu.memory_space<vmem>>, vector<16xi32>,
      %get3A_442 = arith.index_cast %arg1 : i32 to index
      %get3A_443 = arith.constant 112 : index
      %get3A_444 = tpu.vector_load %arg13[%get3A_442, %get3A_443] {strides = array<i32>} : memref<16x128xi32, #tpu.memory_space<vmem>>, vector<16xi32>,
      %gt3A_445 = arith.constant 8 : i32
      %gt3A_446 = vector.broadcast %gt3A_445 : i32 to vector<16xi32>
      %gt3A_447 = arith.cmpi sgt, %get3A_444, %gt3A_446 : vector<16xi32>
      %jit3A_448 = arith.constant 1 : i32
      %jit3A_449 = arith.constant 0 : i32
      %broadcast_in_dim3A_450 = vector.broadcast %jit3A_448 : i32 to vector<16xi32>
      %broadcast_in_dim3A_451 = vector.broadcast %jit3A_449 : i32 to vector<16xi32>
      %select_n3A_452 = arith.select %gt3A_447, %broadcast_in_dim3A_450, %broadcast_in_dim3A_451 : vector<16xi1>, vector<16xi32>
      %swap3A_453 = arith.constant 112 : index
      %swap3A_454 = tpu.vector_load %arg14[%swap3A_453] {strides = array<i32>} : memref<128xi32, #tpu.memory_space<vmem>>, vector<16xi32>,
      tpu.vector_store %arg14[%swap3A_453], %select_n3A_452 {strides = array<i32>} : memref<128xi32, #tpu.memory_space<vmem>>, vector<16xi32>,
      %mul3A_455 = arith.constant 1024 : i32
      %mul3A_456 = arith.muli %arg0, %mul3A_455 : i32
      %mul3A_457 = arith.constant 128 : i32
      %mul3A_458 = arith.muli %arg1, %mul3A_457 : i32
      %add3A_459 = arith.addi %mul3A_456, %mul3A_458 : i32
      "tpu.region"() ({
        %run_scoped3A = tpu.sem_alloc : memref<!tpu.dma_semaphore, #tpu.memory_space<semaphore_mem>>
        %dma_start3A_460 = tpu.memref_slice %arg6[%add3A_459] : memref<2048xi32, #tpu.memory_space<hbm>> -> memref<128xi32, #tpu.memory_space<hbm>>
        %dma_start3A_461 = tpu.memref_slice %arg6[%add3A_459] : memref<2048xi32, #tpu.memory_space<hbm>> -> memref<128xi32, #tpu.memory_space<hbm>>
        tpu.enqueue_dma source(%arg14 : memref<128xi32, #tpu.memory_space<vmem>>) target(%dma_start3A_461 : memref<128xi32, #tpu.memory_space<hbm>>) target_semaphore(%run_scoped3A : memref<!tpu.dma_semaphore, #tpu.memory_space<semaphore_mem>>)
        %dma_wait3A_462 = tpu.memref_slice %arg6[%add3A_459] : memref<2048xi32, #tpu.memory_space<hbm>> -> memref<128xi32, #tpu.memory_space<hbm>>
        %dma_wait3A_463 = tpu.memref_slice %arg6[%add3A_459] : memref<2048xi32, #tpu.memory_space<hbm>> -> memref<128xi32, #tpu.memory_space<hbm>>
        tpu.wait_dma2 semaphore(%run_scoped3A : memref<!tpu.dma_semaphore, #tpu.memory_space<semaphore_mem>>) src(%arg14 : memref<128xi32, #tpu.memory_space<vmem>>) dst(%dma_wait3A_463 : memref<128xi32, #tpu.memory_space<hbm>>)
        tpu.yield
      }) : () -> ()
    } else {
    }
    return
  }
}

</mosaic_0001>

<sc_bundles>
// kernel: kernel.3.cloned.1.call-start
scs
__scs_entry_jumppad:
0x0: {  	(pc) =	sbr.rel $0x88, $3  }
0x1: {  	(tag) =	ssettag $0x0;
	lr =	simm.s32 $0x1  }
0x2: {  	[smem:$0x3F9D] =	sst lr;
	_ =	strace $0xD0000000  }
0x3: {  	_ = 	snop  }
0x4: {  	_ = 	snop  }
0x5: {  	_ = 	snop  }
0x6: {  	_ = 	snop  }
0x7: {  	_ = 	snop  }
__scs_overlays_trampoline_lowered:
0x8: {  	[smem:$0x3FAC] =	sst s0  }
0x9: {  	[smem:$0x3FAD] =	sst s1  }
0xa: {  	[smem:$0x3FAE] =	sst s2  }
0xb: {  	[smem:$0x3FAF] =	sst s3  }
0xc: {  	[smem:$0x3FB0] =	sst s4  }
0xd: {  	[smem:$0x3FB1] =	sst s5  }
0xe: {  	[smem:$0x3FB2] =	sst s6  }
0xf: {  	[smem:$0x3FB3] =	sst s7  }
0x10: {  	[smem:$0x3FB4] =	sst s8  }
0x11: {  	[smem:$0x3FB5] =	sst s9;
	s0 =	simm.s32 @!p0 $0x0  }
0x12: {  	s1 =	sld [smem:$0x3F9B];
	s0 =	simm.s32 @p0 $0x1  }
0x13: {  	[smem:$0x3FB6] =	sst s0;
	s0 =	simm.s32 @!p1 $0x0  }
0x14: {  	s2 =	sld [smem:$0x3F9A];
	s0 =	simm.s32 @p1 $0x1  }
0x15: {  	[smem:$0x3FB7] =	sst s0;
	s0 =	simm.s32 @!p2 $0x0  }
0x16: {  	s3 =	sld [smem:$0x3FDB];
	s0 =	simm.s32 @p2 $0x1  }
0x17: {  	s4 =	simm.s32 $0x1BF5;
	[smem:$0x3FB9] =	sst s0  }
0x18: {  	s0 =	sld [smem:$0x3F9C];
	_ =	swait.ge [sflag:s4], $0x0  }
0x19: {  	s7 =	sld [smem:$0x3F9D]  }
0x1a: {  	s8 =	sadd.s32 $0xFFFFE003, lr  }
0x1b: {  	s9 =	sadd.s32 $0xFFFFFEF7, lr;
	s5 =	simm.s32 $0xFFFFFFFF;
	p2 =	slt.u32 s8, $0xFFFFF086  }
0x1c: {  	p1 =	slt.u32 s9, $0xF7A;
	s5 =	simm.s32 @!p2 $0x0  }
0x1d: {  	s5 =	simm.s32 @p1 $0x1;
	p0 =	seq.s32 s7, s2  }
0x1e: {  	s7 =	smul.u32 @!p0 $0xF7A, s2;
	p2 =	seq.s32 @!p0 s5, $0x0  }
0x1f: {  	s9 =	smul.u32 $0xF7A, s1;
	s8 =	simm.s32 @!p0 $0x1BF5;
	p2 =	por !p2, p0  }
0x20: {  	[sflag:s8] =	ssyncset.s32 @!p0 $0xFFFFF086;
	s6 =	sadd.s32 @!p0 s3, s7;
	s7 =	simm.s32 @!p0 $0x108  }
0x21: {  	s3 =	sadd.s32 s3, s9;
	s6 =	sadd.s32 @!p0 $0x88, s6;
	s7 =	simm.s32 @p2 $0x1082  }
0x22: {  	[simem:s7], [sflag:s8] =	dma.local @!p0 [hbm:s6], $0xF7A  }
0x23: {  	s9 =	sor.u32 $0xD0000000, s2;
	s6 =	simm.s32 $0x108;
	_ =	swait.ge @!p0 [sflag:s8], $0x0  }
0x24: {  	s3 =	sadd.s32 $0x88, s3;
	s6 =	simm.s32 @!p1 $0x1082;
	[sflag:s4] =	ssyncset.s32 $0xFFFFF086  }
0x25: {  	[simem:s6], [sflag:s4] =	dma.local [hbm:s3], $0xF7A  }
0x26: {  	[smem:$0x3F9D] =	sst s1;
	(tag) =	ssettag s2;
	_ =	strace s9  }
0x27: {  	s1 =	sld [smem:$0x3FAD]  }
0x28: {  	s2 =	sld [smem:$0x3FAE]  }
0x29: {  	s4 =	sld [smem:$0x3FB0]  }
0x2a: {  	p0 =	seq.s32 s5, $0x0;
	s5 =	sld [smem:$0x3FB1]  }
0x2b: {  	s6 =	sld [smem:$0x3FB2]  }
0x2c: {  	s7 =	sld [smem:$0x3FB3]  }
0x2d: {  	s3 =	simm.s32 $0x108;
	s8 =	sld [smem:$0x3FB4]  }
0x2e: {  	s3 =	simm.s32 @!p0 $0x1082;
	s9 =	sld [smem:$0x3FB5]  }
0x2f: {  	lr =	sadd.s32 s0, s3;
	s0 =	sld [smem:$0x3FAC]  }
0x30: {  	s3 =	sld [smem:$0x3FAF]  }
0x31: {  	[smem:$0x3FB8] =	sst s10  }
0x32: {  	s10 =	sld [smem:$0x3FB6];
	_ =	sdelay $0x3  }
0x33: {  	p0 =	seq.s32 s10, $0x1;
	s10 =	sld [smem:$0x3FB8];
	_ =	sdelay $0x3  }
0x34: {  	[smem:$0x3FB8] =	sst s10  }
0x35: {  	s10 =	sld [smem:$0x3FB7];
	_ =	sdelay $0x3  }
0x36: {  	p1 =	seq.s32 s10, $0x1;
	s10 =	sld [smem:$0x3FB8];
	_ =	sdelay $0x3  }
0x37: {  	[smem:$0x3FB8] =	sst s10  }
0x38: {  	s10 =	sld [smem:$0x3FB9]  }
0x39: {  	_ = 	snop;
	(pc) =	sbr.ind lr, $3  }
0x3a: {  	_ = 	snop  }
0x3b: {  	_ = 	snop  }
0x3c: {  	p2 =	seq.s32 s10, $0x1;
	s10 =	sld [smem:$0x3FB8]  }
0x3d: {  	_ =	shalt  }
0x3e: {  	_ =	shalt  }
0x3f: {  	_ =	shalt  }
0x40: {  	_ =	shalt  }
0x41: {  	_ =	shalt  }
0x42: {  	_ =	shalt  }
0x43: {  	_ =	shalt  }
0x44: {  	_ =	shalt  }
0x45: {  	_ =	shalt  }
0x46: {  	_ =	shalt  }
0x47: {  	_ =	shalt  }
0x48: {  	_ =	shalt  }
0x49: {  	_ =	shalt  }
0x4a: {  	_ =	shalt  }
0x4b: {  	_ =	shalt  }
0x4c: {  	_ =	shalt  }
0x4d: {  	_ =	shalt  }
0x4e: {  	_ =	shalt  }
0x4f: {  	_ =	shalt  }
0x50: {  	_ =	shalt  }
0x51: {  	_ =	shalt  }
0x52: {  	_ =	shalt  }
0x53: {  	_ =	shalt  }
0x54: {  	_ =	shalt  }
0x55: {  	_ =	shalt  }
0x56: {  	_ =	shalt  }
0x57: {  	_ =	shalt  }
0x58: {  	_ =	shalt  }
0x59: {  	_ =	shalt  }
0x5a: {  	_ =	shalt  }
0x5b: {  	_ =	shalt  }
0x5c: {  	_ =	shalt  }
0x5d: {  	_ =	shalt  }
0x5e: {  	_ =	shalt  }
0x5f: {  	_ =	shalt  }
0x60: {  	_ =	shalt  }
0x61: {  	_ =	shalt  }
0x62: {  	_ =	shalt  }
0x63: {  	_ =	shalt  }
0x64: {  	_ =	shalt  }
0x65: {  	_ =	shalt  }
0x66: {  	_ =	shalt  }
0x67: {  	_ =	shalt  }
0x68: {  	_ =	shalt  }
0x69: {  	_ =	shalt  }
0x6a: {  	_ =	shalt  }
0x6b: {  	_ =	shalt  }
0x6c: {  	_ =	shalt  }
0x6d: {  	_ =	shalt  }
0x6e: {  	_ =	shalt  }
0x6f: {  	_ =	shalt  }
0x70: {  	_ =	shalt  }
0x71: {  	_ =	shalt  }
0x72: {  	_ =	shalt  }
0x73: {  	_ =	shalt  }
0x74: {  	_ =	shalt  }
0x75: {  	_ =	shalt  }
0x76: {  	_ =	shalt  }
0x77: {  	_ =	shalt  }
0x78: {  	_ =	shalt  }
0x79: {  	_ =	shalt  }
0x7a: {  	_ =	shalt  }
0x7b: {  	_ =	shalt  }
0x7c: {  	_ =	shalt  }
0x7d: {  	_ =	shalt  }
0x7e: {  	_ =	shalt  }
0x7f: {  	_ =	shalt  }
0x80: {  	_ =	shalt  }
0x81: {  	_ =	shalt  }
0x82: {  	_ =	shalt  }
0x83: {  	_ =	shalt  }
0x84: {  	_ =	shalt  }
0x85: {  	_ =	shalt  }
0x86: {  	_ =	shalt  }
0x87: {  	_ =	shalt  }
.Lfunc_end0:
.L_simem_size_0:
called_computation_lowered:
.L_overlay_start_0:
0x88: {  	s2 =	sld [smem:$0x3FD9]  }
0x89: {  	s3 =	sld [smem:$0x3FFE];
	_ =	sdelay $0x1  }
0x8a: {  	s1 =	srdreg.scid  }
0x8b: {  	s0 =	sand.u32 $0x1, s1  }
0x8c: {  	s17 =	sshll.u32 s0, $0xA;
	s2 =	sadd.s32 s3, s2  }
0x8d: {  	s2 =	sadd.s32 s2, s17  }
0x8e: {  	[smem:$0x3FC4] =	sst s2  }
0x8f: {  	_ = 	snop  }
0x90: {  	s2 =	sld [smem:$0x3FC9]  }
0x91: {  	s18 =	sld [smem:$0x3FC6];
	(tm) =	ssettm $0x1  }
0x92: {  	s4 =	sld [smem:$0x3FFB];
	_ =	sdelay $0x3  }
0x93: {  	_ =	strace s4  }
0x94: {  	s4 =	sld [smem:$0x3FFC];
	_ =	sdelay $0x3  }
0x95: {  	_ =	strace s4  }
0x96: {  	s4 =	sld [smem:$0x3FFD];
	_ =	sdelay $0x3  }
0x97: {  	_ =	strace s4  }
0x98: {  	_ =	strace $0x8FFFFFFF  }
0x99: {  	s19 =	sld [smem:$0x3FDB];
	_ =	sdelay $0x1  }
0x9a: {  	s5 =	simm.s32 $_scs_section_size  }
0x9b: {  	s6 =	simm.s32 $_size__tile_overlayer_lowered;
	s7 =	simm.s32 $_tile_overlayer_lowered  }
0x9c: {  	s22 =	simm.s32 $0x1BFF;
	s21 =	sshll.u32 s7, $0x1;
	s4 =	sadd.s32 s5, s19  }
0x9d: {  	s8 =	simm.s32 $0x0;
	s20 =	sshll.u32 s6, $0x1;
	s6 =	sadd.s32 s21, s4  }
0x9e: {  	[timem:s8], [sflag:s22] =	dma.local [hbm:s6], s20  }
0x9f: {  	_ =	swait.ge [sflag:s22], s20  }
0xa0: {  	s5 =	ssub.s32 $0x0, s20;
	[sflag:s22] =	ssyncset.done $0x0  }
0xa1: {  	[sflag:s22] =	ssyncadd.s32 s5;
	_ =	sdelay $0x1  }
0xa2: {  	s23 =	simm.s32 $0x1B8B  }
0xa3: {  	_ =	swait.ge [sflag:s23], $0x1  }
0xa4: {  	[sflag:s23] =	ssyncset.done $0x0  }
0xa5: {  	s25 =	simm.s32 $0x1B8E;
	s24 =	sld [smem:$0x3FFE];
	[sflag:s23] =	ssyncadd.s32 $0xFFFFFFFF  }
0xa6: {  	s26 =	simm.s32 $execute0_lowered;
	[smem:$0x3FD2] =	sst s25  }
0xa7: {  	s6 =	sshll.u32 s26, $0x1;
	_ =	strace $0x80000046;
	[dreg:$0x1] =	wrdreg $0xFFFFFFFF  }
0xa8: {  	s28 =	simm.s32 $_size_execute0_lowered;
	s4 =	sadd.s32 s4, s6;
	[dreg:$0x0] =	wrdreg $0x0  }
0xa9: {  	s6 =	sshll.u32 s28, $0x1;
	[dreg:$0x2] =	wrdreg s4  }
0xaa: {  	[dreg:$0x3] =	wrdreg s6  }
0xab: {  	[dreg:$0x4] =	wrdreg $0xC0  }
0xac: {  	_ =	task [dreg:s8], $0x5FFFF  }
0xad: {  	[dreg:$0x1] =	wrdreg $0xFFFFFFFF  }
0xae: {  	[dreg:$0x0] =	wrdreg $0x60  }
0xaf: {  	[dreg:$0x2] =	wrdreg s2  }
0xb0: {  	[dreg:$0x3] =	wrdreg s24  }
0xb1: {  	[dreg:$0x4] =	wrdreg s18  }
0xb2: {  	[dreg:$0x5] =	wrdreg $0x1C1000  }
0xb3: {  	[dreg:$0x6] =	wrdreg $0x9  }
0xb4: {  	_ =	task.clear_ibuf [dreg:s8], $0x7FFFF;
	_ =	strace $0x90000046  }
0xb5: {  	s29 =	simm.s32 $0x9;
	_ =	strace $0x80000048  }
0xb6: {  	_ =	swait.ge [sflag:s29], $0x1  }
0xb7: {  	[sflag:s29] =	ssyncadd.s32 $0xFFFFFFFF  }
0xb8: {  	_ =	strace $0x90000048  }
0xb9: {  	_ =	sfence  }
0xba: {  	s30 =	sld [smem:$0x0];
	_ =	sdelay $0x2  }
0xbb: {  	s31 =	sshll.u32 s1, $0xD;
	s1 =	sshrl.u32 s1, $0x2  }
0xbc: {  	s3 =	sand.u32 $0x4000, s31;
	s1 =	sadd.s32 s1, s30  }
0xbd: {  	s0 =	sor.u32 s3, s0;
	s1 =	sshll.u32 s1, $0x11  }
0xbe: {  	s0 =	sor.u32 s1, s0  }
0xbf: {  	s0 =	sadd.s32 $0x8F2B, s0  }
0xc0: {  	[sflag:s0] =	ssyncadd.remote.s32 $0x1  }
0xc1: {  	_ =	sfence.sel $0xFFFF  }
0xc2: {  	[dreg:$0x0] =	wrdreg $0xFFFFFFFF;
	(pc) =	sbr.abs _section_cstart, $3  }
0xc3: {  	[dreg:$0x1] =	wrdreg $0xFFFFFFFF  }
0xc4: {  	_ =	task.clear_ibuf [dreg:s8], $0x2FFFF;
	_ =	strace $0x9FFFFFFF  }
0xc5: {  	(tm) =	ssettm $0x7FFFFFFF  }
tec
execute0_lowered:
.L_overlay_start_1:
0x0: {  	(tag) =	ssettag $0x1  }
0x1: {  	v0 =	vlaneseq.u32  }
0x2: {  	v1 =	vmul.u32 $0x80, v0;
	_ =	sdelay $0x1  }
0x3: {  	v0 =	vor.u32 $0x1, v1  }
0x4: {  	vm14 =	vcmask $0x300;
	[tilespmem:$0x1FC10] =	vst v0;
	v0 =	vimm.s32 $0xB80  }
0x5: {  	vm13 =	vcmask $0x704;
	v0 =	vsel vm14, $0x0, v0  }
0x6: {  	vm12 =	vcmask $0xB08;
	v0 =	vsel vm13, $0x80, v0  }
0x7: {  	vm11 =	vcmask $0xF0C;
	v3 =	vor.u32 $0x2, v1;
	v0 =	vsel vm12, $0x100, v0  }
0x8: {  	vm10 =	vcmask $0x1310;
	[tilespmem:$0x1FC20] =	vst v3;
	v3 =	vor.u32 $0x3, v1;
	v0 =	vsel vm11, $0x180, v0  }
0x9: {  	vm9 =	vcmask $0x1714;
	[tilespmem:$0x1FC30] =	vst v3;
	v3 =	vor.u32 $0x4, v1;
	v0 =	vsel vm10, $0x200, v0  }
0xa: {  	vm8 =	vcmask $0x1B18;
	[tilespmem:$0x1FC40] =	vst v3;
	v3 =	vor.u32 $0x5, v1;
	v0 =	vsel vm9, $0x280, v0  }
0xb: {  	vm7 =	vcmask $0x1F1C;
	[tilespmem:$0x1FC50] =	vst v3;
	v3 =	vor.u32 $0x6, v1;
	v0 =	vsel vm8, $0x300, v0  }
0xc: {  	vm6 =	vcmask $0x2320;
	[tilespmem:$0x1FC60] =	vst v3;
	v3 =	vor.u32 $0x7, v1;
	v0 =	vsel vm7, $0x380, v0  }
0xd: {  	vm5 =	vcmask $0x2724;
	[tilespmem:$0x1FC70] =	vst v3;
	v3 =	vimm.s32 $0x1B80;
	v0 =	vsel vm6, $0x800, v0  }
0xe: {  	vm4 =	vcmask $0x2B28;
	v3 =	vsel vm14, $0x1000, v3;
	v0 =	vsel vm5, $0x880, v0  }
0xf: {  	vm2 =	vcmask $0x2F2C;
	v3 =	vsel vm13, $0x1080, v3;
	v0 =	vsel vm4, $0x900, v0  }
0x10: {  	vm3 =	vcmask $0x3330;
	v3 =	vsel vm12, $0x1100, v3;
	v0 =	vsel vm2, $0x980, v0  }
0x11: {  	vm1 =	vcmask $0x3734;
	v3 =	vsel vm11, $0x1180, v3;
	v0 =	vsel vm3, $0xA00, v0  }
0x12: {  	vm0 =	vcmask $0x3B38;
	v3 =	vsel vm10, $0x1200, v3;
	v0 =	vsel vm1, $0xA80, v0  }
0x13: {  	v3 =	vsel vm9, $0x1280, v3;
	v0 =	vsel vm0, $0xB00, v0  }
0x14: {  	v3 =	vsel vm8, $0x1300, v3;
	[tilespmem:$0x1FC80] =	vst v0;
	v0 =	vor.u32 $0x800, v1  }
0x15: {  	[tilespmem:$0x1FC90] =	vst v0;
	v0 =	vsel vm7, $0x1380, v3  }
0x16: {  	v3 =	vor.u32 $0x801, v1;
	v0 =	vsel vm6, $0x1800, v0  }
0x17: {  	v4 =	vor.u32 $0x802, v1;
	[tilespmem:$0x1FCA0] =	vst v3;
	v3 =	vimm.s32 $0x2B80;
	v0 =	vsel vm5, $0x1880, v0  }
0x18: {  	v37 =	vor.u32 $0x803, v1;
	[tilespmem:$0x1FCB0] =	vst v4;
	v3 =	vsel vm14, $0x2000, v3;
	v0 =	vsel vm4, $0x1900, v0  }
0x19: {  	v38 =	vor.u32 $0x804, v1;
	[tilespmem:$0x1FCC0] =	vst v37;
	v3 =	vsel vm13, $0x2080, v3;
	v0 =	vsel vm2, $0x1980, v0  }
0x1a: {  	v39 =	vor.u32 $0x805, v1;
	[tilespmem:$0x1FCD0] =	vst v38;
	v3 =	vsel vm12, $0x2100, v3;
	v0 =	vsel vm3, $0x1A00, v0  }
0x1b: {  	v40 =	vor.u32 $0x806, v1;
	[tilespmem:$0x1FCE0] =	vst v39;
	v3 =	vsel vm11, $0x2180, v3;
	v0 =	vsel vm1, $0x1A80, v0  }
0x1c: {  	[tilespmem:$0x1FCF0] =	vst v40;
	v3 =	vsel vm10, $0x2200, v3;
	v0 =	vsel vm0, $0x1B00, v0  }
0x1d: {  	[tilespmem:$0x1FD10] =	vst v0;
	v0 =	vsel vm9, $0x2280, v3;
	v3 =	vor.u32 $0x1000, v1  }
0x1e: {  	[tilespmem:$0x1FD20] =	vst v3;
	v3 =	vor.u32 $0x1001, v1;
	v0 =	vsel vm8, $0x2300, v0  }
0x1f: {  	[tilespmem:$0x1FD30] =	vst v3;
	v3 =	vor.u32 $0x1002, v1;
	v0 =	vsel vm7, $0x2380, v0  }
0x20: {  	v41 =	vor.u32 $0x807, v1;
	[tilespmem:$0x1FD40] =	vst v3;
	v3 =	vimm.s32 $0x3B80;
	v0 =	vsel vm6, $0x2800, v0  }
0x21: {  	v42 =	vor.u32 $0x1003, v1;
	[tilespmem:$0x1FD00] =	vst v41;
	v3 =	vsel vm14, $0x3000, v3;
	v0 =	vsel vm5, $0x2880, v0  }
0x22: {  	v43 =	vor.u32 $0x1004, v1;
	[tilespmem:$0x1FD50] =	vst v42;
	v3 =	vsel vm13, $0x3080, v3;
	v0 =	vsel vm4, $0x2900, v0  }
0x23: {  	v44 =	vor.u32 $0x1005, v1;
	[tilespmem:$0x1FD60] =	vst v43;
	v3 =	vsel vm12, $0x3100, v3;
	v0 =	vsel vm2, $0x2980, v0  }
0x24: {  	v45 =	vor.u32 $0x1006, v1;
	[tilespmem:$0x1FD70] =	vst v44;
	v3 =	vsel vm11, $0x3180, v3;
	v0 =	vsel vm3, $0x2A00, v0  }
0x25: {  	v46 =	vor.u32 $0x1007, v1;
	[tilespmem:$0x1FD80] =	vst v45;
	v3 =	vsel vm10, $0x3200, v3;
	v0 =	vsel vm1, $0x2A80, v0  }
0x26: {  	[tilespmem:$0x1FD90] =	vst v46;
	v3 =	vsel vm9, $0x3280, v3;
	v0 =	vsel vm0, $0x2B00, v0  }
0x27: {  	v47 =	vimm.s32 $0x4B80;
	v48 =	vor.u32 $0x1800, v1;
	[tilespmem:$0x1FDA0] =	vst v0;
	v0 =	vsel vm8, $0x3300, v3  }
0x28: {  	v49 =	vor.u32 $0x1801, v1;
	[tilespmem:$0x1FDB0] =	vst v48;
	v3 =	vsel vm14, $0x4000, v47;
	v0 =	vsel vm7, $0x3380, v0  }
0x29: {  	v50 =	vor.u32 $0x1802, v1;
	[tilespmem:$0x1FDC0] =	vst v49;
	v3 =	vsel vm13, $0x4080, v3;
	v0 =	vsel vm6, $0x3800, v0  }
0x2a: {  	v51 =	vor.u32 $0x1803, v1;
	[tilespmem:$0x1FDD0] =	vst v50;
	v3 =	vsel vm12, $0x4100, v3;
	v0 =	vsel vm5, $0x3880, v0  }
0x2b: {  	v52 =	vor.u32 $0x1804, v1;
	[tilespmem:$0x1FDE0] =	vst v51;
	v3 =	vsel vm11, $0x4180, v3;
	v0 =	vsel vm4, $0x3900, v0  }
0x2c: {  	v53 =	vor.u32 $0x1805, v1;
	[tilespmem:$0x1FDF0] =	vst v52;
	v3 =	vsel vm10, $0x4200, v3;
	v0 =	vsel vm2, $0x3980, v0  }
0x2d: {  	v54 =	vor.u32 $0x1806, v1;
	[tilespmem:$0x1FE00] =	vst v53;
	v3 =	vsel vm9, $0x4280, v3;
	v0 =	vsel vm3, $0x3A00, v0  }
0x2e: {  	v55 =	vor.u32 $0x1807, v1;
	[tilespmem:$0x1FE10] =	vst v54;
	v3 =	vsel vm8, $0x4300, v3;
	v0 =	vsel vm1, $0x3A80, v0  }
0x2f: {  	[tilespmem:$0x1FE20] =	vst v55;
	v3 =	vsel vm7, $0x4380, v3;
	v0 =	vsel vm0, $0x3B00, v0  }
0x30: {  	[tilespmem:$0x1FE30] =	vst v0;
	v0 =	vsel vm6, $0x4800, v3;
	v3 =	vor.u32 $0x2000, v1  }
0x31: {  	[tilespmem:$0x1FE40] =	vst v3;
	v3 =	vor.u32 $0x2001, v1  }
0x32: {  	v0 =	vsel vm5, $0x4880, v0;
	[tilespmem:$0x1FE50] =	vst v3;
	v3 =	vor.u32 $0x2002, v1  }
0x33: {  	v0 =	vsel vm4, $0x4900, v0;
	[tilespmem:$0x1FE60] =	vst v3;
	v3 =	vor.u32 $0x2003, v1  }
0x34: {  	v0 =	vsel vm2, $0x4980, v0;
	[tilespmem:$0x1FE70] =	vst v3;
	v3 =	vor.u32 $0x2004, v1  }
0x35: {  	s5 =	rddreg [dreg:$0x1];
	v0 =	vsel vm3, $0x4A00, v0;
	[tilespmem:$0x1FE80] =	vst v3;
	v3 =	vor.u32 $0x2005, v1  }
0x36: {  	s13 =	rddreg [dreg:$0x2];
	s3 =	simm.s32 $0x0;
	v0 =	vsel vm1, $0x4A80, v0;
	[tilespmem:$0x1FE90] =	vst v3;
	v3 =	vor.u32 $0x2006, v1  }
0x37: {  	[smem:$0x7FF] =	sst s3;
	v0 =	vsel vm0, $0x4B00, v0;
	[tilespmem:$0x1FEA0] =	vst v3;
	v3 =	vimm.s32 $0x5B80  }
0x38: {  	s2 =	rddreg [dreg:$0x3];
	_ =	strace $0x80000047;
	v3 =	vsel vm14, $0x5000, v3;
	[tilespmem:$0x1FEC0] =	vst v0;
	v0 =	vor.u32 $0x2800, v1  }
0x39: {  	[tilespmem:$0x1FED0] =	vst v0;
	v0 =	vsel vm13, $0x5080, v3;
	v3 =	vor.u32 $0x2801, v1  }
0x3a: {  	[tilespmem:$0x1FEE0] =	vst v3;
	v3 =	vor.u32 $0x2802, v1  }
0x3b: {  	[tilespmem:$0x1FEF0] =	vst v3;
	v3 =	vor.u32 $0x2803, v1  }
0x3c: {  	v0 =	vsel vm12, $0x5100, v0;
	[tilespmem:$0x1FF00] =	vst v3;
	v3 =	vor.u32 $0x2804, v1  }
0x3d: {  	v0 =	vsel vm11, $0x5180, v0;
	[tilespmem:$0x1FF10] =	vst v3;
	v3 =	vor.u32 $0x2805, v1  }
0x3e: {  	v0 =	vsel vm10, $0x5200, v0;
	[tilespmem:$0x1FF20] =	vst v3;
	v3 =	vor.u32 $0x2806, v1  }
0x3f: {  	v0 =	vsel vm9, $0x5280, v0;
	[tilespmem:$0x1FF30] =	vst v3;
	v3 =	vor.u32 $0x2807, v1  }
0x40: {  	s4 =	srdreg.scid;
	s1 =	stileid.u32;
	v0 =	vsel vm8, $0x5300, v0;
	[tilespmem:$0x1FF40] =	vst v3;
	v3 =	vimm.s32 $0x6B80  }
0x41: {  	s31 =	simm.s32 $0x0;
	s6 =	sand.u32 $0x1, s4;
	s7 =	sshll.u32 s1, $0x9;
	v0 =	vsel vm7, $0x5380, v0;
	v3 =	vsel vm14, $0x6000, v3  }
0x42: {  	v57 =	vimm.s32 $0x7B80;
	s4 =	sshll.u32 s1, $0x7;
	s14 =	sadd.s32 $0x2400, s5;
	s18 =	sshll.u32 s1, $0x13;
	v0 =	vsel vm6, $0x5800, v0;
	v3 =	vsel vm13, $0x6080, v3  }
0x43: {  	s22 =	sshll.u32 s1, $0x12;
	p0 =	sne.s32 s1, $0x0;
	p1 =	sgt.u32 s1, $0x7;
	v4 =	vsel vm14, $0x7000, v57;
	v0 =	vsel vm5, $0x5880, v0;
	v3 =	vsel vm12, $0x6100, v3  }
0x44: {  	s8 =	sshll.u32 s6, $0xA;
	s9 =	sadd.s32 s7, s5;
	s10 =	sshll.u32 s6, $0x12;
	v4 =	vsel vm13, $0x7080, v4;
	v0 =	vsel vm4, $0x5900, v0;
	v3 =	vsel vm11, $0x6180, v3  }
0x45: {  	s19 =	ssub.s32 $0x2, s6;
	s12 =	sshll.u32 s6, $0x7;
	s6 =	sshll.u32 s6, $0x11;
	v4 =	vsel vm12, $0x7100, v4;
	v0 =	vsel vm2, $0x5980, v0;
	v3 =	vsel vm10, $0x6200, v3  }
0x46: {  	s17 =	sadd.s32 s4, s8;
	s15 =	sor.u32 s10, s18;
	s20 =	sshrl.u32 s19, $0x1;
	v4 =	vsel vm11, $0x7180, v4;
	v0 =	vsel vm3, $0x5A00, v0;
	v3 =	vsel vm9, $0x6280, v3  }
0x47: {  	s21 =	sor.u32 $0x10, s12;
	s9 =	sadd.s32 $0x400, s9;
	s7 =	sshrl.u32 s17, $0x3;
	v4 =	vsel vm10, $0x7200, v4;
	v0 =	vsel vm1, $0x5A80, v0;
	v3 =	vsel vm8, $0x6300, v3  }
0x48: {  	s10 =	sshrl.u32 s15, $0x3;
	s16 =	ssub.s32 s19, s20;
	s12 =	sshll.u32 s21, $0xB;
	v4 =	vsel vm9, $0x7280, v4;
	v0 =	vsel vm0, $0x5B00, v0;
	v3 =	vsel vm7, $0x6380, v3  }
0x49: {  	v56 =	vor.u32 $0x2007, v1;
	s17 =	sor.u32 s6, s22;
	s28 =	sor.u32 $0x18000, s15;
	s15 =	sor.u32 $0x10000, s15;
	v4 =	vsel vm8, $0x7300, v4;
	[tilespmem:$0x1FF50] =	vst v0;
	v0 =	vsel vm6, $0x6800, v3  }
0x4a: {  	v58 =	vor.u32 $0x3000, v1;
	s19 =	simm.s32 $0x7000;
	s20 =	simm.s32 $0x2000;
	s11 =	sadd.s32 s7, s5;
	[tilespmem:$0x1FEB0] =	vst v56;
	v3 =	vsel vm7, $0x7380, v4;
	v0 =	vsel vm5, $0x6880, v0  }
0x4b: {  	v59 =	vor.u32 $0x3001, v1;
	s5 =	sadd.s32 s13, s10;
	s23 =	sor.u32 s18, s12;
	s7 =	sshll.u32 s21, $0xA;
	[tilespmem:$0x1FF60] =	vst v58;
	v3 =	vsel vm6, $0x7800, v3;
	v0 =	vsel vm4, $0x6900, v0  }
0x4c: {  	v60 =	vor.u32 $0x3002, v1;
	s24 =	sshrl.u32 s17, $0x3;
	s26 =	sor.u32 $0xC000, s17;
	s17 =	sor.u32 $0x8000, s17;
	[tilespmem:$0x1FF70] =	vst v59;
	v3 =	vsel vm5, $0x7880, v3;
	v0 =	vsel vm2, $0x6980, v0  }
0x4d: {  	v61 =	vor.u32 $0x3003, v1;
	s15 =	sshrl.u32 s15, $0x3;
	s18 =	simm.s32 $0x13000;
	s21 =	simm.s32 $0x1;
	[tilespmem:$0x1FF80] =	vst v60;
	v3 =	vsel vm4, $0x7900, v3;
	v0 =	vsel vm3, $0x6A00, v0  }
0x4e: {  	v62 =	vor.u32 $0x3004, v1;
	s12 =	sshrl.u32 s23, $0x3;
	s10 =	sor.u32 s22, s7;
	s6 =	sadd.s32 s14, s24;
	[tilespmem:$0x1FF90] =	vst v61;
	v3 =	vsel vm2, $0x7980, v3;
	v0 =	vsel vm1, $0x6A80, v0  }
0x4f: {  	s17 =	sshrl.u32 s17, $0x3;
	s29 =	sadd.s32 s15, s13;
	s22 =	simm.s32 $0x2;
	[tilespmem:$0x1FFA0] =	vst v62;
	v3 =	vsel vm3, $0x7A00, v3;
	v0 =	vsel vm0, $0x6B00, v0  }
.Ltmp0:
0x50: {  	v63 =	vor.u32 $0x3005, v1;
	s23 =	simm.s32 $0x3;
	s7 =	sadd.s32 s13, s12;
	[tilespmem:$0x1FFC0] =	vst v0;
	v0 =	vsel vm1, $0x7A80, v3;
	(pc) =	sbr.rel .LBB2_1-.Ltmp0, $4  }
0x51: {  	s25 =	sshrl.u32 s10, $0x3;
	s10 =	sadd.s32 $0x82400, s11;
	s11 =	smax.u32 s16, $0x1;
	[tilespmem:$0x1FFB0] =	vst v63;
	v0 =	vsel vm0, $0x7B00, v0  }
0x52: {  	s12 =	sshrl.u32 s26, $0x3;
	s16 =	sshrl.u32 s28, $0x3;
	s8 =	sadd.s32 s14, s25;
	[tilespmem:$0x1FFD0] =	vst v0;
	v0 =	vor.u32 $0x3006, v1  }
0x53: {  	s12 =	sadd.s32 s12, s14;
	s30 =	sadd.s32 s16, s13;
	s14 =	sadd.s32 s17, s14;
	[tilespmem:$0x1FFE0] =	vst v0;
	v0 =	vor.u32 $0x3007, v1  }
0x54: {  	v2 =	vimm.s32 $0x0;
	s16 =	simm.s32 $0xB000;
	s17 =	simm.s32 $0x3000;
	s25 =	simm.s32 $0x4;
	[tilespmem:$0x1FFF0] =	vst v0  }
.LBB2_5:
0x55: {  	s0 =	simm.s32 $0x1B000  }
0x56: {  	[spmem:s2] =	stream.linear.scatter [tilespmem:s0], [sflag:$0x4], $0x800, $0x38;
	[tilespmem:$0x1C180] =	vst v63  }
0x57: {  	_ =	swait.ge [sflag:s25], $0x800  }
0x58: {  	[sflag:s25] =	ssyncset.done $0x0  }
0x59: {  	[sflag:s25] =	ssyncadd.s32 $0xFFFFF800  }
0x5a: {  	[bflag:$0x0] =	sbarrier.arrive $0xFFFF  }
0x5b: {  	[bflag:$0x0] =	sbarrier.arrive $0xFFFF  }
.LBB2_7:
0x5c: {  	s0 =	simm.s32 $0x1B880  }
0x5d: {  	[tilespmem:s0], [sflag:$0x4] =	stream.linear.gather [spmem:s2], $0x800, $0x38;
	[tilespmem:$0x1C180] =	vst v63  }
0x5e: {  	_ =	swait.ge [sflag:s25], $0x800  }
0x5f: {  	[sflag:s25] =	ssyncset.done $0x0  }
0x60: {  	[sflag:s25] =	ssyncadd.s32 $0xFFFFF800  }
0x61: {  	v4 =	vld [tilespmem:s4+$0x1B880];
	_ =	sdelay $0x4  }
0x62: {  	vm0 =	vgt.s32 v4, $0x8  }
0x63: {  	v4 =	vsel vm0, $0x1, v2  }
0x64: {  	[tilespmem:$0x1C080] =	vst v4  }
0x65: {  	v4 =	vld [tilespmem:s4+$0x1B890];
	_ =	sdelay $0x4  }
0x66: {  	vm9 =	vgt.s32 v4, $0x8  }
0x67: {  	v4 =	vsel vm9, $0x1, v2  }
0x68: {  	[tilespmem:$0x1C090] =	vst v4  }
0x69: {  	v4 =	vld [tilespmem:s4+$0x1B8A0];
	_ =	sdelay $0x4  }
0x6a: {  	vm10 =	vgt.s32 v4, $0x8  }
0x6b: {  	v4 =	vsel vm10, $0x1, v2  }
0x6c: {  	[tilespmem:$0x1C0A0] =	vst v4  }
0x6d: {  	v4 =	vld [tilespmem:s4+$0x1B8B0];
	_ =	sdelay $0x4  }
0x6e: {  	vm11 =	vgt.s32 v4, $0x8  }
0x6f: {  	v4 =	vsel vm11, $0x1, v2  }
0x70: {  	[tilespmem:$0x1C0B0] =	vst v4  }
0x71: {  	v4 =	vld [tilespmem:s4+$0x1B8C0];
	_ =	sdelay $0x4  }
0x72: {  	vm12 =	vgt.s32 v4, $0x8  }
0x73: {  	v4 =	vsel vm12, $0x1, v2  }
0x74: {  	[tilespmem:$0x1C0C0] =	vst v4  }
0x75: {  	v4 =	vld [tilespmem:s4+$0x1B8D0];
	_ =	sdelay $0x4  }
0x76: {  	vm13 =	vgt.s32 v4, $0x8  }
0x77: {  	v4 =	vsel vm13, $0x1, v2  }
0x78: {  	[tilespmem:$0x1C0D0] =	vst v4  }
0x79: {  	v4 =	vld [tilespmem:s4+$0x1B8E0];
	_ =	sdelay $0x4  }
0x7a: {  	vm14 =	vgt.s32 v4, $0x8  }
0x7b: {  	v4 =	vsel vm14, $0x1, v2  }
0x7c: {  	[tilespmem:$0x1C0E0] =	vst v4  }
0x7d: {  	v4 =	vld [tilespmem:s4+$0x1B8F0];
	_ =	sdelay $0x4  }
0x7e: {  	vm15 =	vgt.s32 v4, $0x8  }
0x7f: {  	v4 =	vsel vm15, $0x1, v2  }
0x80: {  	s28 =	simm.s32 $0x1C080;
	[tilespmem:$0x1C0F0] =	vst v4  }
0x81: {  	[hbm4b:s10+s3] =	stream.linear.scatter [tilespmem:s28], [sflag:$0x4], $0x80, $0x38;
	[tilespmem:$0x1C180] =	vst v63  }
0x82: {  	_ =	swait.ge [sflag:s25], $0x80  }
0x83: {  	[sflag:s25] =	ssyncset.done $0x0  }
0x84: {  	[sflag:s25] =	ssyncadd.s32 $0xFFFFFF80  }
.LBB2_8:
0x85: {  	s31 =	sadd.s32 $0x1, s31  }
0x86: {  	p2 =	sne.s32 s31, s11  }
.Ltmp1:
0x87: {  	_ = 	snop;
	(pc) =	sbr.rel @!p2 .LBB2_9-.Ltmp1, $1  }
0x88: {  	_ =	sdelay $0x3  }
.LBB2_1:
0x89: {  	[tilespmem:s16], [sflag:$0x2] =	stream.linear.gather [hbm4b:s5+s3], $0x8000, $0x38;
	[tilespmem:$0x1C180] =	vst v63  }
0x8a: {  	_ = 	snop  }
0x8b: {  	[tilespmem:s17], [sflag:$0x3] =	stream.linear.gather [hbm4b:s6+s3], $0x4000, $0x38;
	[tilespmem:$0x1C180] =	vst v63  }
0x8c: {  	_ = 	snop  }
0x8d: {  	[tilespmem:s18], [sflag:$0x2] =	stream.linear.gather [hbm4b:s7+s3], $0x8000, $0x38;
	[tilespmem:$0x1C180] =	vst v63  }
0x8e: {  	_ = 	snop  }
0x8f: {  	[tilespmem:s19], [sflag:$0x3] =	stream.linear.gather [hbm4b:s8+s3], $0x4000, $0x38;
	[tilespmem:$0x1C180] =	vst v63  }
0x90: {  	s0 =	rddreg [dreg:$0x0]  }
0x91: {  	[tilespmem:s3], [sflag:$0x1] =	stream.linear.gather [hbm4b:s0+s3], $0x2000, $0x38;
	[tilespmem:$0x1C180] =	vst v63  }
0x92: {  	_ = 	snop  }
0x93: {  	[tilespmem:s20], [sflag:$0x1] =	stream.linear.gather [hbm4b:s9+s3], $0x1000, $0x38;
	[tilespmem:$0x1C180] =	vst v63  }
0x94: {  	_ =	swait.ge [sflag:s21], $0x2000  }
0x95: {  	[sflag:s21] =	ssyncset.done $0x0  }
0x96: {  	[sflag:s21] =	ssyncadd.s32 $0xFFFFE000  }
0x97: {  	_ =	swait.ge [sflag:s21], $0x1000  }
0x98: {  	[sflag:s21] =	ssyncset.done $0x0  }
0x99: {  	[sflag:s21] =	ssyncadd.s32 $0xFFFFF000  }
0x9a: {  	[tilespmem:$0x1B400] =	vst v2  }
0x9b: {  	[tilespmem:$0x1B410] =	vst v2  }
0x9c: {  	[tilespmem:$0x1B420] =	vst v2  }
0x9d: {  	[tilespmem:$0x1B430] =	vst v2  }
0x9e: {  	[tilespmem:$0x1B440] =	vst v2  }
0x9f: {  	[tilespmem:$0x1B450] =	vst v2  }
0xa0: {  	[tilespmem:$0x1B460] =	vst v2  }
0xa1: {  	[tilespmem:$0x1B470] =	vst v2  }
0xa2: {  	[tilespmem:$0x1B480] =	vst v2  }
0xa3: {  	[tilespmem:$0x1B490] =	vst v2  }
0xa4: {  	[tilespmem:$0x1B4A0] =	vst v2  }
0xa5: {  	[tilespmem:$0x1B4B0] =	vst v2  }
0xa6: {  	[tilespmem:$0x1B4C0] =	vst v2  }
0xa7: {  	[tilespmem:$0x1B4D0] =	vst v2  }
0xa8: {  	[tilespmem:$0x1B4E0] =	vst v2  }
0xa9: {  	[tilespmem:$0x1B4F0] =	vst v2  }
0xaa: {  	[tilespmem:$0x1B500] =	vst v2  }
0xab: {  	[tilespmem:$0x1B510] =	vst v2  }
0xac: {  	[tilespmem:$0x1B520] =	vst v2  }
0xad: {  	[tilespmem:$0x1B530] =	vst v2  }
0xae: {  	[tilespmem:$0x1B540] =	vst v2  }
0xaf: {  	[tilespmem:$0x1B550] =	vst v2  }
0xb0: {  	[tilespmem:$0x1B560] =	vst v2  }
0xb1: {  	[tilespmem:$0x1B570] =	vst v2  }
0xb2: {  	[tilespmem:$0x1B580] =	vst v2  }
0xb3: {  	[tilespmem:$0x1B590] =	vst v2  }
0xb4: {  	[tilespmem:$0x1B5A0] =	vst v2  }
0xb5: {  	[tilespmem:$0x1B5B0] =	vst v2  }
0xb6: {  	[tilespmem:$0x1B5C0] =	vst v2  }
0xb7: {  	[tilespmem:$0x1B5D0] =	vst v2  }
0xb8: {  	[tilespmem:$0x1B5E0] =	vst v2  }
0xb9: {  	[tilespmem:$0x1B5F0] =	vst v2  }
0xba: {  	[tilespmem:$0x1B600] =	vst v2  }
0xbb: {  	[tilespmem:$0x1B610] =	vst v2  }
0xbc: {  	[tilespmem:$0x1B620] =	vst v2  }
0xbd: {  	[tilespmem:$0x1B630] =	vst v2  }
0xbe: {  	[tilespmem:$0x1B640] =	vst v2  }
0xbf: {  	[tilespmem:$0x1B650] =	vst v2  }
0xc0: {  	[tilespmem:$0x1B660] =	vst v2  }
0xc1: {  	[tilespmem:$0x1B670] =	vst v2  }
0xc2: {  	[tilespmem:$0x1B680] =	vst v2  }
0xc3: {  	[tilespmem:$0x1B690] =	vst v2  }
0xc4: {  	[tilespmem:$0x1B6A0] =	vst v2  }
0xc5: {  	[tilespmem:$0x1B6B0] =	vst v2  }
0xc6: {  	[tilespmem:$0x1B6C0] =	vst v2  }
0xc7: {  	[tilespmem:$0x1B6D0] =	vst v2  }
0xc8: {  	[tilespmem:$0x1B6E0] =	vst v2  }
0xc9: {  	[tilespmem:$0x1B6F0] =	vst v2  }
0xca: {  	[tilespmem:$0x1B700] =	vst v2  }
0xcb: {  	[tilespmem:$0x1B710] =	vst v2  }
0xcc: {  	[tilespmem:$0x1B720] =	vst v2  }
0xcd: {  	[tilespmem:$0x1B730] =	vst v2  }
0xce: {  	[tilespmem:$0x1B740] =	vst v2  }
0xcf: {  	[tilespmem:$0x1B750] =	vst v2  }
0xd0: {  	[tilespmem:$0x1B760] =	vst v2  }
0xd1: {  	[tilespmem:$0x1B770] =	vst v2  }
0xd2: {  	[tilespmem:$0x1B780] =	vst v2  }
0xd3: {  	[tilespmem:$0x1B790] =	vst v2  }
0xd4: {  	[tilespmem:$0x1B7A0] =	vst v2  }
0xd5: {  	[tilespmem:$0x1B7B0] =	vst v2  }
0xd6: {  	[tilespmem:$0x1B7C0] =	vst v2  }
0xd7: {  	[tilespmem:$0x1B7D0] =	vst v2  }
0xd8: {  	s1 =	simm.s32 $0x1B080;
	[tilespmem:$0x1B7E0] =	vst v2  }
0xd9: {  	s15 =	smov.u32 s29;
	s13 =	smov.u32 s30;
	s26 =	simm.s32 $0x0;
	[tilespmem:$0x1B7F0] =	vst v2  }
.LBB2_2:
0xda: {  	_ =	swait.ge [sflag:s22], $0x8000  }
0xdb: {  	[sflag:s22] =	ssyncset.done $0x0  }
0xdc: {  	[sflag:s22] =	ssyncadd.s32 $0xFFFF8000  }
0xdd: {  	_ =	swait.ge [sflag:s23], $0x4000  }
0xde: {  	v20 =	vld [tilespmem:$0x1FC10];
	_ =	sdelay $0x4  }
0xdf: {  	[sflag:s23] =	ssyncset.done $0x0  }
0xe0: {  	[sflag:s23] =	ssyncadd.s32 $0xFFFFC000  }
0xe1: {  	v4 =	vld.idx.msk [tilespmem:v1+s17+$0x0], $0xffff  }
0xe2: {  	v5 =	vld.idx.msk [tilespmem:v20+s17+$0x0], $0xffff  }
0xe3: {  	v21 =	vld [tilespmem:$0x1FC20]  }
0xe4: {  	v22 =	vld [tilespmem:$0x1FC30]  }
0xe5: {  	v23 =	vld [tilespmem:$0x1FC40]  }
0xe6: {  	v24 =	vld [tilespmem:$0x1FC50]  }
0xe7: {  	v25 =	vld [tilespmem:$0x1FC60];
	_ =	sdelay $0x2  }
0xe8: {  	v26 =	vld [tilespmem:$0x1FC70]  }
0xe9: {  	v6 =	vld.idx.msk [tilespmem:v21+s17+$0x0], $0xffff  }
0xea: {  	v7 =	vld.idx.msk [tilespmem:v22+s17+$0x0], $0xffff  }
0xeb: {  	v8 =	vld.idx.msk [tilespmem:v23+s17+$0x0], $0xffff  }
0xec: {  	v9 =	vld.idx.msk [tilespmem:v24+s17+$0x0], $0xffff  }
0xed: {  	v10 =	vld.idx.msk [tilespmem:v25+s17+$0x0], $0xffff  }
0xee: {  	v4 =	vld.idx.msk [tilespmem:v4+s20+$0x0], $0xffff  }
0xef: {  	v5 =	vld.idx.msk [tilespmem:v5+s20+$0x0], $0xffff  }
0xf0: {  	v11 =	vld.idx.msk [tilespmem:v26+s17+$0x0], $0xffff  }
0xf1: {  	v6 =	vld.idx.msk [tilespmem:v6+s20+$0x0], $0xffff  }
0xf2: {  	v7 =	vld.idx.msk [tilespmem:v7+s20+$0x0], $0xffff  }
0xf3: {  	v8 =	vld.idx.msk [tilespmem:v8+s20+$0x0], $0xffff  }
0xf4: {  	v9 =	vld.idx.msk [tilespmem:v9+s20+$0x0], $0xffff  }
0xf5: {  	v10 =	vld.idx.msk [tilespmem:v10+s20+$0x0], $0xffff  }
0xf6: {  	v4 =	vld.idx.msk [tilespmem:v4+s3+$0x0], $0xffff  }
0xf7: {  	v5 =	vld.idx.msk [tilespmem:v5+s3+$0x0], $0xffff  }
0xf8: {  	v11 =	vld.idx.msk [tilespmem:v11+s20+$0x0], $0xffff  }
0xf9: {  	v6 =	vld.idx.msk [tilespmem:v6+s3+$0x0], $0xffff  }
0xfa: {  	v7 =	vld.idx.msk [tilespmem:v7+s3+$0x0], $0xffff  }
0xfb: {  	v8 =	vld.idx.msk [tilespmem:v8+s3+$0x0], $0xffff  }
0xfc: {  	v9 =	vld.idx.msk [tilespmem:v9+s3+$0x0], $0xffff  }
0xfd: {  	v5 =	vshll.u32 v5, $0x1;
	v10 =	vld.idx.msk [tilespmem:v10+s3+$0x0], $0xffff  }
0xfe: {  	v4 =	vadd.s32 v4, v5;
	v49 =	vshll.u32 v6, $0x2  }
0xff: {  	v50 =	vshll.u32 v7, $0x3;
	v4 =	vadd.s32 v49, v4  }
0x100: {  	v52 =	vld.idx.msk [tilespmem:v11+s3+$0x0], $0xffff;
	v51 =	vshll.u32 v8, $0x4;
	v4 =	vadd.s32 v50, v4  }
0x101: {  	v53 =	vshll.u32 v9, $0x5;
	v4 =	vadd.s32 v51, v4  }
0x102: {  	v54 =	vshll.u32 v10, $0x6;
	v4 =	vadd.s32 v53, v4  }
0x103: {  	v27 =	vld [tilespmem:$0x1FC80];
	v4 =	vadd.s32 v54, v4  }
0x104: {  	v5 =	vshrl.u32 v4, $0x7  }
0x105: {  	v5 =	vadd.s32 v52, v5  }
0x106: {  	v4 =	vand.u32 $0x7F, v4;
	v5 =	vshll.u32 v5, $0xA  }
0x107: {  	v4 =	vor.u32 v4, v5  }
0x108: {  	v4 =	vadd.s32 v27, v4;
	_ =	sdelay $0x3  }
0x109: {  	v28 =	vld [tilespmem:$0x1FC90]  }
0x10a: {  	v4 =	vld.idx.msk [tilespmem:v4+s16+$0x0], $0xffff  }
0x10b: {  	v29 =	vld [tilespmem:$0x1FCA0]  }
0x10c: {  	v30 =	vld [tilespmem:$0x1FCB0]  }
0x10d: {  	v31 =	vld [tilespmem:$0x1FCC0]  }
0x10e: {  	v32 =	vld [tilespmem:$0x1FCD0]  }
0x10f: {  	v33 =	vld [tilespmem:$0x1FCE0];
	vm0 =	vgt.f32 v4, $5.000000000e-01  }
0x110: {  	v34 =	vld [tilespmem:$0x1FCF0];
	v4 =	vsel vm0, $0x1, v2  }
0x111: {  	v35 =	vld [tilespmem:$0x1FD00];
	[tilespmem:s1+$0xFFFFFF80] =	vst v4  }
0x112: {  	v4 =	vld.idx.msk [tilespmem:v28+s17+$0x0], $0xffff  }
0x113: {  	v55 =	vld.idx.msk [tilespmem:v29+s17+$0x0], $0xffff  }
0x114: {  	v56 =	vld.idx.msk [tilespmem:v30+s17+$0x0], $0xffff  }
0x115: {  	v57 =	vld.idx.msk [tilespmem:v31+s17+$0x0], $0xffff  }
0x116: {  	v58 =	vld.idx.msk [tilespmem:v32+s17+$0x0], $0xffff  }
0x117: {  	v59 =	vld.idx.msk [tilespmem:v33+s17+$0x0], $0xffff  }
0x118: {  	v60 =	vld.idx.msk [tilespmem:v34+s17+$0x0], $0xffff  }
0x119: {  	v61 =	vld.idx.msk [tilespmem:v35+s17+$0x0], $0xffff  }
0x11a: {  	v4 =	vld.idx.msk [tilespmem:v4+s20+$0x0], $0xffff  }
0x11b: {  	v5 =	vld.idx.msk [tilespmem:v55+s20+$0x0], $0xffff  }
0x11c: {  	v6 =	vld.idx.msk [tilespmem:v56+s20+$0x0], $0xffff  }
0x11d: {  	v7 =	vld.idx.msk [tilespmem:v57+s20+$0x0], $0xffff  }
0x11e: {  	v8 =	vld.idx.msk [tilespmem:v58+s20+$0x0], $0xffff  }
0x11f: {  	v9 =	vld.idx.msk [tilespmem:v59+s20+$0x0], $0xffff  }
0x120: {  	v10 =	vld.idx.msk [tilespmem:v60+s20+$0x0], $0xffff  }
0x121: {  	v11 =	vld.idx.msk [tilespmem:v61+s20+$0x0], $0xffff  }
0x122: {  	v4 =	vld.idx.msk [tilespmem:v4+s3+$0x0], $0xffff  }
0x123: {  	v5 =	vld.idx.msk [tilespmem:v5+s3+$0x0], $0xffff  }
0x124: {  	v6 =	vld.idx.msk [tilespmem:v6+s3+$0x0], $0xffff  }
0x125: {  	v7 =	vld.idx.msk [tilespmem:v7+s3+$0x0], $0xffff  }
0x126: {  	v8 =	vld.idx.msk [tilespmem:v8+s3+$0x0], $0xffff  }
0x127: {  	v9 =	vld.idx.msk [tilespmem:v9+s3+$0x0], $0xffff  }
0x128: {  	v10 =	vld.idx.msk [tilespmem:v10+s3+$0x0], $0xffff;
	v5 =	vshll.u32 v5, $0x1  }
0x129: {  	v62 =	vshll.u32 v6, $0x2;
	v4 =	vadd.s32 v4, v5  }
0x12a: {  	v63 =	vshll.u32 v7, $0x3;
	v4 =	vadd.s32 v62, v4  }
0x12b: {  	v13 =	vld.idx.msk [tilespmem:v11+s3+$0x0], $0xffff;
	v12 =	vshll.u32 v8, $0x4;
	v4 =	vadd.s32 v63, v4  }
0x12c: {  	v14 =	vshll.u32 v9, $0x5;
	v4 =	vadd.s32 v12, v4  }
0x12d: {  	v15 =	vshll.u32 v10, $0x6;
	v4 =	vadd.s32 v14, v4  }
0x12e: {  	v36 =	vld [tilespmem:$0x1FD10];
	v4 =	vadd.s32 v15, v4  }
0x12f: {  	v5 =	vshrl.u32 v4, $0x7  }
0x130: {  	v5 =	vadd.s32 v13, v5  }
0x131: {  	v4 =	vand.u32 $0x7F, v4;
	v5 =	vshll.u32 v5, $0xA  }
0x132: {  	v4 =	vor.u32 v4, v5  }
0x133: {  	v4 =	vadd.s32 v36, v4;
	_ =	sdelay $0x3  }
0x134: {  	v37 =	vld [tilespmem:$0x1FD20]  }
0x135: {  	v4 =	vld.idx.msk [tilespmem:v4+s16+$0x0], $0xffff  }
0x136: {  	v38 =	vld [tilespmem:$0x1FD30]  }
0x137: {  	v39 =	vld [tilespmem:$0x1FD40]  }
0x138: {  	v40 =	vld [tilespmem:$0x1FD50]  }
0x139: {  	v41 =	vld [tilespmem:$0x1FD60]  }
0x13a: {  	v42 =	vld [tilespmem:$0x1FD70];
	vm13 =	vgt.f32 v4, $5.000000000e-01  }
0x13b: {  	v43 =	vld [tilespmem:$0x1FD80];
	v4 =	vsel vm13, $0x1, v2  }
0x13c: {  	v44 =	vld [tilespmem:$0x1FD90];
	[tilespmem:s1+$0xFFFFFF90] =	vst v4  }
0x13d: {  	v4 =	vld.idx.msk [tilespmem:v37+s17+$0x0], $0xffff  }
0x13e: {  	v16 =	vld.idx.msk [tilespmem:v38+s17+$0x0], $0xffff  }
0x13f: {  	v17 =	vld.idx.msk [tilespmem:v39+s17+$0x0], $0xffff  }
0x140: {  	v18 =	vld.idx.msk [tilespmem:v40+s17+$0x0], $0xffff  }
0x141: {  	v19 =	vld.idx.msk [tilespmem:v41+s17+$0x0], $0xffff  }
0x142: {  	v48 =	vld.idx.msk [tilespmem:v42+s17+$0x0], $0xffff  }
0x143: {  	v49 =	vld.idx.msk [tilespmem:v43+s17+$0x0], $0xffff  }
0x144: {  	v50 =	vld.idx.msk [tilespmem:v44+s17+$0x0], $0xffff  }
0x145: {  	v4 =	vld.idx.msk [tilespmem:v4+s20+$0x0], $0xffff  }
0x146: {  	v5 =	vld.idx.msk [tilespmem:v16+s20+$0x0], $0xffff  }
0x147: {  	v6 =	vld.idx.msk [tilespmem:v17+s20+$0x0], $0xffff  }
0x148: {  	v7 =	vld.idx.msk [tilespmem:v18+s20+$0x0], $0xffff  }
0x149: {  	v8 =	vld.idx.msk [tilespmem:v19+s20+$0x0], $0xffff  }
0x14a: {  	v9 =	vld.idx.msk [tilespmem:v48+s20+$0x0], $0xffff  }
0x14b: {  	v10 =	vld.idx.msk [tilespmem:v49+s20+$0x0], $0xffff  }
0x14c: {  	v11 =	vld.idx.msk [tilespmem:v50+s20+$0x0], $0xffff  }
0x14d: {  	v4 =	vld.idx.msk [tilespmem:v4+s3+$0x0], $0xffff  }
0x14e: {  	v5 =	vld.idx.msk [tilespmem:v5+s3+$0x0], $0xffff  }
0x14f: {  	v6 =	vld.idx.msk [tilespmem:v6+s3+$0x0], $0xffff  }
0x150: {  	v7 =	vld.idx.msk [tilespmem:v7+s3+$0x0], $0xffff  }
0x151: {  	v8 =	vld.idx.msk [tilespmem:v8+s3+$0x0], $0xffff  }
0x152: {  	v9 =	vld.idx.msk [tilespmem:v9+s3+$0x0], $0xffff  }
0x153: {  	v10 =	vld.idx.msk [tilespmem:v10+s3+$0x0], $0xffff;
	v5 =	vshll.u32 v5, $0x1  }
0x154: {  	v51 =	vshll.u32 v6, $0x2;
	v4 =	vadd.s32 v4, v5  }
0x155: {  	v52 =	vshll.u32 v7, $0x3;
	v4 =	vadd.s32 v51, v4  }
0x156: {  	v54 =	vld.idx.msk [tilespmem:v11+s3+$0x0], $0xffff;
	v53 =	vshll.u32 v8, $0x4;
	v4 =	vadd.s32 v52, v4  }
0x157: {  	v55 =	vshll.u32 v9, $0x5;
	v4 =	vadd.s32 v53, v4  }
0x158: {  	v56 =	vshll.u32 v10, $0x6;
	v4 =	vadd.s32 v55, v4  }
0x159: {  	v45 =	vld [tilespmem:$0x1FDA0];
	v4 =	vadd.s32 v56, v4  }
0x15a: {  	v5 =	vshrl.u32 v4, $0x7  }
0x15b: {  	v5 =	vadd.s32 v54, v5  }
0x15c: {  	v4 =	vand.u32 $0x7F, v4;
	v5 =	vshll.u32 v5, $0xA  }
0x15d: {  	v4 =	vor.u32 v4, v5  }
0x15e: {  	v4 =	vadd.s32 v45, v4;
	_ =	sdelay $0x3  }
0x15f: {  	v46 =	vld [tilespmem:$0x1FDB0]  }
0x160: {  	v4 =	vld.idx.msk [tilespmem:v4+s16+$0x0], $0xffff  }
0x161: {  	v47 =	vld [tilespmem:$0x1FDC0]  }
0x162: {  	v48 =	vld [tilespmem:$0x1FDD0]  }
0x163: {  	v49 =	vld [tilespmem:$0x1FDE0]  }
0x164: {  	v50 =	vld [tilespmem:$0x1FDF0]  }
0x165: {  	v51 =	vld [tilespmem:$0x1FE00];
	vm14 =	vgt.f32 v4, $5.000000000e-01  }
0x166: {  	v52 =	vld [tilespmem:$0x1FE10];
	v4 =	vsel vm14, $0x1, v2  }
0x167: {  	v53 =	vld [tilespmem:$0x1FE20];
	[tilespmem:s1+$0xFFFFFFA0] =	vst v4  }
0x168: {  	v4 =	vld.idx.msk [tilespmem:v46+s17+$0x0], $0xffff  }
0x169: {  	v57 =	vld.idx.msk [tilespmem:v47+s17+$0x0], $0xffff  }
0x16a: {  	v58 =	vld.idx.msk [tilespmem:v48+s17+$0x0], $0xffff  }
0x16b: {  	v59 =	vld.idx.msk [tilespmem:v49+s17+$0x0], $0xffff  }
0x16c: {  	v60 =	vld.idx.msk [tilespmem:v50+s17+$0x0], $0xffff  }
0x16d: {  	v61 =	vld.idx.msk [tilespmem:v51+s17+$0x0], $0xffff  }
0x16e: {  	v62 =	vld.idx.msk [tilespmem:v52+s17+$0x0], $0xffff  }
0x16f: {  	v63 =	vld.idx.msk [tilespmem:v53+s17+$0x0], $0xffff  }
0x170: {  	v4 =	vld.idx.msk [tilespmem:v4+s20+$0x0], $0xffff  }
0x171: {  	v5 =	vld.idx.msk [tilespmem:v57+s20+$0x0], $0xffff  }
0x172: {  	v6 =	vld.idx.msk [tilespmem:v58+s20+$0x0], $0xffff  }
0x173: {  	v7 =	vld.idx.msk [tilespmem:v59+s20+$0x0], $0xffff  }
0x174: {  	v8 =	vld.idx.msk [tilespmem:v60+s20+$0x0], $0xffff  }
0x175: {  	v9 =	vld.idx.msk [tilespmem:v61+s20+$0x0], $0xffff  }
0x176: {  	v10 =	vld.idx.msk [tilespmem:v62+s20+$0x0], $0xffff  }
0x177: {  	v11 =	vld.idx.msk [tilespmem:v63+s20+$0x0], $0xffff  }
0x178: {  	v4 =	vld.idx.msk [tilespmem:v4+s3+$0x0], $0xffff  }
0x179: {  	v5 =	vld.idx.msk [tilespmem:v5+s3+$0x0], $0xffff  }
0x17a: {  	v6 =	vld.idx.msk [tilespmem:v6+s3+$0x0], $0xffff  }
0x17b: {  	v7 =	vld.idx.msk [tilespmem:v7+s3+$0x0], $0xffff  }
0x17c: {  	v8 =	vld.idx.msk [tilespmem:v8+s3+$0x0], $0xffff  }
0x17d: {  	v9 =	vld.idx.msk [tilespmem:v9+s3+$0x0], $0xffff  }
0x17e: {  	v10 =	vld.idx.msk [tilespmem:v10+s3+$0x0], $0xffff;
	v5 =	vshll.u32 v5, $0x1  }
0x17f: {  	v12 =	vshll.u32 v6, $0x2;
	v4 =	vadd.s32 v4, v5  }
0x180: {  	v13 =	vshll.u32 v7, $0x3;
	v4 =	vadd.s32 v12, v4  }
0x181: {  	v15 =	vld.idx.msk [tilespmem:v11+s3+$0x0], $0xffff;
	v14 =	vshll.u32 v8, $0x4;
	v4 =	vadd.s32 v13, v4  }
0x182: {  	v16 =	vshll.u32 v9, $0x5;
	v4 =	vadd.s32 v14, v4  }
0x183: {  	v17 =	vshll.u32 v10, $0x6;
	v4 =	vadd.s32 v16, v4  }
0x184: {  	v54 =	vld [tilespmem:$0x1FE30];
	v4 =	vadd.s32 v17, v4  }
0x185: {  	v5 =	vshrl.u32 v4, $0x7  }
0x186: {  	v5 =	vadd.s32 v15, v5  }
0x187: {  	v4 =	vand.u32 $0x7F, v4;
	v5 =	vshll.u32 v5, $0xA  }
0x188: {  	v4 =	vor.u32 v4, v5  }
0x189: {  	v4 =	vadd.s32 v54, v4;
	_ =	sdelay $0x3  }
0x18a: {  	v55 =	vld [tilespmem:$0x1FE40]  }
0x18b: {  	v4 =	vld.idx.msk [tilespmem:v4+s16+$0x0], $0xffff  }
0x18c: {  	v56 =	vld [tilespmem:$0x1FE50]  }
0x18d: {  	v57 =	vld [tilespmem:$0x1FE60]  }
0x18e: {  	v58 =	vld [tilespmem:$0x1FE70]  }
0x18f: {  	v59 =	vld [tilespmem:$0x1FE80]  }
0x190: {  	v60 =	vld [tilespmem:$0x1FE90];
	vm15 =	vgt.f32 v4, $5.000000000e-01  }
0x191: {  	v61 =	vld [tilespmem:$0x1FEA0];
	v4 =	vsel vm15, $0x1, v2  }
0x192: {  	v62 =	vld [tilespmem:$0x1FEB0];
	[tilespmem:s1+$0xFFFFFFB0] =	vst v4  }
0x193: {  	v4 =	vld.idx.msk [tilespmem:v55+s17+$0x0], $0xffff  }
0x194: {  	v18 =	vld.idx.msk [tilespmem:v56+s17+$0x0], $0xffff  }
0x195: {  	v19 =	vld.idx.msk [tilespmem:v57+s17+$0x0], $0xffff  }
0x196: {  	v12 =	vld.idx.msk [tilespmem:v58+s17+$0x0], $0xffff  }
0x197: {  	v13 =	vld.idx.msk [tilespmem:v59+s17+$0x0], $0xffff  }
0x198: {  	v14 =	vld.idx.msk [tilespmem:v60+s17+$0x0], $0xffff  }
0x199: {  	v15 =	vld.idx.msk [tilespmem:v61+s17+$0x0], $0xffff  }
0x19a: {  	v16 =	vld.idx.msk [tilespmem:v62+s17+$0x0], $0xffff  }
0x19b: {  	v4 =	vld.idx.msk [tilespmem:v4+s20+$0x0], $0xffff  }
0x19c: {  	v5 =	vld.idx.msk [tilespmem:v18+s20+$0x0], $0xffff  }
0x19d: {  	v6 =	vld.idx.msk [tilespmem:v19+s20+$0x0], $0xffff  }
0x19e: {  	v7 =	vld.idx.msk [tilespmem:v12+s20+$0x0], $0xffff  }
0x19f: {  	v8 =	vld.idx.msk [tilespmem:v13+s20+$0x0], $0xffff  }
0x1a0: {  	v9 =	vld.idx.msk [tilespmem:v14+s20+$0x0], $0xffff  }
0x1a1: {  	v10 =	vld.idx.msk [tilespmem:v15+s20+$0x0], $0xffff  }
0x1a2: {  	v11 =	vld.idx.msk [tilespmem:v16+s20+$0x0], $0xffff  }
0x1a3: {  	v4 =	vld.idx.msk [tilespmem:v4+s3+$0x0], $0xffff  }
0x1a4: {  	v5 =	vld.idx.msk [tilespmem:v5+s3+$0x0], $0xffff  }
0x1a5: {  	v6 =	vld.idx.msk [tilespmem:v6+s3+$0x0], $0xffff  }
0x1a6: {  	v7 =	vld.idx.msk [tilespmem:v7+s3+$0x0], $0xffff  }
0x1a7: {  	v8 =	vld.idx.msk [tilespmem:v8+s3+$0x0], $0xffff  }
0x1a8: {  	v9 =	vld.idx.msk [tilespmem:v9+s3+$0x0], $0xffff  }
0x1a9: {  	v10 =	vld.idx.msk [tilespmem:v10+s3+$0x0], $0xffff;
	v5 =	vshll.u32 v5, $0x1  }
0x1aa: {  	v17 =	vshll.u32 v6, $0x2;
	v4 =	vadd.s32 v4, v5  }
0x1ab: {  	v18 =	vshll.u32 v7, $0x3;
	v4 =	vadd.s32 v17, v4  }
0x1ac: {  	v63 =	vld.idx.msk [tilespmem:v11+s3+$0x0], $0xffff;
	v19 =	vshll.u32 v8, $0x4;
	v4 =	vadd.s32 v18, v4  }
0x1ad: {  	v11 =	vshll.u32 v9, $0x5;
	v4 =	vadd.s32 v19, v4  }
0x1ae: {  	v12 =	vshll.u32 v10, $0x6;
	v4 =	vadd.s32 v11, v4  }
0x1af: {  	v4 =	vadd.s32 v12, v4  }
0x1b0: {  	v5 =	vshrl.u32 v4, $0x7  }
0x1b1: {  	v5 =	vadd.s32 v63, v5;
	v63 =	vld [tilespmem:$0x1FEC0];
	_ =	sdelay $0x2  }
0x1b2: {  	v4 =	vand.u32 $0x7F, v4;
	v5 =	vshll.u32 v5, $0xA  }
0x1b3: {  	v4 =	vor.u32 v4, v5  }
0x1b4: {  	v4 =	vadd.s32 v63, v4;
	_ =	sdelay $0x3  }
0x1b5: {  	v0 =	vld [tilespmem:$0x1FED0]  }
0x1b6: {  	v4 =	vld.idx.msk [tilespmem:v4+s16+$0x0], $0xffff;
	_ =	sdelay $0x4  }
0x1b7: {  	vm4 =	vgt.f32 v4, $5.000000000e-01  }
0x1b8: {  	v4 =	vsel vm4, $0x1, v2  }
0x1b9: {  	[tilespmem:s1+$0xFFFFFFC0] =	vst v4  }
0x1ba: {  	v4 =	vld.idx.msk [tilespmem:v0+s17+$0x0], $0xffff  }
0x1bb: {  	v0 =	vld [tilespmem:$0x1FEF0];
	_ =	sdelay $0x7  }
0x1bc: {  	v14 =	vld.idx.msk [tilespmem:v0+s17+$0x0], $0xffff  }
0x1bd: {  	v0 =	vld [tilespmem:$0x1FF00];
	_ =	sdelay $0x7  }
0x1be: {  	v15 =	vld.idx.msk [tilespmem:v0+s17+$0x0], $0xffff  }
0x1bf: {  	v0 =	vld [tilespmem:$0x1FF10];
	_ =	sdelay $0x7  }
0x1c0: {  	v16 =	vld.idx.msk [tilespmem:v0+s17+$0x0], $0xffff  }
0x1c1: {  	v0 =	vld [tilespmem:$0x1FF20];
	_ =	sdelay $0x6  }
0x1c2: {  	v3 =	vld [tilespmem:$0x1FEE0]  }
0x1c3: {  	v17 =	vld.idx.msk [tilespmem:v0+s17+$0x0], $0xffff  }
0x1c4: {  	v0 =	vld [tilespmem:$0x1FF30];
	_ =	sdelay $0x6  }
0x1c5: {  	v13 =	vld.idx.msk [tilespmem:v3+s17+$0x0], $0xffff  }
0x1c6: {  	v18 =	vld.idx.msk [tilespmem:v0+s17+$0x0], $0xffff  }
0x1c7: {  	v0 =	vld [tilespmem:$0x1FF40];
	_ =	sdelay $0x5  }
0x1c8: {  	v4 =	vld.idx.msk [tilespmem:v4+s20+$0x0], $0xffff  }
0x1c9: {  	v5 =	vld.idx.msk [tilespmem:v13+s20+$0x0], $0xffff  }
0x1ca: {  	v19 =	vld.idx.msk [tilespmem:v0+s17+$0x0], $0xffff  }
0x1cb: {  	v6 =	vld.idx.msk [tilespmem:v14+s20+$0x0], $0xffff  }
0x1cc: {  	v7 =	vld.idx.msk [tilespmem:v15+s20+$0x0], $0xffff  }
0x1cd: {  	v8 =	vld.idx.msk [tilespmem:v16+s20+$0x0], $0xffff  }
0x1ce: {  	v9 =	vld.idx.msk [tilespmem:v17+s20+$0x0], $0xffff  }
0x1cf: {  	v10 =	vld.idx.msk [tilespmem:v18+s20+$0x0], $0xffff  }
0x1d0: {  	v4 =	vld.idx.msk [tilespmem:v4+s3+$0x0], $0xffff  }
0x1d1: {  	v5 =	vld.idx.msk [tilespmem:v5+s3+$0x0], $0xffff  }
0x1d2: {  	v11 =	vld.idx.msk [tilespmem:v19+s20+$0x0], $0xffff  }
0x1d3: {  	v6 =	vld.idx.msk [tilespmem:v6+s3+$0x0], $0xffff  }
0x1d4: {  	v7 =	vld.idx.msk [tilespmem:v7+s3+$0x0], $0xffff  }
0x1d5: {  	v8 =	vld.idx.msk [tilespmem:v8+s3+$0x0], $0xffff  }
0x1d6: {  	v9 =	vld.idx.msk [tilespmem:v9+s3+$0x0], $0xffff  }
0x1d7: {  	v5 =	vshll.u32 v5, $0x1;
	v10 =	vld.idx.msk [tilespmem:v10+s3+$0x0], $0xffff  }
0x1d8: {  	v4 =	vadd.s32 v4, v5;
	v12 =	vshll.u32 v6, $0x2  }
0x1d9: {  	v4 =	vadd.s32 v12, v4;
	v13 =	vshll.u32 v7, $0x3  }
0x1da: {  	v4 =	vadd.s32 v13, v4;
	v14 =	vshll.u32 v8, $0x4;
	v15 =	vld.idx.msk [tilespmem:v11+s3+$0x0], $0xffff  }
0x1db: {  	v4 =	vadd.s32 v14, v4;
	v16 =	vshll.u32 v9, $0x5  }
0x1dc: {  	v4 =	vadd.s32 v16, v4;
	v17 =	vshll.u32 v10, $0x6  }
0x1dd: {  	v0 =	vld [tilespmem:$0x1FF50];
	v4 =	vadd.s32 v17, v4  }
0x1de: {  	v5 =	vshrl.u32 v4, $0x7  }
0x1df: {  	v5 =	vadd.s32 v15, v5  }
0x1e0: {  	v4 =	vand.u32 $0x7F, v4;
	v5 =	vshll.u32 v5, $0xA  }
0x1e1: {  	v4 =	vor.u32 v4, v5  }
0x1e2: {  	v4 =	vadd.s32 v0, v4;
	_ =	sdelay $0x3  }
0x1e3: {  	v0 =	vld [tilespmem:$0x1FF60]  }
0x1e4: {  	v4 =	vld.idx.msk [tilespmem:v4+s16+$0x0], $0xffff;
	_ =	sdelay $0x4  }
0x1e5: {  	vm5 =	vgt.f32 v4, $5.000000000e-01  }
0x1e6: {  	v4 =	vsel vm5, $0x1, v2  }
0x1e7: {  	[tilespmem:s1+$0xFFFFFFD0] =	vst v4  }
0x1e8: {  	v4 =	vld.idx.msk [tilespmem:v0+s17+$0x0], $0xffff  }
0x1e9: {  	v0 =	vld [tilespmem:$0x1FF70];
	_ =	sdelay $0x7  }
0x1ea: {  	v18 =	vld.idx.msk [tilespmem:v0+s17+$0x0], $0xffff  }
0x1eb: {  	v0 =	vld [tilespmem:$0x1FF80];
	_ =	sdelay $0x7  }
0x1ec: {  	v19 =	vld.idx.msk [tilespmem:v0+s17+$0x0], $0xffff  }
0x1ed: {  	v0 =	vld [tilespmem:$0x1FF90];
	_ =	sdelay $0x7  }
0x1ee: {  	v12 =	vld.idx.msk [tilespmem:v0+s17+$0x0], $0xffff  }
0x1ef: {  	v0 =	vld [tilespmem:$0x1FFA0];
	_ =	sdelay $0x7  }
0x1f0: {  	v13 =	vld.idx.msk [tilespmem:v0+s17+$0x0], $0xffff  }
0x1f1: {  	v0 =	vld [tilespmem:$0x1FFB0];
	_ =	sdelay $0x7  }
0x1f2: {  	v14 =	vld.idx.msk [tilespmem:v0+s17+$0x0], $0xffff  }
0x1f3: {  	v0 =	vld [tilespmem:$0x1FFE0];
	_ =	sdelay $0x7  }
0x1f4: {  	v15 =	vld.idx.msk [tilespmem:v0+s17+$0x0], $0xffff  }
0x1f5: {  	v0 =	vld [tilespmem:$0x1FFF0];
	_ =	sdelay $0x5  }
0x1f6: {  	v4 =	vld.idx.msk [tilespmem:v4+s20+$0x0], $0xffff  }
0x1f7: {  	v5 =	vld.idx.msk [tilespmem:v18+s20+$0x0], $0xffff  }
0x1f8: {  	v16 =	vld.idx.msk [tilespmem:v0+s17+$0x0], $0xffff  }
0x1f9: {  	v6 =	vld.idx.msk [tilespmem:v19+s20+$0x0], $0xffff  }
0x1fa: {  	v7 =	vld.idx.msk [tilespmem:v12+s20+$0x0], $0xffff  }
0x1fb: {  	v8 =	vld.idx.msk [tilespmem:v13+s20+$0x0], $0xffff  }
0x1fc: {  	v9 =	vld.idx.msk [tilespmem:v14+s20+$0x0], $0xffff  }
0x1fd: {  	v10 =	vld.idx.msk [tilespmem:v15+s20+$0x0], $0xffff  }
0x1fe: {  	v4 =	vld.idx.msk [tilespmem:v4+s3+$0x0], $0xffff  }
0x1ff: {  	v5 =	vld.idx.msk [tilespmem:v5+s3+$0x0], $0xffff  }
0x200: {  	v11 =	vld.idx.msk [tilespmem:v16+s20+$0x0], $0xffff  }
0x201: {  	v6 =	vld.idx.msk [tilespmem:v6+s3+$0x0], $0xffff  }
0x202: {  	v7 =	vld.idx.msk [tilespmem:v7+s3+$0x0], $0xffff  }
0x203: {  	v8 =	vld.idx.msk [tilespmem:v8+s3+$0x0], $0xffff  }
0x204: {  	v9 =	vld.idx.msk [tilespmem:v9+s3+$0x0], $0xffff  }
0x205: {  	v5 =	vshll.u32 v5, $0x1;
	v10 =	vld.idx.msk [tilespmem:v10+s3+$0x0], $0xffff  }
0x206: {  	v4 =	vadd.s32 v4, v5;
	v17 =	vshll.u32 v6, $0x2  }
0x207: {  	v4 =	vadd.s32 v17, v4;
	v18 =	vshll.u32 v7, $0x3  }
0x208: {  	v4 =	vadd.s32 v18, v4;
	v19 =	vshll.u32 v8, $0x4;
	v11 =	vld.idx.msk [tilespmem:v11+s3+$0x0], $0xffff  }
0x209: {  	v4 =	vadd.s32 v19, v4;
	v12 =	vshll.u32 v9, $0x5  }
0x20a: {  	v4 =	vadd.s32 v12, v4;
	v13 =	vshll.u32 v10, $0x6  }
0x20b: {  	v4 =	vadd.s32 v13, v4  }
0x20c: {  	v5 =	vshrl.u32 v4, $0x7  }
0x20d: {  	v5 =	vadd.s32 v11, v5  }
0x20e: {  	v4 =	vand.u32 $0x7F, v4;
	v5 =	vshll.u32 v5, $0xA  }
0x20f: {  	v4 =	vor.u32 v4, v5;
	v5 =	vld [tilespmem:$0x1FFC0];
	_ =	sdelay $0x4  }
0x210: {  	v4 =	vadd.s32 v5, v4;
	_ =	sdelay $0x4  }
0x211: {  	v14 =	vld.idx.msk [tilespmem:v4+s16+$0x0], $0xffff;
	_ =	sdelay $0x2  }
0x212: {  	v4 =	vor.u32 $0x3800, v1  }
0x213: {  	v0 =	vor.u32 $0x3801, v1  }
0x214: {  	v6 =	vor.u32 $0x3802, v1;
	vm6 =	vgt.f32 v14, $5.000000000e-01  }
0x215: {  	v7 =	vor.u32 $0x3803, v1;
	v15 =	vsel vm6, $0x1, v2  }
0x216: {  	v8 =	vor.u32 $0x3804, v1;
	[tilespmem:s1+$0xFFFFFFE0] =	vst v15  }
0x217: {  	v9 =	vor.u32 $0x3805, v1;
	v12 =	vld.idx.msk [tilespmem:v4+s17+$0x0], $0xffff  }
0x218: {  	v10 =	vor.u32 $0x3806, v1;
	v13 =	vld.idx.msk [tilespmem:v0+s17+$0x0], $0xffff  }
0x219: {  	v11 =	vor.u32 $0x3807, v1;
	v14 =	vld.idx.msk [tilespmem:v6+s17+$0x0], $0xffff  }
0x21a: {  	v15 =	vld.idx.msk [tilespmem:v7+s17+$0x0], $0xffff  }
0x21b: {  	v16 =	vld.idx.msk [tilespmem:v8+s17+$0x0], $0xffff  }
0x21c: {  	v17 =	vld.idx.msk [tilespmem:v9+s17+$0x0], $0xffff  }
0x21d: {  	v18 =	vld.idx.msk [tilespmem:v10+s17+$0x0], $0xffff  }
0x21e: {  	v19 =	vld.idx.msk [tilespmem:v11+s17+$0x0], $0xffff  }
0x21f: {  	v12 =	vld.idx.msk [tilespmem:v12+s20+$0x0], $0xffff  }
0x220: {  	v13 =	vld.idx.msk [tilespmem:v13+s20+$0x0], $0xffff  }
0x221: {  	v14 =	vld.idx.msk [tilespmem:v14+s20+$0x0], $0xffff  }
0x222: {  	v15 =	vld.idx.msk [tilespmem:v15+s20+$0x0], $0xffff  }
0x223: {  	v16 =	vld.idx.msk [tilespmem:v16+s20+$0x0], $0xffff  }
0x224: {  	v17 =	vld.idx.msk [tilespmem:v17+s20+$0x0], $0xffff  }
0x225: {  	v18 =	vld.idx.msk [tilespmem:v18+s20+$0x0], $0xffff  }
0x226: {  	v19 =	vld.idx.msk [tilespmem:v19+s20+$0x0], $0xffff  }
0x227: {  	v12 =	vld.idx.msk [tilespmem:v12+s3+$0x0], $0xffff  }
0x228: {  	v13 =	vld.idx.msk [tilespmem:v13+s3+$0x0], $0xffff  }
0x229: {  	v14 =	vld.idx.msk [tilespmem:v14+s3+$0x0], $0xffff  }
0x22a: {  	v15 =	vld.idx.msk [tilespmem:v15+s3+$0x0], $0xffff  }
0x22b: {  	v16 =	vld.idx.msk [tilespmem:v16+s3+$0x0], $0xffff  }
0x22c: {  	v17 =	vld.idx.msk [tilespmem:v17+s3+$0x0], $0xffff  }
0x22d: {  	v18 =	vld.idx.msk [tilespmem:v18+s3+$0x0], $0xffff;
	v13 =	vshll.u32 v13, $0x1  }
0x22e: {  	v12 =	vadd.s32 v12, v13;
	v13 =	vshll.u32 v14, $0x2  }
0x22f: {  	v12 =	vadd.s32 v13, v12;
	v13 =	vshll.u32 v15, $0x3  }
0x230: {  	v12 =	vadd.s32 v13, v12;
	v13 =	vshll.u32 v16, $0x4;
	v16 =	vld.idx.msk [tilespmem:v19+s3+$0x0], $0xffff  }
0x231: {  	v17 =	vshll.u32 v17, $0x5;
	v12 =	vadd.s32 v13, v12  }
0x232: {  	v19 =	vshll.u32 v18, $0x6;
	v12 =	vadd.s32 v17, v12  }
0x233: {  	[tilespmem:$0x1FC00] =	vst v0;
	v0 =	vld [tilespmem:$0x1FFD0];
	v12 =	vadd.s32 v19, v12  }
0x234: {  	v13 =	vshrl.u32 v12, $0x7  }
0x235: {  	v13 =	vadd.s32 v16, v13  }
0x236: {  	v12 =	vand.u32 $0x7F, v12;
	v13 =	vshll.u32 v13, $0xA  }
0x237: {  	v12 =	vor.u32 v12, v13  }
0x238: {  	v12 =	vadd.s32 v0, v12;
	_ =	sdelay $0x4  }
0x239: {  	v12 =	vld.idx.msk [tilespmem:v12+s16+$0x0], $0xffff;
	_ =	sdelay $0x4  }
0x23a: {  	vm7 =	vgt.f32 v12, $5.000000000e-01  }
0x23b: {  	p2 =	seq.s32 s26, $0x3000;
	v12 =	vsel vm7, $0x1, v2  }
0x23c: {  	s28 =	simm.s32 @!p2 $0x0;
	s0 =	simm.s32 @!p2 $0xB000;
	[tilespmem:s1+$0xFFFFFFF0] =	vst v12  }
0x23d: {  	[tilespmem:s0], [sflag:$0x2] =	stream.linear.gather @!p2 [hbm4b:s15+s28], $0x8000, $0x38;
	[tilespmem:$0x1C180] =	vst v63  }
0x23e: {  	s24 =	simm.s32 @!p2 $0x3000;
	s0 =	sadd.s32 @!p2 s26, s14  }
0x23f: {  	[tilespmem:s24], [sflag:$0x3] =	stream.linear.gather @!p2 [hbm4b:s0+s28], $0x4000, $0x38;
	[tilespmem:$0x1C180] =	vst v63  }
0x240: {  	_ =	swait.ge [sflag:s22], $0x8000  }
0x241: {  	[sflag:s22] =	ssyncset.done $0x0  }
0x242: {  	[sflag:s22] =	ssyncadd.s32 $0xFFFF8000  }
0x243: {  	_ =	swait.ge [sflag:s23], $0x4000  }
0x244: {  	[sflag:s23] =	ssyncset.done $0x0  }
0x245: {  	[sflag:s23] =	ssyncadd.s32 $0xFFFFC000  }
0x246: {  	v12 =	vld.idx.msk [tilespmem:v1+s19+$0x0], $0xffff  }
0x247: {  	v13 =	vld.idx.msk [tilespmem:v20+s19+$0x0], $0xffff  }
0x248: {  	v21 =	vld.idx.msk [tilespmem:v21+s19+$0x0], $0xffff  }
0x249: {  	v22 =	vld.idx.msk [tilespmem:v22+s19+$0x0], $0xffff  }
0x24a: {  	v23 =	vld.idx.msk [tilespmem:v23+s19+$0x0], $0xffff  }
0x24b: {  	v24 =	vld.idx.msk [tilespmem:v24+s19+$0x0], $0xffff  }
0x24c: {  	v25 =	vld.idx.msk [tilespmem:v25+s19+$0x0], $0xffff  }
0x24d: {  	v26 =	vld.idx.msk [tilespmem:v26+s19+$0x0], $0xffff  }
0x24e: {  	v12 =	vld.idx.msk [tilespmem:v12+s20+$0x0], $0xffff  }
0x24f: {  	v13 =	vld.idx.msk [tilespmem:v13+s20+$0x0], $0xffff  }
0x250: {  	v14 =	vld.idx.msk [tilespmem:v21+s20+$0x0], $0xffff  }
0x251: {  	v15 =	vld.idx.msk [tilespmem:v22+s20+$0x0], $0xffff  }
0x252: {  	v16 =	vld.idx.msk [tilespmem:v23+s20+$0x0], $0xffff  }
0x253: {  	v17 =	vld.idx.msk [tilespmem:v24+s20+$0x0], $0xffff  }
0x254: {  	v18 =	vld.idx.msk [tilespmem:v25+s20+$0x0], $0xffff  }
0x255: {  	v19 =	vld.idx.msk [tilespmem:v26+s20+$0x0], $0xffff  }
0x256: {  	v12 =	vld.idx.msk [tilespmem:v12+s3+$0x0], $0xffff  }
0x257: {  	v13 =	vld.idx.msk [tilespmem:v13+s3+$0x0], $0xffff  }
0x258: {  	v14 =	vld.idx.msk [tilespmem:v14+s3+$0x0], $0xffff  }
0x259: {  	v15 =	vld.idx.msk [tilespmem:v15+s3+$0x0], $0xffff  }
0x25a: {  	v16 =	vld.idx.msk [tilespmem:v16+s3+$0x0], $0xffff  }
0x25b: {  	v17 =	vld.idx.msk [tilespmem:v17+s3+$0x0], $0xffff  }
0x25c: {  	v18 =	vld.idx.msk [tilespmem:v18+s3+$0x0], $0xffff;
	v13 =	vshll.u32 v13, $0x1  }
0x25d: {  	v21 =	vshll.u32 v14, $0x2;
	v12 =	vadd.s32 v12, v13  }
0x25e: {  	v22 =	vshll.u32 v15, $0x3;
	v12 =	vadd.s32 v21, v12  }
0x25f: {  	v24 =	vld.idx.msk [tilespmem:v19+s3+$0x0], $0xffff;
	v23 =	vshll.u32 v16, $0x4;
	v12 =	vadd.s32 v22, v12  }
0x260: {  	v25 =	vshll.u32 v17, $0x5;
	v12 =	vadd.s32 v23, v12  }
0x261: {  	v26 =	vshll.u32 v18, $0x6;
	v12 =	vadd.s32 v25, v12  }
0x262: {  	v12 =	vadd.s32 v26, v12  }
0x263: {  	v13 =	vshrl.u32 v12, $0x7  }
0x264: {  	v13 =	vadd.s32 v24, v13  }
0x265: {  	v12 =	vand.u32 $0x7F, v12;
	v13 =	vshll.u32 v13, $0xA  }
0x266: {  	v12 =	vor.u32 v12, v13  }
0x267: {  	v12 =	vadd.s32 v27, v12;
	_ =	sdelay $0x4  }
0x268: {  	v12 =	vld.idx.msk [tilespmem:v12+s18+$0x0], $0xffff;
	_ =	sdelay $0x4  }
0x269: {  	vm8 =	vgt.f32 v12, $5.000000000e-01  }
0x26a: {  	v12 =	vsel vm8, $0x1, v2  }
0x26b: {  	[tilespmem:s1+$0x0] =	vst v12  }
0x26c: {  	v12 =	vld.idx.msk [tilespmem:v28+s19+$0x0], $0xffff  }
0x26d: {  	v29 =	vld.idx.msk [tilespmem:v29+s19+$0x0], $0xffff  }
0x26e: {  	v30 =	vld.idx.msk [tilespmem:v30+s19+$0x0], $0xffff  }
0x26f: {  	v31 =	vld.idx.msk [tilespmem:v31+s19+$0x0], $0xffff  }
0x270: {  	v32 =	vld.idx.msk [tilespmem:v32+s19+$0x0], $0xffff  }
0x271: {  	v33 =	vld.idx.msk [tilespmem:v33+s19+$0x0], $0xffff  }
0x272: {  	v34 =	vld.idx.msk [tilespmem:v34+s19+$0x0], $0xffff  }
0x273: {  	v21 =	vld.idx.msk [tilespmem:v35+s19+$0x0], $0xffff  }
0x274: {  	v12 =	vld.idx.msk [tilespmem:v12+s20+$0x0], $0xffff  }
0x275: {  	v13 =	vld.idx.msk [tilespmem:v29+s20+$0x0], $0xffff  }
0x276: {  	v14 =	vld.idx.msk [tilespmem:v30+s20+$0x0], $0xffff  }
0x277: {  	v15 =	vld.idx.msk [tilespmem:v31+s20+$0x0], $0xffff  }
0x278: {  	v16 =	vld.idx.msk [tilespmem:v32+s20+$0x0], $0xffff  }
0x279: {  	v17 =	vld.idx.msk [tilespmem:v33+s20+$0x0], $0xffff  }
0x27a: {  	v18 =	vld.idx.msk [tilespmem:v34+s20+$0x0], $0xffff  }
0x27b: {  	v19 =	vld.idx.msk [tilespmem:v21+s20+$0x0], $0xffff  }
0x27c: {  	v12 =	vld.idx.msk [tilespmem:v12+s3+$0x0], $0xffff  }
0x27d: {  	v13 =	vld.idx.msk [tilespmem:v13+s3+$0x0], $0xffff  }
0x27e: {  	v14 =	vld.idx.msk [tilespmem:v14+s3+$0x0], $0xffff  }
0x27f: {  	v15 =	vld.idx.msk [tilespmem:v15+s3+$0x0], $0xffff  }
0x280: {  	v16 =	vld.idx.msk [tilespmem:v16+s3+$0x0], $0xffff  }
0x281: {  	v17 =	vld.idx.msk [tilespmem:v17+s3+$0x0], $0xffff  }
0x282: {  	v18 =	vld.idx.msk [tilespmem:v18+s3+$0x0], $0xffff;
	v13 =	vshll.u32 v13, $0x1  }
0x283: {  	v22 =	vshll.u32 v14, $0x2;
	v12 =	vadd.s32 v12, v13  }
0x284: {  	v23 =	vshll.u32 v15, $0x3;
	v12 =	vadd.s32 v22, v12  }
0x285: {  	v25 =	vld.idx.msk [tilespmem:v19+s3+$0x0], $0xffff;
	v24 =	vshll.u32 v16, $0x4;
	v12 =	vadd.s32 v23, v12  }
0x286: {  	v26 =	vshll.u32 v17, $0x5;
	v12 =	vadd.s32 v24, v12  }
0x287: {  	v27 =	vshll.u32 v18, $0x6;
	v12 =	vadd.s32 v26, v12  }
0x288: {  	v12 =	vadd.s32 v27, v12  }
0x289: {  	v13 =	vshrl.u32 v12, $0x7  }
0x28a: {  	v13 =	vadd.s32 v25, v13  }
0x28b: {  	v12 =	vand.u32 $0x7F, v12;
	v13 =	vshll.u32 v13, $0xA  }
0x28c: {  	v12 =	vor.u32 v12, v13  }
0x28d: {  	v12 =	vadd.s32 v36, v12;
	_ =	sdelay $0x4  }
0x28e: {  	v12 =	vld.idx.msk [tilespmem:v12+s18+$0x0], $0xffff;
	_ =	sdelay $0x4  }
0x28f: {  	vm9 =	vgt.f32 v12, $5.000000000e-01  }
0x290: {  	v12 =	vsel vm9, $0x1, v2  }
0x291: {  	[tilespmem:s1+$0x10] =	vst v12  }
0x292: {  	v12 =	vld.idx.msk [tilespmem:v37+s19+$0x0], $0xffff  }
0x293: {  	v28 =	vld.idx.msk [tilespmem:v38+s19+$0x0], $0xffff  }
0x294: {  	v29 =	vld.idx.msk [tilespmem:v39+s19+$0x0], $0xffff  }
0x295: {  	v30 =	vld.idx.msk [tilespmem:v40+s19+$0x0], $0xffff  }
0x296: {  	v31 =	vld.idx.msk [tilespmem:v41+s19+$0x0], $0xffff  }
0x297: {  	v32 =	vld.idx.msk [tilespmem:v42+s19+$0x0], $0xffff  }
0x298: {  	v33 =	vld.idx.msk [tilespmem:v43+s19+$0x0], $0xffff  }
0x299: {  	v34 =	vld.idx.msk [tilespmem:v44+s19+$0x0], $0xffff  }
0x29a: {  	v12 =	vld.idx.msk [tilespmem:v12+s20+$0x0], $0xffff  }
0x29b: {  	v13 =	vld.idx.msk [tilespmem:v28+s20+$0x0], $0xffff  }
0x29c: {  	v14 =	vld.idx.msk [tilespmem:v29+s20+$0x0], $0xffff  }
0x29d: {  	v15 =	vld.idx.msk [tilespmem:v30+s20+$0x0], $0xffff  }
0x29e: {  	v16 =	vld.idx.msk [tilespmem:v31+s20+$0x0], $0xffff  }
0x29f: {  	v17 =	vld.idx.msk [tilespmem:v32+s20+$0x0], $0xffff  }
0x2a0: {  	v18 =	vld.idx.msk [tilespmem:v33+s20+$0x0], $0xffff  }
0x2a1: {  	v19 =	vld.idx.msk [tilespmem:v34+s20+$0x0], $0xffff  }
0x2a2: {  	v12 =	vld.idx.msk [tilespmem:v12+s3+$0x0], $0xffff  }
0x2a3: {  	v13 =	vld.idx.msk [tilespmem:v13+s3+$0x0], $0xffff  }
0x2a4: {  	v14 =	vld.idx.msk [tilespmem:v14+s3+$0x0], $0xffff  }
0x2a5: {  	v15 =	vld.idx.msk [tilespmem:v15+s3+$0x0], $0xffff  }
0x2a6: {  	v16 =	vld.idx.msk [tilespmem:v16+s3+$0x0], $0xffff  }
0x2a7: {  	v17 =	vld.idx.msk [tilespmem:v17+s3+$0x0], $0xffff  }
0x2a8: {  	v18 =	vld.idx.msk [tilespmem:v18+s3+$0x0], $0xffff;
	v13 =	vshll.u32 v13, $0x1  }
0x2a9: {  	v35 =	vshll.u32 v14, $0x2;
	v12 =	vadd.s32 v12, v13  }
0x2aa: {  	v36 =	vshll.u32 v15, $0x3;
	v12 =	vadd.s32 v35, v12  }
0x2ab: {  	v38 =	vld.idx.msk [tilespmem:v19+s3+$0x0], $0xffff;
	v37 =	vshll.u32 v16, $0x4;
	v12 =	vadd.s32 v36, v12  }
0x2ac: {  	v39 =	vshll.u32 v17, $0x5;
	v12 =	vadd.s32 v37, v12  }
0x2ad: {  	v40 =	vshll.u32 v18, $0x6;
	v12 =	vadd.s32 v39, v12  }
0x2ae: {  	v12 =	vadd.s32 v40, v12  }
0x2af: {  	v13 =	vshrl.u32 v12, $0x7  }
0x2b0: {  	v13 =	vadd.s32 v38, v13  }
0x2b1: {  	v12 =	vand.u32 $0x7F, v12;
	v13 =	vshll.u32 v13, $0xA  }
0x2b2: {  	v12 =	vor.u32 v12, v13  }
0x2b3: {  	v12 =	vadd.s32 v45, v12;
	_ =	sdelay $0x4  }
0x2b4: {  	v12 =	vld.idx.msk [tilespmem:v12+s18+$0x0], $0xffff;
	_ =	sdelay $0x4  }
0x2b5: {  	vm10 =	vgt.f32 v12, $5.000000000e-01  }
0x2b6: {  	v12 =	vsel vm10, $0x1, v2  }
0x2b7: {  	[tilespmem:s1+$0x20] =	vst v12  }
0x2b8: {  	v12 =	vld.idx.msk [tilespmem:v46+s19+$0x0], $0xffff  }
0x2b9: {  	v41 =	vld.idx.msk [tilespmem:v47+s19+$0x0], $0xffff  }
0x2ba: {  	v42 =	vld.idx.msk [tilespmem:v48+s19+$0x0], $0xffff  }
0x2bb: {  	v43 =	vld.idx.msk [tilespmem:v49+s19+$0x0], $0xffff  }
0x2bc: {  	v44 =	vld.idx.msk [tilespmem:v50+s19+$0x0], $0xffff  }
0x2bd: {  	v45 =	vld.idx.msk [tilespmem:v51+s19+$0x0], $0xffff  }
0x2be: {  	v46 =	vld.idx.msk [tilespmem:v52+s19+$0x0], $0xffff  }
0x2bf: {  	v47 =	vld.idx.msk [tilespmem:v53+s19+$0x0], $0xffff  }
0x2c0: {  	v12 =	vld.idx.msk [tilespmem:v12+s20+$0x0], $0xffff  }
0x2c1: {  	v13 =	vld.idx.msk [tilespmem:v41+s20+$0x0], $0xffff  }
0x2c2: {  	v14 =	vld.idx.msk [tilespmem:v42+s20+$0x0], $0xffff  }
0x2c3: {  	v15 =	vld.idx.msk [tilespmem:v43+s20+$0x0], $0xffff  }
0x2c4: {  	v16 =	vld.idx.msk [tilespmem:v44+s20+$0x0], $0xffff  }
0x2c5: {  	v17 =	vld.idx.msk [tilespmem:v45+s20+$0x0], $0xffff  }
0x2c6: {  	v18 =	vld.idx.msk [tilespmem:v46+s20+$0x0], $0xffff  }
0x2c7: {  	v19 =	vld.idx.msk [tilespmem:v47+s20+$0x0], $0xffff  }
0x2c8: {  	v12 =	vld.idx.msk [tilespmem:v12+s3+$0x0], $0xffff  }
0x2c9: {  	v13 =	vld.idx.msk [tilespmem:v13+s3+$0x0], $0xffff  }
0x2ca: {  	v14 =	vld.idx.msk [tilespmem:v14+s3+$0x0], $0xffff  }
0x2cb: {  	v15 =	vld.idx.msk [tilespmem:v15+s3+$0x0], $0xffff  }
0x2cc: {  	v16 =	vld.idx.msk [tilespmem:v16+s3+$0x0], $0xffff  }
0x2cd: {  	v17 =	vld.idx.msk [tilespmem:v17+s3+$0x0], $0xffff  }
0x2ce: {  	v18 =	vld.idx.msk [tilespmem:v18+s3+$0x0], $0xffff;
	v13 =	vshll.u32 v13, $0x1  }
0x2cf: {  	v48 =	vshll.u32 v14, $0x2;
	v12 =	vadd.s32 v12, v13  }
0x2d0: {  	v49 =	vshll.u32 v15, $0x3;
	v12 =	vadd.s32 v48, v12  }
0x2d1: {  	v51 =	vld.idx.msk [tilespmem:v19+s3+$0x0], $0xffff;
	v50 =	vshll.u32 v16, $0x4;
	v12 =	vadd.s32 v49, v12  }
0x2d2: {  	v52 =	vshll.u32 v17, $0x5;
	v12 =	vadd.s32 v50, v12  }
0x2d3: {  	v53 =	vshll.u32 v18, $0x6;
	v12 =	vadd.s32 v52, v12  }
0x2d4: {  	v12 =	vadd.s32 v53, v12  }
0x2d5: {  	v13 =	vshrl.u32 v12, $0x7  }
0x2d6: {  	v13 =	vadd.s32 v51, v13  }
0x2d7: {  	v12 =	vand.u32 $0x7F, v12;
	v13 =	vshll.u32 v13, $0xA  }
0x2d8: {  	v12 =	vor.u32 v12, v13  }
0x2d9: {  	v12 =	vadd.s32 v54, v12;
	_ =	sdelay $0x4  }
0x2da: {  	v12 =	vld.idx.msk [tilespmem:v12+s18+$0x0], $0xffff;
	_ =	sdelay $0x4  }
0x2db: {  	vm11 =	vgt.f32 v12, $5.000000000e-01  }
0x2dc: {  	v12 =	vsel vm11, $0x1, v2  }
0x2dd: {  	[tilespmem:s1+$0x30] =	vst v12  }
0x2de: {  	v12 =	vld.idx.msk [tilespmem:v55+s19+$0x0], $0xffff  }
0x2df: {  	v56 =	vld.idx.msk [tilespmem:v56+s19+$0x0], $0xffff  }
0x2e0: {  	v57 =	vld.idx.msk [tilespmem:v57+s19+$0x0], $0xffff  }
0x2e1: {  	v58 =	vld.idx.msk [tilespmem:v58+s19+$0x0], $0xffff  }
0x2e2: {  	v59 =	vld.idx.msk [tilespmem:v59+s19+$0x0], $0xffff  }
0x2e3: {  	v21 =	vld.idx.msk [tilespmem:v60+s19+$0x0], $0xffff  }
0x2e4: {  	v22 =	vld.idx.msk [tilespmem:v61+s19+$0x0], $0xffff  }
0x2e5: {  	v23 =	vld.idx.msk [tilespmem:v62+s19+$0x0], $0xffff  }
0x2e6: {  	v12 =	vld.idx.msk [tilespmem:v12+s20+$0x0], $0xffff  }
0x2e7: {  	v13 =	vld.idx.msk [tilespmem:v56+s20+$0x0], $0xffff  }
0x2e8: {  	v14 =	vld.idx.msk [tilespmem:v57+s20+$0x0], $0xffff  }
0x2e9: {  	v15 =	vld.idx.msk [tilespmem:v58+s20+$0x0], $0xffff  }
0x2ea: {  	v16 =	vld.idx.msk [tilespmem:v59+s20+$0x0], $0xffff  }
0x2eb: {  	v17 =	vld.idx.msk [tilespmem:v21+s20+$0x0], $0xffff  }
0x2ec: {  	v18 =	vld.idx.msk [tilespmem:v22+s20+$0x0], $0xffff  }
0x2ed: {  	v19 =	vld.idx.msk [tilespmem:v23+s20+$0x0], $0xffff  }
0x2ee: {  	v12 =	vld.idx.msk [tilespmem:v12+s3+$0x0], $0xffff  }
0x2ef: {  	v13 =	vld.idx.msk [tilespmem:v13+s3+$0x0], $0xffff  }
0x2f0: {  	v14 =	vld.idx.msk [tilespmem:v14+s3+$0x0], $0xffff  }
0x2f1: {  	v15 =	vld.idx.msk [tilespmem:v15+s3+$0x0], $0xffff  }
0x2f2: {  	v16 =	vld.idx.msk [tilespmem:v16+s3+$0x0], $0xffff  }
0x2f3: {  	v17 =	vld.idx.msk [tilespmem:v17+s3+$0x0], $0xffff  }
0x2f4: {  	v18 =	vld.idx.msk [tilespmem:v18+s3+$0x0], $0xffff;
	v13 =	vshll.u32 v13, $0x1  }
0x2f5: {  	v24 =	vshll.u32 v14, $0x2;
	v12 =	vadd.s32 v12, v13  }
0x2f6: {  	v25 =	vshll.u32 v15, $0x3;
	v12 =	vadd.s32 v24, v12  }
0x2f7: {  	v27 =	vld.idx.msk [tilespmem:v19+s3+$0x0], $0xffff;
	v26 =	vshll.u32 v16, $0x4;
	v12 =	vadd.s32 v25, v12  }
0x2f8: {  	v28 =	vshll.u32 v17, $0x5;
	v12 =	vadd.s32 v26, v12  }
0x2f9: {  	v29 =	vshll.u32 v18, $0x6;
	v12 =	vadd.s32 v28, v12  }
0x2fa: {  	v12 =	vadd.s32 v29, v12  }
0x2fb: {  	v13 =	vshrl.u32 v12, $0x7  }
0x2fc: {  	v13 =	vadd.s32 v27, v13  }
0x2fd: {  	v12 =	vand.u32 $0x7F, v12;
	v13 =	vshll.u32 v13, $0xA  }
0x2fe: {  	v12 =	vor.u32 v12, v13  }
0x2ff: {  	v12 =	vadd.s32 v63, v12;
	_ =	sdelay $0x4  }
0x300: {  	v12 =	vld.idx.msk [tilespmem:v12+s18+$0x0], $0xffff;
	_ =	sdelay $0x4  }
0x301: {  	vm12 =	vgt.f32 v12, $5.000000000e-01  }
0x302: {  	v12 =	vsel vm12, $0x1, v2  }
0x303: {  	[tilespmem:s1+$0x40] =	vst v12  }
0x304: {  	v31 =	vld.idx.msk [tilespmem:v3+s19+$0x0], $0xffff  }
0x305: {  	v3 =	vld [tilespmem:$0x1FEF0];
	_ =	sdelay $0x7  }
0x306: {  	v32 =	vld.idx.msk [tilespmem:v3+s19+$0x0], $0xffff  }
0x307: {  	v3 =	vld [tilespmem:$0x1FF00];
	_ =	sdelay $0x7  }
0x308: {  	v33 =	vld.idx.msk [tilespmem:v3+s19+$0x0], $0xffff  }
0x309: {  	v3 =	vld [tilespmem:$0x1FF10];
	_ =	sdelay $0x7  }
0x30a: {  	v34 =	vld.idx.msk [tilespmem:v3+s19+$0x0], $0xffff  }
0x30b: {  	v3 =	vld [tilespmem:$0x1FF20];
	_ =	sdelay $0x6  }
0x30c: {  	v30 =	vld [tilespmem:$0x1FED0]  }
0x30d: {  	v35 =	vld.idx.msk [tilespmem:v3+s19+$0x0], $0xffff  }
0x30e: {  	v3 =	vld [tilespmem:$0x1FF30];
	_ =	sdelay $0x6  }
0x30f: {  	v12 =	vld.idx.msk [tilespmem:v30+s19+$0x0], $0xffff  }
0x310: {  	v36 =	vld.idx.msk [tilespmem:v3+s19+$0x0], $0xffff  }
0x311: {  	v3 =	vld [tilespmem:$0x1FF40];
	_ =	sdelay $0x5  }
0x312: {  	v12 =	vld.idx.msk [tilespmem:v12+s20+$0x0], $0xffff  }
0x313: {  	v13 =	vld.idx.msk [tilespmem:v31+s20+$0x0], $0xffff  }
0x314: {  	v37 =	vld.idx.msk [tilespmem:v3+s19+$0x0], $0xffff  }
0x315: {  	v14 =	vld.idx.msk [tilespmem:v32+s20+$0x0], $0xffff  }
0x316: {  	v15 =	vld.idx.msk [tilespmem:v33+s20+$0x0], $0xffff  }
0x317: {  	v16 =	vld.idx.msk [tilespmem:v34+s20+$0x0], $0xffff  }
0x318: {  	v17 =	vld.idx.msk [tilespmem:v35+s20+$0x0], $0xffff  }
0x319: {  	v18 =	vld.idx.msk [tilespmem:v36+s20+$0x0], $0xffff  }
0x31a: {  	v12 =	vld.idx.msk [tilespmem:v12+s3+$0x0], $0xffff  }
0x31b: {  	v13 =	vld.idx.msk [tilespmem:v13+s3+$0x0], $0xffff  }
0x31c: {  	v19 =	vld.idx.msk [tilespmem:v37+s20+$0x0], $0xffff  }
0x31d: {  	v14 =	vld.idx.msk [tilespmem:v14+s3+$0x0], $0xffff  }
0x31e: {  	v15 =	vld.idx.msk [tilespmem:v15+s3+$0x0], $0xffff  }
0x31f: {  	v16 =	vld.idx.msk [tilespmem:v16+s3+$0x0], $0xffff  }
0x320: {  	v17 =	vld.idx.msk [tilespmem:v17+s3+$0x0], $0xffff  }
0x321: {  	v13 =	vshll.u32 v13, $0x1;
	v18 =	vld.idx.msk [tilespmem:v18+s3+$0x0], $0xffff  }
0x322: {  	v12 =	vadd.s32 v12, v13;
	v38 =	vshll.u32 v14, $0x2  }
0x323: {  	v12 =	vadd.s32 v38, v12;
	v39 =	vshll.u32 v15, $0x3  }
0x324: {  	v12 =	vadd.s32 v39, v12;
	v40 =	vshll.u32 v16, $0x4;
	v41 =	vld.idx.msk [tilespmem:v19+s3+$0x0], $0xffff  }
0x325: {  	v12 =	vadd.s32 v40, v12;
	v42 =	vshll.u32 v17, $0x5  }
0x326: {  	v12 =	vadd.s32 v42, v12;
	v43 =	vshll.u32 v18, $0x6  }
0x327: {  	v3 =	vld [tilespmem:$0x1FF50];
	v12 =	vadd.s32 v43, v12  }
0x328: {  	v13 =	vshrl.u32 v12, $0x7  }
0x329: {  	v13 =	vadd.s32 v41, v13  }
0x32a: {  	v12 =	vand.u32 $0x7F, v12;
	v13 =	vshll.u32 v13, $0xA  }
0x32b: {  	v12 =	vor.u32 v12, v13  }
0x32c: {  	v12 =	vadd.s32 v3, v12;
	_ =	sdelay $0x3  }
0x32d: {  	v3 =	vld [tilespmem:$0x1FF60]  }
0x32e: {  	v12 =	vld.idx.msk [tilespmem:v12+s18+$0x0], $0xffff;
	_ =	sdelay $0x4  }
0x32f: {  	vm13 =	vgt.f32 v12, $5.000000000e-01  }
0x330: {  	v12 =	vsel vm13, $0x1, v2  }
0x331: {  	[tilespmem:s1+$0x50] =	vst v12  }
0x332: {  	v12 =	vld.idx.msk [tilespmem:v3+s19+$0x0], $0xffff  }
0x333: {  	v3 =	vld [tilespmem:$0x1FF70];
	_ =	sdelay $0x7  }
0x334: {  	v44 =	vld.idx.msk [tilespmem:v3+s19+$0x0], $0xffff  }
0x335: {  	v3 =	vld [tilespmem:$0x1FF80];
	_ =	sdelay $0x7  }
0x336: {  	v45 =	vld.idx.msk [tilespmem:v3+s19+$0x0], $0xffff  }
0x337: {  	v3 =	vld [tilespmem:$0x1FF90];
	_ =	sdelay $0x7  }
0x338: {  	v46 =	vld.idx.msk [tilespmem:v3+s19+$0x0], $0xffff  }
0x339: {  	v3 =	vld [tilespmem:$0x1FFA0];
	_ =	sdelay $0x7  }
0x33a: {  	v47 =	vld.idx.msk [tilespmem:v3+s19+$0x0], $0xffff  }
0x33b: {  	v3 =	vld [tilespmem:$0x1FFB0];
	_ =	sdelay $0x7  }
0x33c: {  	v48 =	vld.idx.msk [tilespmem:v3+s19+$0x0], $0xffff  }
0x33d: {  	v3 =	vld [tilespmem:$0x1FFE0];
	_ =	sdelay $0x7  }
0x33e: {  	v49 =	vld.idx.msk [tilespmem:v3+s19+$0x0], $0xffff  }
0x33f: {  	v3 =	vld [tilespmem:$0x1FFF0];
	_ =	sdelay $0x5  }
0x340: {  	v12 =	vld.idx.msk [tilespmem:v12+s20+$0x0], $0xffff  }
0x341: {  	v13 =	vld.idx.msk [tilespmem:v44+s20+$0x0], $0xffff  }
0x342: {  	v50 =	vld.idx.msk [tilespmem:v3+s19+$0x0], $0xffff  }
0x343: {  	v14 =	vld.idx.msk [tilespmem:v45+s20+$0x0], $0xffff  }
0x344: {  	v15 =	vld.idx.msk [tilespmem:v46+s20+$0x0], $0xffff  }
0x345: {  	v16 =	vld.idx.msk [tilespmem:v47+s20+$0x0], $0xffff  }
0x346: {  	v17 =	vld.idx.msk [tilespmem:v48+s20+$0x0], $0xffff  }
0x347: {  	v18 =	vld.idx.msk [tilespmem:v49+s20+$0x0], $0xffff  }
0x348: {  	v12 =	vld.idx.msk [tilespmem:v12+s3+$0x0], $0xffff  }
0x349: {  	v13 =	vld.idx.msk [tilespmem:v13+s3+$0x0], $0xffff  }
0x34a: {  	v19 =	vld.idx.msk [tilespmem:v50+s20+$0x0], $0xffff  }
0x34b: {  	v14 =	vld.idx.msk [tilespmem:v14+s3+$0x0], $0xffff  }
0x34c: {  	v15 =	vld.idx.msk [tilespmem:v15+s3+$0x0], $0xffff  }
0x34d: {  	v16 =	vld.idx.msk [tilespmem:v16+s3+$0x0], $0xffff  }
0x34e: {  	v17 =	vld.idx.msk [tilespmem:v17+s3+$0x0], $0xffff  }
0x34f: {  	v13 =	vshll.u32 v13, $0x1;
	v18 =	vld.idx.msk [tilespmem:v18+s3+$0x0], $0xffff  }
0x350: {  	v12 =	vadd.s32 v12, v13;
	v51 =	vshll.u32 v14, $0x2  }
0x351: {  	v12 =	vadd.s32 v51, v12;
	v52 =	vshll.u32 v15, $0x3  }
0x352: {  	v12 =	vadd.s32 v52, v12;
	v53 =	vshll.u32 v16, $0x4;
	v54 =	vld.idx.msk [tilespmem:v19+s3+$0x0], $0xffff  }
0x353: {  	v12 =	vadd.s32 v53, v12;
	v55 =	vshll.u32 v17, $0x5  }
0x354: {  	v12 =	vadd.s32 v55, v12;
	v56 =	vshll.u32 v18, $0x6  }
0x355: {  	v12 =	vadd.s32 v56, v12  }
0x356: {  	v13 =	vshrl.u32 v12, $0x7  }
0x357: {  	v13 =	vadd.s32 v54, v13  }
0x358: {  	v12 =	vand.u32 $0x7F, v12;
	v13 =	vshll.u32 v13, $0xA  }
0x359: {  	v12 =	vor.u32 v12, v13  }
0x35a: {  	v12 =	vadd.s32 v5, v12;
	_ =	sdelay $0x4  }
0x35b: {  	v12 =	vld.idx.msk [tilespmem:v12+s18+$0x0], $0xffff  }
0x35c: {  	v3 =	vld [tilespmem:$0x1FC00];
	_ =	sdelay $0x3  }
0x35d: {  	vm14 =	vgt.f32 v12, $5.000000000e-01  }
0x35e: {  	v12 =	vsel vm14, $0x1, v2  }
0x35f: {  	[tilespmem:s1+$0x60] =	vst v12  }
0x360: {  	v4 =	vld.idx.msk [tilespmem:v4+s19+$0x0], $0xffff  }
0x361: {  	v57 =	vld.idx.msk [tilespmem:v3+s19+$0x0], $0xffff  }
0x362: {  	v6 =	vld.idx.msk [tilespmem:v6+s19+$0x0], $0xffff  }
0x363: {  	v7 =	vld.idx.msk [tilespmem:v7+s19+$0x0], $0xffff  }
0x364: {  	v8 =	vld.idx.msk [tilespmem:v8+s19+$0x0], $0xffff  }
0x365: {  	v9 =	vld.idx.msk [tilespmem:v9+s19+$0x0], $0xffff  }
0x366: {  	v10 =	vld.idx.msk [tilespmem:v10+s19+$0x0], $0xffff  }
0x367: {  	v11 =	vld.idx.msk [tilespmem:v11+s19+$0x0], $0xffff  }
0x368: {  	v4 =	vld.idx.msk [tilespmem:v4+s20+$0x0], $0xffff  }
0x369: {  	v5 =	vld.idx.msk [tilespmem:v57+s20+$0x0], $0xffff  }
0x36a: {  	v6 =	vld.idx.msk [tilespmem:v6+s20+$0x0], $0xffff  }
0x36b: {  	v7 =	vld.idx.msk [tilespmem:v7+s20+$0x0], $0xffff  }
0x36c: {  	v8 =	vld.idx.msk [tilespmem:v8+s20+$0x0], $0xffff  }
0x36d: {  	v9 =	vld.idx.msk [tilespmem:v9+s20+$0x0], $0xffff  }
0x36e: {  	v10 =	vld.idx.msk [tilespmem:v10+s20+$0x0], $0xffff  }
0x36f: {  	v11 =	vld.idx.msk [tilespmem:v11+s20+$0x0], $0xffff  }
0x370: {  	v4 =	vld.idx.msk [tilespmem:v4+s3+$0x0], $0xffff  }
0x371: {  	v5 =	vld.idx.msk [tilespmem:v5+s3+$0x0], $0xffff  }
0x372: {  	v6 =	vld.idx.msk [tilespmem:v6+s3+$0x0], $0xffff  }
0x373: {  	v7 =	vld.idx.msk [tilespmem:v7+s3+$0x0], $0xffff  }
0x374: {  	v8 =	vld.idx.msk [tilespmem:v8+s3+$0x0], $0xffff  }
0x375: {  	v9 =	vld.idx.msk [tilespmem:v9+s3+$0x0], $0xffff  }
0x376: {  	v10 =	vld.idx.msk [tilespmem:v10+s3+$0x0], $0xffff;
	v5 =	vshll.u32 v5, $0x1  }
0x377: {  	v58 =	vshll.u32 v6, $0x2;
	v4 =	vadd.s32 v4, v5  }
0x378: {  	v59 =	vshll.u32 v7, $0x3;
	v4 =	vadd.s32 v58, v4  }
0x379: {  	v61 =	vld.idx.msk [tilespmem:v11+s3+$0x0], $0xffff;
	v60 =	vshll.u32 v8, $0x4;
	v4 =	vadd.s32 v59, v4  }
0x37a: {  	v62 =	vshll.u32 v9, $0x5;
	v4 =	vadd.s32 v60, v4  }
0x37b: {  	v63 =	vshll.u32 v10, $0x6;
	v4 =	vadd.s32 v62, v4  }
0x37c: {  	v4 =	vadd.s32 v63, v4  }
0x37d: {  	v5 =	vshrl.u32 v4, $0x7  }
0x37e: {  	v5 =	vadd.s32 v61, v5  }
0x37f: {  	v4 =	vand.u32 $0x7F, v4;
	v5 =	vshll.u32 v5, $0xA  }
0x380: {  	v4 =	vor.u32 v4, v5  }
0x381: {  	v4 =	vadd.s32 v0, v4;
	_ =	sdelay $0x4  }
0x382: {  	v4 =	vld.idx.msk [tilespmem:v4+s18+$0x0], $0xffff;
	_ =	sdelay $0x2  }
.Ltmp2:
0x383: {  	_ = 	snop;
	(pc) =	sbr.rel @p2 .LBB2_4-.Ltmp2, $4  }
0x384: {  	_ = 	snop  }
0x385: {  	vm15 =	vgt.f32 v4, $5.000000000e-01  }
0x386: {  	v4 =	vsel vm15, $0x1, v2  }
0x387: {  	[tilespmem:s1+$0x70] =	vst v4  }
.Ltmp3:
0x388: {  	(pc) =	sbr.rel .LBB2_2-.Ltmp3, $4  }
0x389: {  	[tilespmem:s18], [sflag:$0x2] =	stream.linear.gather [hbm4b:s13+s3], $0x8000, $0x38;
	[tilespmem:$0x1C180] =	vst v63  }
0x38a: {  	s0 =	sadd.s32 s26, s12;
	s26 =	sadd.s32 $0x1000, s26  }
0x38b: {  	s13 =	sadd.s32 $0x2000, s13;
	s15 =	sadd.s32 $0x2000, s15;
	s1 =	sadd.s32 $0x100, s1  }
0x38c: {  	[tilespmem:s19], [sflag:$0x3] =	stream.linear.gather [hbm4b:s0+s3], $0x4000, $0x38;
	[tilespmem:$0x1C180] =	vst v63  }
.LBB2_4:
.Ltmp4:
0x38d: {  	(pc) =	sbr.rel @!p0 .LBB2_5-.Ltmp4, $3  }
0x38e: {  	_ =	sdelay $0x1  }
0x38f: {  	v4 =	vlaneseq.u32  }
0x390: {  	[tilespmem:$0x1B800] =	vst v4  }
0x391: {  	[bflag:$0x0] =	sbarrier.arrive $0xFFFF  }
0x392: {  	s0 =	simm.s32 $0x1B000;
	s1 =	simm.s32 $0x10;
	s13 =	simm.s32 $0x1B800  }
0x393: {  	[spmem:s2] =	stream.indirect.scatter.add.s32 [tilespmem:s0], [sflag:$0x4], $0x80, s13, s1, $0xb8;
	[tilespmem:$0x1C180] =	vst v63  }
.Ltmp5:
0x394: {  	_ =	swait.ge [sflag:s25], $0x800;
	(pc) =	sbr.rel @p1 .LBB2_8-.Ltmp5, $4  }
.Ltmp6:
0x395: {  	[sflag:s25] =	ssyncset.done $0x0;
	(pc) =	sbr.rel @!p1 .LBB2_7-.Ltmp6, $4  }
0x396: {  	[sflag:s25] =	ssyncadd.s32 $0xFFFFF800  }
0x397: {  	[bflag:$0x0] =	sbarrier.arrive $0xFFFF  }
0x398: {  	_ = 	snop  }
0x399: {  	_ = 	snop  }
.LBB2_9:
0x39a: {  	_ =	sfence.sel $0x180000  }
0x39b: {  	[bflag:$0x0] =	sbarrier.arrive $0xFFFF  }
0x39c: {  	_ =	strace $0x90000047  }
0x39d: {  	[bflag:$0x2] =	sbarrier.arrive $0xFFFF  }
0x39e: {  	s0 =	rddreg [dreg:$0x4]  }
0x39f: {  	s0 =	sadd.s32 @!p0 $0x100000, s0  }
0x3a0: {  	[sflag:s0] =	ssyncadd.tile.s32 @!p0 $0x1;
	_ =	shalt  }
.Lfunc_end2:
_tile_overlayer_lowered:
.L_overlay_start_2:
0x3a1: {  	(tag) =	ssettag $0x2  }
0x3a2: {  	s0 =	rddreg [dreg:$0x0];
	s2 =	stileid.u32  }
0x3a3: {  	s1 =	rddreg [dreg:$0x1];
	p0 =	sne.s32 s2, $0x0  }
0x3a4: {  	s3 =	rddreg [dreg:$0x2];
	[bflag:$0x3] =	sbarrier.arrive $0xFFFF;
	s2 =	simm.s32 @!p0 $0x1C04  }
0x3a5: {  	[timem:s3], [sflag:s2] =	dma.local @!p0 [hbm:s0], s1  }
0x3a6: {  	s0 =	simm.s32 @!p0 $0x4  }
0x3a7: {  	_ =	swait.ge @!p0 [sflag:s0], s1  }
0x3a8: {  	s1 =	ssub.s32 @!p0 $0x0, s1;
	[sflag:s0] =	ssyncset.done @!p0 $0x0  }
0x3a9: {  	[sflag:s0] =	ssyncadd.s32 @!p0 s1  }
0x3aa: {  	[bflag:$0x3] =	sbarrier.arrive $0xFFFF  }
0x3ab: {  	_ =	shalt  }

</sc_bundles>
